<compile_context>
chip_gen: v7x
topology: tpu7x:2x2x1
jax: 0.10.2.dev20260603
libtpu: 0.0.44.dev20260713+nightly
codegen_flags: <defaults>
</compile_context>

<pallas_src>
import jax
import jax.numpy as jnp
from jax import lax
from jax.experimental import pallas as pl
from jax.experimental.pallas import tpu as pltpu
from jax.experimental.pallas import tpu_sc as plsc

_BS = 16
_H = 32
_W = 32
_F = 256


def _sc_body(col_hbm, row_hbm, out_hbm, blk_v, row_v, sem, csem):
    y = lax.axis_index("s") * 2 + lax.axis_index("c")
    ccol = pltpu.async_copy(
        col_hbm.at[pl.ds(0, _W)], blk_v.at[:, pl.ds(0, _F)], csem
    )
    pltpu.sync_copy(row_hbm.at[y], row_v)
    for j in range(_F // 16):
        v = row_v[pl.ds(j * 16, 16)]
        for x in range(_W):
            blk_v[x, pl.ds(_F + j * 16, 16)] = v
    ccol.wait()

    copies = [
        pltpu.async_copy(blk_v, out_hbm.at[b, y], sem) for b in range(_BS)
    ]
    for c in copies:
        c.wait()


def kernel(mask, row_embed, col_embed):
    bs, h, w = mask.shape
    f = row_embed.shape[1]
    mesh = plsc.VectorSubcoreMesh(core_axis_name="c", subcore_axis_name="s")
    run = pl.kernel(
        _sc_body,
        out_type=jax.ShapeDtypeStruct((bs, h, w, 2 * f), jnp.float32),
        mesh=mesh,
        scratch_types=[
            pltpu.VMEM((_W, 2 * _F), jnp.float32),
            pltpu.VMEM((_F,), jnp.float32),
            pltpu.SemaphoreType.DMA,
            pltpu.SemaphoreType.DMA,
        ],
    )
    out = run(col_embed, row_embed)
    return jnp.transpose(out, (0, 3, 1, 2))

# --- scband reference (transcript-rebuilt; emitter-appended) ---
"""Pipeline reference for scband-position-embedding-learned-82884278879117 (READ-ONLY COPY).

The authoritative reference and input builder live on the scoring server;
editing this copy changes nothing except your own understanding.
"""

import jax, jax.numpy as jnp
import numpy as np

NUM_POS_FEATS = 256
ROW_NUM_EMBED = 50
COL_NUM_EMBED = 50


def setup_inputs(seed: int = 0) -> dict:
    key = jax.random.key(seed)
    k1, k2 = jax.random.split(key)
    mask = jnp.zeros((16, 32, 32), dtype=jnp.bool_)
    # nn.init.uniform_ -> U[0, 1)
    row_embed = jax.random.uniform(k1, (ROW_NUM_EMBED, NUM_POS_FEATS), dtype=jnp.float32)
    col_embed = jax.random.uniform(k2, (COL_NUM_EMBED, NUM_POS_FEATS), dtype=jnp.float32)
    return {"mask": mask, "row_embed": row_embed, "col_embed": col_embed}


def reference(mask, row_embed, col_embed):
    bs = mask.shape[0]
    h, w = mask.shape[-2:]
    i = jnp.arange(w)
    j = jnp.arange(h)
    x_emb = jnp.take(col_embed, i, axis=0)  # [w, f]
    y_emb = jnp.take(row_embed, j, axis=0)  # [h, f]
    f = x_emb.shape[-1]
    xe = jnp.broadcast_to(x_emb[None, :, :], (h, w, f))  # repeat over rows
    ye = jnp.broadcast_to(y_emb[:, None, :], (h, w, f))  # repeat over cols
    pos = jnp.concatenate([xe, ye], axis=-1)  # [h, w, 2f]
    pos = jnp.transpose(pos, (2, 0, 1))  # [2f, h, w]
    pos = jnp.broadcast_to(pos[None, :, :, :], (bs, 2 * f, h, w))
    return pos

if __name__ == "__main__":
    import jax
    _d = setup_inputs()
    print(jax.jit(kernel)(*tuple(_d.values())))

</pallas_src>

<mosaic_0001>
#map = affine_map<(d0, d1) -> (0, 0)>
#map1 = affine_map<(d0, d1) -> (0, 0, 0, 0)>
module attributes {stable_mosaic.version = 14 : i64} {
  func.func @_sc_body(%arg0: i32, %arg1: i32, %arg2: memref<50x256xf32, #tpu.memory_space<hbm>>, %arg3: memref<50x256xf32, #tpu.memory_space<hbm>>, %arg4: memref<16x32x32x512xf32, #tpu.memory_space<hbm>>, %arg5: memref<32x512xf32, #tpu.memory_space<vmem>>, %arg6: memref<256xf32, #tpu.memory_space<vmem>>, %arg7: memref<!tpu.dma_semaphore, #tpu.memory_space<semaphore_mem>>, %arg8: memref<!tpu.dma_semaphore, #tpu.memory_space<semaphore_mem>>) attributes {dimension_semantics = [#tpu.dimension_semantics<core_parallel>, #tpu.dimension_semantics<subcore_parallel>], iteration_bounds = array<i64: 2, 16>, scalar_prefetch = 0 : i64, scratch_operands = 4 : i64, tpu.core_type = #tpu.core_type<sc_vector_subcore>, window_params = [{transform_indices = #map}, {transform_indices = #map}, {transform_indices = #map1}]} {
    %mul3A = arith.constant 2 : i32
    %mul3A_0 = arith.muli %arg1, %mul3A : i32
    %add3A = arith.addi %mul3A_0, %arg0 : i32
    %dma_start3A = arith.constant 0 : i32
    %dma_start3A_1 = arith.constant 0 : i32
    %dma_start3A_2 = tpu.memref_slice %arg5[%dma_start3A, %dma_start3A_1] : memref<32x512xf32, #tpu.memory_space<vmem>> -> memref<32x256xf32, #tpu.memory_space<vmem>>
    %dma_start3A_3 = arith.constant 0 : i32
    %dma_start3A_4 = arith.constant 0 : i32
    %dma_start3A_5 = tpu.memref_slice %arg2[%dma_start3A_3, %dma_start3A_4] : memref<50x256xf32, #tpu.memory_space<hbm>> -> memref<32x256xf32, #tpu.memory_space<hbm>>
    %dma_start3A_6 = arith.constant 0 : i32
    %dma_start3A_7 = arith.constant 0 : i32
    %dma_start3A_8 = tpu.memref_slice %arg5[%dma_start3A_6, %dma_start3A_7] : memref<32x512xf32, #tpu.memory_space<vmem>> -> memref<32x256xf32, #tpu.memory_space<vmem>>
    %dma_start3A_9 = arith.constant 0 : i32
    %dma_start3A_10 = arith.constant 0 : i32
    %dma_start3A_11 = tpu.memref_slice %arg2[%dma_start3A_9, %dma_start3A_10] : memref<50x256xf32, #tpu.memory_space<hbm>> -> memref<32x256xf32, #tpu.memory_space<hbm>>
    tpu.enqueue_dma source(%dma_start3A_11 : memref<32x256xf32, #tpu.memory_space<hbm>>) target(%dma_start3A_8 : memref<32x256xf32, #tpu.memory_space<vmem>>) target_semaphore(%arg8 : memref<!tpu.dma_semaphore, #tpu.memory_space<semaphore_mem>>)
    "tpu.region"() ({
      %run_scoped3A = tpu.sem_alloc : memref<!tpu.dma_semaphore, #tpu.memory_space<semaphore_mem>>
      %dma_start3A_3429 = arith.constant 0 : i32
      %dma_start3A_3430 = tpu.memref_slice %arg3[%add3A, %dma_start3A_3429] : memref<50x256xf32, #tpu.memory_space<hbm>> -> memref<1x256xf32, #tpu.memory_space<hbm>>
      %dma_start3A_3431 = tpu.memref_squeeze %dma_start3A_3430 : memref<1x256xf32, #tpu.memory_space<hbm>> -> memref<256xf32, #tpu.memory_space<hbm>>
      %dma_start3A_3432 = arith.constant 0 : i32
      %dma_start3A_3433 = tpu.memref_slice %arg3[%add3A, %dma_start3A_3432] : memref<50x256xf32, #tpu.memory_space<hbm>> -> memref<1x256xf32, #tpu.memory_space<hbm>>
      %dma_start3A_3434 = tpu.memref_squeeze %dma_start3A_3433 : memref<1x256xf32, #tpu.memory_space<hbm>> -> memref<256xf32, #tpu.memory_space<hbm>>
      tpu.enqueue_dma source(%dma_start3A_3434 : memref<256xf32, #tpu.memory_space<hbm>>) target(%arg6 : memref<256xf32, #tpu.memory_space<vmem>>) target_semaphore(%run_scoped3A : memref<!tpu.dma_semaphore, #tpu.memory_space<semaphore_mem>>)
      %dma_wait3A_3435 = arith.constant 0 : i32
      %dma_wait3A_3436 = tpu.memref_slice %arg3[%add3A, %dma_wait3A_3435] : memref<50x256xf32, #tpu.memory_space<hbm>> -> memref<1x256xf32, #tpu.memory_space<hbm>>
      %dma_wait3A_3437 = tpu.memref_squeeze %dma_wait3A_3436 : memref<1x256xf32, #tpu.memory_space<hbm>> -> memref<256xf32, #tpu.memory_space<hbm>>
      %dma_wait3A_3438 = arith.constant 0 : i32
      %dma_wait3A_3439 = tpu.memref_slice %arg3[%add3A, %dma_wait3A_3438] : memref<50x256xf32, #tpu.memory_space<hbm>> -> memref<1x256xf32, #tpu.memory_space<hbm>>
      %dma_wait3A_3440 = tpu.memref_squeeze %dma_wait3A_3439 : memref<1x256xf32, #tpu.memory_space<hbm>> -> memref<256xf32, #tpu.memory_space<hbm>>
      tpu.wait_dma2 semaphore(%run_scoped3A : memref<!tpu.dma_semaphore, #tpu.memory_space<semaphore_mem>>) src(%dma_wait3A_3440 : memref<256xf32, #tpu.memory_space<hbm>>) dst(%arg6 : memref<256xf32, #tpu.memory_space<vmem>>)
      tpu.yield
    }) : () -> ()
    %get3A = arith.constant 0 : index
    %get3A_12 = tpu.vector_load %arg6[%get3A] {strides = array<i32>} : memref<256xf32, #tpu.memory_space<vmem>>, vector<16xf32>,
    %get3A_13 = vector.shape_cast %get3A_12 : vector<16xf32> to vector<16xf32>
    %swap3A = arith.constant 0 : i32
    %swap3A_14 = arith.index_cast %swap3A : i32 to index
    %swap3A_15 = arith.constant 256 : index
    %swap3A_16 = tpu.vector_load %arg5[%swap3A_14, %swap3A_15] {strides = array<i32>} : memref<32x512xf32, #tpu.memory_space<vmem>>, vector<1x16xf32>,
    %swap3A_17 = vector.shape_cast %swap3A_16 : vector<1x16xf32> to vector<16xf32>
    %swap3A_18 = vector.shape_cast %get3A_13 : vector<16xf32> to vector<1x16xf32>
    tpu.vector_store %arg5[%swap3A_14, %swap3A_15], %swap3A_18 {strides = array<i32>} : memref<32x512xf32, #tpu.memory_space<vmem>>, vector<1x16xf32>,
    %swap3A_19 = arith.constant 1 : i32
    %swap3A_20 = arith.index_cast %swap3A_19 : i32 to index
    %swap3A_21 = arith.constant 256 : index
    %swap3A_22 = tpu.vector_load %arg5[%swap3A_20, %swap3A_21] {strides = array<i32>} : memref<32x512xf32, #tpu.memory_space<vmem>>, vector<1x16xf32>,
    %swap3A_23 = vector.shape_cast %swap3A_22 : vector<1x16xf32> to vector<16xf32>
    %swap3A_24 = vector.shape_cast %get3A_13 : vector<16xf32> to vector<1x16xf32>
    tpu.vector_store %arg5[%swap3A_20, %swap3A_21], %swap3A_24 {strides = array<i32>} : memref<32x512xf32, #tpu.memory_space<vmem>>, vector<1x16xf32>,
    %swap3A_25 = arith.constant 2 : i32
    %swap3A_26 = arith.index_cast %swap3A_25 : i32 to index
    %swap3A_27 = arith.constant 256 : index
    %swap3A_28 = tpu.vector_load %arg5[%swap3A_26, %swap3A_27] {strides = array<i32>} : memref<32x512xf32, #tpu.memory_space<vmem>>, vector<1x16xf32>,
    %swap3A_29 = vector.shape_cast %swap3A_28 : vector<1x16xf32> to vector<16xf32>
    %swap3A_30 = vector.shape_cast %get3A_13 : vector<16xf32> to vector<1x16xf32>
    tpu.vector_store %arg5[%swap3A_26, %swap3A_27], %swap3A_30 {strides = array<i32>} : memref<32x512xf32, #tpu.memory_space<vmem>>, vector<1x16xf32>,
    %swap3A_31 = arith.constant 3 : i32
    %swap3A_32 = arith.index_cast %swap3A_31 : i32 to index
    %swap3A_33 = arith.constant 256 : index
    %swap3A_34 = tpu.vector_load %arg5[%swap3A_32, %swap3A_33] {strides = array<i32>} : memref<32x512xf32, #tpu.memory_space<vmem>>, vector<1x16xf32>,
    %swap3A_35 = vector.shape_cast %swap3A_34 : vector<1x16xf32> to vector<16xf32>
    %swap3A_36 = vector.shape_cast %get3A_13 : vector<16xf32> to vector<1x16xf32>
    tpu.vector_store %arg5[%swap3A_32, %swap3A_33], %swap3A_36 {strides = array<i32>} : memref<32x512xf32, #tpu.memory_space<vmem>>, vector<1x16xf32>,
    %swap3A_37 = arith.constant 4 : i32
    %swap3A_38 = arith.index_cast %swap3A_37 : i32 to index
    %swap3A_39 = arith.constant 256 : index
    %swap3A_40 = tpu.vector_load %arg5[%swap3A_38, %swap3A_39] {strides = array<i32>} : memref<32x512xf32, #tpu.memory_space<vmem>>, vector<1x16xf32>,
    %swap3A_41 = vector.shape_cast %swap3A_40 : vector<1x16xf32> to vector<16xf32>
    %swap3A_42 = vector.shape_cast %get3A_13 : vector<16xf32> to vector<1x16xf32>
    tpu.vector_store %arg5[%swap3A_38, %swap3A_39], %swap3A_42 {strides = array<i32>} : memref<32x512xf32, #tpu.memory_space<vmem>>, vector<1x16xf32>,
    %swap3A_43 = arith.constant 5 : i32
    %swap3A_44 = arith.index_cast %swap3A_43 : i32 to index
    %swap3A_45 = arith.constant 256 : index
    %swap3A_46 = tpu.vector_load %arg5[%swap3A_44, %swap3A_45] {strides = array<i32>} : memref<32x512xf32, #tpu.memory_space<vmem>>, vector<1x16xf32>,
    %swap3A_47 = vector.shape_cast %swap3A_46 : vector<1x16xf32> to vector<16xf32>
    %swap3A_48 = vector.shape_cast %get3A_13 : vector<16xf32> to vector<1x16xf32>
    tpu.vector_store %arg5[%swap3A_44, %swap3A_45], %swap3A_48 {strides = array<i32>} : memref<32x512xf32, #tpu.memory_space<vmem>>, vector<1x16xf32>,
    %swap3A_49 = arith.constant 6 : i32
    %swap3A_50 = arith.index_cast %swap3A_49 : i32 to index
    %swap3A_51 = arith.constant 256 : index
    %swap3A_52 = tpu.vector_load %arg5[%swap3A_50, %swap3A_51] {strides = array<i32>} : memref<32x512xf32, #tpu.memory_space<vmem>>, vector<1x16xf32>,
    %swap3A_53 = vector.shape_cast %swap3A_52 : vector<1x16xf32> to vector<16xf32>
    %swap3A_54 = vector.shape_cast %get3A_13 : vector<16xf32> to vector<1x16xf32>
    tpu.vector_store %arg5[%swap3A_50, %swap3A_51], %swap3A_54 {strides = array<i32>} : memref<32x512xf32, #tpu.memory_space<vmem>>, vector<1x16xf32>,
    %swap3A_55 = arith.constant 7 : i32
    %swap3A_56 = arith.index_cast %swap3A_55 : i32 to index
    %swap3A_57 = arith.constant 256 : index
    %swap3A_58 = tpu.vector_load %arg5[%swap3A_56, %swap3A_57] {strides = array<i32>} : memref<32x512xf32, #tpu.memory_space<vmem>>, vector<1x16xf32>,
    %swap3A_59 = vector.shape_cast %swap3A_58 : vector<1x16xf32> to vector<16xf32>
    %swap3A_60 = vector.shape_cast %get3A_13 : vector<16xf32> to vector<1x16xf32>
    tpu.vector_store %arg5[%swap3A_56, %swap3A_57], %swap3A_60 {strides = array<i32>} : memref<32x512xf32, #tpu.memory_space<vmem>>, vector<1x16xf32>,
    %swap3A_61 = arith.constant 8 : i32
    %swap3A_62 = arith.index_cast %swap3A_61 : i32 to index
    %swap3A_63 = arith.constant 256 : index
    %swap3A_64 = tpu.vector_load %arg5[%swap3A_62, %swap3A_63] {strides = array<i32>} : memref<32x512xf32, #tpu.memory_space<vmem>>, vector<1x16xf32>,
    %swap3A_65 = vector.shape_cast %swap3A_64 : vector<1x16xf32> to vector<16xf32>
    %swap3A_66 = vector.shape_cast %get3A_13 : vector<16xf32> to vector<1x16xf32>
    tpu.vector_store %arg5[%swap3A_62, %swap3A_63], %swap3A_66 {strides = array<i32>} : memref<32x512xf32, #tpu.memory_space<vmem>>, vector<1x16xf32>,
    %swap3A_67 = arith.constant 9 : i32
    %swap3A_68 = arith.index_cast %swap3A_67 : i32 to index
    %swap3A_69 = arith.constant 256 : index
    %swap3A_70 = tpu.vector_load %arg5[%swap3A_68, %swap3A_69] {strides = array<i32>} : memref<32x512xf32, #tpu.memory_space<vmem>>, vector<1x16xf32>,
    %swap3A_71 = vector.shape_cast %swap3A_70 : vector<1x16xf32> to vector<16xf32>
    %swap3A_72 = vector.shape_cast %get3A_13 : vector<16xf32> to vector<1x16xf32>
    tpu.vector_store %arg5[%swap3A_68, %swap3A_69], %swap3A_72 {strides = array<i32>} : memref<32x512xf32, #tpu.memory_space<vmem>>, vector<1x16xf32>,
    %swap3A_73 = arith.constant 10 : i32
    %swap3A_74 = arith.index_cast %swap3A_73 : i32 to index
    %swap3A_75 = arith.constant 256 : index
    %swap3A_76 = tpu.vector_load %arg5[%swap3A_74, %swap3A_75] {strides = array<i32>} : memref<32x512xf32, #tpu.memory_space<vmem>>, vector<1x16xf32>,
    %swap3A_77 = vector.shape_cast %swap3A_76 : vector<1x16xf32> to vector<16xf32>
    %swap3A_78 = vector.shape_cast %get3A_13 : vector<16xf32> to vector<1x16xf32>
    tpu.vector_store %arg5[%swap3A_74, %swap3A_75], %swap3A_78 {strides = array<i32>} : memref<32x512xf32, #tpu.memory_space<vmem>>, vector<1x16xf32>,
    %swap3A_79 = arith.constant 11 : i32
    %swap3A_80 = arith.index_cast %swap3A_79 : i32 to index
    %swap3A_81 = arith.constant 256 : index
    %swap3A_82 = tpu.vector_load %arg5[%swap3A_80, %swap3A_81] {strides = array<i32>} : memref<32x512xf32, #tpu.memory_space<vmem>>, vector<1x16xf32>,
    %swap3A_83 = vector.shape_cast %swap3A_82 : vector<1x16xf32> to vector<16xf32>
    %swap3A_84 = vector.shape_cast %get3A_13 : vector<16xf32> to vector<1x16xf32>
    tpu.vector_store %arg5[%swap3A_80, %swap3A_81], %swap3A_84 {strides = array<i32>} : memref<32x512xf32, #tpu.memory_space<vmem>>, vector<1x16xf32>,
    %swap3A_85 = arith.constant 12 : i32
    %swap3A_86 = arith.index_cast %swap3A_85 : i32 to index
    %swap3A_87 = arith.constant 256 : index
    %swap3A_88 = tpu.vector_load %arg5[%swap3A_86, %swap3A_87] {strides = array<i32>} : memref<32x512xf32, #tpu.memory_space<vmem>>, vector<1x16xf32>,
    %swap3A_89 = vector.shape_cast %swap3A_88 : vector<1x16xf32> to vector<16xf32>
    %swap3A_90 = vector.shape_cast %get3A_13 : vector<16xf32> to vector<1x16xf32>
    tpu.vector_store %arg5[%swap3A_86, %swap3A_87], %swap3A_90 {strides = array<i32>} : memref<32x512xf32, #tpu.memory_space<vmem>>, vector<1x16xf32>,
    %swap3A_91 = arith.constant 13 : i32
    %swap3A_92 = arith.index_cast %swap3A_91 : i32 to index
    %swap3A_93 = arith.constant 256 : index
    %swap3A_94 = tpu.vector_load %arg5[%swap3A_92, %swap3A_93] {strides = array<i32>} : memref<32x512xf32, #tpu.memory_space<vmem>>, vector<1x16xf32>,
    %swap3A_95 = vector.shape_cast %swap3A_94 : vector<1x16xf32> to vector<16xf32>
    %swap3A_96 = vector.shape_cast %get3A_13 : vector<16xf32> to vector<1x16xf32>
    tpu.vector_store %arg5[%swap3A_92, %swap3A_93], %swap3A_96 {strides = array<i32>} : memref<32x512xf32, #tpu.memory_space<vmem>>, vector<1x16xf32>,
    %swap3A_97 = arith.constant 14 : i32
    %swap3A_98 = arith.index_cast %swap3A_97 : i32 to index
    %swap3A_99 = arith.constant 256 : index
    %swap3A_100 = tpu.vector_load %arg5[%swap3A_98, %swap3A_99] {strides = array<i32>} : memref<32x512xf32, #tpu.memory_space<vmem>>, vector<1x16xf32>,
    %swap3A_101 = vector.shape_cast %swap3A_100 : vector<1x16xf32> to vector<16xf32>
    %swap3A_102 = vector.shape_cast %get3A_13 : vector<16xf32> to vector<1x16xf32>
    tpu.vector_store %arg5[%swap3A_98, %swap3A_99], %swap3A_102 {strides = array<i32>} : memref<32x512xf32, #tpu.memory_space<vmem>>, vector<1x16xf32>,
    %swap3A_103 = arith.constant 15 : i32
    %swap3A_104 = arith.index_cast %swap3A_103 : i32 to index
    %swap3A_105 = arith.constant 256 : index
    %swap3A_106 = tpu.vector_load %arg5[%swap3A_104, %swap3A_105] {strides = array<i32>} : memref<32x512xf32, #tpu.memory_space<vmem>>, vector<1x16xf32>,
    %swap3A_107 = vector.shape_cast %swap3A_106 : vector<1x16xf32> to vector<16xf32>
    %swap3A_108 = vector.shape_cast %get3A_13 : vector<16xf32> to vector<1x16xf32>
    tpu.vector_store %arg5[%swap3A_104, %swap3A_105], %swap3A_108 {strides = array<i32>} : memref<32x512xf32, #tpu.memory_space<vmem>>, vector<1x16xf32>,
    %swap3A_109 = arith.constant 16 : i32
    %swap3A_110 = arith.index_cast %swap3A_109 : i32 to index
    %swap3A_111 = arith.constant 256 : index
    %swap3A_112 = tpu.vector_load %arg5[%swap3A_110, %swap3A_111] {strides = array<i32>} : memref<32x512xf32, #tpu.memory_space<vmem>>, vector<1x16xf32>,
    %swap3A_113 = vector.shape_cast %swap3A_112 : vector<1x16xf32> to vector<16xf32>
    %swap3A_114 = vector.shape_cast %get3A_13 : vector<16xf32> to vector<1x16xf32>
    tpu.vector_store %arg5[%swap3A_110, %swap3A_111], %swap3A_114 {strides = array<i32>} : memref<32x512xf32, #tpu.memory_space<vmem>>, vector<1x16xf32>,
    %swap3A_115 = arith.constant 17 : i32
    %swap3A_116 = arith.index_cast %swap3A_115 : i32 to index
    %swap3A_117 = arith.constant 256 : index
    %swap3A_118 = tpu.vector_load %arg5[%swap3A_116, %swap3A_117] {strides = array<i32>} : memref<32x512xf32, #tpu.memory_space<vmem>>, vector<1x16xf32>,
    %swap3A_119 = vector.shape_cast %swap3A_118 : vector<1x16xf32> to vector<16xf32>
    %swap3A_120 = vector.shape_cast %get3A_13 : vector<16xf32> to vector<1x16xf32>
    tpu.vector_store %arg5[%swap3A_116, %swap3A_117], %swap3A_120 {strides = array<i32>} : memref<32x512xf32, #tpu.memory_space<vmem>>, vector<1x16xf32>,
    %swap3A_121 = arith.constant 18 : i32
    %swap3A_122 = arith.index_cast %swap3A_121 : i32 to index
    %swap3A_123 = arith.constant 256 : index
    %swap3A_124 = tpu.vector_load %arg5[%swap3A_122, %swap3A_123] {strides = array<i32>} : memref<32x512xf32, #tpu.memory_space<vmem>>, vector<1x16xf32>,
    %swap3A_125 = vector.shape_cast %swap3A_124 : vector<1x16xf32> to vector<16xf32>
    %swap3A_126 = vector.shape_cast %get3A_13 : vector<16xf32> to vector<1x16xf32>
    tpu.vector_store %arg5[%swap3A_122, %swap3A_123], %swap3A_126 {strides = array<i32>} : memref<32x512xf32, #tpu.memory_space<vmem>>, vector<1x16xf32>,
    %swap3A_127 = arith.constant 19 : i32
    %swap3A_128 = arith.index_cast %swap3A_127 : i32 to index
    %swap3A_129 = arith.constant 256 : index
    %swap3A_130 = tpu.vector_load %arg5[%swap3A_128, %swap3A_129] {strides = array<i32>} : memref<32x512xf32, #tpu.memory_space<vmem>>, vector<1x16xf32>,
    %swap3A_131 = vector.shape_cast %swap3A_130 : vector<1x16xf32> to vector<16xf32>
    %swap3A_132 = vector.shape_cast %get3A_13 : vector<16xf32> to vector<1x16xf32>
    tpu.vector_store %arg5[%swap3A_128, %swap3A_129], %swap3A_132 {strides = array<i32>} : memref<32x512xf32, #tpu.memory_space<vmem>>, vector<1x16xf32>,
    %swap3A_133 = arith.constant 20 : i32
    %swap3A_134 = arith.index_cast %swap3A_133 : i32 to index
    %swap3A_135 = arith.constant 256 : index
    %swap3A_136 = tpu.vector_load %arg5[%swap3A_134, %swap3A_135] {strides = array<i32>} : memref<32x512xf32, #tpu.memory_space<vmem>>, vector<1x16xf32>,
    %swap3A_137 = vector.shape_cast %swap3A_136 : vector<1x16xf32> to vector<16xf32>
    %swap3A_138 = vector.shape_cast %get3A_13 : vector<16xf32> to vector<1x16xf32>
    tpu.vector_store %arg5[%swap3A_134, %swap3A_135], %swap3A_138 {strides = array<i32>} : memref<32x512xf32, #tpu.memory_space<vmem>>, vector<1x16xf32>,
    %swap3A_139 = arith.constant 21 : i32
    %swap3A_140 = arith.index_cast %swap3A_139 : i32 to index
    %swap3A_141 = arith.constant 256 : index
    %swap3A_142 = tpu.vector_load %arg5[%swap3A_140, %swap3A_141] {strides = array<i32>} : memref<32x512xf32, #tpu.memory_space<vmem>>, vector<1x16xf32>,
    %swap3A_143 = vector.shape_cast %swap3A_142 : vector<1x16xf32> to vector<16xf32>
    %swap3A_144 = vector.shape_cast %get3A_13 : vector<16xf32> to vector<1x16xf32>
    tpu.vector_store %arg5[%swap3A_140, %swap3A_141], %swap3A_144 {strides = array<i32>} : memref<32x512xf32, #tpu.memory_space<vmem>>, vector<1x16xf32>,
    %swap3A_145 = arith.constant 22 : i32
    %swap3A_146 = arith.index_cast %swap3A_145 : i32 to index
    %swap3A_147 = arith.constant 256 : index
    %swap3A_148 = tpu.vector_load %arg5[%swap3A_146, %swap3A_147] {strides = array<i32>} : memref<32x512xf32, #tpu.memory_space<vmem>>, vector<1x16xf32>,
    %swap3A_149 = vector.shape_cast %swap3A_148 : vector<1x16xf32> to vector<16xf32>
    %swap3A_150 = vector.shape_cast %get3A_13 : vector<16xf32> to vector<1x16xf32>
    tpu.vector_store %arg5[%swap3A_146, %swap3A_147], %swap3A_150 {strides = array<i32>} : memref<32x512xf32, #tpu.memory_space<vmem>>, vector<1x16xf32>,
    %swap3A_151 = arith.constant 23 : i32
    %swap3A_152 = arith.index_cast %swap3A_151 : i32 to index
    %swap3A_153 = arith.constant 256 : index
    %swap3A_154 = tpu.vector_load %arg5[%swap3A_152, %swap3A_153] {strides = array<i32>} : memref<32x512xf32, #tpu.memory_space<vmem>>, vector<1x16xf32>,
    %swap3A_155 = vector.shape_cast %swap3A_154 : vector<1x16xf32> to vector<16xf32>
    %swap3A_156 = vector.shape_cast %get3A_13 : vector<16xf32> to vector<1x16xf32>
    tpu.vector_store %arg5[%swap3A_152, %swap3A_153], %swap3A_156 {strides = array<i32>} : memref<32x512xf32, #tpu.memory_space<vmem>>, vector<1x16xf32>,
    %swap3A_157 = arith.constant 24 : i32
    %swap3A_158 = arith.index_cast %swap3A_157 : i32 to index
    %swap3A_159 = arith.constant 256 : index
    %swap3A_160 = tpu.vector_load %arg5[%swap3A_158, %swap3A_159] {strides = array<i32>} : memref<32x512xf32, #tpu.memory_space<vmem>>, vector<1x16xf32>,
    %swap3A_161 = vector.shape_cast %swap3A_160 : vector<1x16xf32> to vector<16xf32>
    %swap3A_162 = vector.shape_cast %get3A_13 : vector<16xf32> to vector<1x16xf32>
    tpu.vector_store %arg5[%swap3A_158, %swap3A_159], %swap3A_162 {strides = array<i32>} : memref<32x512xf32, #tpu.memory_space<vmem>>, vector<1x16xf32>,
    %swap3A_163 = arith.constant 25 : i32
    %swap3A_164 = arith.index_cast %swap3A_163 : i32 to index
    %swap3A_165 = arith.constant 256 : index
    %swap3A_166 = tpu.vector_load %arg5[%swap3A_164, %swap3A_165] {strides = array<i32>} : memref<32x512xf32, #tpu.memory_space<vmem>>, vector<1x16xf32>,
    %swap3A_167 = vector.shape_cast %swap3A_166 : vector<1x16xf32> to vector<16xf32>
    %swap3A_168 = vector.shape_cast %get3A_13 : vector<16xf32> to vector<1x16xf32>
    tpu.vector_store %arg5[%swap3A_164, %swap3A_165], %swap3A_168 {strides = array<i32>} : memref<32x512xf32, #tpu.memory_space<vmem>>, vector<1x16xf32>,
    %swap3A_169 = arith.constant 26 : i32
    %swap3A_170 = arith.index_cast %swap3A_169 : i32 to index
    %swap3A_171 = arith.constant 256 : index
    %swap3A_172 = tpu.vector_load %arg5[%swap3A_170, %swap3A_171] {strides = array<i32>} : memref<32x512xf32, #tpu.memory_space<vmem>>, vector<1x16xf32>,
    %swap3A_173 = vector.shape_cast %swap3A_172 : vector<1x16xf32> to vector<16xf32>
    %swap3A_174 = vector.shape_cast %get3A_13 : vector<16xf32> to vector<1x16xf32>
    tpu.vector_store %arg5[%swap3A_170, %swap3A_171], %swap3A_174 {strides = array<i32>} : memref<32x512xf32, #tpu.memory_space<vmem>>, vector<1x16xf32>,
    %swap3A_175 = arith.constant 27 : i32
    %swap3A_176 = arith.index_cast %swap3A_175 : i32 to index
    %swap3A_177 = arith.constant 256 : index
    %swap3A_178 = tpu.vector_load %arg5[%swap3A_176, %swap3A_177] {strides = array<i32>} : memref<32x512xf32, #tpu.memory_space<vmem>>, vector<1x16xf32>,
    %swap3A_179 = vector.shape_cast %swap3A_178 : vector<1x16xf32> to vector<16xf32>
    %swap3A_180 = vector.shape_cast %get3A_13 : vector<16xf32> to vector<1x16xf32>
    tpu.vector_store %arg5[%swap3A_176, %swap3A_177], %swap3A_180 {strides = array<i32>} : memref<32x512xf32, #tpu.memory_space<vmem>>, vector<1x16xf32>,
    %swap3A_181 = arith.constant 28 : i32
    %swap3A_182 = arith.index_cast %swap3A_181 : i32 to index
    %swap3A_183 = arith.constant 256 : index
    %swap3A_184 = tpu.vector_load %arg5[%swap3A_182, %swap3A_183] {strides = array<i32>} : memref<32x512xf32, #tpu.memory_space<vmem>>, vector<1x16xf32>,
    %swap3A_185 = vector.shape_cast %swap3A_184 : vector<1x16xf32> to vector<16xf32>
    %swap3A_186 = vector.shape_cast %get3A_13 : vector<16xf32> to vector<1x16xf32>
    tpu.vector_store %arg5[%swap3A_182, %swap3A_183], %swap3A_186 {strides = array<i32>} : memref<32x512xf32, #tpu.memory_space<vmem>>, vector<1x16xf32>,
    %swap3A_187 = arith.constant 29 : i32
    %swap3A_188 = arith.index_cast %swap3A_187 : i32 to index
    %swap3A_189 = arith.constant 256 : index
    %swap3A_190 = tpu.vector_load %arg5[%swap3A_188, %swap3A_189] {strides = array<i32>} : memref<32x512xf32, #tpu.memory_space<vmem>>, vector<1x16xf32>,
    %swap3A_191 = vector.shape_cast %swap3A_190 : vector<1x16xf32> to vector<16xf32>
    %swap3A_192 = vector.shape_cast %get3A_13 : vector<16xf32> to vector<1x16xf32>
    tpu.vector_store %arg5[%swap3A_188, %swap3A_189], %swap3A_192 {strides = array<i32>} : memref<32x512xf32, #tpu.memory_space<vmem>>, vector<1x16xf32>,
    %swap3A_193 = arith.constant 30 : i32
    %swap3A_194 = arith.index_cast %swap3A_193 : i32 to index
    %swap3A_195 = arith.constant 256 : index
    %swap3A_196 = tpu.vector_load %arg5[%swap3A_194, %swap3A_195] {strides = array<i32>} : memref<32x512xf32, #tpu.memory_space<vmem>>, vector<1x16xf32>,
    %swap3A_197 = vector.shape_cast %swap3A_196 : vector<1x16xf32> to vector<16xf32>
    %swap3A_198 = vector.shape_cast %get3A_13 : vector<16xf32> to vector<1x16xf32>
    tpu.vector_store %arg5[%swap3A_194, %swap3A_195], %swap3A_198 {strides = array<i32>} : memref<32x512xf32, #tpu.memory_space<vmem>>, vector<1x16xf32>,
    %swap3A_199 = arith.constant 31 : i32
    %swap3A_200 = arith.index_cast %swap3A_199 : i32 to index
    %swap3A_201 = arith.constant 256 : index
    %swap3A_202 = tpu.vector_load %arg5[%swap3A_200, %swap3A_201] {strides = array<i32>} : memref<32x512xf32, #tpu.memory_space<vmem>>, vector<1x16xf32>,
    %swap3A_203 = vector.shape_cast %swap3A_202 : vector<1x16xf32> to vector<16xf32>
    %swap3A_204 = vector.shape_cast %get3A_13 : vector<16xf32> to vector<1x16xf32>
    tpu.vector_store %arg5[%swap3A_200, %swap3A_201], %swap3A_204 {strides = array<i32>} : memref<32x512xf32, #tpu.memory_space<vmem>>, vector<1x16xf32>,
    %get3A_205 = arith.constant 16 : index
    %get3A_206 = tpu.vector_load %arg6[%get3A_205] {strides = array<i32>} : memref<256xf32, #tpu.memory_space<vmem>>, vector<16xf32>,
    %get3A_207 = vector.shape_cast %get3A_206 : vector<16xf32> to vector<16xf32>
    %swap3A_208 = arith.constant 0 : i32
    %swap3A_209 = arith.index_cast %swap3A_208 : i32 to index
    %swap3A_210 = arith.constant 272 : index
    %swap3A_211 = tpu.vector_load %arg5[%swap3A_209, %swap3A_210] {strides = array<i32>} : memref<32x512xf32, #tpu.memory_space<vmem>>, vector<1x16xf32>,
    %swap3A_212 = vector.shape_cast %swap3A_211 : vector<1x16xf32> to vector<16xf32>
    %swap3A_213 = vector.shape_cast %get3A_207 : vector<16xf32> to vector<1x16xf32>
    tpu.vector_store %arg5[%swap3A_209, %swap3A_210], %swap3A_213 {strides = array<i32>} : memref<32x512xf32, #tpu.memory_space<vmem>>, vector<1x16xf32>,
    %swap3A_214 = arith.constant 1 : i32
    %swap3A_215 = arith.index_cast %swap3A_214 : i32 to index
    %swap3A_216 = arith.constant 272 : index
    %swap3A_217 = tpu.vector_load %arg5[%swap3A_215, %swap3A_216] {strides = array<i32>} : memref<32x512xf32, #tpu.memory_space<vmem>>, vector<1x16xf32>,
    %swap3A_218 = vector.shape_cast %swap3A_217 : vector<1x16xf32> to vector<16xf32>
    %swap3A_219 = vector.shape_cast %get3A_207 : vector<16xf32> to vector<1x16xf32>
    tpu.vector_store %arg5[%swap3A_215, %swap3A_216], %swap3A_219 {strides = array<i32>} : memref<32x512xf32, #tpu.memory_space<vmem>>, vector<1x16xf32>,
    %swap3A_220 = arith.constant 2 : i32
    %swap3A_221 = arith.index_cast %swap3A_220 : i32 to index
    %swap3A_222 = arith.constant 272 : index
    %swap3A_223 = tpu.vector_load %arg5[%swap3A_221, %swap3A_222] {strides = array<i32>} : memref<32x512xf32, #tpu.memory_space<vmem>>, vector<1x16xf32>,
    %swap3A_224 = vector.shape_cast %swap3A_223 : vector<1x16xf32> to vector<16xf32>
    %swap3A_225 = vector.shape_cast %get3A_207 : vector<16xf32> to vector<1x16xf32>
    tpu.vector_store %arg5[%swap3A_221, %swap3A_222], %swap3A_225 {strides = array<i32>} : memref<32x512xf32, #tpu.memory_space<vmem>>, vector<1x16xf32>,
    %swap3A_226 = arith.constant 3 : i32
    %swap3A_227 = arith.index_cast %swap3A_226 : i32 to index
    %swap3A_228 = arith.constant 272 : index
    %swap3A_229 = tpu.vector_load %arg5[%swap3A_227, %swap3A_228] {strides = array<i32>} : memref<32x512xf32, #tpu.memory_space<vmem>>, vector<1x16xf32>,
    %swap3A_230 = vector.shape_cast %swap3A_229 : vector<1x16xf32> to vector<16xf32>
    %swap3A_231 = vector.shape_cast %get3A_207 : vector<16xf32> to vector<1x16xf32>
    tpu.vector_store %arg5[%swap3A_227, %swap3A_228], %swap3A_231 {strides = array<i32>} : memref<32x512xf32, #tpu.memory_space<vmem>>, vector<1x16xf32>,
    %swap3A_232 = arith.constant 4 : i32
    %swap3A_233 = arith.index_cast %swap3A_232 : i32 to index
    %swap3A_234 = arith.constant 272 : index
    %swap3A_235 = tpu.vector_load %arg5[%swap3A_233, %swap3A_234] {strides = array<i32>} : memref<32x512xf32, #tpu.memory_space<vmem>>, vector<1x16xf32>,
    %swap3A_236 = vector.shape_cast %swap3A_235 : vector<1x16xf32> to vector<16xf32>
    %swap3A_237 = vector.shape_cast %get3A_207 : vector<16xf32> to vector<1x16xf32>
    tpu.vector_store %arg5[%swap3A_233, %swap3A_234], %swap3A_237 {strides = array<i32>} : memref<32x512xf32, #tpu.memory_space<vmem>>, vector<1x16xf32>,
    %swap3A_238 = arith.constant 5 : i32
    %swap3A_239 = arith.index_cast %swap3A_238 : i32 to index
    %swap3A_240 = arith.constant 272 : index
    %swap3A_241 = tpu.vector_load %arg5[%swap3A_239, %swap3A_240] {strides = array<i32>} : memref<32x512xf32, #tpu.memory_space<vmem>>, vector<1x16xf32>,
    %swap3A_242 = vector.shape_cast %swap3A_241 : vector<1x16xf32> to vector<16xf32>
    %swap3A_243 = vector.shape_cast %get3A_207 : vector<16xf32> to vector<1x16xf32>
    tpu.vector_store %arg5[%swap3A_239, %swap3A_240], %swap3A_243 {strides = array<i32>} : memref<32x512xf32, #tpu.memory_space<vmem>>, vector<1x16xf32>,
    %swap3A_244 = arith.constant 6 : i32
    %swap3A_245 = arith.index_cast %swap3A_244 : i32 to index
    %swap3A_246 = arith.constant 272 : index
    %swap3A_247 = tpu.vector_load %arg5[%swap3A_245, %swap3A_246] {strides = array<i32>} : memref<32x512xf32, #tpu.memory_space<vmem>>, vector<1x16xf32>,
    %swap3A_248 = vector.shape_cast %swap3A_247 : vector<1x16xf32> to vector<16xf32>
    %swap3A_249 = vector.shape_cast %get3A_207 : vector<16xf32> to vector<1x16xf32>
    tpu.vector_store %arg5[%swap3A_245, %swap3A_246], %swap3A_249 {strides = array<i32>} : memref<32x512xf32, #tpu.memory_space<vmem>>, vector<1x16xf32>,
    %swap3A_250 = arith.constant 7 : i32
    %swap3A_251 = arith.index_cast %swap3A_250 : i32 to index
    %swap3A_252 = arith.constant 272 : index
    %swap3A_253 = tpu.vector_load %arg5[%swap3A_251, %swap3A_252] {strides = array<i32>} : memref<32x512xf32, #tpu.memory_space<vmem>>, vector<1x16xf32>,
    %swap3A_254 = vector.shape_cast %swap3A_253 : vector<1x16xf32> to vector<16xf32>
    %swap3A_255 = vector.shape_cast %get3A_207 : vector<16xf32> to vector<1x16xf32>
    tpu.vector_store %arg5[%swap3A_251, %swap3A_252], %swap3A_255 {strides = array<i32>} : memref<32x512xf32, #tpu.memory_space<vmem>>, vector<1x16xf32>,
    %swap3A_256 = arith.constant 8 : i32
    %swap3A_257 = arith.index_cast %swap3A_256 : i32 to index
    %swap3A_258 = arith.constant 272 : index
    %swap3A_259 = tpu.vector_load %arg5[%swap3A_257, %swap3A_258] {strides = array<i32>} : memref<32x512xf32, #tpu.memory_space<vmem>>, vector<1x16xf32>,
    %swap3A_260 = vector.shape_cast %swap3A_259 : vector<1x16xf32> to vector<16xf32>
    %swap3A_261 = vector.shape_cast %get3A_207 : vector<16xf32> to vector<1x16xf32>
    tpu.vector_store %arg5[%swap3A_257, %swap3A_258], %swap3A_261 {strides = array<i32>} : memref<32x512xf32, #tpu.memory_space<vmem>>, vector<1x16xf32>,
    %swap3A_262 = arith.constant 9 : i32
    %swap3A_263 = arith.index_cast %swap3A_262 : i32 to index
    %swap3A_264 = arith.constant 272 : index
    %swap3A_265 = tpu.vector_load %arg5[%swap3A_263, %swap3A_264] {strides = array<i32>} : memref<32x512xf32, #tpu.memory_space<vmem>>, vector<1x16xf32>,
    %swap3A_266 = vector.shape_cast %swap3A_265 : vector<1x16xf32> to vector<16xf32>
    %swap3A_267 = vector.shape_cast %get3A_207 : vector<16xf32> to vector<1x16xf32>
    tpu.vector_store %arg5[%swap3A_263, %swap3A_264], %swap3A_267 {strides = array<i32>} : memref<32x512xf32, #tpu.memory_space<vmem>>, vector<1x16xf32>,
    %swap3A_268 = arith.constant 10 : i32
    %swap3A_269 = arith.index_cast %swap3A_268 : i32 to index
    %swap3A_270 = arith.constant 272 : index
    %swap3A_271 = tpu.vector_load %arg5[%swap3A_269, %swap3A_270] {strides = array<i32>} : memref<32x512xf32, #tpu.memory_space<vmem>>, vector<1x16xf32>,
    %swap3A_272 = vector.shape_cast %swap3A_271 : vector<1x16xf32> to vector<16xf32>
    %swap3A_273 = vector.shape_cast %get3A_207 : vector<16xf32> to vector<1x16xf32>
    tpu.vector_store %arg5[%swap3A_269, %swap3A_270], %swap3A_273 {strides = array<i32>} : memref<32x512xf32, #tpu.memory_space<vmem>>, vector<1x16xf32>,
    %swap3A_274 = arith.constant 11 : i32
    %swap3A_275 = arith.index_cast %swap3A_274 : i32 to index
    %swap3A_276 = arith.constant 272 : index
    %swap3A_277 = tpu.vector_load %arg5[%swap3A_275, %swap3A_276] {strides = array<i32>} : memref<32x512xf32, #tpu.memory_space<vmem>>, vector<1x16xf32>,
    %swap3A_278 = vector.shape_cast %swap3A_277 : vector<1x16xf32> to vector<16xf32>
    %swap3A_279 = vector.shape_cast %get3A_207 : vector<16xf32> to vector<1x16xf32>
    tpu.vector_store %arg5[%swap3A_275, %swap3A_276], %swap3A_279 {strides = array<i32>} : memref<32x512xf32, #tpu.memory_space<vmem>>, vector<1x16xf32>,
    %swap3A_280 = arith.constant 12 : i32
    %swap3A_281 = arith.index_cast %swap3A_280 : i32 to index
    %swap3A_282 = arith.constant 272 : index
    %swap3A_283 = tpu.vector_load %arg5[%swap3A_281, %swap3A_282] {strides = array<i32>} : memref<32x512xf32, #tpu.memory_space<vmem>>, vector<1x16xf32>,
    %swap3A_284 = vector.shape_cast %swap3A_283 : vector<1x16xf32> to vector<16xf32>
    %swap3A_285 = vector.shape_cast %get3A_207 : vector<16xf32> to vector<1x16xf32>
    tpu.vector_store %arg5[%swap3A_281, %swap3A_282], %swap3A_285 {strides = array<i32>} : memref<32x512xf32, #tpu.memory_space<vmem>>, vector<1x16xf32>,
    %swap3A_286 = arith.constant 13 : i32
    %swap3A_287 = arith.index_cast %swap3A_286 : i32 to index
    %swap3A_288 = arith.constant 272 : index
    %swap3A_289 = tpu.vector_load %arg5[%swap3A_287, %swap3A_288] {strides = array<i32>} : memref<32x512xf32, #tpu.memory_space<vmem>>, vector<1x16xf32>,
    %swap3A_290 = vector.shape_cast %swap3A_289 : vector<1x16xf32> to vector<16xf32>
    %swap3A_291 = vector.shape_cast %get3A_207 : vector<16xf32> to vector<1x16xf32>
    tpu.vector_store %arg5[%swap3A_287, %swap3A_288], %swap3A_291 {strides = array<i32>} : memref<32x512xf32, #tpu.memory_space<vmem>>, vector<1x16xf32>,
    %swap3A_292 = arith.constant 14 : i32
    %swap3A_293 = arith.index_cast %swap3A_292 : i32 to index
    %swap3A_294 = arith.constant 272 : index
    %swap3A_295 = tpu.vector_load %arg5[%swap3A_293, %swap3A_294] {strides = array<i32>} : memref<32x512xf32, #tpu.memory_space<vmem>>, vector<1x16xf32>,
    %swap3A_296 = vector.shape_cast %swap3A_295 : vector<1x16xf32> to vector<16xf32>
    %swap3A_297 = vector.shape_cast %get3A_207 : vector<16xf32> to vector<1x16xf32>
    tpu.vector_store %arg5[%swap3A_293, %swap3A_294], %swap3A_297 {strides = array<i32>} : memref<32x512xf32, #tpu.memory_space<vmem>>, vector<1x16xf32>,
    %swap3A_298 = arith.constant 15 : i32
    %swap3A_299 = arith.index_cast %swap3A_298 : i32 to index
    %swap3A_300 = arith.constant 272 : index
    %swap3A_301 = tpu.vector_load %arg5[%swap3A_299, %swap3A_300] {strides = array<i32>} : memref<32x512xf32, #tpu.memory_space<vmem>>, vector<1x16xf32>,
    %swap3A_302 = vector.shape_cast %swap3A_301 : vector<1x16xf32> to vector<16xf32>
    %swap3A_303 = vector.shape_cast %get3A_207 : vector<16xf32> to vector<1x16xf32>
    tpu.vector_store %arg5[%swap3A_299, %swap3A_300], %swap3A_303 {strides = array<i32>} : memref<32x512xf32, #tpu.memory_space<vmem>>, vector<1x16xf32>,
    %swap3A_304 = arith.constant 16 : i32
    %swap3A_305 = arith.index_cast %swap3A_304 : i32 to index
    %swap3A_306 = arith.constant 272 : index
    %swap3A_307 = tpu.vector_load %arg5[%swap3A_305, %swap3A_306] {strides = array<i32>} : memref<32x512xf32, #tpu.memory_space<vmem>>, vector<1x16xf32>,
    %swap3A_308 = vector.shape_cast %swap3A_307 : vector<1x16xf32> to vector<16xf32>
    %swap3A_309 = vector.shape_cast %get3A_207 : vector<16xf32> to vector<1x16xf32>
    tpu.vector_store %arg5[%swap3A_305, %swap3A_306], %swap3A_309 {strides = array<i32>} : memref<32x512xf32, #tpu.memory_space<vmem>>, vector<1x16xf32>,
    %swap3A_310 = arith.constant 17 : i32
    %swap3A_311 = arith.index_cast %swap3A_310 : i32 to index
    %swap3A_312 = arith.constant 272 : index
    %swap3A_313 = tpu.vector_load %arg5[%swap3A_311, %swap3A_312] {strides = array<i32>} : memref<32x512xf32, #tpu.memory_space<vmem>>, vector<1x16xf32>,
    %swap3A_314 = vector.shape_cast %swap3A_313 : vector<1x16xf32> to vector<16xf32>
    %swap3A_315 = vector.shape_cast %get3A_207 : vector<16xf32> to vector<1x16xf32>
    tpu.vector_store %arg5[%swap3A_311, %swap3A_312], %swap3A_315 {strides = array<i32>} : memref<32x512xf32, #tpu.memory_space<vmem>>, vector<1x16xf32>,
    %swap3A_316 = arith.constant 18 : i32
    %swap3A_317 = arith.index_cast %swap3A_316 : i32 to index
    %swap3A_318 = arith.constant 272 : index
    %swap3A_319 = tpu.vector_load %arg5[%swap3A_317, %swap3A_318] {strides = array<i32>} : memref<32x512xf32, #tpu.memory_space<vmem>>, vector<1x16xf32>,
    %swap3A_320 = vector.shape_cast %swap3A_319 : vector<1x16xf32> to vector<16xf32>
    %swap3A_321 = vector.shape_cast %get3A_207 : vector<16xf32> to vector<1x16xf32>
    tpu.vector_store %arg5[%swap3A_317, %swap3A_318], %swap3A_321 {strides = array<i32>} : memref<32x512xf32, #tpu.memory_space<vmem>>, vector<1x16xf32>,
    %swap3A_322 = arith.constant 19 : i32
    %swap3A_323 = arith.index_cast %swap3A_322 : i32 to index
    %swap3A_324 = arith.constant 272 : index
    %swap3A_325 = tpu.vector_load %arg5[%swap3A_323, %swap3A_324] {strides = array<i32>} : memref<32x512xf32, #tpu.memory_space<vmem>>, vector<1x16xf32>,
    %swap3A_326 = vector.shape_cast %swap3A_325 : vector<1x16xf32> to vector<16xf32>
    %swap3A_327 = vector.shape_cast %get3A_207 : vector<16xf32> to vector<1x16xf32>
    tpu.vector_store %arg5[%swap3A_323, %swap3A_324], %swap3A_327 {strides = array<i32>} : memref<32x512xf32, #tpu.memory_space<vmem>>, vector<1x16xf32>,
    %swap3A_328 = arith.constant 20 : i32
    %swap3A_329 = arith.index_cast %swap3A_328 : i32 to index
    %swap3A_330 = arith.constant 272 : index
    %swap3A_331 = tpu.vector_load %arg5[%swap3A_329, %swap3A_330] {strides = array<i32>} : memref<32x512xf32, #tpu.memory_space<vmem>>, vector<1x16xf32>,
    %swap3A_332 = vector.shape_cast %swap3A_331 : vector<1x16xf32> to vector<16xf32>
    %swap3A_333 = vector.shape_cast %get3A_207 : vector<16xf32> to vector<1x16xf32>
    tpu.vector_store %arg5[%swap3A_329, %swap3A_330], %swap3A_333 {strides = array<i32>} : memref<32x512xf32, #tpu.memory_space<vmem>>, vector<1x16xf32>,
    %swap3A_334 = arith.constant 21 : i32
    %swap3A_335 = arith.index_cast %swap3A_334 : i32 to index
    %swap3A_336 = arith.constant 272 : index
    %swap3A_337 = tpu.vector_load %arg5[%swap3A_335, %swap3A_336] {strides = array<i32>} : memref<32x512xf32, #tpu.memory_space<vmem>>, vector<1x16xf32>,
    %swap3A_338 = vector.shape_cast %swap3A_337 : vector<1x16xf32> to vector<16xf32>
    %swap3A_339 = vector.shape_cast %get3A_207 : vector<16xf32> to vector<1x16xf32>
    tpu.vector_store %arg5[%swap3A_335, %swap3A_336], %swap3A_339 {strides = array<i32>} : memref<32x512xf32, #tpu.memory_space<vmem>>, vector<1x16xf32>,
    %swap3A_340 = arith.constant 22 : i32
    %swap3A_341 = arith.index_cast %swap3A_340 : i32 to index
    %swap3A_342 = arith.constant 272 : index
    %swap3A_343 = tpu.vector_load %arg5[%swap3A_341, %swap3A_342] {strides = array<i32>} : memref<32x512xf32, #tpu.memory_space<vmem>>, vector<1x16xf32>,
    %swap3A_344 = vector.shape_cast %swap3A_343 : vector<1x16xf32> to vector<16xf32>
    %swap3A_345 = vector.shape_cast %get3A_207 : vector<16xf32> to vector<1x16xf32>
    tpu.vector_store %arg5[%swap3A_341, %swap3A_342], %swap3A_345 {strides = array<i32>} : memref<32x512xf32, #tpu.memory_space<vmem>>, vector<1x16xf32>,
    %swap3A_346 = arith.constant 23 : i32
    %swap3A_347 = arith.index_cast %swap3A_346 : i32 to index
    %swap3A_348 = arith.constant 272 : index
    %swap3A_349 = tpu.vector_load %arg5[%swap3A_347, %swap3A_348] {strides = array<i32>} : memref<32x512xf32, #tpu.memory_space<vmem>>, vector<1x16xf32>,
    %swap3A_350 = vector.shape_cast %swap3A_349 : vector<1x16xf32> to vector<16xf32>
    %swap3A_351 = vector.shape_cast %get3A_207 : vector<16xf32> to vector<1x16xf32>
    tpu.vector_store %arg5[%swap3A_347, %swap3A_348], %swap3A_351 {strides = array<i32>} : memref<32x512xf32, #tpu.memory_space<vmem>>, vector<1x16xf32>,
    %swap3A_352 = arith.constant 24 : i32
    %swap3A_353 = arith.index_cast %swap3A_352 : i32 to index
    %swap3A_354 = arith.constant 272 : index
    %swap3A_355 = tpu.vector_load %arg5[%swap3A_353, %swap3A_354] {strides = array<i32>} : memref<32x512xf32, #tpu.memory_space<vmem>>, vector<1x16xf32>,
    %swap3A_356 = vector.shape_cast %swap3A_355 : vector<1x16xf32> to vector<16xf32>
    %swap3A_357 = vector.shape_cast %get3A_207 : vector<16xf32> to vector<1x16xf32>
    tpu.vector_store %arg5[%swap3A_353, %swap3A_354], %swap3A_357 {strides = array<i32>} : memref<32x512xf32, #tpu.memory_space<vmem>>, vector<1x16xf32>,
    %swap3A_358 = arith.constant 25 : i32
    %swap3A_359 = arith.index_cast %swap3A_358 : i32 to index
    %swap3A_360 = arith.constant 272 : index
    %swap3A_361 = tpu.vector_load %arg5[%swap3A_359, %swap3A_360] {strides = array<i32>} : memref<32x512xf32, #tpu.memory_space<vmem>>, vector<1x16xf32>,
    %swap3A_362 = vector.shape_cast %swap3A_361 : vector<1x16xf32> to vector<16xf32>
    %swap3A_363 = vector.shape_cast %get3A_207 : vector<16xf32> to vector<1x16xf32>
    tpu.vector_store %arg5[%swap3A_359, %swap3A_360], %swap3A_363 {strides = array<i32>} : memref<32x512xf32, #tpu.memory_space<vmem>>, vector<1x16xf32>,
    %swap3A_364 = arith.constant 26 : i32
    %swap3A_365 = arith.index_cast %swap3A_364 : i32 to index
    %swap3A_366 = arith.constant 272 : index
    %swap3A_367 = tpu.vector_load %arg5[%swap3A_365, %swap3A_366] {strides = array<i32>} : memref<32x512xf32, #tpu.memory_space<vmem>>, vector<1x16xf32>,
    %swap3A_368 = vector.shape_cast %swap3A_367 : vector<1x16xf32> to vector<16xf32>
    %swap3A_369 = vector.shape_cast %get3A_207 : vector<16xf32> to vector<1x16xf32>
    tpu.vector_store %arg5[%swap3A_365, %swap3A_366], %swap3A_369 {strides = array<i32>} : memref<32x512xf32, #tpu.memory_space<vmem>>, vector<1x16xf32>,
    %swap3A_370 = arith.constant 27 : i32
    %swap3A_371 = arith.index_cast %swap3A_370 : i32 to index
    %swap3A_372 = arith.constant 272 : index
    %swap3A_373 = tpu.vector_load %arg5[%swap3A_371, %swap3A_372] {strides = array<i32>} : memref<32x512xf32, #tpu.memory_space<vmem>>, vector<1x16xf32>,
    %swap3A_374 = vector.shape_cast %swap3A_373 : vector<1x16xf32> to vector<16xf32>
    %swap3A_375 = vector.shape_cast %get3A_207 : vector<16xf32> to vector<1x16xf32>
    tpu.vector_store %arg5[%swap3A_371, %swap3A_372], %swap3A_375 {strides = array<i32>} : memref<32x512xf32, #tpu.memory_space<vmem>>, vector<1x16xf32>,
    %swap3A_376 = arith.constant 28 : i32
    %swap3A_377 = arith.index_cast %swap3A_376 : i32 to index
    %swap3A_378 = arith.constant 272 : index
    %swap3A_379 = tpu.vector_load %arg5[%swap3A_377, %swap3A_378] {strides = array<i32>} : memref<32x512xf32, #tpu.memory_space<vmem>>, vector<1x16xf32>,
    %swap3A_380 = vector.shape_cast %swap3A_379 : vector<1x16xf32> to vector<16xf32>
    %swap3A_381 = vector.shape_cast %get3A_207 : vector<16xf32> to vector<1x16xf32>
    tpu.vector_store %arg5[%swap3A_377, %swap3A_378], %swap3A_381 {strides = array<i32>} : memref<32x512xf32, #tpu.memory_space<vmem>>, vector<1x16xf32>,
    %swap3A_382 = arith.constant 29 : i32
    %swap3A_383 = arith.index_cast %swap3A_382 : i32 to index
    %swap3A_384 = arith.constant 272 : index
    %swap3A_385 = tpu.vector_load %arg5[%swap3A_383, %swap3A_384] {strides = array<i32>} : memref<32x512xf32, #tpu.memory_space<vmem>>, vector<1x16xf32>,
    %swap3A_386 = vector.shape_cast %swap3A_385 : vector<1x16xf32> to vector<16xf32>
    %swap3A_387 = vector.shape_cast %get3A_207 : vector<16xf32> to vector<1x16xf32>
    tpu.vector_store %arg5[%swap3A_383, %swap3A_384], %swap3A_387 {strides = array<i32>} : memref<32x512xf32, #tpu.memory_space<vmem>>, vector<1x16xf32>,
    %swap3A_388 = arith.constant 30 : i32
    %swap3A_389 = arith.index_cast %swap3A_388 : i32 to index
    %swap3A_390 = arith.constant 272 : index
    %swap3A_391 = tpu.vector_load %arg5[%swap3A_389, %swap3A_390] {strides = array<i32>} : memref<32x512xf32, #tpu.memory_space<vmem>>, vector<1x16xf32>,
    %swap3A_392 = vector.shape_cast %swap3A_391 : vector<1x16xf32> to vector<16xf32>
    %swap3A_393 = vector.shape_cast %get3A_207 : vector<16xf32> to vector<1x16xf32>
    tpu.vector_store %arg5[%swap3A_389, %swap3A_390], %swap3A_393 {strides = array<i32>} : memref<32x512xf32, #tpu.memory_space<vmem>>, vector<1x16xf32>,
    %swap3A_394 = arith.constant 31 : i32
    %swap3A_395 = arith.index_cast %swap3A_394 : i32 to index
    %swap3A_396 = arith.constant 272 : index
    %swap3A_397 = tpu.vector_load %arg5[%swap3A_395, %swap3A_396] {strides = array<i32>} : memref<32x512xf32, #tpu.memory_space<vmem>>, vector<1x16xf32>,
    %swap3A_398 = vector.shape_cast %swap3A_397 : vector<1x16xf32> to vector<16xf32>
    %swap3A_399 = vector.shape_cast %get3A_207 : vector<16xf32> to vector<1x16xf32>
    tpu.vector_store %arg5[%swap3A_395, %swap3A_396], %swap3A_399 {strides = array<i32>} : memref<32x512xf32, #tpu.memory_space<vmem>>, vector<1x16xf32>,
    %get3A_400 = arith.constant 32 : index
    %get3A_401 = tpu.vector_load %arg6[%get3A_400] {strides = array<i32>} : memref<256xf32, #tpu.memory_space<vmem>>, vector<16xf32>,
    %get3A_402 = vector.shape_cast %get3A_401 : vector<16xf32> to vector<16xf32>
    %swap3A_403 = arith.constant 0 : i32
    %swap3A_404 = arith.index_cast %swap3A_403 : i32 to index
    %swap3A_405 = arith.constant 288 : index
    %swap3A_406 = tpu.vector_load %arg5[%swap3A_404, %swap3A_405] {strides = array<i32>} : memref<32x512xf32, #tpu.memory_space<vmem>>, vector<1x16xf32>,
    %swap3A_407 = vector.shape_cast %swap3A_406 : vector<1x16xf32> to vector<16xf32>
    %swap3A_408 = vector.shape_cast %get3A_402 : vector<16xf32> to vector<1x16xf32>
    tpu.vector_store %arg5[%swap3A_404, %swap3A_405], %swap3A_408 {strides = array<i32>} : memref<32x512xf32, #tpu.memory_space<vmem>>, vector<1x16xf32>,
    %swap3A_409 = arith.constant 1 : i32
    %swap3A_410 = arith.index_cast %swap3A_409 : i32 to index
    %swap3A_411 = arith.constant 288 : index
    %swap3A_412 = tpu.vector_load %arg5[%swap3A_410, %swap3A_411] {strides = array<i32>} : memref<32x512xf32, #tpu.memory_space<vmem>>, vector<1x16xf32>,
    %swap3A_413 = vector.shape_cast %swap3A_412 : vector<1x16xf32> to vector<16xf32>
    %swap3A_414 = vector.shape_cast %get3A_402 : vector<16xf32> to vector<1x16xf32>
    tpu.vector_store %arg5[%swap3A_410, %swap3A_411], %swap3A_414 {strides = array<i32>} : memref<32x512xf32, #tpu.memory_space<vmem>>, vector<1x16xf32>,
    %swap3A_415 = arith.constant 2 : i32
    %swap3A_416 = arith.index_cast %swap3A_415 : i32 to index
    %swap3A_417 = arith.constant 288 : index
    %swap3A_418 = tpu.vector_load %arg5[%swap3A_416, %swap3A_417] {strides = array<i32>} : memref<32x512xf32, #tpu.memory_space<vmem>>, vector<1x16xf32>,
    %swap3A_419 = vector.shape_cast %swap3A_418 : vector<1x16xf32> to vector<16xf32>
    %swap3A_420 = vector.shape_cast %get3A_402 : vector<16xf32> to vector<1x16xf32>
    tpu.vector_store %arg5[%swap3A_416, %swap3A_417], %swap3A_420 {strides = array<i32>} : memref<32x512xf32, #tpu.memory_space<vmem>>, vector<1x16xf32>,
    %swap3A_421 = arith.constant 3 : i32
    %swap3A_422 = arith.index_cast %swap3A_421 : i32 to index
    %swap3A_423 = arith.constant 288 : index
    %swap3A_424 = tpu.vector_load %arg5[%swap3A_422, %swap3A_423] {strides = array<i32>} : memref<32x512xf32, #tpu.memory_space<vmem>>, vector<1x16xf32>,
    %swap3A_425 = vector.shape_cast %swap3A_424 : vector<1x16xf32> to vector<16xf32>
    %swap3A_426 = vector.shape_cast %get3A_402 : vector<16xf32> to vector<1x16xf32>
    tpu.vector_store %arg5[%swap3A_422, %swap3A_423], %swap3A_426 {strides = array<i32>} : memref<32x512xf32, #tpu.memory_space<vmem>>, vector<1x16xf32>,
    %swap3A_427 = arith.constant 4 : i32
    %swap3A_428 = arith.index_cast %swap3A_427 : i32 to index
    %swap3A_429 = arith.constant 288 : index
    %swap3A_430 = tpu.vector_load %arg5[%swap3A_428, %swap3A_429] {strides = array<i32>} : memref<32x512xf32, #tpu.memory_space<vmem>>, vector<1x16xf32>,
    %swap3A_431 = vector.shape_cast %swap3A_430 : vector<1x16xf32> to vector<16xf32>
    %swap3A_432 = vector.shape_cast %get3A_402 : vector<16xf32> to vector<1x16xf32>
    tpu.vector_store %arg5[%swap3A_428, %swap3A_429], %swap3A_432 {strides = array<i32>} : memref<32x512xf32, #tpu.memory_space<vmem>>, vector<1x16xf32>,
    %swap3A_433 = arith.constant 5 : i32
    %swap3A_434 = arith.index_cast %swap3A_433 : i32 to index
    %swap3A_435 = arith.constant 288 : index
    %swap3A_436 = tpu.vector_load %arg5[%swap3A_434, %swap3A_435] {strides = array<i32>} : memref<32x512xf32, #tpu.memory_space<vmem>>, vector<1x16xf32>,
    %swap3A_437 = vector.shape_cast %swap3A_436 : vector<1x16xf32> to vector<16xf32>
    %swap3A_438 = vector.shape_cast %get3A_402 : vector<16xf32> to vector<1x16xf32>
    tpu.vector_store %arg5[%swap3A_434, %swap3A_435], %swap3A_438 {strides = array<i32>} : memref<32x512xf32, #tpu.memory_space<vmem>>, vector<1x16xf32>,
    %swap3A_439 = arith.constant 6 : i32
    %swap3A_440 = arith.index_cast %swap3A_439 : i32 to index
    %swap3A_441 = arith.constant 288 : index
    %swap3A_442 = tpu.vector_load %arg5[%swap3A_440, %swap3A_441] {strides = array<i32>} : memref<32x512xf32, #tpu.memory_space<vmem>>, vector<1x16xf32>,
    %swap3A_443 = vector.shape_cast %swap3A_442 : vector<1x16xf32> to vector<16xf32>
    %swap3A_444 = vector.shape_cast %get3A_402 : vector<16xf32> to vector<1x16xf32>
    tpu.vector_store %arg5[%swap3A_440, %swap3A_441], %swap3A_444 {strides = array<i32>} : memref<32x512xf32, #tpu.memory_space<vmem>>, vector<1x16xf32>,
    %swap3A_445 = arith.constant 7 : i32
    %swap3A_446 = arith.index_cast %swap3A_445 : i32 to index
    %swap3A_447 = arith.constant 288 : index
    %swap3A_448 = tpu.vector_load %arg5[%swap3A_446, %swap3A_447] {strides = array<i32>} : memref<32x512xf32, #tpu.memory_space<vmem>>, vector<1x16xf32>,
    %swap3A_449 = vector.shape_cast %swap3A_448 : vector<1x16xf32> to vector<16xf32>
    %swap3A_450 = vector.shape_cast %get3A_402 : vector<16xf32> to vector<1x16xf32>
    tpu.vector_store %arg5[%swap3A_446, %swap3A_447], %swap3A_450 {strides = array<i32>} : memref<32x512xf32, #tpu.memory_space<vmem>>, vector<1x16xf32>,
    %swap3A_451 = arith.constant 8 : i32
    %swap3A_452 = arith.index_cast %swap3A_451 : i32 to index
    %swap3A_453 = arith.constant 288 : index
    %swap3A_454 = tpu.vector_load %arg5[%swap3A_452, %swap3A_453] {strides = array<i32>} : memref<32x512xf32, #tpu.memory_space<vmem>>, vector<1x16xf32>,
    %swap3A_455 = vector.shape_cast %swap3A_454 : vector<1x16xf32> to vector<16xf32>
    %swap3A_456 = vector.shape_cast %get3A_402 : vector<16xf32> to vector<1x16xf32>
    tpu.vector_store %arg5[%swap3A_452, %swap3A_453], %swap3A_456 {strides = array<i32>} : memref<32x512xf32, #tpu.memory_space<vmem>>, vector<1x16xf32>,
    %swap3A_457 = arith.constant 9 : i32
    %swap3A_458 = arith.index_cast %swap3A_457 : i32 to index
    %swap3A_459 = arith.constant 288 : index
    %swap3A_460 = tpu.vector_load %arg5[%swap3A_458, %swap3A_459] {strides = array<i32>} : memref<32x512xf32, #tpu.memory_space<vmem>>, vector<1x16xf32>,
    %swap3A_461 = vector.shape_cast %swap3A_460 : vector<1x16xf32> to vector<16xf32>
    %swap3A_462 = vector.shape_cast %get3A_402 : vector<16xf32> to vector<1x16xf32>
    tpu.vector_store %arg5[%swap3A_458, %swap3A_459], %swap3A_462 {strides = array<i32>} : memref<32x512xf32, #tpu.memory_space<vmem>>, vector<1x16xf32>,
    %swap3A_463 = arith.constant 10 : i32
    %swap3A_464 = arith.index_cast %swap3A_463 : i32 to index
    %swap3A_465 = arith.constant 288 : index
    %swap3A_466 = tpu.vector_load %arg5[%swap3A_464, %swap3A_465] {strides = array<i32>} : memref<32x512xf32, #tpu.memory_space<vmem>>, vector<1x16xf32>,
    %swap3A_467 = vector.shape_cast %swap3A_466 : vector<1x16xf32> to vector<16xf32>
    %swap3A_468 = vector.shape_cast %get3A_402 : vector<16xf32> to vector<1x16xf32>
    tpu.vector_store %arg5[%swap3A_464, %swap3A_465], %swap3A_468 {strides = array<i32>} : memref<32x512xf32, #tpu.memory_space<vmem>>, vector<1x16xf32>,
    %swap3A_469 = arith.constant 11 : i32
    %swap3A_470 = arith.index_cast %swap3A_469 : i32 to index
    %swap3A_471 = arith.constant 288 : index
    %swap3A_472 = tpu.vector_load %arg5[%swap3A_470, %swap3A_471] {strides = array<i32>} : memref<32x512xf32, #tpu.memory_space<vmem>>, vector<1x16xf32>,
    %swap3A_473 = vector.shape_cast %swap3A_472 : vector<1x16xf32> to vector<16xf32>
    %swap3A_474 = vector.shape_cast %get3A_402 : vector<16xf32> to vector<1x16xf32>
    tpu.vector_store %arg5[%swap3A_470, %swap3A_471], %swap3A_474 {strides = array<i32>} : memref<32x512xf32, #tpu.memory_space<vmem>>, vector<1x16xf32>,
    %swap3A_475 = arith.constant 12 : i32
    %swap3A_476 = arith.index_cast %swap3A_475 : i32 to index
    %swap3A_477 = arith.constant 288 : index
    %swap3A_478 = tpu.vector_load %arg5[%swap3A_476, %swap3A_477] {strides = array<i32>} : memref<32x512xf32, #tpu.memory_space<vmem>>, vector<1x16xf32>,
    %swap3A_479 = vector.shape_cast %swap3A_478 : vector<1x16xf32> to vector<16xf32>
    %swap3A_480 = vector.shape_cast %get3A_402 : vector<16xf32> to vector<1x16xf32>
    tpu.vector_store %arg5[%swap3A_476, %swap3A_477], %swap3A_480 {strides = array<i32>} : memref<32x512xf32, #tpu.memory_space<vmem>>, vector<1x16xf32>,
    %swap3A_481 = arith.constant 13 : i32
    %swap3A_482 = arith.index_cast %swap3A_481 : i32 to index
    %swap3A_483 = arith.constant 288 : index
    %swap3A_484 = tpu.vector_load %arg5[%swap3A_482, %swap3A_483] {strides = array<i32>} : memref<32x512xf32, #tpu.memory_space<vmem>>, vector<1x16xf32>,
    %swap3A_485 = vector.shape_cast %swap3A_484 : vector<1x16xf32> to vector<16xf32>
    %swap3A_486 = vector.shape_cast %get3A_402 : vector<16xf32> to vector<1x16xf32>
    tpu.vector_store %arg5[%swap3A_482, %swap3A_483], %swap3A_486 {strides = array<i32>} : memref<32x512xf32, #tpu.memory_space<vmem>>, vector<1x16xf32>,
    %swap3A_487 = arith.constant 14 : i32
    %swap3A_488 = arith.index_cast %swap3A_487 : i32 to index
    %swap3A_489 = arith.constant 288 : index
    %swap3A_490 = tpu.vector_load %arg5[%swap3A_488, %swap3A_489] {strides = array<i32>} : memref<32x512xf32, #tpu.memory_space<vmem>>, vector<1x16xf32>,
    %swap3A_491 = vector.shape_cast %swap3A_490 : vector<1x16xf32> to vector<16xf32>
    %swap3A_492 = vector.shape_cast %get3A_402 : vector<16xf32> to vector<1x16xf32>
    tpu.vector_store %arg5[%swap3A_488, %swap3A_489], %swap3A_492 {strides = array<i32>} : memref<32x512xf32, #tpu.memory_space<vmem>>, vector<1x16xf32>,
    %swap3A_493 = arith.constant 15 : i32
    %swap3A_494 = arith.index_cast %swap3A_493 : i32 to index
    %swap3A_495 = arith.constant 288 : index
    %swap3A_496 = tpu.vector_load %arg5[%swap3A_494, %swap3A_495] {strides = array<i32>} : memref<32x512xf32, #tpu.memory_space<vmem>>, vector<1x16xf32>,
    %swap3A_497 = vector.shape_cast %swap3A_496 : vector<1x16xf32> to vector<16xf32>
    %swap3A_498 = vector.shape_cast %get3A_402 : vector<16xf32> to vector<1x16xf32>
    tpu.vector_store %arg5[%swap3A_494, %swap3A_495], %swap3A_498 {strides = array<i32>} : memref<32x512xf32, #tpu.memory_space<vmem>>, vector<1x16xf32>,
    %swap3A_499 = arith.constant 16 : i32
    %swap3A_500 = arith.index_cast %swap3A_499 : i32 to index
    %swap3A_501 = arith.constant 288 : index
    %swap3A_502 = tpu.vector_load %arg5[%swap3A_500, %swap3A_501] {strides = array<i32>} : memref<32x512xf32, #tpu.memory_space<vmem>>, vector<1x16xf32>,
    %swap3A_503 = vector.shape_cast %swap3A_502 : vector<1x16xf32> to vector<16xf32>
    %swap3A_504 = vector.shape_cast %get3A_402 : vector<16xf32> to vector<1x16xf32>
    tpu.vector_store %arg5[%swap3A_500, %swap3A_501], %swap3A_504 {strides = array<i32>} : memref<32x512xf32, #tpu.memory_space<vmem>>, vector<1x16xf32>,
    %swap3A_505 = arith.constant 17 : i32
    %swap3A_506 = arith.index_cast %swap3A_505 : i32 to index
    %swap3A_507 = arith.constant 288 : index
    %swap3A_508 = tpu.vector_load %arg5[%swap3A_506, %swap3A_507] {strides = array<i32>} : memref<32x512xf32, #tpu.memory_space<vmem>>, vector<1x16xf32>,
    %swap3A_509 = vector.shape_cast %swap3A_508 : vector<1x16xf32> to vector<16xf32>
    %swap3A_510 = vector.shape_cast %get3A_402 : vector<16xf32> to vector<1x16xf32>
    tpu.vector_store %arg5[%swap3A_506, %swap3A_507], %swap3A_510 {strides = array<i32>} : memref<32x512xf32, #tpu.memory_space<vmem>>, vector<1x16xf32>,
    %swap3A_511 = arith.constant 18 : i32
    %swap3A_512 = arith.index_cast %swap3A_511 : i32 to index
    %swap3A_513 = arith.constant 288 : index
    %swap3A_514 = tpu.vector_load %arg5[%swap3A_512, %swap3A_513] {strides = array<i32>} : memref<32x512xf32, #tpu.memory_space<vmem>>, vector<1x16xf32>,
    %swap3A_515 = vector.shape_cast %swap3A_514 : vector<1x16xf32> to vector<16xf32>
    %swap3A_516 = vector.shape_cast %get3A_402 : vector<16xf32> to vector<1x16xf32>
    tpu.vector_store %arg5[%swap3A_512, %swap3A_513], %swap3A_516 {strides = array<i32>} : memref<32x512xf32, #tpu.memory_space<vmem>>, vector<1x16xf32>,
    %swap3A_517 = arith.constant 19 : i32
    %swap3A_518 = arith.index_cast %swap3A_517 : i32 to index
    %swap3A_519 = arith.constant 288 : index
    %swap3A_520 = tpu.vector_load %arg5[%swap3A_518, %swap3A_519] {strides = array<i32>} : memref<32x512xf32, #tpu.memory_space<vmem>>, vector<1x16xf32>,
    %swap3A_521 = vector.shape_cast %swap3A_520 : vector<1x16xf32> to vector<16xf32>
    %swap3A_522 = vector.shape_cast %get3A_402 : vector<16xf32> to vector<1x16xf32>
    tpu.vector_store %arg5[%swap3A_518, %swap3A_519], %swap3A_522 {strides = array<i32>} : memref<32x512xf32, #tpu.memory_space<vmem>>, vector<1x16xf32>,
    %swap3A_523 = arith.constant 20 : i32
    %swap3A_524 = arith.index_cast %swap3A_523 : i32 to index
    %swap3A_525 = arith.constant 288 : index
    %swap3A_526 = tpu.vector_load %arg5[%swap3A_524, %swap3A_525] {strides = array<i32>} : memref<32x512xf32, #tpu.memory_space<vmem>>, vector<1x16xf32>,
    %swap3A_527 = vector.shape_cast %swap3A_526 : vector<1x16xf32> to vector<16xf32>
    %swap3A_528 = vector.shape_cast %get3A_402 : vector<16xf32> to vector<1x16xf32>
    tpu.vector_store %arg5[%swap3A_524, %swap3A_525], %swap3A_528 {strides = array<i32>} : memref<32x512xf32, #tpu.memory_space<vmem>>, vector<1x16xf32>,
    %swap3A_529 = arith.constant 21 : i32
    %swap3A_530 = arith.index_cast %swap3A_529 : i32 to index
    %swap3A_531 = arith.constant 288 : index
    %swap3A_532 = tpu.vector_load %arg5[%swap3A_530, %swap3A_531] {strides = array<i32>} : memref<32x512xf32, #tpu.memory_space<vmem>>, vector<1x16xf32>,
    %swap3A_533 = vector.shape_cast %swap3A_532 : vector<1x16xf32> to vector<16xf32>
    %swap3A_534 = vector.shape_cast %get3A_402 : vector<16xf32> to vector<1x16xf32>
    tpu.vector_store %arg5[%swap3A_530, %swap3A_531], %swap3A_534 {strides = array<i32>} : memref<32x512xf32, #tpu.memory_space<vmem>>, vector<1x16xf32>,
    %swap3A_535 = arith.constant 22 : i32
    %swap3A_536 = arith.index_cast %swap3A_535 : i32 to index
    %swap3A_537 = arith.constant 288 : index
    %swap3A_538 = tpu.vector_load %arg5[%swap3A_536, %swap3A_537] {strides = array<i32>} : memref<32x512xf32, #tpu.memory_space<vmem>>, vector<1x16xf32>,
    %swap3A_539 = vector.shape_cast %swap3A_538 : vector<1x16xf32> to vector<16xf32>
    %swap3A_540 = vector.shape_cast %get3A_402 : vector<16xf32> to vector<1x16xf32>
    tpu.vector_store %arg5[%swap3A_536, %swap3A_537], %swap3A_540 {strides = array<i32>} : memref<32x512xf32, #tpu.memory_space<vmem>>, vector<1x16xf32>,
    %swap3A_541 = arith.constant 23 : i32
    %swap3A_542 = arith.index_cast %swap3A_541 : i32 to index
    %swap3A_543 = arith.constant 288 : index
    %swap3A_544 = tpu.vector_load %arg5[%swap3A_542, %swap3A_543] {strides = array<i32>} : memref<32x512xf32, #tpu.memory_space<vmem>>, vector<1x16xf32>,
    %swap3A_545 = vector.shape_cast %swap3A_544 : vector<1x16xf32> to vector<16xf32>
    %swap3A_546 = vector.shape_cast %get3A_402 : vector<16xf32> to vector<1x16xf32>
    tpu.vector_store %arg5[%swap3A_542, %swap3A_543], %swap3A_546 {strides = array<i32>} : memref<32x512xf32, #tpu.memory_space<vmem>>, vector<1x16xf32>,
    %swap3A_547 = arith.constant 24 : i32
    %swap3A_548 = arith.index_cast %swap3A_547 : i32 to index
    %swap3A_549 = arith.constant 288 : index
    %swap3A_550 = tpu.vector_load %arg5[%swap3A_548, %swap3A_549] {strides = array<i32>} : memref<32x512xf32, #tpu.memory_space<vmem>>, vector<1x16xf32>,
    %swap3A_551 = vector.shape_cast %swap3A_550 : vector<1x16xf32> to vector<16xf32>
    %swap3A_552 = vector.shape_cast %get3A_402 : vector<16xf32> to vector<1x16xf32>
    tpu.vector_store %arg5[%swap3A_548, %swap3A_549], %swap3A_552 {strides = array<i32>} : memref<32x512xf32, #tpu.memory_space<vmem>>, vector<1x16xf32>,
    %swap3A_553 = arith.constant 25 : i32
    %swap3A_554 = arith.index_cast %swap3A_553 : i32 to index
    %swap3A_555 = arith.constant 288 : index
    %swap3A_556 = tpu.vector_load %arg5[%swap3A_554, %swap3A_555] {strides = array<i32>} : memref<32x512xf32, #tpu.memory_space<vmem>>, vector<1x16xf32>,
    %swap3A_557 = vector.shape_cast %swap3A_556 : vector<1x16xf32> to vector<16xf32>
    %swap3A_558 = vector.shape_cast %get3A_402 : vector<16xf32> to vector<1x16xf32>
    tpu.vector_store %arg5[%swap3A_554, %swap3A_555], %swap3A_558 {strides = array<i32>} : memref<32x512xf32, #tpu.memory_space<vmem>>, vector<1x16xf32>,
    %swap3A_559 = arith.constant 26 : i32
    %swap3A_560 = arith.index_cast %swap3A_559 : i32 to index
    %swap3A_561 = arith.constant 288 : index
    %swap3A_562 = tpu.vector_load %arg5[%swap3A_560, %swap3A_561] {strides = array<i32>} : memref<32x512xf32, #tpu.memory_space<vmem>>, vector<1x16xf32>,
    %swap3A_563 = vector.shape_cast %swap3A_562 : vector<1x16xf32> to vector<16xf32>
    %swap3A_564 = vector.shape_cast %get3A_402 : vector<16xf32> to vector<1x16xf32>
    tpu.vector_store %arg5[%swap3A_560, %swap3A_561], %swap3A_564 {strides = array<i32>} : memref<32x512xf32, #tpu.memory_space<vmem>>, vector<1x16xf32>,
    %swap3A_565 = arith.constant 27 : i32
    %swap3A_566 = arith.index_cast %swap3A_565 : i32 to index
    %swap3A_567 = arith.constant 288 : index
    %swap3A_568 = tpu.vector_load %arg5[%swap3A_566, %swap3A_567] {strides = array<i32>} : memref<32x512xf32, #tpu.memory_space<vmem>>, vector<1x16xf32>,
    %swap3A_569 = vector.shape_cast %swap3A_568 : vector<1x16xf32> to vector<16xf32>
    %swap3A_570 = vector.shape_cast %get3A_402 : vector<16xf32> to vector<1x16xf32>
    tpu.vector_store %arg5[%swap3A_566, %swap3A_567], %swap3A_570 {strides = array<i32>} : memref<32x512xf32, #tpu.memory_space<vmem>>, vector<1x16xf32>,
    %swap3A_571 = arith.constant 28 : i32
    %swap3A_572 = arith.index_cast %swap3A_571 : i32 to index
    %swap3A_573 = arith.constant 288 : index
    %swap3A_574 = tpu.vector_load %arg5[%swap3A_572, %swap3A_573] {strides = array<i32>} : memref<32x512xf32, #tpu.memory_space<vmem>>, vector<1x16xf32>,
    %swap3A_575 = vector.shape_cast %swap3A_574 : vector<1x16xf32> to vector<16xf32>
    %swap3A_576 = vector.shape_cast %get3A_402 : vector<16xf32> to vector<1x16xf32>
    tpu.vector_store %arg5[%swap3A_572, %swap3A_573], %swap3A_576 {strides = array<i32>} : memref<32x512xf32, #tpu.memory_space<vmem>>, vector<1x16xf32>,
    %swap3A_577 = arith.constant 29 : i32
    %swap3A_578 = arith.index_cast %swap3A_577 : i32 to index
    %swap3A_579 = arith.constant 288 : index
    %swap3A_580 = tpu.vector_load %arg5[%swap3A_578, %swap3A_579] {strides = array<i32>} : memref<32x512xf32, #tpu.memory_space<vmem>>, vector<1x16xf32>,
    %swap3A_581 = vector.shape_cast %swap3A_580 : vector<1x16xf32> to vector<16xf32>
    %swap3A_582 = vector.shape_cast %get3A_402 : vector<16xf32> to vector<1x16xf32>
    tpu.vector_store %arg5[%swap3A_578, %swap3A_579], %swap3A_582 {strides = array<i32>} : memref<32x512xf32, #tpu.memory_space<vmem>>, vector<1x16xf32>,
    %swap3A_583 = arith.constant 30 : i32
    %swap3A_584 = arith.index_cast %swap3A_583 : i32 to index
    %swap3A_585 = arith.constant 288 : index
    %swap3A_586 = tpu.vector_load %arg5[%swap3A_584, %swap3A_585] {strides = array<i32>} : memref<32x512xf32, #tpu.memory_space<vmem>>, vector<1x16xf32>,
    %swap3A_587 = vector.shape_cast %swap3A_586 : vector<1x16xf32> to vector<16xf32>
    %swap3A_588 = vector.shape_cast %get3A_402 : vector<16xf32> to vector<1x16xf32>
    tpu.vector_store %arg5[%swap3A_584, %swap3A_585], %swap3A_588 {strides = array<i32>} : memref<32x512xf32, #tpu.memory_space<vmem>>, vector<1x16xf32>,
    %swap3A_589 = arith.constant 31 : i32
    %swap3A_590 = arith.index_cast %swap3A_589 : i32 to index
    %swap3A_591 = arith.constant 288 : index
    %swap3A_592 = tpu.vector_load %arg5[%swap3A_590, %swap3A_591] {strides = array<i32>} : memref<32x512xf32, #tpu.memory_space<vmem>>, vector<1x16xf32>,
    %swap3A_593 = vector.shape_cast %swap3A_592 : vector<1x16xf32> to vector<16xf32>
    %swap3A_594 = vector.shape_cast %get3A_402 : vector<16xf32> to vector<1x16xf32>
    tpu.vector_store %arg5[%swap3A_590, %swap3A_591], %swap3A_594 {strides = array<i32>} : memref<32x512xf32, #tpu.memory_space<vmem>>, vector<1x16xf32>,
    %get3A_595 = arith.constant 48 : index
    %get3A_596 = tpu.vector_load %arg6[%get3A_595] {strides = array<i32>} : memref<256xf32, #tpu.memory_space<vmem>>, vector<16xf32>,
    %get3A_597 = vector.shape_cast %get3A_596 : vector<16xf32> to vector<16xf32>
    %swap3A_598 = arith.constant 0 : i32
    %swap3A_599 = arith.index_cast %swap3A_598 : i32 to index
    %swap3A_600 = arith.constant 304 : index
    %swap3A_601 = tpu.vector_load %arg5[%swap3A_599, %swap3A_600] {strides = array<i32>} : memref<32x512xf32, #tpu.memory_space<vmem>>, vector<1x16xf32>,
    %swap3A_602 = vector.shape_cast %swap3A_601 : vector<1x16xf32> to vector<16xf32>
    %swap3A_603 = vector.shape_cast %get3A_597 : vector<16xf32> to vector<1x16xf32>
    tpu.vector_store %arg5[%swap3A_599, %swap3A_600], %swap3A_603 {strides = array<i32>} : memref<32x512xf32, #tpu.memory_space<vmem>>, vector<1x16xf32>,
    %swap3A_604 = arith.constant 1 : i32
    %swap3A_605 = arith.index_cast %swap3A_604 : i32 to index
    %swap3A_606 = arith.constant 304 : index
    %swap3A_607 = tpu.vector_load %arg5[%swap3A_605, %swap3A_606] {strides = array<i32>} : memref<32x512xf32, #tpu.memory_space<vmem>>, vector<1x16xf32>,
    %swap3A_608 = vector.shape_cast %swap3A_607 : vector<1x16xf32> to vector<16xf32>
    %swap3A_609 = vector.shape_cast %get3A_597 : vector<16xf32> to vector<1x16xf32>
    tpu.vector_store %arg5[%swap3A_605, %swap3A_606], %swap3A_609 {strides = array<i32>} : memref<32x512xf32, #tpu.memory_space<vmem>>, vector<1x16xf32>,
    %swap3A_610 = arith.constant 2 : i32
    %swap3A_611 = arith.index_cast %swap3A_610 : i32 to index
    %swap3A_612 = arith.constant 304 : index
    %swap3A_613 = tpu.vector_load %arg5[%swap3A_611, %swap3A_612] {strides = array<i32>} : memref<32x512xf32, #tpu.memory_space<vmem>>, vector<1x16xf32>,
    %swap3A_614 = vector.shape_cast %swap3A_613 : vector<1x16xf32> to vector<16xf32>
    %swap3A_615 = vector.shape_cast %get3A_597 : vector<16xf32> to vector<1x16xf32>
    tpu.vector_store %arg5[%swap3A_611, %swap3A_612], %swap3A_615 {strides = array<i32>} : memref<32x512xf32, #tpu.memory_space<vmem>>, vector<1x16xf32>,
    %swap3A_616 = arith.constant 3 : i32
    %swap3A_617 = arith.index_cast %swap3A_616 : i32 to index
    %swap3A_618 = arith.constant 304 : index
    %swap3A_619 = tpu.vector_load %arg5[%swap3A_617, %swap3A_618] {strides = array<i32>} : memref<32x512xf32, #tpu.memory_space<vmem>>, vector<1x16xf32>,
    %swap3A_620 = vector.shape_cast %swap3A_619 : vector<1x16xf32> to vector<16xf32>
    %swap3A_621 = vector.shape_cast %get3A_597 : vector<16xf32> to vector<1x16xf32>
    tpu.vector_store %arg5[%swap3A_617, %swap3A_618], %swap3A_621 {strides = array<i32>} : memref<32x512xf32, #tpu.memory_space<vmem>>, vector<1x16xf32>,
    %swap3A_622 = arith.constant 4 : i32
    %swap3A_623 = arith.index_cast %swap3A_622 : i32 to index
    %swap3A_624 = arith.constant 304 : index
    %swap3A_625 = tpu.vector_load %arg5[%swap3A_623, %swap3A_624] {strides = array<i32>} : memref<32x512xf32, #tpu.memory_space<vmem>>, vector<1x16xf32>,
    %swap3A_626 = vector.shape_cast %swap3A_625 : vector<1x16xf32> to vector<16xf32>
    %swap3A_627 = vector.shape_cast %get3A_597 : vector<16xf32> to vector<1x16xf32>
    tpu.vector_store %arg5[%swap3A_623, %swap3A_624], %swap3A_627 {strides = array<i32>} : memref<32x512xf32, #tpu.memory_space<vmem>>, vector<1x16xf32>,
    %swap3A_628 = arith.constant 5 : i32
    %swap3A_629 = arith.index_cast %swap3A_628 : i32 to index
    %swap3A_630 = arith.constant 304 : index
    %swap3A_631 = tpu.vector_load %arg5[%swap3A_629, %swap3A_630] {strides = array<i32>} : memref<32x512xf32, #tpu.memory_space<vmem>>, vector<1x16xf32>,
    %swap3A_632 = vector.shape_cast %swap3A_631 : vector<1x16xf32> to vector<16xf32>
    %swap3A_633 = vector.shape_cast %get3A_597 : vector<16xf32> to vector<1x16xf32>
    tpu.vector_store %arg5[%swap3A_629, %swap3A_630], %swap3A_633 {strides = array<i32>} : memref<32x512xf32, #tpu.memory_space<vmem>>, vector<1x16xf32>,
    %swap3A_634 = arith.constant 6 : i32
    %swap3A_635 = arith.index_cast %swap3A_634 : i32 to index
    %swap3A_636 = arith.constant 304 : index
    %swap3A_637 = tpu.vector_load %arg5[%swap3A_635, %swap3A_636] {strides = array<i32>} : memref<32x512xf32, #tpu.memory_space<vmem>>, vector<1x16xf32>,
    %swap3A_638 = vector.shape_cast %swap3A_637 : vector<1x16xf32> to vector<16xf32>
    %swap3A_639 = vector.shape_cast %get3A_597 : vector<16xf32> to vector<1x16xf32>
    tpu.vector_store %arg5[%swap3A_635, %swap3A_636], %swap3A_639 {strides = array<i32>} : memref<32x512xf32, #tpu.memory_space<vmem>>, vector<1x16xf32>,
    %swap3A_640 = arith.constant 7 : i32
    %swap3A_641 = arith.index_cast %swap3A_640 : i32 to index
    %swap3A_642 = arith.constant 304 : index
    %swap3A_643 = tpu.vector_load %arg5[%swap3A_641, %swap3A_642] {strides = array<i32>} : memref<32x512xf32, #tpu.memory_space<vmem>>, vector<1x16xf32>,
    %swap3A_644 = vector.shape_cast %swap3A_643 : vector<1x16xf32> to vector<16xf32>
    %swap3A_645 = vector.shape_cast %get3A_597 : vector<16xf32> to vector<1x16xf32>
    tpu.vector_store %arg5[%swap3A_641, %swap3A_642], %swap3A_645 {strides = array<i32>} : memref<32x512xf32, #tpu.memory_space<vmem>>, vector<1x16xf32>,
    %swap3A_646 = arith.constant 8 : i32
    %swap3A_647 = arith.index_cast %swap3A_646 : i32 to index
    %swap3A_648 = arith.constant 304 : index
    %swap3A_649 = tpu.vector_load %arg5[%swap3A_647, %swap3A_648] {strides = array<i32>} : memref<32x512xf32, #tpu.memory_space<vmem>>, vector<1x16xf32>,
    %swap3A_650 = vector.shape_cast %swap3A_649 : vector<1x16xf32> to vector<16xf32>
    %swap3A_651 = vector.shape_cast %get3A_597 : vector<16xf32> to vector<1x16xf32>
    tpu.vector_store %arg5[%swap3A_647, %swap3A_648], %swap3A_651 {strides = array<i32>} : memref<32x512xf32, #tpu.memory_space<vmem>>, vector<1x16xf32>,
    %swap3A_652 = arith.constant 9 : i32
    %swap3A_653 = arith.index_cast %swap3A_652 : i32 to index
    %swap3A_654 = arith.constant 304 : index
    %swap3A_655 = tpu.vector_load %arg5[%swap3A_653, %swap3A_654] {strides = array<i32>} : memref<32x512xf32, #tpu.memory_space<vmem>>, vector<1x16xf32>,
    %swap3A_656 = vector.shape_cast %swap3A_655 : vector<1x16xf32> to vector<16xf32>
    %swap3A_657 = vector.shape_cast %get3A_597 : vector<16xf32> to vector<1x16xf32>
    tpu.vector_store %arg5[%swap3A_653, %swap3A_654], %swap3A_657 {strides = array<i32>} : memref<32x512xf32, #tpu.memory_space<vmem>>, vector<1x16xf32>,
    %swap3A_658 = arith.constant 10 : i32
    %swap3A_659 = arith.index_cast %swap3A_658 : i32 to index
    %swap3A_660 = arith.constant 304 : index
    %swap3A_661 = tpu.vector_load %arg5[%swap3A_659, %swap3A_660] {strides = array<i32>} : memref<32x512xf32, #tpu.memory_space<vmem>>, vector<1x16xf32>,
    %swap3A_662 = vector.shape_cast %swap3A_661 : vector<1x16xf32> to vector<16xf32>
    %swap3A_663 = vector.shape_cast %get3A_597 : vector<16xf32> to vector<1x16xf32>
    tpu.vector_store %arg5[%swap3A_659, %swap3A_660], %swap3A_663 {strides = array<i32>} : memref<32x512xf32, #tpu.memory_space<vmem>>, vector<1x16xf32>,
    %swap3A_664 = arith.constant 11 : i32
    %swap3A_665 = arith.index_cast %swap3A_664 : i32 to index
    %swap3A_666 = arith.constant 304 : index
    %swap3A_667 = tpu.vector_load %arg5[%swap3A_665, %swap3A_666] {strides = array<i32>} : memref<32x512xf32, #tpu.memory_space<vmem>>, vector<1x16xf32>,
    %swap3A_668 = vector.shape_cast %swap3A_667 : vector<1x16xf32> to vector<16xf32>
    %swap3A_669 = vector.shape_cast %get3A_597 : vector<16xf32> to vector<1x16xf32>
    tpu.vector_store %arg5[%swap3A_665, %swap3A_666], %swap3A_669 {strides = array<i32>} : memref<32x512xf32, #tpu.memory_space<vmem>>, vector<1x16xf32>,
    %swap3A_670 = arith.constant 12 : i32
    %swap3A_671 = arith.index_cast %swap3A_670 : i32 to index
    %swap3A_672 = arith.constant 304 : index
    %swap3A_673 = tpu.vector_load %arg5[%swap3A_671, %swap3A_672] {strides = array<i32>} : memref<32x512xf32, #tpu.memory_space<vmem>>, vector<1x16xf32>,
    %swap3A_674 = vector.shape_cast %swap3A_673 : vector<1x16xf32> to vector<16xf32>
    %swap3A_675 = vector.shape_cast %get3A_597 : vector<16xf32> to vector<1x16xf32>
    tpu.vector_store %arg5[%swap3A_671, %swap3A_672], %swap3A_675 {strides = array<i32>} : memref<32x512xf32, #tpu.memory_space<vmem>>, vector<1x16xf32>,
    %swap3A_676 = arith.constant 13 : i32
    %swap3A_677 = arith.index_cast %swap3A_676 : i32 to index
    %swap3A_678 = arith.constant 304 : index
    %swap3A_679 = tpu.vector_load %arg5[%swap3A_677, %swap3A_678] {strides = array<i32>} : memref<32x512xf32, #tpu.memory_space<vmem>>, vector<1x16xf32>,
    %swap3A_680 = vector.shape_cast %swap3A_679 : vector<1x16xf32> to vector<16xf32>
    %swap3A_681 = vector.shape_cast %get3A_597 : vector<16xf32> to vector<1x16xf32>
    tpu.vector_store %arg5[%swap3A_677, %swap3A_678], %swap3A_681 {strides = array<i32>} : memref<32x512xf32, #tpu.memory_space<vmem>>, vector<1x16xf32>,
    %swap3A_682 = arith.constant 14 : i32
    %swap3A_683 = arith.index_cast %swap3A_682 : i32 to index
    %swap3A_684 = arith.constant 304 : index
    %swap3A_685 = tpu.vector_load %arg5[%swap3A_683, %swap3A_684] {strides = array<i32>} : memref<32x512xf32, #tpu.memory_space<vmem>>, vector<1x16xf32>,
    %swap3A_686 = vector.shape_cast %swap3A_685 : vector<1x16xf32> to vector<16xf32>
    %swap3A_687 = vector.shape_cast %get3A_597 : vector<16xf32> to vector<1x16xf32>
    tpu.vector_store %arg5[%swap3A_683, %swap3A_684], %swap3A_687 {strides = array<i32>} : memref<32x512xf32, #tpu.memory_space<vmem>>, vector<1x16xf32>,
    %swap3A_688 = arith.constant 15 : i32
    %swap3A_689 = arith.index_cast %swap3A_688 : i32 to index
    %swap3A_690 = arith.constant 304 : index
    %swap3A_691 = tpu.vector_load %arg5[%swap3A_689, %swap3A_690] {strides = array<i32>} : memref<32x512xf32, #tpu.memory_space<vmem>>, vector<1x16xf32>,
    %swap3A_692 = vector.shape_cast %swap3A_691 : vector<1x16xf32> to vector<16xf32>
    %swap3A_693 = vector.shape_cast %get3A_597 : vector<16xf32> to vector<1x16xf32>
    tpu.vector_store %arg5[%swap3A_689, %swap3A_690], %swap3A_693 {strides = array<i32>} : memref<32x512xf32, #tpu.memory_space<vmem>>, vector<1x16xf32>,
    %swap3A_694 = arith.constant 16 : i32
    %swap3A_695 = arith.index_cast %swap3A_694 : i32 to index
    %swap3A_696 = arith.constant 304 : index
    %swap3A_697 = tpu.vector_load %arg5[%swap3A_695, %swap3A_696] {strides = array<i32>} : memref<32x512xf32, #tpu.memory_space<vmem>>, vector<1x16xf32>,
    %swap3A_698 = vector.shape_cast %swap3A_697 : vector<1x16xf32> to vector<16xf32>
    %swap3A_699 = vector.shape_cast %get3A_597 : vector<16xf32> to vector<1x16xf32>
    tpu.vector_store %arg5[%swap3A_695, %swap3A_696], %swap3A_699 {strides = array<i32>} : memref<32x512xf32, #tpu.memory_space<vmem>>, vector<1x16xf32>,
    %swap3A_700 = arith.constant 17 : i32
    %swap3A_701 = arith.index_cast %swap3A_700 : i32 to index
    %swap3A_702 = arith.constant 304 : index
    %swap3A_703 = tpu.vector_load %arg5[%swap3A_701, %swap3A_702] {strides = array<i32>} : memref<32x512xf32, #tpu.memory_space<vmem>>, vector<1x16xf32>,
    %swap3A_704 = vector.shape_cast %swap3A_703 : vector<1x16xf32> to vector<16xf32>
    %swap3A_705 = vector.shape_cast %get3A_597 : vector<16xf32> to vector<1x16xf32>
    tpu.vector_store %arg5[%swap3A_701, %swap3A_702], %swap3A_705 {strides = array<i32>} : memref<32x512xf32, #tpu.memory_space<vmem>>, vector<1x16xf32>,
    %swap3A_706 = arith.constant 18 : i32
    %swap3A_707 = arith.index_cast %swap3A_706 : i32 to index
    %swap3A_708 = arith.constant 304 : index
    %swap3A_709 = tpu.vector_load %arg5[%swap3A_707, %swap3A_708] {strides = array<i32>} : memref<32x512xf32, #tpu.memory_space<vmem>>, vector<1x16xf32>,
    %swap3A_710 = vector.shape_cast %swap3A_709 : vector<1x16xf32> to vector<16xf32>
    %swap3A_711 = vector.shape_cast %get3A_597 : vector<16xf32> to vector<1x16xf32>
    tpu.vector_store %arg5[%swap3A_707, %swap3A_708], %swap3A_711 {strides = array<i32>} : memref<32x512xf32, #tpu.memory_space<vmem>>, vector<1x16xf32>,
    %swap3A_712 = arith.constant 19 : i32
    %swap3A_713 = arith.index_cast %swap3A_712 : i32 to index
    %swap3A_714 = arith.constant 304 : index
    %swap3A_715 = tpu.vector_load %arg5[%swap3A_713, %swap3A_714] {strides = array<i32>} : memref<32x512xf32, #tpu.memory_space<vmem>>, vector<1x16xf32>,
    %swap3A_716 = vector.shape_cast %swap3A_715 : vector<1x16xf32> to vector<16xf32>
    %swap3A_717 = vector.shape_cast %get3A_597 : vector<16xf32> to vector<1x16xf32>
    tpu.vector_store %arg5[%swap3A_713, %swap3A_714], %swap3A_717 {strides = array<i32>} : memref<32x512xf32, #tpu.memory_space<vmem>>, vector<1x16xf32>,
    %swap3A_718 = arith.constant 20 : i32
    %swap3A_719 = arith.index_cast %swap3A_718 : i32 to index
    %swap3A_720 = arith.constant 304 : index
    %swap3A_721 = tpu.vector_load %arg5[%swap3A_719, %swap3A_720] {strides = array<i32>} : memref<32x512xf32, #tpu.memory_space<vmem>>, vector<1x16xf32>,
    %swap3A_722 = vector.shape_cast %swap3A_721 : vector<1x16xf32> to vector<16xf32>
    %swap3A_723 = vector.shape_cast %get3A_597 : vector<16xf32> to vector<1x16xf32>
    tpu.vector_store %arg5[%swap3A_719, %swap3A_720], %swap3A_723 {strides = array<i32>} : memref<32x512xf32, #tpu.memory_space<vmem>>, vector<1x16xf32>,
    %swap3A_724 = arith.constant 21 : i32
    %swap3A_725 = arith.index_cast %swap3A_724 : i32 to index
    %swap3A_726 = arith.constant 304 : index
    %swap3A_727 = tpu.vector_load %arg5[%swap3A_725, %swap3A_726] {strides = array<i32>} : memref<32x512xf32, #tpu.memory_space<vmem>>, vector<1x16xf32>,
    %swap3A_728 = vector.shape_cast %swap3A_727 : vector<1x16xf32> to vector<16xf32>
    %swap3A_729 = vector.shape_cast %get3A_597 : vector<16xf32> to vector<1x16xf32>
    tpu.vector_store %arg5[%swap3A_725, %swap3A_726], %swap3A_729 {strides = array<i32>} : memref<32x512xf32, #tpu.memory_space<vmem>>, vector<1x16xf32>,
    %swap3A_730 = arith.constant 22 : i32
    %swap3A_731 = arith.index_cast %swap3A_730 : i32 to index
    %swap3A_732 = arith.constant 304 : index
    %swap3A_733 = tpu.vector_load %arg5[%swap3A_731, %swap3A_732] {strides = array<i32>} : memref<32x512xf32, #tpu.memory_space<vmem>>, vector<1x16xf32>,
    %swap3A_734 = vector.shape_cast %swap3A_733 : vector<1x16xf32> to vector<16xf32>
    %swap3A_735 = vector.shape_cast %get3A_597 : vector<16xf32> to vector<1x16xf32>
    tpu.vector_store %arg5[%swap3A_731, %swap3A_732], %swap3A_735 {strides = array<i32>} : memref<32x512xf32, #tpu.memory_space<vmem>>, vector<1x16xf32>,
    %swap3A_736 = arith.constant 23 : i32
    %swap3A_737 = arith.index_cast %swap3A_736 : i32 to index
    %swap3A_738 = arith.constant 304 : index
    %swap3A_739 = tpu.vector_load %arg5[%swap3A_737, %swap3A_738] {strides = array<i32>} : memref<32x512xf32, #tpu.memory_space<vmem>>, vector<1x16xf32>,
    %swap3A_740 = vector.shape_cast %swap3A_739 : vector<1x16xf32> to vector<16xf32>
    %swap3A_741 = vector.shape_cast %get3A_597 : vector<16xf32> to vector<1x16xf32>
    tpu.vector_store %arg5[%swap3A_737, %swap3A_738], %swap3A_741 {strides = array<i32>} : memref<32x512xf32, #tpu.memory_space<vmem>>, vector<1x16xf32>,
    %swap3A_742 = arith.constant 24 : i32
    %swap3A_743 = arith.index_cast %swap3A_742 : i32 to index
    %swap3A_744 = arith.constant 304 : index
    %swap3A_745 = tpu.vector_load %arg5[%swap3A_743, %swap3A_744] {strides = array<i32>} : memref<32x512xf32, #tpu.memory_space<vmem>>, vector<1x16xf32>,
    %swap3A_746 = vector.shape_cast %swap3A_745 : vector<1x16xf32> to vector<16xf32>
    %swap3A_747 = vector.shape_cast %get3A_597 : vector<16xf32> to vector<1x16xf32>
    tpu.vector_store %arg5[%swap3A_743, %swap3A_744], %swap3A_747 {strides = array<i32>} : memref<32x512xf32, #tpu.memory_space<vmem>>, vector<1x16xf32>,
    %swap3A_748 = arith.constant 25 : i32
    %swap3A_749 = arith.index_cast %swap3A_748 : i32 to index
    %swap3A_750 = arith.constant 304 : index
    %swap3A_751 = tpu.vector_load %arg5[%swap3A_749, %swap3A_750] {strides = array<i32>} : memref<32x512xf32, #tpu.memory_space<vmem>>, vector<1x16xf32>,
    %swap3A_752 = vector.shape_cast %swap3A_751 : vector<1x16xf32> to vector<16xf32>
    %swap3A_753 = vector.shape_cast %get3A_597 : vector<16xf32> to vector<1x16xf32>
    tpu.vector_store %arg5[%swap3A_749, %swap3A_750], %swap3A_753 {strides = array<i32>} : memref<32x512xf32, #tpu.memory_space<vmem>>, vector<1x16xf32>,
    %swap3A_754 = arith.constant 26 : i32
    %swap3A_755 = arith.index_cast %swap3A_754 : i32 to index
    %swap3A_756 = arith.constant 304 : index
    %swap3A_757 = tpu.vector_load %arg5[%swap3A_755, %swap3A_756] {strides = array<i32>} : memref<32x512xf32, #tpu.memory_space<vmem>>, vector<1x16xf32>,
    %swap3A_758 = vector.shape_cast %swap3A_757 : vector<1x16xf32> to vector<16xf32>
    %swap3A_759 = vector.shape_cast %get3A_597 : vector<16xf32> to vector<1x16xf32>
    tpu.vector_store %arg5[%swap3A_755, %swap3A_756], %swap3A_759 {strides = array<i32>} : memref<32x512xf32, #tpu.memory_space<vmem>>, vector<1x16xf32>,
    %swap3A_760 = arith.constant 27 : i32
    %swap3A_761 = arith.index_cast %swap3A_760 : i32 to index
    %swap3A_762 = arith.constant 304 : index
    %swap3A_763 = tpu.vector_load %arg5[%swap3A_761, %swap3A_762] {strides = array<i32>} : memref<32x512xf32, #tpu.memory_space<vmem>>, vector<1x16xf32>,
    %swap3A_764 = vector.shape_cast %swap3A_763 : vector<1x16xf32> to vector<16xf32>
    %swap3A_765 = vector.shape_cast %get3A_597 : vector<16xf32> to vector<1x16xf32>
    tpu.vector_store %arg5[%swap3A_761, %swap3A_762], %swap3A_765 {strides = array<i32>} : memref<32x512xf32, #tpu.memory_space<vmem>>, vector<1x16xf32>,
    %swap3A_766 = arith.constant 28 : i32
    %swap3A_767 = arith.index_cast %swap3A_766 : i32 to index
    %swap3A_768 = arith.constant 304 : index
    %swap3A_769 = tpu.vector_load %arg5[%swap3A_767, %swap3A_768] {strides = array<i32>} : memref<32x512xf32, #tpu.memory_space<vmem>>, vector<1x16xf32>,
    %swap3A_770 = vector.shape_cast %swap3A_769 : vector<1x16xf32> to vector<16xf32>
    %swap3A_771 = vector.shape_cast %get3A_597 : vector<16xf32> to vector<1x16xf32>
    tpu.vector_store %arg5[%swap3A_767, %swap3A_768], %swap3A_771 {strides = array<i32>} : memref<32x512xf32, #tpu.memory_space<vmem>>, vector<1x16xf32>,
    %swap3A_772 = arith.constant 29 : i32
    %swap3A_773 = arith.index_cast %swap3A_772 : i32 to index
    %swap3A_774 = arith.constant 304 : index
    %swap3A_775 = tpu.vector_load %arg5[%swap3A_773, %swap3A_774] {strides = array<i32>} : memref<32x512xf32, #tpu.memory_space<vmem>>, vector<1x16xf32>,
    %swap3A_776 = vector.shape_cast %swap3A_775 : vector<1x16xf32> to vector<16xf32>
    %swap3A_777 = vector.shape_cast %get3A_597 : vector<16xf32> to vector<1x16xf32>
    tpu.vector_store %arg5[%swap3A_773, %swap3A_774], %swap3A_777 {strides = array<i32>} : memref<32x512xf32, #tpu.memory_space<vmem>>, vector<1x16xf32>,
    %swap3A_778 = arith.constant 30 : i32
    %swap3A_779 = arith.index_cast %swap3A_778 : i32 to index
    %swap3A_780 = arith.constant 304 : index
    %swap3A_781 = tpu.vector_load %arg5[%swap3A_779, %swap3A_780] {strides = array<i32>} : memref<32x512xf32, #tpu.memory_space<vmem>>, vector<1x16xf32>,
    %swap3A_782 = vector.shape_cast %swap3A_781 : vector<1x16xf32> to vector<16xf32>
    %swap3A_783 = vector.shape_cast %get3A_597 : vector<16xf32> to vector<1x16xf32>
    tpu.vector_store %arg5[%swap3A_779, %swap3A_780], %swap3A_783 {strides = array<i32>} : memref<32x512xf32, #tpu.memory_space<vmem>>, vector<1x16xf32>,
    %swap3A_784 = arith.constant 31 : i32
    %swap3A_785 = arith.index_cast %swap3A_784 : i32 to index
    %swap3A_786 = arith.constant 304 : index
    %swap3A_787 = tpu.vector_load %arg5[%swap3A_785, %swap3A_786] {strides = array<i32>} : memref<32x512xf32, #tpu.memory_space<vmem>>, vector<1x16xf32>,
    %swap3A_788 = vector.shape_cast %swap3A_787 : vector<1x16xf32> to vector<16xf32>
    %swap3A_789 = vector.shape_cast %get3A_597 : vector<16xf32> to vector<1x16xf32>
    tpu.vector_store %arg5[%swap3A_785, %swap3A_786], %swap3A_789 {strides = array<i32>} : memref<32x512xf32, #tpu.memory_space<vmem>>, vector<1x16xf32>,
    %get3A_790 = arith.constant 64 : index
    %get3A_791 = tpu.vector_load %arg6[%get3A_790] {strides = array<i32>} : memref<256xf32, #tpu.memory_space<vmem>>, vector<16xf32>,
    %get3A_792 = vector.shape_cast %get3A_791 : vector<16xf32> to vector<16xf32>
    %swap3A_793 = arith.constant 0 : i32
    %swap3A_794 = arith.index_cast %swap3A_793 : i32 to index
    %swap3A_795 = arith.constant 320 : index
    %swap3A_796 = tpu.vector_load %arg5[%swap3A_794, %swap3A_795] {strides = array<i32>} : memref<32x512xf32, #tpu.memory_space<vmem>>, vector<1x16xf32>,
    %swap3A_797 = vector.shape_cast %swap3A_796 : vector<1x16xf32> to vector<16xf32>
    %swap3A_798 = vector.shape_cast %get3A_792 : vector<16xf32> to vector<1x16xf32>
    tpu.vector_store %arg5[%swap3A_794, %swap3A_795], %swap3A_798 {strides = array<i32>} : memref<32x512xf32, #tpu.memory_space<vmem>>, vector<1x16xf32>,
    %swap3A_799 = arith.constant 1 : i32
    %swap3A_800 = arith.index_cast %swap3A_799 : i32 to index
    %swap3A_801 = arith.constant 320 : index
    %swap3A_802 = tpu.vector_load %arg5[%swap3A_800, %swap3A_801] {strides = array<i32>} : memref<32x512xf32, #tpu.memory_space<vmem>>, vector<1x16xf32>,
    %swap3A_803 = vector.shape_cast %swap3A_802 : vector<1x16xf32> to vector<16xf32>
    %swap3A_804 = vector.shape_cast %get3A_792 : vector<16xf32> to vector<1x16xf32>
    tpu.vector_store %arg5[%swap3A_800, %swap3A_801], %swap3A_804 {strides = array<i32>} : memref<32x512xf32, #tpu.memory_space<vmem>>, vector<1x16xf32>,
    %swap3A_805 = arith.constant 2 : i32
    %swap3A_806 = arith.index_cast %swap3A_805 : i32 to index
    %swap3A_807 = arith.constant 320 : index
    %swap3A_808 = tpu.vector_load %arg5[%swap3A_806, %swap3A_807] {strides = array<i32>} : memref<32x512xf32, #tpu.memory_space<vmem>>, vector<1x16xf32>,
    %swap3A_809 = vector.shape_cast %swap3A_808 : vector<1x16xf32> to vector<16xf32>
    %swap3A_810 = vector.shape_cast %get3A_792 : vector<16xf32> to vector<1x16xf32>
    tpu.vector_store %arg5[%swap3A_806, %swap3A_807], %swap3A_810 {strides = array<i32>} : memref<32x512xf32, #tpu.memory_space<vmem>>, vector<1x16xf32>,
    %swap3A_811 = arith.constant 3 : i32
    %swap3A_812 = arith.index_cast %swap3A_811 : i32 to index
    %swap3A_813 = arith.constant 320 : index
    %swap3A_814 = tpu.vector_load %arg5[%swap3A_812, %swap3A_813] {strides = array<i32>} : memref<32x512xf32, #tpu.memory_space<vmem>>, vector<1x16xf32>,
    %swap3A_815 = vector.shape_cast %swap3A_814 : vector<1x16xf32> to vector<16xf32>
    %swap3A_816 = vector.shape_cast %get3A_792 : vector<16xf32> to vector<1x16xf32>
    tpu.vector_store %arg5[%swap3A_812, %swap3A_813], %swap3A_816 {strides = array<i32>} : memref<32x512xf32, #tpu.memory_space<vmem>>, vector<1x16xf32>,
    %swap3A_817 = arith.constant 4 : i32
    %swap3A_818 = arith.index_cast %swap3A_817 : i32 to index
    %swap3A_819 = arith.constant 320 : index
    %swap3A_820 = tpu.vector_load %arg5[%swap3A_818, %swap3A_819] {strides = array<i32>} : memref<32x512xf32, #tpu.memory_space<vmem>>, vector<1x16xf32>,
    %swap3A_821 = vector.shape_cast %swap3A_820 : vector<1x16xf32> to vector<16xf32>
    %swap3A_822 = vector.shape_cast %get3A_792 : vector<16xf32> to vector<1x16xf32>
    tpu.vector_store %arg5[%swap3A_818, %swap3A_819], %swap3A_822 {strides = array<i32>} : memref<32x512xf32, #tpu.memory_space<vmem>>, vector<1x16xf32>,
    %swap3A_823 = arith.constant 5 : i32
    %swap3A_824 = arith.index_cast %swap3A_823 : i32 to index
    %swap3A_825 = arith.constant 320 : index
    %swap3A_826 = tpu.vector_load %arg5[%swap3A_824, %swap3A_825] {strides = array<i32>} : memref<32x512xf32, #tpu.memory_space<vmem>>, vector<1x16xf32>,
    %swap3A_827 = vector.shape_cast %swap3A_826 : vector<1x16xf32> to vector<16xf32>
    %swap3A_828 = vector.shape_cast %get3A_792 : vector<16xf32> to vector<1x16xf32>
    tpu.vector_store %arg5[%swap3A_824, %swap3A_825], %swap3A_828 {strides = array<i32>} : memref<32x512xf32, #tpu.memory_space<vmem>>, vector<1x16xf32>,
    %swap3A_829 = arith.constant 6 : i32
    %swap3A_830 = arith.index_cast %swap3A_829 : i32 to index
    %swap3A_831 = arith.constant 320 : index
    %swap3A_832 = tpu.vector_load %arg5[%swap3A_830, %swap3A_831] {strides = array<i32>} : memref<32x512xf32, #tpu.memory_space<vmem>>, vector<1x16xf32>,
    %swap3A_833 = vector.shape_cast %swap3A_832 : vector<1x16xf32> to vector<16xf32>
    %swap3A_834 = vector.shape_cast %get3A_792 : vector<16xf32> to vector<1x16xf32>
    tpu.vector_store %arg5[%swap3A_830, %swap3A_831], %swap3A_834 {strides = array<i32>} : memref<32x512xf32, #tpu.memory_space<vmem>>, vector<1x16xf32>,
    %swap3A_835 = arith.constant 7 : i32
    %swap3A_836 = arith.index_cast %swap3A_835 : i32 to index
    %swap3A_837 = arith.constant 320 : index
    %swap3A_838 = tpu.vector_load %arg5[%swap3A_836, %swap3A_837] {strides = array<i32>} : memref<32x512xf32, #tpu.memory_space<vmem>>, vector<1x16xf32>,
    %swap3A_839 = vector.shape_cast %swap3A_838 : vector<1x16xf32> to vector<16xf32>
    %swap3A_840 = vector.shape_cast %get3A_792 : vector<16xf32> to vector<1x16xf32>
    tpu.vector_store %arg5[%swap3A_836, %swap3A_837], %swap3A_840 {strides = array<i32>} : memref<32x512xf32, #tpu.memory_space<vmem>>, vector<1x16xf32>,
    %swap3A_841 = arith.constant 8 : i32
    %swap3A_842 = arith.index_cast %swap3A_841 : i32 to index
    %swap3A_843 = arith.constant 320 : index
    %swap3A_844 = tpu.vector_load %arg5[%swap3A_842, %swap3A_843] {strides = array<i32>} : memref<32x512xf32, #tpu.memory_space<vmem>>, vector<1x16xf32>,
    %swap3A_845 = vector.shape_cast %swap3A_844 : vector<1x16xf32> to vector<16xf32>
    %swap3A_846 = vector.shape_cast %get3A_792 : vector<16xf32> to vector<1x16xf32>
    tpu.vector_store %arg5[%swap3A_842, %swap3A_843], %swap3A_846 {strides = array<i32>} : memref<32x512xf32, #tpu.memory_space<vmem>>, vector<1x16xf32>,
    %swap3A_847 = arith.constant 9 : i32
    %swap3A_848 = arith.index_cast %swap3A_847 : i32 to index
    %swap3A_849 = arith.constant 320 : index
    %swap3A_850 = tpu.vector_load %arg5[%swap3A_848, %swap3A_849] {strides = array<i32>} : memref<32x512xf32, #tpu.memory_space<vmem>>, vector<1x16xf32>,
    %swap3A_851 = vector.shape_cast %swap3A_850 : vector<1x16xf32> to vector<16xf32>
    %swap3A_852 = vector.shape_cast %get3A_792 : vector<16xf32> to vector<1x16xf32>
    tpu.vector_store %arg5[%swap3A_848, %swap3A_849], %swap3A_852 {strides = array<i32>} : memref<32x512xf32, #tpu.memory_space<vmem>>, vector<1x16xf32>,
    %swap3A_853 = arith.constant 10 : i32
    %swap3A_854 = arith.index_cast %swap3A_853 : i32 to index
    %swap3A_855 = arith.constant 320 : index
    %swap3A_856 = tpu.vector_load %arg5[%swap3A_854, %swap3A_855] {strides = array<i32>} : memref<32x512xf32, #tpu.memory_space<vmem>>, vector<1x16xf32>,
    %swap3A_857 = vector.shape_cast %swap3A_856 : vector<1x16xf32> to vector<16xf32>
    %swap3A_858 = vector.shape_cast %get3A_792 : vector<16xf32> to vector<1x16xf32>
    tpu.vector_store %arg5[%swap3A_854, %swap3A_855], %swap3A_858 {strides = array<i32>} : memref<32x512xf32, #tpu.memory_space<vmem>>, vector<1x16xf32>,
    %swap3A_859 = arith.constant 11 : i32
    %swap3A_860 = arith.index_cast %swap3A_859 : i32 to index
    %swap3A_861 = arith.constant 320 : index
    %swap3A_862 = tpu.vector_load %arg5[%swap3A_860, %swap3A_861] {strides = array<i32>} : memref<32x512xf32, #tpu.memory_space<vmem>>, vector<1x16xf32>,
    %swap3A_863 = vector.shape_cast %swap3A_862 : vector<1x16xf32> to vector<16xf32>
    %swap3A_864 = vector.shape_cast %get3A_792 : vector<16xf32> to vector<1x16xf32>
    tpu.vector_store %arg5[%swap3A_860, %swap3A_861], %swap3A_864 {strides = array<i32>} : memref<32x512xf32, #tpu.memory_space<vmem>>, vector<1x16xf32>,
    %swap3A_865 = arith.constant 12 : i32
    %swap3A_866 = arith.index_cast %swap3A_865 : i32 to index
    %swap3A_867 = arith.constant 320 : index
    %swap3A_868 = tpu.vector_load %arg5[%swap3A_866, %swap3A_867] {strides = array<i32>} : memref<32x512xf32, #tpu.memory_space<vmem>>, vector<1x16xf32>,
    %swap3A_869 = vector.shape_cast %swap3A_868 : vector<1x16xf32> to vector<16xf32>
    %swap3A_870 = vector.shape_cast %get3A_792 : vector<16xf32> to vector<1x16xf32>
    tpu.vector_store %arg5[%swap3A_866, %swap3A_867], %swap3A_870 {strides = array<i32>} : memref<32x512xf32, #tpu.memory_space<vmem>>, vector<1x16xf32>,
    %swap3A_871 = arith.constant 13 : i32
    %swap3A_872 = arith.index_cast %swap3A_871 : i32 to index
    %swap3A_873 = arith.constant 320 : index
    %swap3A_874 = tpu.vector_load %arg5[%swap3A_872, %swap3A_873] {strides = array<i32>} : memref<32x512xf32, #tpu.memory_space<vmem>>, vector<1x16xf32>,
    %swap3A_875 = vector.shape_cast %swap3A_874 : vector<1x16xf32> to vector<16xf32>
    %swap3A_876 = vector.shape_cast %get3A_792 : vector<16xf32> to vector<1x16xf32>
    tpu.vector_store %arg5[%swap3A_872, %swap3A_873], %swap3A_876 {strides = array<i32>} : memref<32x512xf32, #tpu.memory_space<vmem>>, vector<1x16xf32>,
    %swap3A_877 = arith.constant 14 : i32
    %swap3A_878 = arith.index_cast %swap3A_877 : i32 to index
    %swap3A_879 = arith.constant 320 : index
    %swap3A_880 = tpu.vector_load %arg5[%swap3A_878, %swap3A_879] {strides = array<i32>} : memref<32x512xf32, #tpu.memory_space<vmem>>, vector<1x16xf32>,
    %swap3A_881 = vector.shape_cast %swap3A_880 : vector<1x16xf32> to vector<16xf32>
    %swap3A_882 = vector.shape_cast %get3A_792 : vector<16xf32> to vector<1x16xf32>
    tpu.vector_store %arg5[%swap3A_878, %swap3A_879], %swap3A_882 {strides = array<i32>} : memref<32x512xf32, #tpu.memory_space<vmem>>, vector<1x16xf32>,
    %swap3A_883 = arith.constant 15 : i32
    %swap3A_884 = arith.index_cast %swap3A_883 : i32 to index
    %swap3A_885 = arith.constant 320 : index
    %swap3A_886 = tpu.vector_load %arg5[%swap3A_884, %swap3A_885] {strides = array<i32>} : memref<32x512xf32, #tpu.memory_space<vmem>>, vector<1x16xf32>,
    %swap3A_887 = vector.shape_cast %swap3A_886 : vector<1x16xf32> to vector<16xf32>
    %swap3A_888 = vector.shape_cast %get3A_792 : vector<16xf32> to vector<1x16xf32>
    tpu.vector_store %arg5[%swap3A_884, %swap3A_885], %swap3A_888 {strides = array<i32>} : memref<32x512xf32, #tpu.memory_space<vmem>>, vector<1x16xf32>,
    %swap3A_889 = arith.constant 16 : i32
    %swap3A_890 = arith.index_cast %swap3A_889 : i32 to index
    %swap3A_891 = arith.constant 320 : index
    %swap3A_892 = tpu.vector_load %arg5[%swap3A_890, %swap3A_891] {strides = array<i32>} : memref<32x512xf32, #tpu.memory_space<vmem>>, vector<1x16xf32>,
    %swap3A_893 = vector.shape_cast %swap3A_892 : vector<1x16xf32> to vector<16xf32>
    %swap3A_894 = vector.shape_cast %get3A_792 : vector<16xf32> to vector<1x16xf32>
    tpu.vector_store %arg5[%swap3A_890, %swap3A_891], %swap3A_894 {strides = array<i32>} : memref<32x512xf32, #tpu.memory_space<vmem>>, vector<1x16xf32>,
    %swap3A_895 = arith.constant 17 : i32
    %swap3A_896 = arith.index_cast %swap3A_895 : i32 to index
    %swap3A_897 = arith.constant 320 : index
    %swap3A_898 = tpu.vector_load %arg5[%swap3A_896, %swap3A_897] {strides = array<i32>} : memref<32x512xf32, #tpu.memory_space<vmem>>, vector<1x16xf32>,
    %swap3A_899 = vector.shape_cast %swap3A_898 : vector<1x16xf32> to vector<16xf32>
    %swap3A_900 = vector.shape_cast %get3A_792 : vector<16xf32> to vector<1x16xf32>
    tpu.vector_store %arg5[%swap3A_896, %swap3A_897], %swap3A_900 {strides = array<i32>} : memref<32x512xf32, #tpu.memory_space<vmem>>, vector<1x16xf32>,
    %swap3A_901 = arith.constant 18 : i32
    %swap3A_902 = arith.index_cast %swap3A_901 : i32 to index
    %swap3A_903 = arith.constant 320 : index
    %swap3A_904 = tpu.vector_load %arg5[%swap3A_902, %swap3A_903] {strides = array<i32>} : memref<32x512xf32, #tpu.memory_space<vmem>>, vector<1x16xf32>,
    %swap3A_905 = vector.shape_cast %swap3A_904 : vector<1x16xf32> to vector<16xf32>
    %swap3A_906 = vector.shape_cast %get3A_792 : vector<16xf32> to vector<1x16xf32>
    tpu.vector_store %arg5[%swap3A_902, %swap3A_903], %swap3A_906 {strides = array<i32>} : memref<32x512xf32, #tpu.memory_space<vmem>>, vector<1x16xf32>,
    %swap3A_907 = arith.constant 19 : i32
    %swap3A_908 = arith.index_cast %swap3A_907 : i32 to index
    %swap3A_909 = arith.constant 320 : index
    %swap3A_910 = tpu.vector_load %arg5[%swap3A_908, %swap3A_909] {strides = array<i32>} : memref<32x512xf32, #tpu.memory_space<vmem>>, vector<1x16xf32>,
    %swap3A_911 = vector.shape_cast %swap3A_910 : vector<1x16xf32> to vector<16xf32>
    %swap3A_912 = vector.shape_cast %get3A_792 : vector<16xf32> to vector<1x16xf32>
    tpu.vector_store %arg5[%swap3A_908, %swap3A_909], %swap3A_912 {strides = array<i32>} : memref<32x512xf32, #tpu.memory_space<vmem>>, vector<1x16xf32>,
    %swap3A_913 = arith.constant 20 : i32
    %swap3A_914 = arith.index_cast %swap3A_913 : i32 to index
    %swap3A_915 = arith.constant 320 : index
    %swap3A_916 = tpu.vector_load %arg5[%swap3A_914, %swap3A_915] {strides = array<i32>} : memref<32x512xf32, #tpu.memory_space<vmem>>, vector<1x16xf32>,
    %swap3A_917 = vector.shape_cast %swap3A_916 : vector<1x16xf32> to vector<16xf32>
    %swap3A_918 = vector.shape_cast %get3A_792 : vector<16xf32> to vector<1x16xf32>
    tpu.vector_store %arg5[%swap3A_914, %swap3A_915], %swap3A_918 {strides = array<i32>} : memref<32x512xf32, #tpu.memory_space<vmem>>, vector<1x16xf32>,
    %swap3A_919 = arith.constant 21 : i32
    %swap3A_920 = arith.index_cast %swap3A_919 : i32 to index
    %swap3A_921 = arith.constant 320 : index
    %swap3A_922 = tpu.vector_load %arg5[%swap3A_920, %swap3A_921] {strides = array<i32>} : memref<32x512xf32, #tpu.memory_space<vmem>>, vector<1x16xf32>,
    %swap3A_923 = vector.shape_cast %swap3A_922 : vector<1x16xf32> to vector<16xf32>
    %swap3A_924 = vector.shape_cast %get3A_792 : vector<16xf32> to vector<1x16xf32>
    tpu.vector_store %arg5[%swap3A_920, %swap3A_921], %swap3A_924 {strides = array<i32>} : memref<32x512xf32, #tpu.memory_space<vmem>>, vector<1x16xf32>,
    %swap3A_925 = arith.constant 22 : i32
    %swap3A_926 = arith.index_cast %swap3A_925 : i32 to index
    %swap3A_927 = arith.constant 320 : index
    %swap3A_928 = tpu.vector_load %arg5[%swap3A_926, %swap3A_927] {strides = array<i32>} : memref<32x512xf32, #tpu.memory_space<vmem>>, vector<1x16xf32>,
    %swap3A_929 = vector.shape_cast %swap3A_928 : vector<1x16xf32> to vector<16xf32>
    %swap3A_930 = vector.shape_cast %get3A_792 : vector<16xf32> to vector<1x16xf32>
    tpu.vector_store %arg5[%swap3A_926, %swap3A_927], %swap3A_930 {strides = array<i32>} : memref<32x512xf32, #tpu.memory_space<vmem>>, vector<1x16xf32>,
    %swap3A_931 = arith.constant 23 : i32
    %swap3A_932 = arith.index_cast %swap3A_931 : i32 to index
    %swap3A_933 = arith.constant 320 : index
    %swap3A_934 = tpu.vector_load %arg5[%swap3A_932, %swap3A_933] {strides = array<i32>} : memref<32x512xf32, #tpu.memory_space<vmem>>, vector<1x16xf32>,
    %swap3A_935 = vector.shape_cast %swap3A_934 : vector<1x16xf32> to vector<16xf32>
    %swap3A_936 = vector.shape_cast %get3A_792 : vector<16xf32> to vector<1x16xf32>
    tpu.vector_store %arg5[%swap3A_932, %swap3A_933], %swap3A_936 {strides = array<i32>} : memref<32x512xf32, #tpu.memory_space<vmem>>, vector<1x16xf32>,
    %swap3A_937 = arith.constant 24 : i32
    %swap3A_938 = arith.index_cast %swap3A_937 : i32 to index
    %swap3A_939 = arith.constant 320 : index
    %swap3A_940 = tpu.vector_load %arg5[%swap3A_938, %swap3A_939] {strides = array<i32>} : memref<32x512xf32, #tpu.memory_space<vmem>>, vector<1x16xf32>,
    %swap3A_941 = vector.shape_cast %swap3A_940 : vector<1x16xf32> to vector<16xf32>
    %swap3A_942 = vector.shape_cast %get3A_792 : vector<16xf32> to vector<1x16xf32>
    tpu.vector_store %arg5[%swap3A_938, %swap3A_939], %swap3A_942 {strides = array<i32>} : memref<32x512xf32, #tpu.memory_space<vmem>>, vector<1x16xf32>,
    %swap3A_943 = arith.constant 25 : i32
    %swap3A_944 = arith.index_cast %swap3A_943 : i32 to index
    %swap3A_945 = arith.constant 320 : index
    %swap3A_946 = tpu.vector_load %arg5[%swap3A_944, %swap3A_945] {strides = array<i32>} : memref<32x512xf32, #tpu.memory_space<vmem>>, vector<1x16xf32>,
    %swap3A_947 = vector.shape_cast %swap3A_946 : vector<1x16xf32> to vector<16xf32>
    %swap3A_948 = vector.shape_cast %get3A_792 : vector<16xf32> to vector<1x16xf32>
    tpu.vector_store %arg5[%swap3A_944, %swap3A_945], %swap3A_948 {strides = array<i32>} : memref<32x512xf32, #tpu.memory_space<vmem>>, vector<1x16xf32>,
    %swap3A_949 = arith.constant 26 : i32
    %swap3A_950 = arith.index_cast %swap3A_949 : i32 to index
    %swap3A_951 = arith.constant 320 : index
    %swap3A_952 = tpu.vector_load %arg5[%swap3A_950, %swap3A_951] {strides = array<i32>} : memref<32x512xf32, #tpu.memory_space<vmem>>, vector<1x16xf32>,
    %swap3A_953 = vector.shape_cast %swap3A_952 : vector<1x16xf32> to vector<16xf32>
    %swap3A_954 = vector.shape_cast %get3A_792 : vector<16xf32> to vector<1x16xf32>
    tpu.vector_store %arg5[%swap3A_950, %swap3A_951], %swap3A_954 {strides = array<i32>} : memref<32x512xf32, #tpu.memory_space<vmem>>, vector<1x16xf32>,
    %swap3A_955 = arith.constant 27 : i32
    %swap3A_956 = arith.index_cast %swap3A_955 : i32 to index
    %swap3A_957 = arith.constant 320 : index
    %swap3A_958 = tpu.vector_load %arg5[%swap3A_956, %swap3A_957] {strides = array<i32>} : memref<32x512xf32, #tpu.memory_space<vmem>>, vector<1x16xf32>,
    %swap3A_959 = vector.shape_cast %swap3A_958 : vector<1x16xf32> to vector<16xf32>
    %swap3A_960 = vector.shape_cast %get3A_792 : vector<16xf32> to vector<1x16xf32>
    tpu.vector_store %arg5[%swap3A_956, %swap3A_957], %swap3A_960 {strides = array<i32>} : memref<32x512xf32, #tpu.memory_space<vmem>>, vector<1x16xf32>,
    %swap3A_961 = arith.constant 28 : i32
    %swap3A_962 = arith.index_cast %swap3A_961 : i32 to index
    %swap3A_963 = arith.constant 320 : index
    %swap3A_964 = tpu.vector_load %arg5[%swap3A_962, %swap3A_963] {strides = array<i32>} : memref<32x512xf32, #tpu.memory_space<vmem>>, vector<1x16xf32>,
    %swap3A_965 = vector.shape_cast %swap3A_964 : vector<1x16xf32> to vector<16xf32>
    %swap3A_966 = vector.shape_cast %get3A_792 : vector<16xf32> to vector<1x16xf32>
    tpu.vector_store %arg5[%swap3A_962, %swap3A_963], %swap3A_966 {strides = array<i32>} : memref<32x512xf32, #tpu.memory_space<vmem>>, vector<1x16xf32>,
    %swap3A_967 = arith.constant 29 : i32
    %swap3A_968 = arith.index_cast %swap3A_967 : i32 to index
    %swap3A_969 = arith.constant 320 : index
    %swap3A_970 = tpu.vector_load %arg5[%swap3A_968, %swap3A_969] {strides = array<i32>} : memref<32x512xf32, #tpu.memory_space<vmem>>, vector<1x16xf32>,
    %swap3A_971 = vector.shape_cast %swap3A_970 : vector<1x16xf32> to vector<16xf32>
    %swap3A_972 = vector.shape_cast %get3A_792 : vector<16xf32> to vector<1x16xf32>
    tpu.vector_store %arg5[%swap3A_968, %swap3A_969], %swap3A_972 {strides = array<i32>} : memref<32x512xf32, #tpu.memory_space<vmem>>, vector<1x16xf32>,
    %swap3A_973 = arith.constant 30 : i32
    %swap3A_974 = arith.index_cast %swap3A_973 : i32 to index
    %swap3A_975 = arith.constant 320 : index
    %swap3A_976 = tpu.vector_load %arg5[%swap3A_974, %swap3A_975] {strides = array<i32>} : memref<32x512xf32, #tpu.memory_space<vmem>>, vector<1x16xf32>,
    %swap3A_977 = vector.shape_cast %swap3A_976 : vector<1x16xf32> to vector<16xf32>
    %swap3A_978 = vector.shape_cast %get3A_792 : vector<16xf32> to vector<1x16xf32>
    tpu.vector_store %arg5[%swap3A_974, %swap3A_975], %swap3A_978 {strides = array<i32>} : memref<32x512xf32, #tpu.memory_space<vmem>>, vector<1x16xf32>,
    %swap3A_979 = arith.constant 31 : i32
    %swap3A_980 = arith.index_cast %swap3A_979 : i32 to index
    %swap3A_981 = arith.constant 320 : index
    %swap3A_982 = tpu.vector_load %arg5[%swap3A_980, %swap3A_981] {strides = array<i32>} : memref<32x512xf32, #tpu.memory_space<vmem>>, vector<1x16xf32>,
    %swap3A_983 = vector.shape_cast %swap3A_982 : vector<1x16xf32> to vector<16xf32>
    %swap3A_984 = vector.shape_cast %get3A_792 : vector<16xf32> to vector<1x16xf32>
    tpu.vector_store %arg5[%swap3A_980, %swap3A_981], %swap3A_984 {strides = array<i32>} : memref<32x512xf32, #tpu.memory_space<vmem>>, vector<1x16xf32>,
    %get3A_985 = arith.constant 80 : index
    %get3A_986 = tpu.vector_load %arg6[%get3A_985] {strides = array<i32>} : memref<256xf32, #tpu.memory_space<vmem>>, vector<16xf32>,
    %get3A_987 = vector.shape_cast %get3A_986 : vector<16xf32> to vector<16xf32>
    %swap3A_988 = arith.constant 0 : i32
    %swap3A_989 = arith.index_cast %swap3A_988 : i32 to index
    %swap3A_990 = arith.constant 336 : index
    %swap3A_991 = tpu.vector_load %arg5[%swap3A_989, %swap3A_990] {strides = array<i32>} : memref<32x512xf32, #tpu.memory_space<vmem>>, vector<1x16xf32>,
    %swap3A_992 = vector.shape_cast %swap3A_991 : vector<1x16xf32> to vector<16xf32>
    %swap3A_993 = vector.shape_cast %get3A_987 : vector<16xf32> to vector<1x16xf32>
    tpu.vector_store %arg5[%swap3A_989, %swap3A_990], %swap3A_993 {strides = array<i32>} : memref<32x512xf32, #tpu.memory_space<vmem>>, vector<1x16xf32>,
    %swap3A_994 = arith.constant 1 : i32
    %swap3A_995 = arith.index_cast %swap3A_994 : i32 to index
    %swap3A_996 = arith.constant 336 : index
    %swap3A_997 = tpu.vector_load %arg5[%swap3A_995, %swap3A_996] {strides = array<i32>} : memref<32x512xf32, #tpu.memory_space<vmem>>, vector<1x16xf32>,
    %swap3A_998 = vector.shape_cast %swap3A_997 : vector<1x16xf32> to vector<16xf32>
    %swap3A_999 = vector.shape_cast %get3A_987 : vector<16xf32> to vector<1x16xf32>
    tpu.vector_store %arg5[%swap3A_995, %swap3A_996], %swap3A_999 {strides = array<i32>} : memref<32x512xf32, #tpu.memory_space<vmem>>, vector<1x16xf32>,
    %swap3A_1000 = arith.constant 2 : i32
    %swap3A_1001 = arith.index_cast %swap3A_1000 : i32 to index
    %swap3A_1002 = arith.constant 336 : index
    %swap3A_1003 = tpu.vector_load %arg5[%swap3A_1001, %swap3A_1002] {strides = array<i32>} : memref<32x512xf32, #tpu.memory_space<vmem>>, vector<1x16xf32>,
    %swap3A_1004 = vector.shape_cast %swap3A_1003 : vector<1x16xf32> to vector<16xf32>
    %swap3A_1005 = vector.shape_cast %get3A_987 : vector<16xf32> to vector<1x16xf32>
    tpu.vector_store %arg5[%swap3A_1001, %swap3A_1002], %swap3A_1005 {strides = array<i32>} : memref<32x512xf32, #tpu.memory_space<vmem>>, vector<1x16xf32>,
    %swap3A_1006 = arith.constant 3 : i32
    %swap3A_1007 = arith.index_cast %swap3A_1006 : i32 to index
    %swap3A_1008 = arith.constant 336 : index
    %swap3A_1009 = tpu.vector_load %arg5[%swap3A_1007, %swap3A_1008] {strides = array<i32>} : memref<32x512xf32, #tpu.memory_space<vmem>>, vector<1x16xf32>,
    %swap3A_1010 = vector.shape_cast %swap3A_1009 : vector<1x16xf32> to vector<16xf32>
    %swap3A_1011 = vector.shape_cast %get3A_987 : vector<16xf32> to vector<1x16xf32>
    tpu.vector_store %arg5[%swap3A_1007, %swap3A_1008], %swap3A_1011 {strides = array<i32>} : memref<32x512xf32, #tpu.memory_space<vmem>>, vector<1x16xf32>,
    %swap3A_1012 = arith.constant 4 : i32
    %swap3A_1013 = arith.index_cast %swap3A_1012 : i32 to index
    %swap3A_1014 = arith.constant 336 : index
    %swap3A_1015 = tpu.vector_load %arg5[%swap3A_1013, %swap3A_1014] {strides = array<i32>} : memref<32x512xf32, #tpu.memory_space<vmem>>, vector<1x16xf32>,
    %swap3A_1016 = vector.shape_cast %swap3A_1015 : vector<1x16xf32> to vector<16xf32>
    %swap3A_1017 = vector.shape_cast %get3A_987 : vector<16xf32> to vector<1x16xf32>
    tpu.vector_store %arg5[%swap3A_1013, %swap3A_1014], %swap3A_1017 {strides = array<i32>} : memref<32x512xf32, #tpu.memory_space<vmem>>, vector<1x16xf32>,
    %swap3A_1018 = arith.constant 5 : i32
    %swap3A_1019 = arith.index_cast %swap3A_1018 : i32 to index
    %swap3A_1020 = arith.constant 336 : index
    %swap3A_1021 = tpu.vector_load %arg5[%swap3A_1019, %swap3A_1020] {strides = array<i32>} : memref<32x512xf32, #tpu.memory_space<vmem>>, vector<1x16xf32>,
    %swap3A_1022 = vector.shape_cast %swap3A_1021 : vector<1x16xf32> to vector<16xf32>
    %swap3A_1023 = vector.shape_cast %get3A_987 : vector<16xf32> to vector<1x16xf32>
    tpu.vector_store %arg5[%swap3A_1019, %swap3A_1020], %swap3A_1023 {strides = array<i32>} : memref<32x512xf32, #tpu.memory_space<vmem>>, vector<1x16xf32>,
    %swap3A_1024 = arith.constant 6 : i32
    %swap3A_1025 = arith.index_cast %swap3A_1024 : i32 to index
    %swap3A_1026 = arith.constant 336 : index
    %swap3A_1027 = tpu.vector_load %arg5[%swap3A_1025, %swap3A_1026] {strides = array<i32>} : memref<32x512xf32, #tpu.memory_space<vmem>>, vector<1x16xf32>,
    %swap3A_1028 = vector.shape_cast %swap3A_1027 : vector<1x16xf32> to vector<16xf32>
    %swap3A_1029 = vector.shape_cast %get3A_987 : vector<16xf32> to vector<1x16xf32>
    tpu.vector_store %arg5[%swap3A_1025, %swap3A_1026], %swap3A_1029 {strides = array<i32>} : memref<32x512xf32, #tpu.memory_space<vmem>>, vector<1x16xf32>,
    %swap3A_1030 = arith.constant 7 : i32
    %swap3A_1031 = arith.index_cast %swap3A_1030 : i32 to index
    %swap3A_1032 = arith.constant 336 : index
    %swap3A_1033 = tpu.vector_load %arg5[%swap3A_1031, %swap3A_1032] {strides = array<i32>} : memref<32x512xf32, #tpu.memory_space<vmem>>, vector<1x16xf32>,
    %swap3A_1034 = vector.shape_cast %swap3A_1033 : vector<1x16xf32> to vector<16xf32>
    %swap3A_1035 = vector.shape_cast %get3A_987 : vector<16xf32> to vector<1x16xf32>
    tpu.vector_store %arg5[%swap3A_1031, %swap3A_1032], %swap3A_1035 {strides = array<i32>} : memref<32x512xf32, #tpu.memory_space<vmem>>, vector<1x16xf32>,
    %swap3A_1036 = arith.constant 8 : i32
    %swap3A_1037 = arith.index_cast %swap3A_1036 : i32 to index
    %swap3A_1038 = arith.constant 336 : index
    %swap3A_1039 = tpu.vector_load %arg5[%swap3A_1037, %swap3A_1038] {strides = array<i32>} : memref<32x512xf32, #tpu.memory_space<vmem>>, vector<1x16xf32>,
    %swap3A_1040 = vector.shape_cast %swap3A_1039 : vector<1x16xf32> to vector<16xf32>
    %swap3A_1041 = vector.shape_cast %get3A_987 : vector<16xf32> to vector<1x16xf32>
    tpu.vector_store %arg5[%swap3A_1037, %swap3A_1038], %swap3A_1041 {strides = array<i32>} : memref<32x512xf32, #tpu.memory_space<vmem>>, vector<1x16xf32>,
    %swap3A_1042 = arith.constant 9 : i32
    %swap3A_1043 = arith.index_cast %swap3A_1042 : i32 to index
    %swap3A_1044 = arith.constant 336 : index
    %swap3A_1045 = tpu.vector_load %arg5[%swap3A_1043, %swap3A_1044] {strides = array<i32>} : memref<32x512xf32, #tpu.memory_space<vmem>>, vector<1x16xf32>,
    %swap3A_1046 = vector.shape_cast %swap3A_1045 : vector<1x16xf32> to vector<16xf32>
    %swap3A_1047 = vector.shape_cast %get3A_987 : vector<16xf32> to vector<1x16xf32>
    tpu.vector_store %arg5[%swap3A_1043, %swap3A_1044], %swap3A_1047 {strides = array<i32>} : memref<32x512xf32, #tpu.memory_space<vmem>>, vector<1x16xf32>,
    %swap3A_1048 = arith.constant 10 : i32
    %swap3A_1049 = arith.index_cast %swap3A_1048 : i32 to index
    %swap3A_1050 = arith.constant 336 : index
    %swap3A_1051 = tpu.vector_load %arg5[%swap3A_1049, %swap3A_1050] {strides = array<i32>} : memref<32x512xf32, #tpu.memory_space<vmem>>, vector<1x16xf32>,
    %swap3A_1052 = vector.shape_cast %swap3A_1051 : vector<1x16xf32> to vector<16xf32>
    %swap3A_1053 = vector.shape_cast %get3A_987 : vector<16xf32> to vector<1x16xf32>
    tpu.vector_store %arg5[%swap3A_1049, %swap3A_1050], %swap3A_1053 {strides = array<i32>} : memref<32x512xf32, #tpu.memory_space<vmem>>, vector<1x16xf32>,
    %swap3A_1054 = arith.constant 11 : i32
    %swap3A_1055 = arith.index_cast %swap3A_1054 : i32 to index
    %swap3A_1056 = arith.constant 336 : index
    %swap3A_1057 = tpu.vector_load %arg5[%swap3A_1055, %swap3A_1056] {strides = array<i32>} : memref<32x512xf32, #tpu.memory_space<vmem>>, vector<1x16xf32>,
    %swap3A_1058 = vector.shape_cast %swap3A_1057 : vector<1x16xf32> to vector<16xf32>
    %swap3A_1059 = vector.shape_cast %get3A_987 : vector<16xf32> to vector<1x16xf32>
    tpu.vector_store %arg5[%swap3A_1055, %swap3A_1056], %swap3A_1059 {strides = array<i32>} : memref<32x512xf32, #tpu.memory_space<vmem>>, vector<1x16xf32>,
    %swap3A_1060 = arith.constant 12 : i32
    %swap3A_1061 = arith.index_cast %swap3A_1060 : i32 to index
    %swap3A_1062 = arith.constant 336 : index
    %swap3A_1063 = tpu.vector_load %arg5[%swap3A_1061, %swap3A_1062] {strides = array<i32>} : memref<32x512xf32, #tpu.memory_space<vmem>>, vector<1x16xf32>,
    %swap3A_1064 = vector.shape_cast %swap3A_1063 : vector<1x16xf32> to vector<16xf32>
    %swap3A_1065 = vector.shape_cast %get3A_987 : vector<16xf32> to vector<1x16xf32>
    tpu.vector_store %arg5[%swap3A_1061, %swap3A_1062], %swap3A_1065 {strides = array<i32>} : memref<32x512xf32, #tpu.memory_space<vmem>>, vector<1x16xf32>,
    %swap3A_1066 = arith.constant 13 : i32
    %swap3A_1067 = arith.index_cast %swap3A_1066 : i32 to index
    %swap3A_1068 = arith.constant 336 : index
    %swap3A_1069 = tpu.vector_load %arg5[%swap3A_1067, %swap3A_1068] {strides = array<i32>} : memref<32x512xf32, #tpu.memory_space<vmem>>, vector<1x16xf32>,
    %swap3A_1070 = vector.shape_cast %swap3A_1069 : vector<1x16xf32> to vector<16xf32>
    %swap3A_1071 = vector.shape_cast %get3A_987 : vector<16xf32> to vector<1x16xf32>
    tpu.vector_store %arg5[%swap3A_1067, %swap3A_1068], %swap3A_1071 {strides = array<i32>} : memref<32x512xf32, #tpu.memory_space<vmem>>, vector<1x16xf32>,
    %swap3A_1072 = arith.constant 14 : i32
    %swap3A_1073 = arith.index_cast %swap3A_1072 : i32 to index
    %swap3A_1074 = arith.constant 336 : index
    %swap3A_1075 = tpu.vector_load %arg5[%swap3A_1073, %swap3A_1074] {strides = array<i32>} : memref<32x512xf32, #tpu.memory_space<vmem>>, vector<1x16xf32>,
    %swap3A_1076 = vector.shape_cast %swap3A_1075 : vector<1x16xf32> to vector<16xf32>
    %swap3A_1077 = vector.shape_cast %get3A_987 : vector<16xf32> to vector<1x16xf32>
    tpu.vector_store %arg5[%swap3A_1073, %swap3A_1074], %swap3A_1077 {strides = array<i32>} : memref<32x512xf32, #tpu.memory_space<vmem>>, vector<1x16xf32>,
    %swap3A_1078 = arith.constant 15 : i32
    %swap3A_1079 = arith.index_cast %swap3A_1078 : i32 to index
    %swap3A_1080 = arith.constant 336 : index
    %swap3A_1081 = tpu.vector_load %arg5[%swap3A_1079, %swap3A_1080] {strides = array<i32>} : memref<32x512xf32, #tpu.memory_space<vmem>>, vector<1x16xf32>,
    %swap3A_1082 = vector.shape_cast %swap3A_1081 : vector<1x16xf32> to vector<16xf32>
    %swap3A_1083 = vector.shape_cast %get3A_987 : vector<16xf32> to vector<1x16xf32>
    tpu.vector_store %arg5[%swap3A_1079, %swap3A_1080], %swap3A_1083 {strides = array<i32>} : memref<32x512xf32, #tpu.memory_space<vmem>>, vector<1x16xf32>,
    %swap3A_1084 = arith.constant 16 : i32
    %swap3A_1085 = arith.index_cast %swap3A_1084 : i32 to index
    %swap3A_1086 = arith.constant 336 : index
    %swap3A_1087 = tpu.vector_load %arg5[%swap3A_1085, %swap3A_1086] {strides = array<i32>} : memref<32x512xf32, #tpu.memory_space<vmem>>, vector<1x16xf32>,
    %swap3A_1088 = vector.shape_cast %swap3A_1087 : vector<1x16xf32> to vector<16xf32>
    %swap3A_1089 = vector.shape_cast %get3A_987 : vector<16xf32> to vector<1x16xf32>
    tpu.vector_store %arg5[%swap3A_1085, %swap3A_1086], %swap3A_1089 {strides = array<i32>} : memref<32x512xf32, #tpu.memory_space<vmem>>, vector<1x16xf32>,
    %swap3A_1090 = arith.constant 17 : i32
    %swap3A_1091 = arith.index_cast %swap3A_1090 : i32 to index
    %swap3A_1092 = arith.constant 336 : index
    %swap3A_1093 = tpu.vector_load %arg5[%swap3A_1091, %swap3A_1092] {strides = array<i32>} : memref<32x512xf32, #tpu.memory_space<vmem>>, vector<1x16xf32>,
    %swap3A_1094 = vector.shape_cast %swap3A_1093 : vector<1x16xf32> to vector<16xf32>
    %swap3A_1095 = vector.shape_cast %get3A_987 : vector<16xf32> to vector<1x16xf32>
    tpu.vector_store %arg5[%swap3A_1091, %swap3A_1092], %swap3A_1095 {strides = array<i32>} : memref<32x512xf32, #tpu.memory_space<vmem>>, vector<1x16xf32>,
    %swap3A_1096 = arith.constant 18 : i32
    %swap3A_1097 = arith.index_cast %swap3A_1096 : i32 to index
    %swap3A_1098 = arith.constant 336 : index
    %swap3A_1099 = tpu.vector_load %arg5[%swap3A_1097, %swap3A_1098] {strides = array<i32>} : memref<32x512xf32, #tpu.memory_space<vmem>>, vector<1x16xf32>,
    %swap3A_1100 = vector.shape_cast %swap3A_1099 : vector<1x16xf32> to vector<16xf32>
    %swap3A_1101 = vector.shape_cast %get3A_987 : vector<16xf32> to vector<1x16xf32>
    tpu.vector_store %arg5[%swap3A_1097, %swap3A_1098], %swap3A_1101 {strides = array<i32>} : memref<32x512xf32, #tpu.memory_space<vmem>>, vector<1x16xf32>,
    %swap3A_1102 = arith.constant 19 : i32
    %swap3A_1103 = arith.index_cast %swap3A_1102 : i32 to index
    %swap3A_1104 = arith.constant 336 : index
    %swap3A_1105 = tpu.vector_load %arg5[%swap3A_1103, %swap3A_1104] {strides = array<i32>} : memref<32x512xf32, #tpu.memory_space<vmem>>, vector<1x16xf32>,
    %swap3A_1106 = vector.shape_cast %swap3A_1105 : vector<1x16xf32> to vector<16xf32>
    %swap3A_1107 = vector.shape_cast %get3A_987 : vector<16xf32> to vector<1x16xf32>
    tpu.vector_store %arg5[%swap3A_1103, %swap3A_1104], %swap3A_1107 {strides = array<i32>} : memref<32x512xf32, #tpu.memory_space<vmem>>, vector<1x16xf32>,
    %swap3A_1108 = arith.constant 20 : i32
    %swap3A_1109 = arith.index_cast %swap3A_1108 : i32 to index
    %swap3A_1110 = arith.constant 336 : index
    %swap3A_1111 = tpu.vector_load %arg5[%swap3A_1109, %swap3A_1110] {strides = array<i32>} : memref<32x512xf32, #tpu.memory_space<vmem>>, vector<1x16xf32>,
    %swap3A_1112 = vector.shape_cast %swap3A_1111 : vector<1x16xf32> to vector<16xf32>
    %swap3A_1113 = vector.shape_cast %get3A_987 : vector<16xf32> to vector<1x16xf32>
    tpu.vector_store %arg5[%swap3A_1109, %swap3A_1110], %swap3A_1113 {strides = array<i32>} : memref<32x512xf32, #tpu.memory_space<vmem>>, vector<1x16xf32>,
    %swap3A_1114 = arith.constant 21 : i32
    %swap3A_1115 = arith.index_cast %swap3A_1114 : i32 to index
    %swap3A_1116 = arith.constant 336 : index
    %swap3A_1117 = tpu.vector_load %arg5[%swap3A_1115, %swap3A_1116] {strides = array<i32>} : memref<32x512xf32, #tpu.memory_space<vmem>>, vector<1x16xf32>,
    %swap3A_1118 = vector.shape_cast %swap3A_1117 : vector<1x16xf32> to vector<16xf32>
    %swap3A_1119 = vector.shape_cast %get3A_987 : vector<16xf32> to vector<1x16xf32>
    tpu.vector_store %arg5[%swap3A_1115, %swap3A_1116], %swap3A_1119 {strides = array<i32>} : memref<32x512xf32, #tpu.memory_space<vmem>>, vector<1x16xf32>,
    %swap3A_1120 = arith.constant 22 : i32
    %swap3A_1121 = arith.index_cast %swap3A_1120 : i32 to index
    %swap3A_1122 = arith.constant 336 : index
    %swap3A_1123 = tpu.vector_load %arg5[%swap3A_1121, %swap3A_1122] {strides = array<i32>} : memref<32x512xf32, #tpu.memory_space<vmem>>, vector<1x16xf32>,
    %swap3A_1124 = vector.shape_cast %swap3A_1123 : vector<1x16xf32> to vector<16xf32>
    %swap3A_1125 = vector.shape_cast %get3A_987 : vector<16xf32> to vector<1x16xf32>
    tpu.vector_store %arg5[%swap3A_1121, %swap3A_1122], %swap3A_1125 {strides = array<i32>} : memref<32x512xf32, #tpu.memory_space<vmem>>, vector<1x16xf32>,
    %swap3A_1126 = arith.constant 23 : i32
    %swap3A_1127 = arith.index_cast %swap3A_1126 : i32 to index
    %swap3A_1128 = arith.constant 336 : index
    %swap3A_1129 = tpu.vector_load %arg5[%swap3A_1127, %swap3A_1128] {strides = array<i32>} : memref<32x512xf32, #tpu.memory_space<vmem>>, vector<1x16xf32>,
    %swap3A_1130 = vector.shape_cast %swap3A_1129 : vector<1x16xf32> to vector<16xf32>
    %swap3A_1131 = vector.shape_cast %get3A_987 : vector<16xf32> to vector<1x16xf32>
    tpu.vector_store %arg5[%swap3A_1127, %swap3A_1128], %swap3A_1131 {strides = array<i32>} : memref<32x512xf32, #tpu.memory_space<vmem>>, vector<1x16xf32>,
    %swap3A_1132 = arith.constant 24 : i32
    %swap3A_1133 = arith.index_cast %swap3A_1132 : i32 to index
    %swap3A_1134 = arith.constant 336 : index
    %swap3A_1135 = tpu.vector_load %arg5[%swap3A_1133, %swap3A_1134] {strides = array<i32>} : memref<32x512xf32, #tpu.memory_space<vmem>>, vector<1x16xf32>,
    %swap3A_1136 = vector.shape_cast %swap3A_1135 : vector<1x16xf32> to vector<16xf32>
    %swap3A_1137 = vector.shape_cast %get3A_987 : vector<16xf32> to vector<1x16xf32>
    tpu.vector_store %arg5[%swap3A_1133, %swap3A_1134], %swap3A_1137 {strides = array<i32>} : memref<32x512xf32, #tpu.memory_space<vmem>>, vector<1x16xf32>,
    %swap3A_1138 = arith.constant 25 : i32
    %swap3A_1139 = arith.index_cast %swap3A_1138 : i32 to index
    %swap3A_1140 = arith.constant 336 : index
    %swap3A_1141 = tpu.vector_load %arg5[%swap3A_1139, %swap3A_1140] {strides = array<i32>} : memref<32x512xf32, #tpu.memory_space<vmem>>, vector<1x16xf32>,
    %swap3A_1142 = vector.shape_cast %swap3A_1141 : vector<1x16xf32> to vector<16xf32>
    %swap3A_1143 = vector.shape_cast %get3A_987 : vector<16xf32> to vector<1x16xf32>
    tpu.vector_store %arg5[%swap3A_1139, %swap3A_1140], %swap3A_1143 {strides = array<i32>} : memref<32x512xf32, #tpu.memory_space<vmem>>, vector<1x16xf32>,
    %swap3A_1144 = arith.constant 26 : i32
    %swap3A_1145 = arith.index_cast %swap3A_1144 : i32 to index
    %swap3A_1146 = arith.constant 336 : index
    %swap3A_1147 = tpu.vector_load %arg5[%swap3A_1145, %swap3A_1146] {strides = array<i32>} : memref<32x512xf32, #tpu.memory_space<vmem>>, vector<1x16xf32>,
    %swap3A_1148 = vector.shape_cast %swap3A_1147 : vector<1x16xf32> to vector<16xf32>
    %swap3A_1149 = vector.shape_cast %get3A_987 : vector<16xf32> to vector<1x16xf32>
    tpu.vector_store %arg5[%swap3A_1145, %swap3A_1146], %swap3A_1149 {strides = array<i32>} : memref<32x512xf32, #tpu.memory_space<vmem>>, vector<1x16xf32>,
    %swap3A_1150 = arith.constant 27 : i32
    %swap3A_1151 = arith.index_cast %swap3A_1150 : i32 to index
    %swap3A_1152 = arith.constant 336 : index
    %swap3A_1153 = tpu.vector_load %arg5[%swap3A_1151, %swap3A_1152] {strides = array<i32>} : memref<32x512xf32, #tpu.memory_space<vmem>>, vector<1x16xf32>,
    %swap3A_1154 = vector.shape_cast %swap3A_1153 : vector<1x16xf32> to vector<16xf32>
    %swap3A_1155 = vector.shape_cast %get3A_987 : vector<16xf32> to vector<1x16xf32>
    tpu.vector_store %arg5[%swap3A_1151, %swap3A_1152], %swap3A_1155 {strides = array<i32>} : memref<32x512xf32, #tpu.memory_space<vmem>>, vector<1x16xf32>,
    %swap3A_1156 = arith.constant 28 : i32
    %swap3A_1157 = arith.index_cast %swap3A_1156 : i32 to index
    %swap3A_1158 = arith.constant 336 : index
    %swap3A_1159 = tpu.vector_load %arg5[%swap3A_1157, %swap3A_1158] {strides = array<i32>} : memref<32x512xf32, #tpu.memory_space<vmem>>, vector<1x16xf32>,
    %swap3A_1160 = vector.shape_cast %swap3A_1159 : vector<1x16xf32> to vector<16xf32>
    %swap3A_1161 = vector.shape_cast %get3A_987 : vector<16xf32> to vector<1x16xf32>
    tpu.vector_store %arg5[%swap3A_1157, %swap3A_1158], %swap3A_1161 {strides = array<i32>} : memref<32x512xf32, #tpu.memory_space<vmem>>, vector<1x16xf32>,
    %swap3A_1162 = arith.constant 29 : i32
    %swap3A_1163 = arith.index_cast %swap3A_1162 : i32 to index
    %swap3A_1164 = arith.constant 336 : index
    %swap3A_1165 = tpu.vector_load %arg5[%swap3A_1163, %swap3A_1164] {strides = array<i32>} : memref<32x512xf32, #tpu.memory_space<vmem>>, vector<1x16xf32>,
    %swap3A_1166 = vector.shape_cast %swap3A_1165 : vector<1x16xf32> to vector<16xf32>
    %swap3A_1167 = vector.shape_cast %get3A_987 : vector<16xf32> to vector<1x16xf32>
    tpu.vector_store %arg5[%swap3A_1163, %swap3A_1164], %swap3A_1167 {strides = array<i32>} : memref<32x512xf32, #tpu.memory_space<vmem>>, vector<1x16xf32>,
    %swap3A_1168 = arith.constant 30 : i32
    %swap3A_1169 = arith.index_cast %swap3A_1168 : i32 to index
    %swap3A_1170 = arith.constant 336 : index
    %swap3A_1171 = tpu.vector_load %arg5[%swap3A_1169, %swap3A_1170] {strides = array<i32>} : memref<32x512xf32, #tpu.memory_space<vmem>>, vector<1x16xf32>,
    %swap3A_1172 = vector.shape_cast %swap3A_1171 : vector<1x16xf32> to vector<16xf32>
    %swap3A_1173 = vector.shape_cast %get3A_987 : vector<16xf32> to vector<1x16xf32>
    tpu.vector_store %arg5[%swap3A_1169, %swap3A_1170], %swap3A_1173 {strides = array<i32>} : memref<32x512xf32, #tpu.memory_space<vmem>>, vector<1x16xf32>,
    %swap3A_1174 = arith.constant 31 : i32
    %swap3A_1175 = arith.index_cast %swap3A_1174 : i32 to index
    %swap3A_1176 = arith.constant 336 : index
    %swap3A_1177 = tpu.vector_load %arg5[%swap3A_1175, %swap3A_1176] {strides = array<i32>} : memref<32x512xf32, #tpu.memory_space<vmem>>, vector<1x16xf32>,
    %swap3A_1178 = vector.shape_cast %swap3A_1177 : vector<1x16xf32> to vector<16xf32>
    %swap3A_1179 = vector.shape_cast %get3A_987 : vector<16xf32> to vector<1x16xf32>
    tpu.vector_store %arg5[%swap3A_1175, %swap3A_1176], %swap3A_1179 {strides = array<i32>} : memref<32x512xf32, #tpu.memory_space<vmem>>, vector<1x16xf32>,
    %get3A_1180 = arith.constant 96 : index
    %get3A_1181 = tpu.vector_load %arg6[%get3A_1180] {strides = array<i32>} : memref<256xf32, #tpu.memory_space<vmem>>, vector<16xf32>,
    %get3A_1182 = vector.shape_cast %get3A_1181 : vector<16xf32> to vector<16xf32>
    %swap3A_1183 = arith.constant 0 : i32
    %swap3A_1184 = arith.index_cast %swap3A_1183 : i32 to index
    %swap3A_1185 = arith.constant 352 : index
    %swap3A_1186 = tpu.vector_load %arg5[%swap3A_1184, %swap3A_1185] {strides = array<i32>} : memref<32x512xf32, #tpu.memory_space<vmem>>, vector<1x16xf32>,
    %swap3A_1187 = vector.shape_cast %swap3A_1186 : vector<1x16xf32> to vector<16xf32>
    %swap3A_1188 = vector.shape_cast %get3A_1182 : vector<16xf32> to vector<1x16xf32>
    tpu.vector_store %arg5[%swap3A_1184, %swap3A_1185], %swap3A_1188 {strides = array<i32>} : memref<32x512xf32, #tpu.memory_space<vmem>>, vector<1x16xf32>,
    %swap3A_1189 = arith.constant 1 : i32
    %swap3A_1190 = arith.index_cast %swap3A_1189 : i32 to index
    %swap3A_1191 = arith.constant 352 : index
    %swap3A_1192 = tpu.vector_load %arg5[%swap3A_1190, %swap3A_1191] {strides = array<i32>} : memref<32x512xf32, #tpu.memory_space<vmem>>, vector<1x16xf32>,
    %swap3A_1193 = vector.shape_cast %swap3A_1192 : vector<1x16xf32> to vector<16xf32>
    %swap3A_1194 = vector.shape_cast %get3A_1182 : vector<16xf32> to vector<1x16xf32>
    tpu.vector_store %arg5[%swap3A_1190, %swap3A_1191], %swap3A_1194 {strides = array<i32>} : memref<32x512xf32, #tpu.memory_space<vmem>>, vector<1x16xf32>,
    %swap3A_1195 = arith.constant 2 : i32
    %swap3A_1196 = arith.index_cast %swap3A_1195 : i32 to index
    %swap3A_1197 = arith.constant 352 : index
    %swap3A_1198 = tpu.vector_load %arg5[%swap3A_1196, %swap3A_1197] {strides = array<i32>} : memref<32x512xf32, #tpu.memory_space<vmem>>, vector<1x16xf32>,
    %swap3A_1199 = vector.shape_cast %swap3A_1198 : vector<1x16xf32> to vector<16xf32>
    %swap3A_1200 = vector.shape_cast %get3A_1182 : vector<16xf32> to vector<1x16xf32>
    tpu.vector_store %arg5[%swap3A_1196, %swap3A_1197], %swap3A_1200 {strides = array<i32>} : memref<32x512xf32, #tpu.memory_space<vmem>>, vector<1x16xf32>,
    %swap3A_1201 = arith.constant 3 : i32
    %swap3A_1202 = arith.index_cast %swap3A_1201 : i32 to index
    %swap3A_1203 = arith.constant 352 : index
    %swap3A_1204 = tpu.vector_load %arg5[%swap3A_1202, %swap3A_1203] {strides = array<i32>} : memref<32x512xf32, #tpu.memory_space<vmem>>, vector<1x16xf32>,
    %swap3A_1205 = vector.shape_cast %swap3A_1204 : vector<1x16xf32> to vector<16xf32>
    %swap3A_1206 = vector.shape_cast %get3A_1182 : vector<16xf32> to vector<1x16xf32>
    tpu.vector_store %arg5[%swap3A_1202, %swap3A_1203], %swap3A_1206 {strides = array<i32>} : memref<32x512xf32, #tpu.memory_space<vmem>>, vector<1x16xf32>,
    %swap3A_1207 = arith.constant 4 : i32
    %swap3A_1208 = arith.index_cast %swap3A_1207 : i32 to index
    %swap3A_1209 = arith.constant 352 : index
    %swap3A_1210 = tpu.vector_load %arg5[%swap3A_1208, %swap3A_1209] {strides = array<i32>} : memref<32x512xf32, #tpu.memory_space<vmem>>, vector<1x16xf32>,
    %swap3A_1211 = vector.shape_cast %swap3A_1210 : vector<1x16xf32> to vector<16xf32>
    %swap3A_1212 = vector.shape_cast %get3A_1182 : vector<16xf32> to vector<1x16xf32>
    tpu.vector_store %arg5[%swap3A_1208, %swap3A_1209], %swap3A_1212 {strides = array<i32>} : memref<32x512xf32, #tpu.memory_space<vmem>>, vector<1x16xf32>,
    %swap3A_1213 = arith.constant 5 : i32
    %swap3A_1214 = arith.index_cast %swap3A_1213 : i32 to index
    %swap3A_1215 = arith.constant 352 : index
    %swap3A_1216 = tpu.vector_load %arg5[%swap3A_1214, %swap3A_1215] {strides = array<i32>} : memref<32x512xf32, #tpu.memory_space<vmem>>, vector<1x16xf32>,
    %swap3A_1217 = vector.shape_cast %swap3A_1216 : vector<1x16xf32> to vector<16xf32>
    %swap3A_1218 = vector.shape_cast %get3A_1182 : vector<16xf32> to vector<1x16xf32>
    tpu.vector_store %arg5[%swap3A_1214, %swap3A_1215], %swap3A_1218 {strides = array<i32>} : memref<32x512xf32, #tpu.memory_space<vmem>>, vector<1x16xf32>,
    %swap3A_1219 = arith.constant 6 : i32
    %swap3A_1220 = arith.index_cast %swap3A_1219 : i32 to index
    %swap3A_1221 = arith.constant 352 : index
    %swap3A_1222 = tpu.vector_load %arg5[%swap3A_1220, %swap3A_1221] {strides = array<i32>} : memref<32x512xf32, #tpu.memory_space<vmem>>, vector<1x16xf32>,
    %swap3A_1223 = vector.shape_cast %swap3A_1222 : vector<1x16xf32> to vector<16xf32>
    %swap3A_1224 = vector.shape_cast %get3A_1182 : vector<16xf32> to vector<1x16xf32>
    tpu.vector_store %arg5[%swap3A_1220, %swap3A_1221], %swap3A_1224 {strides = array<i32>} : memref<32x512xf32, #tpu.memory_space<vmem>>, vector<1x16xf32>,
    %swap3A_1225 = arith.constant 7 : i32
    %swap3A_1226 = arith.index_cast %swap3A_1225 : i32 to index
    %swap3A_1227 = arith.constant 352 : index
    %swap3A_1228 = tpu.vector_load %arg5[%swap3A_1226, %swap3A_1227] {strides = array<i32>} : memref<32x512xf32, #tpu.memory_space<vmem>>, vector<1x16xf32>,
    %swap3A_1229 = vector.shape_cast %swap3A_1228 : vector<1x16xf32> to vector<16xf32>
    %swap3A_1230 = vector.shape_cast %get3A_1182 : vector<16xf32> to vector<1x16xf32>
    tpu.vector_store %arg5[%swap3A_1226, %swap3A_1227], %swap3A_1230 {strides = array<i32>} : memref<32x512xf32, #tpu.memory_space<vmem>>, vector<1x16xf32>,
    %swap3A_1231 = arith.constant 8 : i32
    %swap3A_1232 = arith.index_cast %swap3A_1231 : i32 to index
    %swap3A_1233 = arith.constant 352 : index
    %swap3A_1234 = tpu.vector_load %arg5[%swap3A_1232, %swap3A_1233] {strides = array<i32>} : memref<32x512xf32, #tpu.memory_space<vmem>>, vector<1x16xf32>,
    %swap3A_1235 = vector.shape_cast %swap3A_1234 : vector<1x16xf32> to vector<16xf32>
    %swap3A_1236 = vector.shape_cast %get3A_1182 : vector<16xf32> to vector<1x16xf32>
    tpu.vector_store %arg5[%swap3A_1232, %swap3A_1233], %swap3A_1236 {strides = array<i32>} : memref<32x512xf32, #tpu.memory_space<vmem>>, vector<1x16xf32>,
    %swap3A_1237 = arith.constant 9 : i32
    %swap3A_1238 = arith.index_cast %swap3A_1237 : i32 to index
    %swap3A_1239 = arith.constant 352 : index
    %swap3A_1240 = tpu.vector_load %arg5[%swap3A_1238, %swap3A_1239] {strides = array<i32>} : memref<32x512xf32, #tpu.memory_space<vmem>>, vector<1x16xf32>,
    %swap3A_1241 = vector.shape_cast %swap3A_1240 : vector<1x16xf32> to vector<16xf32>
    %swap3A_1242 = vector.shape_cast %get3A_1182 : vector<16xf32> to vector<1x16xf32>
    tpu.vector_store %arg5[%swap3A_1238, %swap3A_1239], %swap3A_1242 {strides = array<i32>} : memref<32x512xf32, #tpu.memory_space<vmem>>, vector<1x16xf32>,
    %swap3A_1243 = arith.constant 10 : i32
    %swap3A_1244 = arith.index_cast %swap3A_1243 : i32 to index
    %swap3A_1245 = arith.constant 352 : index
    %swap3A_1246 = tpu.vector_load %arg5[%swap3A_1244, %swap3A_1245] {strides = array<i32>} : memref<32x512xf32, #tpu.memory_space<vmem>>, vector<1x16xf32>,
    %swap3A_1247 = vector.shape_cast %swap3A_1246 : vector<1x16xf32> to vector<16xf32>
    %swap3A_1248 = vector.shape_cast %get3A_1182 : vector<16xf32> to vector<1x16xf32>
    tpu.vector_store %arg5[%swap3A_1244, %swap3A_1245], %swap3A_1248 {strides = array<i32>} : memref<32x512xf32, #tpu.memory_space<vmem>>, vector<1x16xf32>,
    %swap3A_1249 = arith.constant 11 : i32
    %swap3A_1250 = arith.index_cast %swap3A_1249 : i32 to index
    %swap3A_1251 = arith.constant 352 : index
    %swap3A_1252 = tpu.vector_load %arg5[%swap3A_1250, %swap3A_1251] {strides = array<i32>} : memref<32x512xf32, #tpu.memory_space<vmem>>, vector<1x16xf32>,
    %swap3A_1253 = vector.shape_cast %swap3A_1252 : vector<1x16xf32> to vector<16xf32>
    %swap3A_1254 = vector.shape_cast %get3A_1182 : vector<16xf32> to vector<1x16xf32>
    tpu.vector_store %arg5[%swap3A_1250, %swap3A_1251], %swap3A_1254 {strides = array<i32>} : memref<32x512xf32, #tpu.memory_space<vmem>>, vector<1x16xf32>,
    %swap3A_1255 = arith.constant 12 : i32
    %swap3A_1256 = arith.index_cast %swap3A_1255 : i32 to index
    %swap3A_1257 = arith.constant 352 : index
    %swap3A_1258 = tpu.vector_load %arg5[%swap3A_1256, %swap3A_1257] {strides = array<i32>} : memref<32x512xf32, #tpu.memory_space<vmem>>, vector<1x16xf32>,
    %swap3A_1259 = vector.shape_cast %swap3A_1258 : vector<1x16xf32> to vector<16xf32>
    %swap3A_1260 = vector.shape_cast %get3A_1182 : vector<16xf32> to vector<1x16xf32>
    tpu.vector_store %arg5[%swap3A_1256, %swap3A_1257], %swap3A_1260 {strides = array<i32>} : memref<32x512xf32, #tpu.memory_space<vmem>>, vector<1x16xf32>,
    %swap3A_1261 = arith.constant 13 : i32
    %swap3A_1262 = arith.index_cast %swap3A_1261 : i32 to index
    %swap3A_1263 = arith.constant 352 : index
    %swap3A_1264 = tpu.vector_load %arg5[%swap3A_1262, %swap3A_1263] {strides = array<i32>} : memref<32x512xf32, #tpu.memory_space<vmem>>, vector<1x16xf32>,
    %swap3A_1265 = vector.shape_cast %swap3A_1264 : vector<1x16xf32> to vector<16xf32>
    %swap3A_1266 = vector.shape_cast %get3A_1182 : vector<16xf32> to vector<1x16xf32>
    tpu.vector_store %arg5[%swap3A_1262, %swap3A_1263], %swap3A_1266 {strides = array<i32>} : memref<32x512xf32, #tpu.memory_space<vmem>>, vector<1x16xf32>,
    %swap3A_1267 = arith.constant 14 : i32
    %swap3A_1268 = arith.index_cast %swap3A_1267 : i32 to index
    %swap3A_1269 = arith.constant 352 : index
    %swap3A_1270 = tpu.vector_load %arg5[%swap3A_1268, %swap3A_1269] {strides = array<i32>} : memref<32x512xf32, #tpu.memory_space<vmem>>, vector<1x16xf32>,
    %swap3A_1271 = vector.shape_cast %swap3A_1270 : vector<1x16xf32> to vector<16xf32>
    %swap3A_1272 = vector.shape_cast %get3A_1182 : vector<16xf32> to vector<1x16xf32>
    tpu.vector_store %arg5[%swap3A_1268, %swap3A_1269], %swap3A_1272 {strides = array<i32>} : memref<32x512xf32, #tpu.memory_space<vmem>>, vector<1x16xf32>,
    %swap3A_1273 = arith.constant 15 : i32
    %swap3A_1274 = arith.index_cast %swap3A_1273 : i32 to index
    %swap3A_1275 = arith.constant 352 : index
    %swap3A_1276 = tpu.vector_load %arg5[%swap3A_1274, %swap3A_1275] {strides = array<i32>} : memref<32x512xf32, #tpu.memory_space<vmem>>, vector<1x16xf32>,
    %swap3A_1277 = vector.shape_cast %swap3A_1276 : vector<1x16xf32> to vector<16xf32>
    %swap3A_1278 = vector.shape_cast %get3A_1182 : vector<16xf32> to vector<1x16xf32>
    tpu.vector_store %arg5[%swap3A_1274, %swap3A_1275], %swap3A_1278 {strides = array<i32>} : memref<32x512xf32, #tpu.memory_space<vmem>>, vector<1x16xf32>,
    %swap3A_1279 = arith.constant 16 : i32
    %swap3A_1280 = arith.index_cast %swap3A_1279 : i32 to index
    %swap3A_1281 = arith.constant 352 : index
    %swap3A_1282 = tpu.vector_load %arg5[%swap3A_1280, %swap3A_1281] {strides = array<i32>} : memref<32x512xf32, #tpu.memory_space<vmem>>, vector<1x16xf32>,
    %swap3A_1283 = vector.shape_cast %swap3A_1282 : vector<1x16xf32> to vector<16xf32>
    %swap3A_1284 = vector.shape_cast %get3A_1182 : vector<16xf32> to vector<1x16xf32>
    tpu.vector_store %arg5[%swap3A_1280, %swap3A_1281], %swap3A_1284 {strides = array<i32>} : memref<32x512xf32, #tpu.memory_space<vmem>>, vector<1x16xf32>,
    %swap3A_1285 = arith.constant 17 : i32
    %swap3A_1286 = arith.index_cast %swap3A_1285 : i32 to index
    %swap3A_1287 = arith.constant 352 : index
    %swap3A_1288 = tpu.vector_load %arg5[%swap3A_1286, %swap3A_1287] {strides = array<i32>} : memref<32x512xf32, #tpu.memory_space<vmem>>, vector<1x16xf32>,
    %swap3A_1289 = vector.shape_cast %swap3A_1288 : vector<1x16xf32> to vector<16xf32>
    %swap3A_1290 = vector.shape_cast %get3A_1182 : vector<16xf32> to vector<1x16xf32>
    tpu.vector_store %arg5[%swap3A_1286, %swap3A_1287], %swap3A_1290 {strides = array<i32>} : memref<32x512xf32, #tpu.memory_space<vmem>>, vector<1x16xf32>,
    %swap3A_1291 = arith.constant 18 : i32
    %swap3A_1292 = arith.index_cast %swap3A_1291 : i32 to index
    %swap3A_1293 = arith.constant 352 : index
    %swap3A_1294 = tpu.vector_load %arg5[%swap3A_1292, %swap3A_1293] {strides = array<i32>} : memref<32x512xf32, #tpu.memory_space<vmem>>, vector<1x16xf32>,
    %swap3A_1295 = vector.shape_cast %swap3A_1294 : vector<1x16xf32> to vector<16xf32>
    %swap3A_1296 = vector.shape_cast %get3A_1182 : vector<16xf32> to vector<1x16xf32>
    tpu.vector_store %arg5[%swap3A_1292, %swap3A_1293], %swap3A_1296 {strides = array<i32>} : memref<32x512xf32, #tpu.memory_space<vmem>>, vector<1x16xf32>,
    %swap3A_1297 = arith.constant 19 : i32
    %swap3A_1298 = arith.index_cast %swap3A_1297 : i32 to index
    %swap3A_1299 = arith.constant 352 : index
    %swap3A_1300 = tpu.vector_load %arg5[%swap3A_1298, %swap3A_1299] {strides = array<i32>} : memref<32x512xf32, #tpu.memory_space<vmem>>, vector<1x16xf32>,
    %swap3A_1301 = vector.shape_cast %swap3A_1300 : vector<1x16xf32> to vector<16xf32>
    %swap3A_1302 = vector.shape_cast %get3A_1182 : vector<16xf32> to vector<1x16xf32>
    tpu.vector_store %arg5[%swap3A_1298, %swap3A_1299], %swap3A_1302 {strides = array<i32>} : memref<32x512xf32, #tpu.memory_space<vmem>>, vector<1x16xf32>,
    %swap3A_1303 = arith.constant 20 : i32
    %swap3A_1304 = arith.index_cast %swap3A_1303 : i32 to index
    %swap3A_1305 = arith.constant 352 : index
    %swap3A_1306 = tpu.vector_load %arg5[%swap3A_1304, %swap3A_1305] {strides = array<i32>} : memref<32x512xf32, #tpu.memory_space<vmem>>, vector<1x16xf32>,
    %swap3A_1307 = vector.shape_cast %swap3A_1306 : vector<1x16xf32> to vector<16xf32>
    %swap3A_1308 = vector.shape_cast %get3A_1182 : vector<16xf32> to vector<1x16xf32>
    tpu.vector_store %arg5[%swap3A_1304, %swap3A_1305], %swap3A_1308 {strides = array<i32>} : memref<32x512xf32, #tpu.memory_space<vmem>>, vector<1x16xf32>,
    %swap3A_1309 = arith.constant 21 : i32
    %swap3A_1310 = arith.index_cast %swap3A_1309 : i32 to index
    %swap3A_1311 = arith.constant 352 : index
    %swap3A_1312 = tpu.vector_load %arg5[%swap3A_1310, %swap3A_1311] {strides = array<i32>} : memref<32x512xf32, #tpu.memory_space<vmem>>, vector<1x16xf32>,
    %swap3A_1313 = vector.shape_cast %swap3A_1312 : vector<1x16xf32> to vector<16xf32>
    %swap3A_1314 = vector.shape_cast %get3A_1182 : vector<16xf32> to vector<1x16xf32>
    tpu.vector_store %arg5[%swap3A_1310, %swap3A_1311], %swap3A_1314 {strides = array<i32>} : memref<32x512xf32, #tpu.memory_space<vmem>>, vector<1x16xf32>,
    %swap3A_1315 = arith.constant 22 : i32
    %swap3A_1316 = arith.index_cast %swap3A_1315 : i32 to index
    %swap3A_1317 = arith.constant 352 : index
    %swap3A_1318 = tpu.vector_load %arg5[%swap3A_1316, %swap3A_1317] {strides = array<i32>} : memref<32x512xf32, #tpu.memory_space<vmem>>, vector<1x16xf32>,
    %swap3A_1319 = vector.shape_cast %swap3A_1318 : vector<1x16xf32> to vector<16xf32>
    %swap3A_1320 = vector.shape_cast %get3A_1182 : vector<16xf32> to vector<1x16xf32>
    tpu.vector_store %arg5[%swap3A_1316, %swap3A_1317], %swap3A_1320 {strides = array<i32>} : memref<32x512xf32, #tpu.memory_space<vmem>>, vector<1x16xf32>,
    %swap3A_1321 = arith.constant 23 : i32
    %swap3A_1322 = arith.index_cast %swap3A_1321 : i32 to index
    %swap3A_1323 = arith.constant 352 : index
    %swap3A_1324 = tpu.vector_load %arg5[%swap3A_1322, %swap3A_1323] {strides = array<i32>} : memref<32x512xf32, #tpu.memory_space<vmem>>, vector<1x16xf32>,
    %swap3A_1325 = vector.shape_cast %swap3A_1324 : vector<1x16xf32> to vector<16xf32>
    %swap3A_1326 = vector.shape_cast %get3A_1182 : vector<16xf32> to vector<1x16xf32>
    tpu.vector_store %arg5[%swap3A_1322, %swap3A_1323], %swap3A_1326 {strides = array<i32>} : memref<32x512xf32, #tpu.memory_space<vmem>>, vector<1x16xf32>,
    %swap3A_1327 = arith.constant 24 : i32
    %swap3A_1328 = arith.index_cast %swap3A_1327 : i32 to index
    %swap3A_1329 = arith.constant 352 : index
    %swap3A_1330 = tpu.vector_load %arg5[%swap3A_1328, %swap3A_1329] {strides = array<i32>} : memref<32x512xf32, #tpu.memory_space<vmem>>, vector<1x16xf32>,
    %swap3A_1331 = vector.shape_cast %swap3A_1330 : vector<1x16xf32> to vector<16xf32>
    %swap3A_1332 = vector.shape_cast %get3A_1182 : vector<16xf32> to vector<1x16xf32>
    tpu.vector_store %arg5[%swap3A_1328, %swap3A_1329], %swap3A_1332 {strides = array<i32>} : memref<32x512xf32, #tpu.memory_space<vmem>>, vector<1x16xf32>,
    %swap3A_1333 = arith.constant 25 : i32
    %swap3A_1334 = arith.index_cast %swap3A_1333 : i32 to index
    %swap3A_1335 = arith.constant 352 : index
    %swap3A_1336 = tpu.vector_load %arg5[%swap3A_1334, %swap3A_1335] {strides = array<i32>} : memref<32x512xf32, #tpu.memory_space<vmem>>, vector<1x16xf32>,
    %swap3A_1337 = vector.shape_cast %swap3A_1336 : vector<1x16xf32> to vector<16xf32>
    %swap3A_1338 = vector.shape_cast %get3A_1182 : vector<16xf32> to vector<1x16xf32>
    tpu.vector_store %arg5[%swap3A_1334, %swap3A_1335], %swap3A_1338 {strides = array<i32>} : memref<32x512xf32, #tpu.memory_space<vmem>>, vector<1x16xf32>,
    %swap3A_1339 = arith.constant 26 : i32
    %swap3A_1340 = arith.index_cast %swap3A_1339 : i32 to index
    %swap3A_1341 = arith.constant 352 : index
    %swap3A_1342 = tpu.vector_load %arg5[%swap3A_1340, %swap3A_1341] {strides = array<i32>} : memref<32x512xf32, #tpu.memory_space<vmem>>, vector<1x16xf32>,
    %swap3A_1343 = vector.shape_cast %swap3A_1342 : vector<1x16xf32> to vector<16xf32>
    %swap3A_1344 = vector.shape_cast %get3A_1182 : vector<16xf32> to vector<1x16xf32>
    tpu.vector_store %arg5[%swap3A_1340, %swap3A_1341], %swap3A_1344 {strides = array<i32>} : memref<32x512xf32, #tpu.memory_space<vmem>>, vector<1x16xf32>,
    %swap3A_1345 = arith.constant 27 : i32
    %swap3A_1346 = arith.index_cast %swap3A_1345 : i32 to index
    %swap3A_1347 = arith.constant 352 : index
    %swap3A_1348 = tpu.vector_load %arg5[%swap3A_1346, %swap3A_1347] {strides = array<i32>} : memref<32x512xf32, #tpu.memory_space<vmem>>, vector<1x16xf32>,
    %swap3A_1349 = vector.shape_cast %swap3A_1348 : vector<1x16xf32> to vector<16xf32>
    %swap3A_1350 = vector.shape_cast %get3A_1182 : vector<16xf32> to vector<1x16xf32>
    tpu.vector_store %arg5[%swap3A_1346, %swap3A_1347], %swap3A_1350 {strides = array<i32>} : memref<32x512xf32, #tpu.memory_space<vmem>>, vector<1x16xf32>,
    %swap3A_1351 = arith.constant 28 : i32
    %swap3A_1352 = arith.index_cast %swap3A_1351 : i32 to index
    %swap3A_1353 = arith.constant 352 : index
    %swap3A_1354 = tpu.vector_load %arg5[%swap3A_1352, %swap3A_1353] {strides = array<i32>} : memref<32x512xf32, #tpu.memory_space<vmem>>, vector<1x16xf32>,
    %swap3A_1355 = vector.shape_cast %swap3A_1354 : vector<1x16xf32> to vector<16xf32>
    %swap3A_1356 = vector.shape_cast %get3A_1182 : vector<16xf32> to vector<1x16xf32>
    tpu.vector_store %arg5[%swap3A_1352, %swap3A_1353], %swap3A_1356 {strides = array<i32>} : memref<32x512xf32, #tpu.memory_space<vmem>>, vector<1x16xf32>,
    %swap3A_1357 = arith.constant 29 : i32
    %swap3A_1358 = arith.index_cast %swap3A_1357 : i32 to index
    %swap3A_1359 = arith.constant 352 : index
    %swap3A_1360 = tpu.vector_load %arg5[%swap3A_1358, %swap3A_1359] {strides = array<i32>} : memref<32x512xf32, #tpu.memory_space<vmem>>, vector<1x16xf32>,
    %swap3A_1361 = vector.shape_cast %swap3A_1360 : vector<1x16xf32> to vector<16xf32>
    %swap3A_1362 = vector.shape_cast %get3A_1182 : vector<16xf32> to vector<1x16xf32>
    tpu.vector_store %arg5[%swap3A_1358, %swap3A_1359], %swap3A_1362 {strides = array<i32>} : memref<32x512xf32, #tpu.memory_space<vmem>>, vector<1x16xf32>,
    %swap3A_1363 = arith.constant 30 : i32
    %swap3A_1364 = arith.index_cast %swap3A_1363 : i32 to index
    %swap3A_1365 = arith.constant 352 : index
    %swap3A_1366 = tpu.vector_load %arg5[%swap3A_1364, %swap3A_1365] {strides = array<i32>} : memref<32x512xf32, #tpu.memory_space<vmem>>, vector<1x16xf32>,
    %swap3A_1367 = vector.shape_cast %swap3A_1366 : vector<1x16xf32> to vector<16xf32>
    %swap3A_1368 = vector.shape_cast %get3A_1182 : vector<16xf32> to vector<1x16xf32>
    tpu.vector_store %arg5[%swap3A_1364, %swap3A_1365], %swap3A_1368 {strides = array<i32>} : memref<32x512xf32, #tpu.memory_space<vmem>>, vector<1x16xf32>,
    %swap3A_1369 = arith.constant 31 : i32
    %swap3A_1370 = arith.index_cast %swap3A_1369 : i32 to index
    %swap3A_1371 = arith.constant 352 : index
    %swap3A_1372 = tpu.vector_load %arg5[%swap3A_1370, %swap3A_1371] {strides = array<i32>} : memref<32x512xf32, #tpu.memory_space<vmem>>, vector<1x16xf32>,
    %swap3A_1373 = vector.shape_cast %swap3A_1372 : vector<1x16xf32> to vector<16xf32>
    %swap3A_1374 = vector.shape_cast %get3A_1182 : vector<16xf32> to vector<1x16xf32>
    tpu.vector_store %arg5[%swap3A_1370, %swap3A_1371], %swap3A_1374 {strides = array<i32>} : memref<32x512xf32, #tpu.memory_space<vmem>>, vector<1x16xf32>,
    %get3A_1375 = arith.constant 112 : index
    %get3A_1376 = tpu.vector_load %arg6[%get3A_1375] {strides = array<i32>} : memref<256xf32, #tpu.memory_space<vmem>>, vector<16xf32>,
    %get3A_1377 = vector.shape_cast %get3A_1376 : vector<16xf32> to vector<16xf32>
    %swap3A_1378 = arith.constant 0 : i32
    %swap3A_1379 = arith.index_cast %swap3A_1378 : i32 to index
    %swap3A_1380 = arith.constant 368 : index
    %swap3A_1381 = tpu.vector_load %arg5[%swap3A_1379, %swap3A_1380] {strides = array<i32>} : memref<32x512xf32, #tpu.memory_space<vmem>>, vector<1x16xf32>,
    %swap3A_1382 = vector.shape_cast %swap3A_1381 : vector<1x16xf32> to vector<16xf32>
    %swap3A_1383 = vector.shape_cast %get3A_1377 : vector<16xf32> to vector<1x16xf32>
    tpu.vector_store %arg5[%swap3A_1379, %swap3A_1380], %swap3A_1383 {strides = array<i32>} : memref<32x512xf32, #tpu.memory_space<vmem>>, vector<1x16xf32>,
    %swap3A_1384 = arith.constant 1 : i32
    %swap3A_1385 = arith.index_cast %swap3A_1384 : i32 to index
    %swap3A_1386 = arith.constant 368 : index
    %swap3A_1387 = tpu.vector_load %arg5[%swap3A_1385, %swap3A_1386] {strides = array<i32>} : memref<32x512xf32, #tpu.memory_space<vmem>>, vector<1x16xf32>,
    %swap3A_1388 = vector.shape_cast %swap3A_1387 : vector<1x16xf32> to vector<16xf32>
    %swap3A_1389 = vector.shape_cast %get3A_1377 : vector<16xf32> to vector<1x16xf32>
    tpu.vector_store %arg5[%swap3A_1385, %swap3A_1386], %swap3A_1389 {strides = array<i32>} : memref<32x512xf32, #tpu.memory_space<vmem>>, vector<1x16xf32>,
    %swap3A_1390 = arith.constant 2 : i32
    %swap3A_1391 = arith.index_cast %swap3A_1390 : i32 to index
    %swap3A_1392 = arith.constant 368 : index
    %swap3A_1393 = tpu.vector_load %arg5[%swap3A_1391, %swap3A_1392] {strides = array<i32>} : memref<32x512xf32, #tpu.memory_space<vmem>>, vector<1x16xf32>,
    %swap3A_1394 = vector.shape_cast %swap3A_1393 : vector<1x16xf32> to vector<16xf32>
    %swap3A_1395 = vector.shape_cast %get3A_1377 : vector<16xf32> to vector<1x16xf32>
    tpu.vector_store %arg5[%swap3A_1391, %swap3A_1392], %swap3A_1395 {strides = array<i32>} : memref<32x512xf32, #tpu.memory_space<vmem>>, vector<1x16xf32>,
    %swap3A_1396 = arith.constant 3 : i32
    %swap3A_1397 = arith.index_cast %swap3A_1396 : i32 to index
    %swap3A_1398 = arith.constant 368 : index
    %swap3A_1399 = tpu.vector_load %arg5[%swap3A_1397, %swap3A_1398] {strides = array<i32>} : memref<32x512xf32, #tpu.memory_space<vmem>>, vector<1x16xf32>,
    %swap3A_1400 = vector.shape_cast %swap3A_1399 : vector<1x16xf32> to vector<16xf32>
    %swap3A_1401 = vector.shape_cast %get3A_1377 : vector<16xf32> to vector<1x16xf32>
    tpu.vector_store %arg5[%swap3A_1397, %swap3A_1398], %swap3A_1401 {strides = array<i32>} : memref<32x512xf32, #tpu.memory_space<vmem>>, vector<1x16xf32>,
    %swap3A_1402 = arith.constant 4 : i32
    %swap3A_1403 = arith.index_cast %swap3A_1402 : i32 to index
    %swap3A_1404 = arith.constant 368 : index
    %swap3A_1405 = tpu.vector_load %arg5[%swap3A_1403, %swap3A_1404] {strides = array<i32>} : memref<32x512xf32, #tpu.memory_space<vmem>>, vector<1x16xf32>,
    %swap3A_1406 = vector.shape_cast %swap3A_1405 : vector<1x16xf32> to vector<16xf32>
    %swap3A_1407 = vector.shape_cast %get3A_1377 : vector<16xf32> to vector<1x16xf32>
    tpu.vector_store %arg5[%swap3A_1403, %swap3A_1404], %swap3A_1407 {strides = array<i32>} : memref<32x512xf32, #tpu.memory_space<vmem>>, vector<1x16xf32>,
    %swap3A_1408 = arith.constant 5 : i32
    %swap3A_1409 = arith.index_cast %swap3A_1408 : i32 to index
    %swap3A_1410 = arith.constant 368 : index
    %swap3A_1411 = tpu.vector_load %arg5[%swap3A_1409, %swap3A_1410] {strides = array<i32>} : memref<32x512xf32, #tpu.memory_space<vmem>>, vector<1x16xf32>,
    %swap3A_1412 = vector.shape_cast %swap3A_1411 : vector<1x16xf32> to vector<16xf32>
    %swap3A_1413 = vector.shape_cast %get3A_1377 : vector<16xf32> to vector<1x16xf32>
    tpu.vector_store %arg5[%swap3A_1409, %swap3A_1410], %swap3A_1413 {strides = array<i32>} : memref<32x512xf32, #tpu.memory_space<vmem>>, vector<1x16xf32>,
    %swap3A_1414 = arith.constant 6 : i32
    %swap3A_1415 = arith.index_cast %swap3A_1414 : i32 to index
    %swap3A_1416 = arith.constant 368 : index
    %swap3A_1417 = tpu.vector_load %arg5[%swap3A_1415, %swap3A_1416] {strides = array<i32>} : memref<32x512xf32, #tpu.memory_space<vmem>>, vector<1x16xf32>,
    %swap3A_1418 = vector.shape_cast %swap3A_1417 : vector<1x16xf32> to vector<16xf32>
    %swap3A_1419 = vector.shape_cast %get3A_1377 : vector<16xf32> to vector<1x16xf32>
    tpu.vector_store %arg5[%swap3A_1415, %swap3A_1416], %swap3A_1419 {strides = array<i32>} : memref<32x512xf32, #tpu.memory_space<vmem>>, vector<1x16xf32>,
    %swap3A_1420 = arith.constant 7 : i32
    %swap3A_1421 = arith.index_cast %swap3A_1420 : i32 to index
    %swap3A_1422 = arith.constant 368 : index
    %swap3A_1423 = tpu.vector_load %arg5[%swap3A_1421, %swap3A_1422] {strides = array<i32>} : memref<32x512xf32, #tpu.memory_space<vmem>>, vector<1x16xf32>,
    %swap3A_1424 = vector.shape_cast %swap3A_1423 : vector<1x16xf32> to vector<16xf32>
    %swap3A_1425 = vector.shape_cast %get3A_1377 : vector<16xf32> to vector<1x16xf32>
    tpu.vector_store %arg5[%swap3A_1421, %swap3A_1422], %swap3A_1425 {strides = array<i32>} : memref<32x512xf32, #tpu.memory_space<vmem>>, vector<1x16xf32>,
    %swap3A_1426 = arith.constant 8 : i32
    %swap3A_1427 = arith.index_cast %swap3A_1426 : i32 to index
    %swap3A_1428 = arith.constant 368 : index
    %swap3A_1429 = tpu.vector_load %arg5[%swap3A_1427, %swap3A_1428] {strides = array<i32>} : memref<32x512xf32, #tpu.memory_space<vmem>>, vector<1x16xf32>,
    %swap3A_1430 = vector.shape_cast %swap3A_1429 : vector<1x16xf32> to vector<16xf32>
    %swap3A_1431 = vector.shape_cast %get3A_1377 : vector<16xf32> to vector<1x16xf32>
    tpu.vector_store %arg5[%swap3A_1427, %swap3A_1428], %swap3A_1431 {strides = array<i32>} : memref<32x512xf32, #tpu.memory_space<vmem>>, vector<1x16xf32>,
    %swap3A_1432 = arith.constant 9 : i32
    %swap3A_1433 = arith.index_cast %swap3A_1432 : i32 to index
    %swap3A_1434 = arith.constant 368 : index
    %swap3A_1435 = tpu.vector_load %arg5[%swap3A_1433, %swap3A_1434] {strides = array<i32>} : memref<32x512xf32, #tpu.memory_space<vmem>>, vector<1x16xf32>,
    %swap3A_1436 = vector.shape_cast %swap3A_1435 : vector<1x16xf32> to vector<16xf32>
    %swap3A_1437 = vector.shape_cast %get3A_1377 : vector<16xf32> to vector<1x16xf32>
    tpu.vector_store %arg5[%swap3A_1433, %swap3A_1434], %swap3A_1437 {strides = array<i32>} : memref<32x512xf32, #tpu.memory_space<vmem>>, vector<1x16xf32>,
    %swap3A_1438 = arith.constant 10 : i32
    %swap3A_1439 = arith.index_cast %swap3A_1438 : i32 to index
    %swap3A_1440 = arith.constant 368 : index
    %swap3A_1441 = tpu.vector_load %arg5[%swap3A_1439, %swap3A_1440] {strides = array<i32>} : memref<32x512xf32, #tpu.memory_space<vmem>>, vector<1x16xf32>,
    %swap3A_1442 = vector.shape_cast %swap3A_1441 : vector<1x16xf32> to vector<16xf32>
    %swap3A_1443 = vector.shape_cast %get3A_1377 : vector<16xf32> to vector<1x16xf32>
    tpu.vector_store %arg5[%swap3A_1439, %swap3A_1440], %swap3A_1443 {strides = array<i32>} : memref<32x512xf32, #tpu.memory_space<vmem>>, vector<1x16xf32>,
    %swap3A_1444 = arith.constant 11 : i32
    %swap3A_1445 = arith.index_cast %swap3A_1444 : i32 to index
    %swap3A_1446 = arith.constant 368 : index
    %swap3A_1447 = tpu.vector_load %arg5[%swap3A_1445, %swap3A_1446] {strides = array<i32>} : memref<32x512xf32, #tpu.memory_space<vmem>>, vector<1x16xf32>,
    %swap3A_1448 = vector.shape_cast %swap3A_1447 : vector<1x16xf32> to vector<16xf32>
    %swap3A_1449 = vector.shape_cast %get3A_1377 : vector<16xf32> to vector<1x16xf32>
    tpu.vector_store %arg5[%swap3A_1445, %swap3A_1446], %swap3A_1449 {strides = array<i32>} : memref<32x512xf32, #tpu.memory_space<vmem>>, vector<1x16xf32>,
    %swap3A_1450 = arith.constant 12 : i32
    %swap3A_1451 = arith.index_cast %swap3A_1450 : i32 to index
    %swap3A_1452 = arith.constant 368 : index
    %swap3A_1453 = tpu.vector_load %arg5[%swap3A_1451, %swap3A_1452] {strides = array<i32>} : memref<32x512xf32, #tpu.memory_space<vmem>>, vector<1x16xf32>,
    %swap3A_1454 = vector.shape_cast %swap3A_1453 : vector<1x16xf32> to vector<16xf32>
    %swap3A_1455 = vector.shape_cast %get3A_1377 : vector<16xf32> to vector<1x16xf32>
    tpu.vector_store %arg5[%swap3A_1451, %swap3A_1452], %swap3A_1455 {strides = array<i32>} : memref<32x512xf32, #tpu.memory_space<vmem>>, vector<1x16xf32>,
    %swap3A_1456 = arith.constant 13 : i32
    %swap3A_1457 = arith.index_cast %swap3A_1456 : i32 to index
    %swap3A_1458 = arith.constant 368 : index
    %swap3A_1459 = tpu.vector_load %arg5[%swap3A_1457, %swap3A_1458] {strides = array<i32>} : memref<32x512xf32, #tpu.memory_space<vmem>>, vector<1x16xf32>,
    %swap3A_1460 = vector.shape_cast %swap3A_1459 : vector<1x16xf32> to vector<16xf32>
    %swap3A_1461 = vector.shape_cast %get3A_1377 : vector<16xf32> to vector<1x16xf32>
    tpu.vector_store %arg5[%swap3A_1457, %swap3A_1458], %swap3A_1461 {strides = array<i32>} : memref<32x512xf32, #tpu.memory_space<vmem>>, vector<1x16xf32>,
    %swap3A_1462 = arith.constant 14 : i32
    %swap3A_1463 = arith.index_cast %swap3A_1462 : i32 to index
    %swap3A_1464 = arith.constant 368 : index
    %swap3A_1465 = tpu.vector_load %arg5[%swap3A_1463, %swap3A_1464] {strides = array<i32>} : memref<32x512xf32, #tpu.memory_space<vmem>>, vector<1x16xf32>,
    %swap3A_1466 = vector.shape_cast %swap3A_1465 : vector<1x16xf32> to vector<16xf32>
    %swap3A_1467 = vector.shape_cast %get3A_1377 : vector<16xf32> to vector<1x16xf32>
    tpu.vector_store %arg5[%swap3A_1463, %swap3A_1464], %swap3A_1467 {strides = array<i32>} : memref<32x512xf32, #tpu.memory_space<vmem>>, vector<1x16xf32>,
    %swap3A_1468 = arith.constant 15 : i32
    %swap3A_1469 = arith.index_cast %swap3A_1468 : i32 to index
    %swap3A_1470 = arith.constant 368 : index
    %swap3A_1471 = tpu.vector_load %arg5[%swap3A_1469, %swap3A_1470] {strides = array<i32>} : memref<32x512xf32, #tpu.memory_space<vmem>>, vector<1x16xf32>,
    %swap3A_1472 = vector.shape_cast %swap3A_1471 : vector<1x16xf32> to vector<16xf32>
    %swap3A_1473 = vector.shape_cast %get3A_1377 : vector<16xf32> to vector<1x16xf32>
    tpu.vector_store %arg5[%swap3A_1469, %swap3A_1470], %swap3A_1473 {strides = array<i32>} : memref<32x512xf32, #tpu.memory_space<vmem>>, vector<1x16xf32>,
    %swap3A_1474 = arith.constant 16 : i32
    %swap3A_1475 = arith.index_cast %swap3A_1474 : i32 to index
    %swap3A_1476 = arith.constant 368 : index
    %swap3A_1477 = tpu.vector_load %arg5[%swap3A_1475, %swap3A_1476] {strides = array<i32>} : memref<32x512xf32, #tpu.memory_space<vmem>>, vector<1x16xf32>,
    %swap3A_1478 = vector.shape_cast %swap3A_1477 : vector<1x16xf32> to vector<16xf32>
    %swap3A_1479 = vector.shape_cast %get3A_1377 : vector<16xf32> to vector<1x16xf32>
    tpu.vector_store %arg5[%swap3A_1475, %swap3A_1476], %swap3A_1479 {strides = array<i32>} : memref<32x512xf32, #tpu.memory_space<vmem>>, vector<1x16xf32>,
    %swap3A_1480 = arith.constant 17 : i32
    %swap3A_1481 = arith.index_cast %swap3A_1480 : i32 to index
    %swap3A_1482 = arith.constant 368 : index
    %swap3A_1483 = tpu.vector_load %arg5[%swap3A_1481, %swap3A_1482] {strides = array<i32>} : memref<32x512xf32, #tpu.memory_space<vmem>>, vector<1x16xf32>,
    %swap3A_1484 = vector.shape_cast %swap3A_1483 : vector<1x16xf32> to vector<16xf32>
    %swap3A_1485 = vector.shape_cast %get3A_1377 : vector<16xf32> to vector<1x16xf32>
    tpu.vector_store %arg5[%swap3A_1481, %swap3A_1482], %swap3A_1485 {strides = array<i32>} : memref<32x512xf32, #tpu.memory_space<vmem>>, vector<1x16xf32>,
    %swap3A_1486 = arith.constant 18 : i32
    %swap3A_1487 = arith.index_cast %swap3A_1486 : i32 to index
    %swap3A_1488 = arith.constant 368 : index
    %swap3A_1489 = tpu.vector_load %arg5[%swap3A_1487, %swap3A_1488] {strides = array<i32>} : memref<32x512xf32, #tpu.memory_space<vmem>>, vector<1x16xf32>,
    %swap3A_1490 = vector.shape_cast %swap3A_1489 : vector<1x16xf32> to vector<16xf32>
    %swap3A_1491 = vector.shape_cast %get3A_1377 : vector<16xf32> to vector<1x16xf32>
    tpu.vector_store %arg5[%swap3A_1487, %swap3A_1488], %swap3A_1491 {strides = array<i32>} : memref<32x512xf32, #tpu.memory_space<vmem>>, vector<1x16xf32>,
    %swap3A_1492 = arith.constant 19 : i32
    %swap3A_1493 = arith.index_cast %swap3A_1492 : i32 to index
    %swap3A_1494 = arith.constant 368 : index
    %swap3A_1495 = tpu.vector_load %arg5[%swap3A_1493, %swap3A_1494] {strides = array<i32>} : memref<32x512xf32, #tpu.memory_space<vmem>>, vector<1x16xf32>,
    %swap3A_1496 = vector.shape_cast %swap3A_1495 : vector<1x16xf32> to vector<16xf32>
    %swap3A_1497 = vector.shape_cast %get3A_1377 : vector<16xf32> to vector<1x16xf32>
    tpu.vector_store %arg5[%swap3A_1493, %swap3A_1494], %swap3A_1497 {strides = array<i32>} : memref<32x512xf32, #tpu.memory_space<vmem>>, vector<1x16xf32>,
    %swap3A_1498 = arith.constant 20 : i32
    %swap3A_1499 = arith.index_cast %swap3A_1498 : i32 to index
    %swap3A_1500 = arith.constant 368 : index
    %swap3A_1501 = tpu.vector_load %arg5[%swap3A_1499, %swap3A_1500] {strides = array<i32>} : memref<32x512xf32, #tpu.memory_space<vmem>>, vector<1x16xf32>,
    %swap3A_1502 = vector.shape_cast %swap3A_1501 : vector<1x16xf32> to vector<16xf32>
    %swap3A_1503 = vector.shape_cast %get3A_1377 : vector<16xf32> to vector<1x16xf32>
    tpu.vector_store %arg5[%swap3A_1499, %swap3A_1500], %swap3A_1503 {strides = array<i32>} : memref<32x512xf32, #tpu.memory_space<vmem>>, vector<1x16xf32>,
    %swap3A_1504 = arith.constant 21 : i32
    %swap3A_1505 = arith.index_cast %swap3A_1504 : i32 to index
    %swap3A_1506 = arith.constant 368 : index
    %swap3A_1507 = tpu.vector_load %arg5[%swap3A_1505, %swap3A_1506] {strides = array<i32>} : memref<32x512xf32, #tpu.memory_space<vmem>>, vector<1x16xf32>,
    %swap3A_1508 = vector.shape_cast %swap3A_1507 : vector<1x16xf32> to vector<16xf32>
    %swap3A_1509 = vector.shape_cast %get3A_1377 : vector<16xf32> to vector<1x16xf32>
    tpu.vector_store %arg5[%swap3A_1505, %swap3A_1506], %swap3A_1509 {strides = array<i32>} : memref<32x512xf32, #tpu.memory_space<vmem>>, vector<1x16xf32>,
    %swap3A_1510 = arith.constant 22 : i32
    %swap3A_1511 = arith.index_cast %swap3A_1510 : i32 to index
    %swap3A_1512 = arith.constant 368 : index
    %swap3A_1513 = tpu.vector_load %arg5[%swap3A_1511, %swap3A_1512] {strides = array<i32>} : memref<32x512xf32, #tpu.memory_space<vmem>>, vector<1x16xf32>,
    %swap3A_1514 = vector.shape_cast %swap3A_1513 : vector<1x16xf32> to vector<16xf32>
    %swap3A_1515 = vector.shape_cast %get3A_1377 : vector<16xf32> to vector<1x16xf32>
    tpu.vector_store %arg5[%swap3A_1511, %swap3A_1512], %swap3A_1515 {strides = array<i32>} : memref<32x512xf32, #tpu.memory_space<vmem>>, vector<1x16xf32>,
    %swap3A_1516 = arith.constant 23 : i32
    %swap3A_1517 = arith.index_cast %swap3A_1516 : i32 to index
    %swap3A_1518 = arith.constant 368 : index
    %swap3A_1519 = tpu.vector_load %arg5[%swap3A_1517, %swap3A_1518] {strides = array<i32>} : memref<32x512xf32, #tpu.memory_space<vmem>>, vector<1x16xf32>,
    %swap3A_1520 = vector.shape_cast %swap3A_1519 : vector<1x16xf32> to vector<16xf32>
    %swap3A_1521 = vector.shape_cast %get3A_1377 : vector<16xf32> to vector<1x16xf32>
    tpu.vector_store %arg5[%swap3A_1517, %swap3A_1518], %swap3A_1521 {strides = array<i32>} : memref<32x512xf32, #tpu.memory_space<vmem>>, vector<1x16xf32>,
    %swap3A_1522 = arith.constant 24 : i32
    %swap3A_1523 = arith.index_cast %swap3A_1522 : i32 to index
    %swap3A_1524 = arith.constant 368 : index
    %swap3A_1525 = tpu.vector_load %arg5[%swap3A_1523, %swap3A_1524] {strides = array<i32>} : memref<32x512xf32, #tpu.memory_space<vmem>>, vector<1x16xf32>,
    %swap3A_1526 = vector.shape_cast %swap3A_1525 : vector<1x16xf32> to vector<16xf32>
    %swap3A_1527 = vector.shape_cast %get3A_1377 : vector<16xf32> to vector<1x16xf32>
    tpu.vector_store %arg5[%swap3A_1523, %swap3A_1524], %swap3A_1527 {strides = array<i32>} : memref<32x512xf32, #tpu.memory_space<vmem>>, vector<1x16xf32>,
    %swap3A_1528 = arith.constant 25 : i32
    %swap3A_1529 = arith.index_cast %swap3A_1528 : i32 to index
    %swap3A_1530 = arith.constant 368 : index
    %swap3A_1531 = tpu.vector_load %arg5[%swap3A_1529, %swap3A_1530] {strides = array<i32>} : memref<32x512xf32, #tpu.memory_space<vmem>>, vector<1x16xf32>,
    %swap3A_1532 = vector.shape_cast %swap3A_1531 : vector<1x16xf32> to vector<16xf32>
    %swap3A_1533 = vector.shape_cast %get3A_1377 : vector<16xf32> to vector<1x16xf32>
    tpu.vector_store %arg5[%swap3A_1529, %swap3A_1530], %swap3A_1533 {strides = array<i32>} : memref<32x512xf32, #tpu.memory_space<vmem>>, vector<1x16xf32>,
    %swap3A_1534 = arith.constant 26 : i32
    %swap3A_1535 = arith.index_cast %swap3A_1534 : i32 to index
    %swap3A_1536 = arith.constant 368 : index
    %swap3A_1537 = tpu.vector_load %arg5[%swap3A_1535, %swap3A_1536] {strides = array<i32>} : memref<32x512xf32, #tpu.memory_space<vmem>>, vector<1x16xf32>,
    %swap3A_1538 = vector.shape_cast %swap3A_1537 : vector<1x16xf32> to vector<16xf32>
    %swap3A_1539 = vector.shape_cast %get3A_1377 : vector<16xf32> to vector<1x16xf32>
    tpu.vector_store %arg5[%swap3A_1535, %swap3A_1536], %swap3A_1539 {strides = array<i32>} : memref<32x512xf32, #tpu.memory_space<vmem>>, vector<1x16xf32>,
    %swap3A_1540 = arith.constant 27 : i32
    %swap3A_1541 = arith.index_cast %swap3A_1540 : i32 to index
    %swap3A_1542 = arith.constant 368 : index
    %swap3A_1543 = tpu.vector_load %arg5[%swap3A_1541, %swap3A_1542] {strides = array<i32>} : memref<32x512xf32, #tpu.memory_space<vmem>>, vector<1x16xf32>,
    %swap3A_1544 = vector.shape_cast %swap3A_1543 : vector<1x16xf32> to vector<16xf32>
    %swap3A_1545 = vector.shape_cast %get3A_1377 : vector<16xf32> to vector<1x16xf32>
    tpu.vector_store %arg5[%swap3A_1541, %swap3A_1542], %swap3A_1545 {strides = array<i32>} : memref<32x512xf32, #tpu.memory_space<vmem>>, vector<1x16xf32>,
    %swap3A_1546 = arith.constant 28 : i32
    %swap3A_1547 = arith.index_cast %swap3A_1546 : i32 to index
    %swap3A_1548 = arith.constant 368 : index
    %swap3A_1549 = tpu.vector_load %arg5[%swap3A_1547, %swap3A_1548] {strides = array<i32>} : memref<32x512xf32, #tpu.memory_space<vmem>>, vector<1x16xf32>,
    %swap3A_1550 = vector.shape_cast %swap3A_1549 : vector<1x16xf32> to vector<16xf32>
    %swap3A_1551 = vector.shape_cast %get3A_1377 : vector<16xf32> to vector<1x16xf32>
    tpu.vector_store %arg5[%swap3A_1547, %swap3A_1548], %swap3A_1551 {strides = array<i32>} : memref<32x512xf32, #tpu.memory_space<vmem>>, vector<1x16xf32>,
    %swap3A_1552 = arith.constant 29 : i32
    %swap3A_1553 = arith.index_cast %swap3A_1552 : i32 to index
    %swap3A_1554 = arith.constant 368 : index
    %swap3A_1555 = tpu.vector_load %arg5[%swap3A_1553, %swap3A_1554] {strides = array<i32>} : memref<32x512xf32, #tpu.memory_space<vmem>>, vector<1x16xf32>,
    %swap3A_1556 = vector.shape_cast %swap3A_1555 : vector<1x16xf32> to vector<16xf32>
    %swap3A_1557 = vector.shape_cast %get3A_1377 : vector<16xf32> to vector<1x16xf32>
    tpu.vector_store %arg5[%swap3A_1553, %swap3A_1554], %swap3A_1557 {strides = array<i32>} : memref<32x512xf32, #tpu.memory_space<vmem>>, vector<1x16xf32>,
    %swap3A_1558 = arith.constant 30 : i32
    %swap3A_1559 = arith.index_cast %swap3A_1558 : i32 to index
    %swap3A_1560 = arith.constant 368 : index
    %swap3A_1561 = tpu.vector_load %arg5[%swap3A_1559, %swap3A_1560] {strides = array<i32>} : memref<32x512xf32, #tpu.memory_space<vmem>>, vector<1x16xf32>,
    %swap3A_1562 = vector.shape_cast %swap3A_1561 : vector<1x16xf32> to vector<16xf32>
    %swap3A_1563 = vector.shape_cast %get3A_1377 : vector<16xf32> to vector<1x16xf32>
    tpu.vector_store %arg5[%swap3A_1559, %swap3A_1560], %swap3A_1563 {strides = array<i32>} : memref<32x512xf32, #tpu.memory_space<vmem>>, vector<1x16xf32>,
    %swap3A_1564 = arith.constant 31 : i32
    %swap3A_1565 = arith.index_cast %swap3A_1564 : i32 to index
    %swap3A_1566 = arith.constant 368 : index
    %swap3A_1567 = tpu.vector_load %arg5[%swap3A_1565, %swap3A_1566] {strides = array<i32>} : memref<32x512xf32, #tpu.memory_space<vmem>>, vector<1x16xf32>,
    %swap3A_1568 = vector.shape_cast %swap3A_1567 : vector<1x16xf32> to vector<16xf32>
    %swap3A_1569 = vector.shape_cast %get3A_1377 : vector<16xf32> to vector<1x16xf32>
    tpu.vector_store %arg5[%swap3A_1565, %swap3A_1566], %swap3A_1569 {strides = array<i32>} : memref<32x512xf32, #tpu.memory_space<vmem>>, vector<1x16xf32>,
    %get3A_1570 = arith.constant 128 : index
    %get3A_1571 = tpu.vector_load %arg6[%get3A_1570] {strides = array<i32>} : memref<256xf32, #tpu.memory_space<vmem>>, vector<16xf32>,
    %get3A_1572 = vector.shape_cast %get3A_1571 : vector<16xf32> to vector<16xf32>
    %swap3A_1573 = arith.constant 0 : i32
    %swap3A_1574 = arith.index_cast %swap3A_1573 : i32 to index
    %swap3A_1575 = arith.constant 384 : index
    %swap3A_1576 = tpu.vector_load %arg5[%swap3A_1574, %swap3A_1575] {strides = array<i32>} : memref<32x512xf32, #tpu.memory_space<vmem>>, vector<1x16xf32>,
    %swap3A_1577 = vector.shape_cast %swap3A_1576 : vector<1x16xf32> to vector<16xf32>
    %swap3A_1578 = vector.shape_cast %get3A_1572 : vector<16xf32> to vector<1x16xf32>
    tpu.vector_store %arg5[%swap3A_1574, %swap3A_1575], %swap3A_1578 {strides = array<i32>} : memref<32x512xf32, #tpu.memory_space<vmem>>, vector<1x16xf32>,
    %swap3A_1579 = arith.constant 1 : i32
    %swap3A_1580 = arith.index_cast %swap3A_1579 : i32 to index
    %swap3A_1581 = arith.constant 384 : index
    %swap3A_1582 = tpu.vector_load %arg5[%swap3A_1580, %swap3A_1581] {strides = array<i32>} : memref<32x512xf32, #tpu.memory_space<vmem>>, vector<1x16xf32>,
    %swap3A_1583 = vector.shape_cast %swap3A_1582 : vector<1x16xf32> to vector<16xf32>
    %swap3A_1584 = vector.shape_cast %get3A_1572 : vector<16xf32> to vector<1x16xf32>
    tpu.vector_store %arg5[%swap3A_1580, %swap3A_1581], %swap3A_1584 {strides = array<i32>} : memref<32x512xf32, #tpu.memory_space<vmem>>, vector<1x16xf32>,
    %swap3A_1585 = arith.constant 2 : i32
    %swap3A_1586 = arith.index_cast %swap3A_1585 : i32 to index
    %swap3A_1587 = arith.constant 384 : index
    %swap3A_1588 = tpu.vector_load %arg5[%swap3A_1586, %swap3A_1587] {strides = array<i32>} : memref<32x512xf32, #tpu.memory_space<vmem>>, vector<1x16xf32>,
    %swap3A_1589 = vector.shape_cast %swap3A_1588 : vector<1x16xf32> to vector<16xf32>
    %swap3A_1590 = vector.shape_cast %get3A_1572 : vector<16xf32> to vector<1x16xf32>
    tpu.vector_store %arg5[%swap3A_1586, %swap3A_1587], %swap3A_1590 {strides = array<i32>} : memref<32x512xf32, #tpu.memory_space<vmem>>, vector<1x16xf32>,
    %swap3A_1591 = arith.constant 3 : i32
    %swap3A_1592 = arith.index_cast %swap3A_1591 : i32 to index
    %swap3A_1593 = arith.constant 384 : index
    %swap3A_1594 = tpu.vector_load %arg5[%swap3A_1592, %swap3A_1593] {strides = array<i32>} : memref<32x512xf32, #tpu.memory_space<vmem>>, vector<1x16xf32>,
    %swap3A_1595 = vector.shape_cast %swap3A_1594 : vector<1x16xf32> to vector<16xf32>
    %swap3A_1596 = vector.shape_cast %get3A_1572 : vector<16xf32> to vector<1x16xf32>
    tpu.vector_store %arg5[%swap3A_1592, %swap3A_1593], %swap3A_1596 {strides = array<i32>} : memref<32x512xf32, #tpu.memory_space<vmem>>, vector<1x16xf32>,
    %swap3A_1597 = arith.constant 4 : i32
    %swap3A_1598 = arith.index_cast %swap3A_1597 : i32 to index
    %swap3A_1599 = arith.constant 384 : index
    %swap3A_1600 = tpu.vector_load %arg5[%swap3A_1598, %swap3A_1599] {strides = array<i32>} : memref<32x512xf32, #tpu.memory_space<vmem>>, vector<1x16xf32>,
    %swap3A_1601 = vector.shape_cast %swap3A_1600 : vector<1x16xf32> to vector<16xf32>
    %swap3A_1602 = vector.shape_cast %get3A_1572 : vector<16xf32> to vector<1x16xf32>
    tpu.vector_store %arg5[%swap3A_1598, %swap3A_1599], %swap3A_1602 {strides = array<i32>} : memref<32x512xf32, #tpu.memory_space<vmem>>, vector<1x16xf32>,
    %swap3A_1603 = arith.constant 5 : i32
    %swap3A_1604 = arith.index_cast %swap3A_1603 : i32 to index
    %swap3A_1605 = arith.constant 384 : index
    %swap3A_1606 = tpu.vector_load %arg5[%swap3A_1604, %swap3A_1605] {strides = array<i32>} : memref<32x512xf32, #tpu.memory_space<vmem>>, vector<1x16xf32>,
    %swap3A_1607 = vector.shape_cast %swap3A_1606 : vector<1x16xf32> to vector<16xf32>
    %swap3A_1608 = vector.shape_cast %get3A_1572 : vector<16xf32> to vector<1x16xf32>
    tpu.vector_store %arg5[%swap3A_1604, %swap3A_1605], %swap3A_1608 {strides = array<i32>} : memref<32x512xf32, #tpu.memory_space<vmem>>, vector<1x16xf32>,
    %swap3A_1609 = arith.constant 6 : i32
    %swap3A_1610 = arith.index_cast %swap3A_1609 : i32 to index
    %swap3A_1611 = arith.constant 384 : index
    %swap3A_1612 = tpu.vector_load %arg5[%swap3A_1610, %swap3A_1611] {strides = array<i32>} : memref<32x512xf32, #tpu.memory_space<vmem>>, vector<1x16xf32>,
    %swap3A_1613 = vector.shape_cast %swap3A_1612 : vector<1x16xf32> to vector<16xf32>
    %swap3A_1614 = vector.shape_cast %get3A_1572 : vector<16xf32> to vector<1x16xf32>
    tpu.vector_store %arg5[%swap3A_1610, %swap3A_1611], %swap3A_1614 {strides = array<i32>} : memref<32x512xf32, #tpu.memory_space<vmem>>, vector<1x16xf32>,
    %swap3A_1615 = arith.constant 7 : i32
    %swap3A_1616 = arith.index_cast %swap3A_1615 : i32 to index
    %swap3A_1617 = arith.constant 384 : index
    %swap3A_1618 = tpu.vector_load %arg5[%swap3A_1616, %swap3A_1617] {strides = array<i32>} : memref<32x512xf32, #tpu.memory_space<vmem>>, vector<1x16xf32>,
    %swap3A_1619 = vector.shape_cast %swap3A_1618 : vector<1x16xf32> to vector<16xf32>
    %swap3A_1620 = vector.shape_cast %get3A_1572 : vector<16xf32> to vector<1x16xf32>
    tpu.vector_store %arg5[%swap3A_1616, %swap3A_1617], %swap3A_1620 {strides = array<i32>} : memref<32x512xf32, #tpu.memory_space<vmem>>, vector<1x16xf32>,
    %swap3A_1621 = arith.constant 8 : i32
    %swap3A_1622 = arith.index_cast %swap3A_1621 : i32 to index
    %swap3A_1623 = arith.constant 384 : index
    %swap3A_1624 = tpu.vector_load %arg5[%swap3A_1622, %swap3A_1623] {strides = array<i32>} : memref<32x512xf32, #tpu.memory_space<vmem>>, vector<1x16xf32>,
    %swap3A_1625 = vector.shape_cast %swap3A_1624 : vector<1x16xf32> to vector<16xf32>
    %swap3A_1626 = vector.shape_cast %get3A_1572 : vector<16xf32> to vector<1x16xf32>
    tpu.vector_store %arg5[%swap3A_1622, %swap3A_1623], %swap3A_1626 {strides = array<i32>} : memref<32x512xf32, #tpu.memory_space<vmem>>, vector<1x16xf32>,
    %swap3A_1627 = arith.constant 9 : i32
    %swap3A_1628 = arith.index_cast %swap3A_1627 : i32 to index
    %swap3A_1629 = arith.constant 384 : index
    %swap3A_1630 = tpu.vector_load %arg5[%swap3A_1628, %swap3A_1629] {strides = array<i32>} : memref<32x512xf32, #tpu.memory_space<vmem>>, vector<1x16xf32>,
    %swap3A_1631 = vector.shape_cast %swap3A_1630 : vector<1x16xf32> to vector<16xf32>
    %swap3A_1632 = vector.shape_cast %get3A_1572 : vector<16xf32> to vector<1x16xf32>
    tpu.vector_store %arg5[%swap3A_1628, %swap3A_1629], %swap3A_1632 {strides = array<i32>} : memref<32x512xf32, #tpu.memory_space<vmem>>, vector<1x16xf32>,
    %swap3A_1633 = arith.constant 10 : i32
    %swap3A_1634 = arith.index_cast %swap3A_1633 : i32 to index
    %swap3A_1635 = arith.constant 384 : index
    %swap3A_1636 = tpu.vector_load %arg5[%swap3A_1634, %swap3A_1635] {strides = array<i32>} : memref<32x512xf32, #tpu.memory_space<vmem>>, vector<1x16xf32>,
    %swap3A_1637 = vector.shape_cast %swap3A_1636 : vector<1x16xf32> to vector<16xf32>
    %swap3A_1638 = vector.shape_cast %get3A_1572 : vector<16xf32> to vector<1x16xf32>
    tpu.vector_store %arg5[%swap3A_1634, %swap3A_1635], %swap3A_1638 {strides = array<i32>} : memref<32x512xf32, #tpu.memory_space<vmem>>, vector<1x16xf32>,
    %swap3A_1639 = arith.constant 11 : i32
    %swap3A_1640 = arith.index_cast %swap3A_1639 : i32 to index
    %swap3A_1641 = arith.constant 384 : index
    %swap3A_1642 = tpu.vector_load %arg5[%swap3A_1640, %swap3A_1641] {strides = array<i32>} : memref<32x512xf32, #tpu.memory_space<vmem>>, vector<1x16xf32>,
    %swap3A_1643 = vector.shape_cast %swap3A_1642 : vector<1x16xf32> to vector<16xf32>
    %swap3A_1644 = vector.shape_cast %get3A_1572 : vector<16xf32> to vector<1x16xf32>
    tpu.vector_store %arg5[%swap3A_1640, %swap3A_1641], %swap3A_1644 {strides = array<i32>} : memref<32x512xf32, #tpu.memory_space<vmem>>, vector<1x16xf32>,
    %swap3A_1645 = arith.constant 12 : i32
    %swap3A_1646 = arith.index_cast %swap3A_1645 : i32 to index
    %swap3A_1647 = arith.constant 384 : index
    %swap3A_1648 = tpu.vector_load %arg5[%swap3A_1646, %swap3A_1647] {strides = array<i32>} : memref<32x512xf32, #tpu.memory_space<vmem>>, vector<1x16xf32>,
    %swap3A_1649 = vector.shape_cast %swap3A_1648 : vector<1x16xf32> to vector<16xf32>
    %swap3A_1650 = vector.shape_cast %get3A_1572 : vector<16xf32> to vector<1x16xf32>
    tpu.vector_store %arg5[%swap3A_1646, %swap3A_1647], %swap3A_1650 {strides = array<i32>} : memref<32x512xf32, #tpu.memory_space<vmem>>, vector<1x16xf32>,
    %swap3A_1651 = arith.constant 13 : i32
    %swap3A_1652 = arith.index_cast %swap3A_1651 : i32 to index
    %swap3A_1653 = arith.constant 384 : index
    %swap3A_1654 = tpu.vector_load %arg5[%swap3A_1652, %swap3A_1653] {strides = array<i32>} : memref<32x512xf32, #tpu.memory_space<vmem>>, vector<1x16xf32>,
    %swap3A_1655 = vector.shape_cast %swap3A_1654 : vector<1x16xf32> to vector<16xf32>
    %swap3A_1656 = vector.shape_cast %get3A_1572 : vector<16xf32> to vector<1x16xf32>
    tpu.vector_store %arg5[%swap3A_1652, %swap3A_1653], %swap3A_1656 {strides = array<i32>} : memref<32x512xf32, #tpu.memory_space<vmem>>, vector<1x16xf32>,
    %swap3A_1657 = arith.constant 14 : i32
    %swap3A_1658 = arith.index_cast %swap3A_1657 : i32 to index
    %swap3A_1659 = arith.constant 384 : index
    %swap3A_1660 = tpu.vector_load %arg5[%swap3A_1658, %swap3A_1659] {strides = array<i32>} : memref<32x512xf32, #tpu.memory_space<vmem>>, vector<1x16xf32>,
    %swap3A_1661 = vector.shape_cast %swap3A_1660 : vector<1x16xf32> to vector<16xf32>
    %swap3A_1662 = vector.shape_cast %get3A_1572 : vector<16xf32> to vector<1x16xf32>
    tpu.vector_store %arg5[%swap3A_1658, %swap3A_1659], %swap3A_1662 {strides = array<i32>} : memref<32x512xf32, #tpu.memory_space<vmem>>, vector<1x16xf32>,
    %swap3A_1663 = arith.constant 15 : i32
    %swap3A_1664 = arith.index_cast %swap3A_1663 : i32 to index
    %swap3A_1665 = arith.constant 384 : index
    %swap3A_1666 = tpu.vector_load %arg5[%swap3A_1664, %swap3A_1665] {strides = array<i32>} : memref<32x512xf32, #tpu.memory_space<vmem>>, vector<1x16xf32>,
    %swap3A_1667 = vector.shape_cast %swap3A_1666 : vector<1x16xf32> to vector<16xf32>
    %swap3A_1668 = vector.shape_cast %get3A_1572 : vector<16xf32> to vector<1x16xf32>
    tpu.vector_store %arg5[%swap3A_1664, %swap3A_1665], %swap3A_1668 {strides = array<i32>} : memref<32x512xf32, #tpu.memory_space<vmem>>, vector<1x16xf32>,
    %swap3A_1669 = arith.constant 16 : i32
    %swap3A_1670 = arith.index_cast %swap3A_1669 : i32 to index
    %swap3A_1671 = arith.constant 384 : index
    %swap3A_1672 = tpu.vector_load %arg5[%swap3A_1670, %swap3A_1671] {strides = array<i32>} : memref<32x512xf32, #tpu.memory_space<vmem>>, vector<1x16xf32>,
    %swap3A_1673 = vector.shape_cast %swap3A_1672 : vector<1x16xf32> to vector<16xf32>
    %swap3A_1674 = vector.shape_cast %get3A_1572 : vector<16xf32> to vector<1x16xf32>
    tpu.vector_store %arg5[%swap3A_1670, %swap3A_1671], %swap3A_1674 {strides = array<i32>} : memref<32x512xf32, #tpu.memory_space<vmem>>, vector<1x16xf32>,
    %swap3A_1675 = arith.constant 17 : i32
    %swap3A_1676 = arith.index_cast %swap3A_1675 : i32 to index
    %swap3A_1677 = arith.constant 384 : index
    %swap3A_1678 = tpu.vector_load %arg5[%swap3A_1676, %swap3A_1677] {strides = array<i32>} : memref<32x512xf32, #tpu.memory_space<vmem>>, vector<1x16xf32>,
    %swap3A_1679 = vector.shape_cast %swap3A_1678 : vector<1x16xf32> to vector<16xf32>
    %swap3A_1680 = vector.shape_cast %get3A_1572 : vector<16xf32> to vector<1x16xf32>
    tpu.vector_store %arg5[%swap3A_1676, %swap3A_1677], %swap3A_1680 {strides = array<i32>} : memref<32x512xf32, #tpu.memory_space<vmem>>, vector<1x16xf32>,
    %swap3A_1681 = arith.constant 18 : i32
    %swap3A_1682 = arith.index_cast %swap3A_1681 : i32 to index
    %swap3A_1683 = arith.constant 384 : index
    %swap3A_1684 = tpu.vector_load %arg5[%swap3A_1682, %swap3A_1683] {strides = array<i32>} : memref<32x512xf32, #tpu.memory_space<vmem>>, vector<1x16xf32>,
    %swap3A_1685 = vector.shape_cast %swap3A_1684 : vector<1x16xf32> to vector<16xf32>
    %swap3A_1686 = vector.shape_cast %get3A_1572 : vector<16xf32> to vector<1x16xf32>
    tpu.vector_store %arg5[%swap3A_1682, %swap3A_1683], %swap3A_1686 {strides = array<i32>} : memref<32x512xf32, #tpu.memory_space<vmem>>, vector<1x16xf32>,
    %swap3A_1687 = arith.constant 19 : i32
    %swap3A_1688 = arith.index_cast %swap3A_1687 : i32 to index
    %swap3A_1689 = arith.constant 384 : index
    %swap3A_1690 = tpu.vector_load %arg5[%swap3A_1688, %swap3A_1689] {strides = array<i32>} : memref<32x512xf32, #tpu.memory_space<vmem>>, vector<1x16xf32>,
    %swap3A_1691 = vector.shape_cast %swap3A_1690 : vector<1x16xf32> to vector<16xf32>
    %swap3A_1692 = vector.shape_cast %get3A_1572 : vector<16xf32> to vector<1x16xf32>
    tpu.vector_store %arg5[%swap3A_1688, %swap3A_1689], %swap3A_1692 {strides = array<i32>} : memref<32x512xf32, #tpu.memory_space<vmem>>, vector<1x16xf32>,
    %swap3A_1693 = arith.constant 20 : i32
    %swap3A_1694 = arith.index_cast %swap3A_1693 : i32 to index
    %swap3A_1695 = arith.constant 384 : index
    %swap3A_1696 = tpu.vector_load %arg5[%swap3A_1694, %swap3A_1695] {strides = array<i32>} : memref<32x512xf32, #tpu.memory_space<vmem>>, vector<1x16xf32>,
    %swap3A_1697 = vector.shape_cast %swap3A_1696 : vector<1x16xf32> to vector<16xf32>
    %swap3A_1698 = vector.shape_cast %get3A_1572 : vector<16xf32> to vector<1x16xf32>
    tpu.vector_store %arg5[%swap3A_1694, %swap3A_1695], %swap3A_1698 {strides = array<i32>} : memref<32x512xf32, #tpu.memory_space<vmem>>, vector<1x16xf32>,
    %swap3A_1699 = arith.constant 21 : i32
    %swap3A_1700 = arith.index_cast %swap3A_1699 : i32 to index
    %swap3A_1701 = arith.constant 384 : index
    %swap3A_1702 = tpu.vector_load %arg5[%swap3A_1700, %swap3A_1701] {strides = array<i32>} : memref<32x512xf32, #tpu.memory_space<vmem>>, vector<1x16xf32>,
    %swap3A_1703 = vector.shape_cast %swap3A_1702 : vector<1x16xf32> to vector<16xf32>
    %swap3A_1704 = vector.shape_cast %get3A_1572 : vector<16xf32> to vector<1x16xf32>
    tpu.vector_store %arg5[%swap3A_1700, %swap3A_1701], %swap3A_1704 {strides = array<i32>} : memref<32x512xf32, #tpu.memory_space<vmem>>, vector<1x16xf32>,
    %swap3A_1705 = arith.constant 22 : i32
    %swap3A_1706 = arith.index_cast %swap3A_1705 : i32 to index
    %swap3A_1707 = arith.constant 384 : index
    %swap3A_1708 = tpu.vector_load %arg5[%swap3A_1706, %swap3A_1707] {strides = array<i32>} : memref<32x512xf32, #tpu.memory_space<vmem>>, vector<1x16xf32>,
    %swap3A_1709 = vector.shape_cast %swap3A_1708 : vector<1x16xf32> to vector<16xf32>
    %swap3A_1710 = vector.shape_cast %get3A_1572 : vector<16xf32> to vector<1x16xf32>
    tpu.vector_store %arg5[%swap3A_1706, %swap3A_1707], %swap3A_1710 {strides = array<i32>} : memref<32x512xf32, #tpu.memory_space<vmem>>, vector<1x16xf32>,
    %swap3A_1711 = arith.constant 23 : i32
    %swap3A_1712 = arith.index_cast %swap3A_1711 : i32 to index
    %swap3A_1713 = arith.constant 384 : index
    %swap3A_1714 = tpu.vector_load %arg5[%swap3A_1712, %swap3A_1713] {strides = array<i32>} : memref<32x512xf32, #tpu.memory_space<vmem>>, vector<1x16xf32>,
    %swap3A_1715 = vector.shape_cast %swap3A_1714 : vector<1x16xf32> to vector<16xf32>
    %swap3A_1716 = vector.shape_cast %get3A_1572 : vector<16xf32> to vector<1x16xf32>
    tpu.vector_store %arg5[%swap3A_1712, %swap3A_1713], %swap3A_1716 {strides = array<i32>} : memref<32x512xf32, #tpu.memory_space<vmem>>, vector<1x16xf32>,
    %swap3A_1717 = arith.constant 24 : i32
    %swap3A_1718 = arith.index_cast %swap3A_1717 : i32 to index
    %swap3A_1719 = arith.constant 384 : index
    %swap3A_1720 = tpu.vector_load %arg5[%swap3A_1718, %swap3A_1719] {strides = array<i32>} : memref<32x512xf32, #tpu.memory_space<vmem>>, vector<1x16xf32>,
    %swap3A_1721 = vector.shape_cast %swap3A_1720 : vector<1x16xf32> to vector<16xf32>
    %swap3A_1722 = vector.shape_cast %get3A_1572 : vector<16xf32> to vector<1x16xf32>
    tpu.vector_store %arg5[%swap3A_1718, %swap3A_1719], %swap3A_1722 {strides = array<i32>} : memref<32x512xf32, #tpu.memory_space<vmem>>, vector<1x16xf32>,
    %swap3A_1723 = arith.constant 25 : i32
    %swap3A_1724 = arith.index_cast %swap3A_1723 : i32 to index
    %swap3A_1725 = arith.constant 384 : index
    %swap3A_1726 = tpu.vector_load %arg5[%swap3A_1724, %swap3A_1725] {strides = array<i32>} : memref<32x512xf32, #tpu.memory_space<vmem>>, vector<1x16xf32>,
    %swap3A_1727 = vector.shape_cast %swap3A_1726 : vector<1x16xf32> to vector<16xf32>
    %swap3A_1728 = vector.shape_cast %get3A_1572 : vector<16xf32> to vector<1x16xf32>
    tpu.vector_store %arg5[%swap3A_1724, %swap3A_1725], %swap3A_1728 {strides = array<i32>} : memref<32x512xf32, #tpu.memory_space<vmem>>, vector<1x16xf32>,
    %swap3A_1729 = arith.constant 26 : i32
    %swap3A_1730 = arith.index_cast %swap3A_1729 : i32 to index
    %swap3A_1731 = arith.constant 384 : index
    %swap3A_1732 = tpu.vector_load %arg5[%swap3A_1730, %swap3A_1731] {strides = array<i32>} : memref<32x512xf32, #tpu.memory_space<vmem>>, vector<1x16xf32>,
    %swap3A_1733 = vector.shape_cast %swap3A_1732 : vector<1x16xf32> to vector<16xf32>
    %swap3A_1734 = vector.shape_cast %get3A_1572 : vector<16xf32> to vector<1x16xf32>
    tpu.vector_store %arg5[%swap3A_1730, %swap3A_1731], %swap3A_1734 {strides = array<i32>} : memref<32x512xf32, #tpu.memory_space<vmem>>, vector<1x16xf32>,
    %swap3A_1735 = arith.constant 27 : i32
    %swap3A_1736 = arith.index_cast %swap3A_1735 : i32 to index
    %swap3A_1737 = arith.constant 384 : index
    %swap3A_1738 = tpu.vector_load %arg5[%swap3A_1736, %swap3A_1737] {strides = array<i32>} : memref<32x512xf32, #tpu.memory_space<vmem>>, vector<1x16xf32>,
    %swap3A_1739 = vector.shape_cast %swap3A_1738 : vector<1x16xf32> to vector<16xf32>
    %swap3A_1740 = vector.shape_cast %get3A_1572 : vector<16xf32> to vector<1x16xf32>
    tpu.vector_store %arg5[%swap3A_1736, %swap3A_1737], %swap3A_1740 {strides = array<i32>} : memref<32x512xf32, #tpu.memory_space<vmem>>, vector<1x16xf32>,
    %swap3A_1741 = arith.constant 28 : i32
    %swap3A_1742 = arith.index_cast %swap3A_1741 : i32 to index
    %swap3A_1743 = arith.constant 384 : index
    %swap3A_1744 = tpu.vector_load %arg5[%swap3A_1742, %swap3A_1743] {strides = array<i32>} : memref<32x512xf32, #tpu.memory_space<vmem>>, vector<1x16xf32>,
    %swap3A_1745 = vector.shape_cast %swap3A_1744 : vector<1x16xf32> to vector<16xf32>
    %swap3A_1746 = vector.shape_cast %get3A_1572 : vector<16xf32> to vector<1x16xf32>
    tpu.vector_store %arg5[%swap3A_1742, %swap3A_1743], %swap3A_1746 {strides = array<i32>} : memref<32x512xf32, #tpu.memory_space<vmem>>, vector<1x16xf32>,
    %swap3A_1747 = arith.constant 29 : i32
    %swap3A_1748 = arith.index_cast %swap3A_1747 : i32 to index
    %swap3A_1749 = arith.constant 384 : index
    %swap3A_1750 = tpu.vector_load %arg5[%swap3A_1748, %swap3A_1749] {strides = array<i32>} : memref<32x512xf32, #tpu.memory_space<vmem>>, vector<1x16xf32>,
    %swap3A_1751 = vector.shape_cast %swap3A_1750 : vector<1x16xf32> to vector<16xf32>
    %swap3A_1752 = vector.shape_cast %get3A_1572 : vector<16xf32> to vector<1x16xf32>
    tpu.vector_store %arg5[%swap3A_1748, %swap3A_1749], %swap3A_1752 {strides = array<i32>} : memref<32x512xf32, #tpu.memory_space<vmem>>, vector<1x16xf32>,
    %swap3A_1753 = arith.constant 30 : i32
    %swap3A_1754 = arith.index_cast %swap3A_1753 : i32 to index
    %swap3A_1755 = arith.constant 384 : index
    %swap3A_1756 = tpu.vector_load %arg5[%swap3A_1754, %swap3A_1755] {strides = array<i32>} : memref<32x512xf32, #tpu.memory_space<vmem>>, vector<1x16xf32>,
    %swap3A_1757 = vector.shape_cast %swap3A_1756 : vector<1x16xf32> to vector<16xf32>
    %swap3A_1758 = vector.shape_cast %get3A_1572 : vector<16xf32> to vector<1x16xf32>
    tpu.vector_store %arg5[%swap3A_1754, %swap3A_1755], %swap3A_1758 {strides = array<i32>} : memref<32x512xf32, #tpu.memory_space<vmem>>, vector<1x16xf32>,
    %swap3A_1759 = arith.constant 31 : i32
    %swap3A_1760 = arith.index_cast %swap3A_1759 : i32 to index
    %swap3A_1761 = arith.constant 384 : index
    %swap3A_1762 = tpu.vector_load %arg5[%swap3A_1760, %swap3A_1761] {strides = array<i32>} : memref<32x512xf32, #tpu.memory_space<vmem>>, vector<1x16xf32>,
    %swap3A_1763 = vector.shape_cast %swap3A_1762 : vector<1x16xf32> to vector<16xf32>
    %swap3A_1764 = vector.shape_cast %get3A_1572 : vector<16xf32> to vector<1x16xf32>
    tpu.vector_store %arg5[%swap3A_1760, %swap3A_1761], %swap3A_1764 {strides = array<i32>} : memref<32x512xf32, #tpu.memory_space<vmem>>, vector<1x16xf32>,
    %get3A_1765 = arith.constant 144 : index
    %get3A_1766 = tpu.vector_load %arg6[%get3A_1765] {strides = array<i32>} : memref<256xf32, #tpu.memory_space<vmem>>, vector<16xf32>,
    %get3A_1767 = vector.shape_cast %get3A_1766 : vector<16xf32> to vector<16xf32>
    %swap3A_1768 = arith.constant 0 : i32
    %swap3A_1769 = arith.index_cast %swap3A_1768 : i32 to index
    %swap3A_1770 = arith.constant 400 : index
    %swap3A_1771 = tpu.vector_load %arg5[%swap3A_1769, %swap3A_1770] {strides = array<i32>} : memref<32x512xf32, #tpu.memory_space<vmem>>, vector<1x16xf32>,
    %swap3A_1772 = vector.shape_cast %swap3A_1771 : vector<1x16xf32> to vector<16xf32>
    %swap3A_1773 = vector.shape_cast %get3A_1767 : vector<16xf32> to vector<1x16xf32>
    tpu.vector_store %arg5[%swap3A_1769, %swap3A_1770], %swap3A_1773 {strides = array<i32>} : memref<32x512xf32, #tpu.memory_space<vmem>>, vector<1x16xf32>,
    %swap3A_1774 = arith.constant 1 : i32
    %swap3A_1775 = arith.index_cast %swap3A_1774 : i32 to index
    %swap3A_1776 = arith.constant 400 : index
    %swap3A_1777 = tpu.vector_load %arg5[%swap3A_1775, %swap3A_1776] {strides = array<i32>} : memref<32x512xf32, #tpu.memory_space<vmem>>, vector<1x16xf32>,
    %swap3A_1778 = vector.shape_cast %swap3A_1777 : vector<1x16xf32> to vector<16xf32>
    %swap3A_1779 = vector.shape_cast %get3A_1767 : vector<16xf32> to vector<1x16xf32>
    tpu.vector_store %arg5[%swap3A_1775, %swap3A_1776], %swap3A_1779 {strides = array<i32>} : memref<32x512xf32, #tpu.memory_space<vmem>>, vector<1x16xf32>,
    %swap3A_1780 = arith.constant 2 : i32
    %swap3A_1781 = arith.index_cast %swap3A_1780 : i32 to index
    %swap3A_1782 = arith.constant 400 : index
    %swap3A_1783 = tpu.vector_load %arg5[%swap3A_1781, %swap3A_1782] {strides = array<i32>} : memref<32x512xf32, #tpu.memory_space<vmem>>, vector<1x16xf32>,
    %swap3A_1784 = vector.shape_cast %swap3A_1783 : vector<1x16xf32> to vector<16xf32>
    %swap3A_1785 = vector.shape_cast %get3A_1767 : vector<16xf32> to vector<1x16xf32>
    tpu.vector_store %arg5[%swap3A_1781, %swap3A_1782], %swap3A_1785 {strides = array<i32>} : memref<32x512xf32, #tpu.memory_space<vmem>>, vector<1x16xf32>,
    %swap3A_1786 = arith.constant 3 : i32
    %swap3A_1787 = arith.index_cast %swap3A_1786 : i32 to index
    %swap3A_1788 = arith.constant 400 : index
    %swap3A_1789 = tpu.vector_load %arg5[%swap3A_1787, %swap3A_1788] {strides = array<i32>} : memref<32x512xf32, #tpu.memory_space<vmem>>, vector<1x16xf32>,
    %swap3A_1790 = vector.shape_cast %swap3A_1789 : vector<1x16xf32> to vector<16xf32>
    %swap3A_1791 = vector.shape_cast %get3A_1767 : vector<16xf32> to vector<1x16xf32>
    tpu.vector_store %arg5[%swap3A_1787, %swap3A_1788], %swap3A_1791 {strides = array<i32>} : memref<32x512xf32, #tpu.memory_space<vmem>>, vector<1x16xf32>,
    %swap3A_1792 = arith.constant 4 : i32
    %swap3A_1793 = arith.index_cast %swap3A_1792 : i32 to index
    %swap3A_1794 = arith.constant 400 : index
    %swap3A_1795 = tpu.vector_load %arg5[%swap3A_1793, %swap3A_1794] {strides = array<i32>} : memref<32x512xf32, #tpu.memory_space<vmem>>, vector<1x16xf32>,
    %swap3A_1796 = vector.shape_cast %swap3A_1795 : vector<1x16xf32> to vector<16xf32>
    %swap3A_1797 = vector.shape_cast %get3A_1767 : vector<16xf32> to vector<1x16xf32>
    tpu.vector_store %arg5[%swap3A_1793, %swap3A_1794], %swap3A_1797 {strides = array<i32>} : memref<32x512xf32, #tpu.memory_space<vmem>>, vector<1x16xf32>,
    %swap3A_1798 = arith.constant 5 : i32
    %swap3A_1799 = arith.index_cast %swap3A_1798 : i32 to index
    %swap3A_1800 = arith.constant 400 : index
    %swap3A_1801 = tpu.vector_load %arg5[%swap3A_1799, %swap3A_1800] {strides = array<i32>} : memref<32x512xf32, #tpu.memory_space<vmem>>, vector<1x16xf32>,
    %swap3A_1802 = vector.shape_cast %swap3A_1801 : vector<1x16xf32> to vector<16xf32>
    %swap3A_1803 = vector.shape_cast %get3A_1767 : vector<16xf32> to vector<1x16xf32>
    tpu.vector_store %arg5[%swap3A_1799, %swap3A_1800], %swap3A_1803 {strides = array<i32>} : memref<32x512xf32, #tpu.memory_space<vmem>>, vector<1x16xf32>,
    %swap3A_1804 = arith.constant 6 : i32
    %swap3A_1805 = arith.index_cast %swap3A_1804 : i32 to index
    %swap3A_1806 = arith.constant 400 : index
    %swap3A_1807 = tpu.vector_load %arg5[%swap3A_1805, %swap3A_1806] {strides = array<i32>} : memref<32x512xf32, #tpu.memory_space<vmem>>, vector<1x16xf32>,
    %swap3A_1808 = vector.shape_cast %swap3A_1807 : vector<1x16xf32> to vector<16xf32>
    %swap3A_1809 = vector.shape_cast %get3A_1767 : vector<16xf32> to vector<1x16xf32>
    tpu.vector_store %arg5[%swap3A_1805, %swap3A_1806], %swap3A_1809 {strides = array<i32>} : memref<32x512xf32, #tpu.memory_space<vmem>>, vector<1x16xf32>,
    %swap3A_1810 = arith.constant 7 : i32
    %swap3A_1811 = arith.index_cast %swap3A_1810 : i32 to index
    %swap3A_1812 = arith.constant 400 : index
    %swap3A_1813 = tpu.vector_load %arg5[%swap3A_1811, %swap3A_1812] {strides = array<i32>} : memref<32x512xf32, #tpu.memory_space<vmem>>, vector<1x16xf32>,
    %swap3A_1814 = vector.shape_cast %swap3A_1813 : vector<1x16xf32> to vector<16xf32>
    %swap3A_1815 = vector.shape_cast %get3A_1767 : vector<16xf32> to vector<1x16xf32>
    tpu.vector_store %arg5[%swap3A_1811, %swap3A_1812], %swap3A_1815 {strides = array<i32>} : memref<32x512xf32, #tpu.memory_space<vmem>>, vector<1x16xf32>,
    %swap3A_1816 = arith.constant 8 : i32
    %swap3A_1817 = arith.index_cast %swap3A_1816 : i32 to index
    %swap3A_1818 = arith.constant 400 : index
    %swap3A_1819 = tpu.vector_load %arg5[%swap3A_1817, %swap3A_1818] {strides = array<i32>} : memref<32x512xf32, #tpu.memory_space<vmem>>, vector<1x16xf32>,
    %swap3A_1820 = vector.shape_cast %swap3A_1819 : vector<1x16xf32> to vector<16xf32>
    %swap3A_1821 = vector.shape_cast %get3A_1767 : vector<16xf32> to vector<1x16xf32>
    tpu.vector_store %arg5[%swap3A_1817, %swap3A_1818], %swap3A_1821 {strides = array<i32>} : memref<32x512xf32, #tpu.memory_space<vmem>>, vector<1x16xf32>,
    %swap3A_1822 = arith.constant 9 : i32
    %swap3A_1823 = arith.index_cast %swap3A_1822 : i32 to index
    %swap3A_1824 = arith.constant 400 : index
    %swap3A_1825 = tpu.vector_load %arg5[%swap3A_1823, %swap3A_1824] {strides = array<i32>} : memref<32x512xf32, #tpu.memory_space<vmem>>, vector<1x16xf32>,
    %swap3A_1826 = vector.shape_cast %swap3A_1825 : vector<1x16xf32> to vector<16xf32>
    %swap3A_1827 = vector.shape_cast %get3A_1767 : vector<16xf32> to vector<1x16xf32>
    tpu.vector_store %arg5[%swap3A_1823, %swap3A_1824], %swap3A_1827 {strides = array<i32>} : memref<32x512xf32, #tpu.memory_space<vmem>>, vector<1x16xf32>,
    %swap3A_1828 = arith.constant 10 : i32
    %swap3A_1829 = arith.index_cast %swap3A_1828 : i32 to index
    %swap3A_1830 = arith.constant 400 : index
    %swap3A_1831 = tpu.vector_load %arg5[%swap3A_1829, %swap3A_1830] {strides = array<i32>} : memref<32x512xf32, #tpu.memory_space<vmem>>, vector<1x16xf32>,
    %swap3A_1832 = vector.shape_cast %swap3A_1831 : vector<1x16xf32> to vector<16xf32>
    %swap3A_1833 = vector.shape_cast %get3A_1767 : vector<16xf32> to vector<1x16xf32>
    tpu.vector_store %arg5[%swap3A_1829, %swap3A_1830], %swap3A_1833 {strides = array<i32>} : memref<32x512xf32, #tpu.memory_space<vmem>>, vector<1x16xf32>,
    %swap3A_1834 = arith.constant 11 : i32
    %swap3A_1835 = arith.index_cast %swap3A_1834 : i32 to index
    %swap3A_1836 = arith.constant 400 : index
    %swap3A_1837 = tpu.vector_load %arg5[%swap3A_1835, %swap3A_1836] {strides = array<i32>} : memref<32x512xf32, #tpu.memory_space<vmem>>, vector<1x16xf32>,
    %swap3A_1838 = vector.shape_cast %swap3A_1837 : vector<1x16xf32> to vector<16xf32>
    %swap3A_1839 = vector.shape_cast %get3A_1767 : vector<16xf32> to vector<1x16xf32>
    tpu.vector_store %arg5[%swap3A_1835, %swap3A_1836], %swap3A_1839 {strides = array<i32>} : memref<32x512xf32, #tpu.memory_space<vmem>>, vector<1x16xf32>,
    %swap3A_1840 = arith.constant 12 : i32
    %swap3A_1841 = arith.index_cast %swap3A_1840 : i32 to index
    %swap3A_1842 = arith.constant 400 : index
    %swap3A_1843 = tpu.vector_load %arg5[%swap3A_1841, %swap3A_1842] {strides = array<i32>} : memref<32x512xf32, #tpu.memory_space<vmem>>, vector<1x16xf32>,
    %swap3A_1844 = vector.shape_cast %swap3A_1843 : vector<1x16xf32> to vector<16xf32>
    %swap3A_1845 = vector.shape_cast %get3A_1767 : vector<16xf32> to vector<1x16xf32>
    tpu.vector_store %arg5[%swap3A_1841, %swap3A_1842], %swap3A_1845 {strides = array<i32>} : memref<32x512xf32, #tpu.memory_space<vmem>>, vector<1x16xf32>,
    %swap3A_1846 = arith.constant 13 : i32
    %swap3A_1847 = arith.index_cast %swap3A_1846 : i32 to index
    %swap3A_1848 = arith.constant 400 : index
    %swap3A_1849 = tpu.vector_load %arg5[%swap3A_1847, %swap3A_1848] {strides = array<i32>} : memref<32x512xf32, #tpu.memory_space<vmem>>, vector<1x16xf32>,
    %swap3A_1850 = vector.shape_cast %swap3A_1849 : vector<1x16xf32> to vector<16xf32>
    %swap3A_1851 = vector.shape_cast %get3A_1767 : vector<16xf32> to vector<1x16xf32>
    tpu.vector_store %arg5[%swap3A_1847, %swap3A_1848], %swap3A_1851 {strides = array<i32>} : memref<32x512xf32, #tpu.memory_space<vmem>>, vector<1x16xf32>,
    %swap3A_1852 = arith.constant 14 : i32
    %swap3A_1853 = arith.index_cast %swap3A_1852 : i32 to index
    %swap3A_1854 = arith.constant 400 : index
    %swap3A_1855 = tpu.vector_load %arg5[%swap3A_1853, %swap3A_1854] {strides = array<i32>} : memref<32x512xf32, #tpu.memory_space<vmem>>, vector<1x16xf32>,
    %swap3A_1856 = vector.shape_cast %swap3A_1855 : vector<1x16xf32> to vector<16xf32>
    %swap3A_1857 = vector.shape_cast %get3A_1767 : vector<16xf32> to vector<1x16xf32>
    tpu.vector_store %arg5[%swap3A_1853, %swap3A_1854], %swap3A_1857 {strides = array<i32>} : memref<32x512xf32, #tpu.memory_space<vmem>>, vector<1x16xf32>,
    %swap3A_1858 = arith.constant 15 : i32
    %swap3A_1859 = arith.index_cast %swap3A_1858 : i32 to index
    %swap3A_1860 = arith.constant 400 : index
    %swap3A_1861 = tpu.vector_load %arg5[%swap3A_1859, %swap3A_1860] {strides = array<i32>} : memref<32x512xf32, #tpu.memory_space<vmem>>, vector<1x16xf32>,
    %swap3A_1862 = vector.shape_cast %swap3A_1861 : vector<1x16xf32> to vector<16xf32>
    %swap3A_1863 = vector.shape_cast %get3A_1767 : vector<16xf32> to vector<1x16xf32>
    tpu.vector_store %arg5[%swap3A_1859, %swap3A_1860], %swap3A_1863 {strides = array<i32>} : memref<32x512xf32, #tpu.memory_space<vmem>>, vector<1x16xf32>,
    %swap3A_1864 = arith.constant 16 : i32
    %swap3A_1865 = arith.index_cast %swap3A_1864 : i32 to index
    %swap3A_1866 = arith.constant 400 : index
    %swap3A_1867 = tpu.vector_load %arg5[%swap3A_1865, %swap3A_1866] {strides = array<i32>} : memref<32x512xf32, #tpu.memory_space<vmem>>, vector<1x16xf32>,
    %swap3A_1868 = vector.shape_cast %swap3A_1867 : vector<1x16xf32> to vector<16xf32>
    %swap3A_1869 = vector.shape_cast %get3A_1767 : vector<16xf32> to vector<1x16xf32>
    tpu.vector_store %arg5[%swap3A_1865, %swap3A_1866], %swap3A_1869 {strides = array<i32>} : memref<32x512xf32, #tpu.memory_space<vmem>>, vector<1x16xf32>,
    %swap3A_1870 = arith.constant 17 : i32
    %swap3A_1871 = arith.index_cast %swap3A_1870 : i32 to index
    %swap3A_1872 = arith.constant 400 : index
    %swap3A_1873 = tpu.vector_load %arg5[%swap3A_1871, %swap3A_1872] {strides = array<i32>} : memref<32x512xf32, #tpu.memory_space<vmem>>, vector<1x16xf32>,
    %swap3A_1874 = vector.shape_cast %swap3A_1873 : vector<1x16xf32> to vector<16xf32>
    %swap3A_1875 = vector.shape_cast %get3A_1767 : vector<16xf32> to vector<1x16xf32>
    tpu.vector_store %arg5[%swap3A_1871, %swap3A_1872], %swap3A_1875 {strides = array<i32>} : memref<32x512xf32, #tpu.memory_space<vmem>>, vector<1x16xf32>,
    %swap3A_1876 = arith.constant 18 : i32
    %swap3A_1877 = arith.index_cast %swap3A_1876 : i32 to index
    %swap3A_1878 = arith.constant 400 : index
    %swap3A_1879 = tpu.vector_load %arg5[%swap3A_1877, %swap3A_1878] {strides = array<i32>} : memref<32x512xf32, #tpu.memory_space<vmem>>, vector<1x16xf32>,
    %swap3A_1880 = vector.shape_cast %swap3A_1879 : vector<1x16xf32> to vector<16xf32>
    %swap3A_1881 = vector.shape_cast %get3A_1767 : vector<16xf32> to vector<1x16xf32>
    tpu.vector_store %arg5[%swap3A_1877, %swap3A_1878], %swap3A_1881 {strides = array<i32>} : memref<32x512xf32, #tpu.memory_space<vmem>>, vector<1x16xf32>,
    %swap3A_1882 = arith.constant 19 : i32
    %swap3A_1883 = arith.index_cast %swap3A_1882 : i32 to index
    %swap3A_1884 = arith.constant 400 : index
    %swap3A_1885 = tpu.vector_load %arg5[%swap3A_1883, %swap3A_1884] {strides = array<i32>} : memref<32x512xf32, #tpu.memory_space<vmem>>, vector<1x16xf32>,
    %swap3A_1886 = vector.shape_cast %swap3A_1885 : vector<1x16xf32> to vector<16xf32>
    %swap3A_1887 = vector.shape_cast %get3A_1767 : vector<16xf32> to vector<1x16xf32>
    tpu.vector_store %arg5[%swap3A_1883, %swap3A_1884], %swap3A_1887 {strides = array<i32>} : memref<32x512xf32, #tpu.memory_space<vmem>>, vector<1x16xf32>,
    %swap3A_1888 = arith.constant 20 : i32
    %swap3A_1889 = arith.index_cast %swap3A_1888 : i32 to index
    %swap3A_1890 = arith.constant 400 : index
    %swap3A_1891 = tpu.vector_load %arg5[%swap3A_1889, %swap3A_1890] {strides = array<i32>} : memref<32x512xf32, #tpu.memory_space<vmem>>, vector<1x16xf32>,
    %swap3A_1892 = vector.shape_cast %swap3A_1891 : vector<1x16xf32> to vector<16xf32>
    %swap3A_1893 = vector.shape_cast %get3A_1767 : vector<16xf32> to vector<1x16xf32>
    tpu.vector_store %arg5[%swap3A_1889, %swap3A_1890], %swap3A_1893 {strides = array<i32>} : memref<32x512xf32, #tpu.memory_space<vmem>>, vector<1x16xf32>,
    %swap3A_1894 = arith.constant 21 : i32
    %swap3A_1895 = arith.index_cast %swap3A_1894 : i32 to index
    %swap3A_1896 = arith.constant 400 : index
    %swap3A_1897 = tpu.vector_load %arg5[%swap3A_1895, %swap3A_1896] {strides = array<i32>} : memref<32x512xf32, #tpu.memory_space<vmem>>, vector<1x16xf32>,
    %swap3A_1898 = vector.shape_cast %swap3A_1897 : vector<1x16xf32> to vector<16xf32>
    %swap3A_1899 = vector.shape_cast %get3A_1767 : vector<16xf32> to vector<1x16xf32>
    tpu.vector_store %arg5[%swap3A_1895, %swap3A_1896], %swap3A_1899 {strides = array<i32>} : memref<32x512xf32, #tpu.memory_space<vmem>>, vector<1x16xf32>,
    %swap3A_1900 = arith.constant 22 : i32
    %swap3A_1901 = arith.index_cast %swap3A_1900 : i32 to index
    %swap3A_1902 = arith.constant 400 : index
    %swap3A_1903 = tpu.vector_load %arg5[%swap3A_1901, %swap3A_1902] {strides = array<i32>} : memref<32x512xf32, #tpu.memory_space<vmem>>, vector<1x16xf32>,
    %swap3A_1904 = vector.shape_cast %swap3A_1903 : vector<1x16xf32> to vector<16xf32>
    %swap3A_1905 = vector.shape_cast %get3A_1767 : vector<16xf32> to vector<1x16xf32>
    tpu.vector_store %arg5[%swap3A_1901, %swap3A_1902], %swap3A_1905 {strides = array<i32>} : memref<32x512xf32, #tpu.memory_space<vmem>>, vector<1x16xf32>,
    %swap3A_1906 = arith.constant 23 : i32
    %swap3A_1907 = arith.index_cast %swap3A_1906 : i32 to index
    %swap3A_1908 = arith.constant 400 : index
    %swap3A_1909 = tpu.vector_load %arg5[%swap3A_1907, %swap3A_1908] {strides = array<i32>} : memref<32x512xf32, #tpu.memory_space<vmem>>, vector<1x16xf32>,
    %swap3A_1910 = vector.shape_cast %swap3A_1909 : vector<1x16xf32> to vector<16xf32>
    %swap3A_1911 = vector.shape_cast %get3A_1767 : vector<16xf32> to vector<1x16xf32>
    tpu.vector_store %arg5[%swap3A_1907, %swap3A_1908], %swap3A_1911 {strides = array<i32>} : memref<32x512xf32, #tpu.memory_space<vmem>>, vector<1x16xf32>,
    %swap3A_1912 = arith.constant 24 : i32
    %swap3A_1913 = arith.index_cast %swap3A_1912 : i32 to index
    %swap3A_1914 = arith.constant 400 : index
    %swap3A_1915 = tpu.vector_load %arg5[%swap3A_1913, %swap3A_1914] {strides = array<i32>} : memref<32x512xf32, #tpu.memory_space<vmem>>, vector<1x16xf32>,
    %swap3A_1916 = vector.shape_cast %swap3A_1915 : vector<1x16xf32> to vector<16xf32>
    %swap3A_1917 = vector.shape_cast %get3A_1767 : vector<16xf32> to vector<1x16xf32>
    tpu.vector_store %arg5[%swap3A_1913, %swap3A_1914], %swap3A_1917 {strides = array<i32>} : memref<32x512xf32, #tpu.memory_space<vmem>>, vector<1x16xf32>,
    %swap3A_1918 = arith.constant 25 : i32
    %swap3A_1919 = arith.index_cast %swap3A_1918 : i32 to index
    %swap3A_1920 = arith.constant 400 : index
    %swap3A_1921 = tpu.vector_load %arg5[%swap3A_1919, %swap3A_1920] {strides = array<i32>} : memref<32x512xf32, #tpu.memory_space<vmem>>, vector<1x16xf32>,
    %swap3A_1922 = vector.shape_cast %swap3A_1921 : vector<1x16xf32> to vector<16xf32>
    %swap3A_1923 = vector.shape_cast %get3A_1767 : vector<16xf32> to vector<1x16xf32>
    tpu.vector_store %arg5[%swap3A_1919, %swap3A_1920], %swap3A_1923 {strides = array<i32>} : memref<32x512xf32, #tpu.memory_space<vmem>>, vector<1x16xf32>,
    %swap3A_1924 = arith.constant 26 : i32
    %swap3A_1925 = arith.index_cast %swap3A_1924 : i32 to index
    %swap3A_1926 = arith.constant 400 : index
    %swap3A_1927 = tpu.vector_load %arg5[%swap3A_1925, %swap3A_1926] {strides = array<i32>} : memref<32x512xf32, #tpu.memory_space<vmem>>, vector<1x16xf32>,
    %swap3A_1928 = vector.shape_cast %swap3A_1927 : vector<1x16xf32> to vector<16xf32>
    %swap3A_1929 = vector.shape_cast %get3A_1767 : vector<16xf32> to vector<1x16xf32>
    tpu.vector_store %arg5[%swap3A_1925, %swap3A_1926], %swap3A_1929 {strides = array<i32>} : memref<32x512xf32, #tpu.memory_space<vmem>>, vector<1x16xf32>,
    %swap3A_1930 = arith.constant 27 : i32
    %swap3A_1931 = arith.index_cast %swap3A_1930 : i32 to index
    %swap3A_1932 = arith.constant 400 : index
    %swap3A_1933 = tpu.vector_load %arg5[%swap3A_1931, %swap3A_1932] {strides = array<i32>} : memref<32x512xf32, #tpu.memory_space<vmem>>, vector<1x16xf32>,
    %swap3A_1934 = vector.shape_cast %swap3A_1933 : vector<1x16xf32> to vector<16xf32>
    %swap3A_1935 = vector.shape_cast %get3A_1767 : vector<16xf32> to vector<1x16xf32>
    tpu.vector_store %arg5[%swap3A_1931, %swap3A_1932], %swap3A_1935 {strides = array<i32>} : memref<32x512xf32, #tpu.memory_space<vmem>>, vector<1x16xf32>,
    %swap3A_1936 = arith.constant 28 : i32
    %swap3A_1937 = arith.index_cast %swap3A_1936 : i32 to index
    %swap3A_1938 = arith.constant 400 : index
    %swap3A_1939 = tpu.vector_load %arg5[%swap3A_1937, %swap3A_1938] {strides = array<i32>} : memref<32x512xf32, #tpu.memory_space<vmem>>, vector<1x16xf32>,
    %swap3A_1940 = vector.shape_cast %swap3A_1939 : vector<1x16xf32> to vector<16xf32>
    %swap3A_1941 = vector.shape_cast %get3A_1767 : vector<16xf32> to vector<1x16xf32>
    tpu.vector_store %arg5[%swap3A_1937, %swap3A_1938], %swap3A_1941 {strides = array<i32>} : memref<32x512xf32, #tpu.memory_space<vmem>>, vector<1x16xf32>,
    %swap3A_1942 = arith.constant 29 : i32
    %swap3A_1943 = arith.index_cast %swap3A_1942 : i32 to index
    %swap3A_1944 = arith.constant 400 : index
    %swap3A_1945 = tpu.vector_load %arg5[%swap3A_1943, %swap3A_1944] {strides = array<i32>} : memref<32x512xf32, #tpu.memory_space<vmem>>, vector<1x16xf32>,
    %swap3A_1946 = vector.shape_cast %swap3A_1945 : vector<1x16xf32> to vector<16xf32>
    %swap3A_1947 = vector.shape_cast %get3A_1767 : vector<16xf32> to vector<1x16xf32>
    tpu.vector_store %arg5[%swap3A_1943, %swap3A_1944], %swap3A_1947 {strides = array<i32>} : memref<32x512xf32, #tpu.memory_space<vmem>>, vector<1x16xf32>,
    %swap3A_1948 = arith.constant 30 : i32
    %swap3A_1949 = arith.index_cast %swap3A_1948 : i32 to index
    %swap3A_1950 = arith.constant 400 : index
    %swap3A_1951 = tpu.vector_load %arg5[%swap3A_1949, %swap3A_1950] {strides = array<i32>} : memref<32x512xf32, #tpu.memory_space<vmem>>, vector<1x16xf32>,
    %swap3A_1952 = vector.shape_cast %swap3A_1951 : vector<1x16xf32> to vector<16xf32>
    %swap3A_1953 = vector.shape_cast %get3A_1767 : vector<16xf32> to vector<1x16xf32>
    tpu.vector_store %arg5[%swap3A_1949, %swap3A_1950], %swap3A_1953 {strides = array<i32>} : memref<32x512xf32, #tpu.memory_space<vmem>>, vector<1x16xf32>,
    %swap3A_1954 = arith.constant 31 : i32
    %swap3A_1955 = arith.index_cast %swap3A_1954 : i32 to index
    %swap3A_1956 = arith.constant 400 : index
    %swap3A_1957 = tpu.vector_load %arg5[%swap3A_1955, %swap3A_1956] {strides = array<i32>} : memref<32x512xf32, #tpu.memory_space<vmem>>, vector<1x16xf32>,
    %swap3A_1958 = vector.shape_cast %swap3A_1957 : vector<1x16xf32> to vector<16xf32>
    %swap3A_1959 = vector.shape_cast %get3A_1767 : vector<16xf32> to vector<1x16xf32>
    tpu.vector_store %arg5[%swap3A_1955, %swap3A_1956], %swap3A_1959 {strides = array<i32>} : memref<32x512xf32, #tpu.memory_space<vmem>>, vector<1x16xf32>,
    %get3A_1960 = arith.constant 160 : index
    %get3A_1961 = tpu.vector_load %arg6[%get3A_1960] {strides = array<i32>} : memref<256xf32, #tpu.memory_space<vmem>>, vector<16xf32>,
    %get3A_1962 = vector.shape_cast %get3A_1961 : vector<16xf32> to vector<16xf32>
    %swap3A_1963 = arith.constant 0 : i32
    %swap3A_1964 = arith.index_cast %swap3A_1963 : i32 to index
    %swap3A_1965 = arith.constant 416 : index
    %swap3A_1966 = tpu.vector_load %arg5[%swap3A_1964, %swap3A_1965] {strides = array<i32>} : memref<32x512xf32, #tpu.memory_space<vmem>>, vector<1x16xf32>,
    %swap3A_1967 = vector.shape_cast %swap3A_1966 : vector<1x16xf32> to vector<16xf32>
    %swap3A_1968 = vector.shape_cast %get3A_1962 : vector<16xf32> to vector<1x16xf32>
    tpu.vector_store %arg5[%swap3A_1964, %swap3A_1965], %swap3A_1968 {strides = array<i32>} : memref<32x512xf32, #tpu.memory_space<vmem>>, vector<1x16xf32>,
    %swap3A_1969 = arith.constant 1 : i32
    %swap3A_1970 = arith.index_cast %swap3A_1969 : i32 to index
    %swap3A_1971 = arith.constant 416 : index
    %swap3A_1972 = tpu.vector_load %arg5[%swap3A_1970, %swap3A_1971] {strides = array<i32>} : memref<32x512xf32, #tpu.memory_space<vmem>>, vector<1x16xf32>,
    %swap3A_1973 = vector.shape_cast %swap3A_1972 : vector<1x16xf32> to vector<16xf32>
    %swap3A_1974 = vector.shape_cast %get3A_1962 : vector<16xf32> to vector<1x16xf32>
    tpu.vector_store %arg5[%swap3A_1970, %swap3A_1971], %swap3A_1974 {strides = array<i32>} : memref<32x512xf32, #tpu.memory_space<vmem>>, vector<1x16xf32>,
    %swap3A_1975 = arith.constant 2 : i32
    %swap3A_1976 = arith.index_cast %swap3A_1975 : i32 to index
    %swap3A_1977 = arith.constant 416 : index
    %swap3A_1978 = tpu.vector_load %arg5[%swap3A_1976, %swap3A_1977] {strides = array<i32>} : memref<32x512xf32, #tpu.memory_space<vmem>>, vector<1x16xf32>,
    %swap3A_1979 = vector.shape_cast %swap3A_1978 : vector<1x16xf32> to vector<16xf32>
    %swap3A_1980 = vector.shape_cast %get3A_1962 : vector<16xf32> to vector<1x16xf32>
    tpu.vector_store %arg5[%swap3A_1976, %swap3A_1977], %swap3A_1980 {strides = array<i32>} : memref<32x512xf32, #tpu.memory_space<vmem>>, vector<1x16xf32>,
    %swap3A_1981 = arith.constant 3 : i32
    %swap3A_1982 = arith.index_cast %swap3A_1981 : i32 to index
    %swap3A_1983 = arith.constant 416 : index
    %swap3A_1984 = tpu.vector_load %arg5[%swap3A_1982, %swap3A_1983] {strides = array<i32>} : memref<32x512xf32, #tpu.memory_space<vmem>>, vector<1x16xf32>,
    %swap3A_1985 = vector.shape_cast %swap3A_1984 : vector<1x16xf32> to vector<16xf32>
    %swap3A_1986 = vector.shape_cast %get3A_1962 : vector<16xf32> to vector<1x16xf32>
    tpu.vector_store %arg5[%swap3A_1982, %swap3A_1983], %swap3A_1986 {strides = array<i32>} : memref<32x512xf32, #tpu.memory_space<vmem>>, vector<1x16xf32>,
    %swap3A_1987 = arith.constant 4 : i32
    %swap3A_1988 = arith.index_cast %swap3A_1987 : i32 to index
    %swap3A_1989 = arith.constant 416 : index
    %swap3A_1990 = tpu.vector_load %arg5[%swap3A_1988, %swap3A_1989] {strides = array<i32>} : memref<32x512xf32, #tpu.memory_space<vmem>>, vector<1x16xf32>,
    %swap3A_1991 = vector.shape_cast %swap3A_1990 : vector<1x16xf32> to vector<16xf32>
    %swap3A_1992 = vector.shape_cast %get3A_1962 : vector<16xf32> to vector<1x16xf32>
    tpu.vector_store %arg5[%swap3A_1988, %swap3A_1989], %swap3A_1992 {strides = array<i32>} : memref<32x512xf32, #tpu.memory_space<vmem>>, vector<1x16xf32>,
    %swap3A_1993 = arith.constant 5 : i32
    %swap3A_1994 = arith.index_cast %swap3A_1993 : i32 to index
    %swap3A_1995 = arith.constant 416 : index
    %swap3A_1996 = tpu.vector_load %arg5[%swap3A_1994, %swap3A_1995] {strides = array<i32>} : memref<32x512xf32, #tpu.memory_space<vmem>>, vector<1x16xf32>,
    %swap3A_1997 = vector.shape_cast %swap3A_1996 : vector<1x16xf32> to vector<16xf32>
    %swap3A_1998 = vector.shape_cast %get3A_1962 : vector<16xf32> to vector<1x16xf32>
    tpu.vector_store %arg5[%swap3A_1994, %swap3A_1995], %swap3A_1998 {strides = array<i32>} : memref<32x512xf32, #tpu.memory_space<vmem>>, vector<1x16xf32>,
    %swap3A_1999 = arith.constant 6 : i32
    %swap3A_2000 = arith.index_cast %swap3A_1999 : i32 to index
    %swap3A_2001 = arith.constant 416 : index
    %swap3A_2002 = tpu.vector_load %arg5[%swap3A_2000, %swap3A_2001] {strides = array<i32>} : memref<32x512xf32, #tpu.memory_space<vmem>>, vector<1x16xf32>,
    %swap3A_2003 = vector.shape_cast %swap3A_2002 : vector<1x16xf32> to vector<16xf32>
    %swap3A_2004 = vector.shape_cast %get3A_1962 : vector<16xf32> to vector<1x16xf32>
    tpu.vector_store %arg5[%swap3A_2000, %swap3A_2001], %swap3A_2004 {strides = array<i32>} : memref<32x512xf32, #tpu.memory_space<vmem>>, vector<1x16xf32>,
    %swap3A_2005 = arith.constant 7 : i32
    %swap3A_2006 = arith.index_cast %swap3A_2005 : i32 to index
    %swap3A_2007 = arith.constant 416 : index
    %swap3A_2008 = tpu.vector_load %arg5[%swap3A_2006, %swap3A_2007] {strides = array<i32>} : memref<32x512xf32, #tpu.memory_space<vmem>>, vector<1x16xf32>,
    %swap3A_2009 = vector.shape_cast %swap3A_2008 : vector<1x16xf32> to vector<16xf32>
    %swap3A_2010 = vector.shape_cast %get3A_1962 : vector<16xf32> to vector<1x16xf32>
    tpu.vector_store %arg5[%swap3A_2006, %swap3A_2007], %swap3A_2010 {strides = array<i32>} : memref<32x512xf32, #tpu.memory_space<vmem>>, vector<1x16xf32>,
    %swap3A_2011 = arith.constant 8 : i32
    %swap3A_2012 = arith.index_cast %swap3A_2011 : i32 to index
    %swap3A_2013 = arith.constant 416 : index
    %swap3A_2014 = tpu.vector_load %arg5[%swap3A_2012, %swap3A_2013] {strides = array<i32>} : memref<32x512xf32, #tpu.memory_space<vmem>>, vector<1x16xf32>,
    %swap3A_2015 = vector.shape_cast %swap3A_2014 : vector<1x16xf32> to vector<16xf32>
    %swap3A_2016 = vector.shape_cast %get3A_1962 : vector<16xf32> to vector<1x16xf32>
    tpu.vector_store %arg5[%swap3A_2012, %swap3A_2013], %swap3A_2016 {strides = array<i32>} : memref<32x512xf32, #tpu.memory_space<vmem>>, vector<1x16xf32>,
    %swap3A_2017 = arith.constant 9 : i32
    %swap3A_2018 = arith.index_cast %swap3A_2017 : i32 to index
    %swap3A_2019 = arith.constant 416 : index
    %swap3A_2020 = tpu.vector_load %arg5[%swap3A_2018, %swap3A_2019] {strides = array<i32>} : memref<32x512xf32, #tpu.memory_space<vmem>>, vector<1x16xf32>,
    %swap3A_2021 = vector.shape_cast %swap3A_2020 : vector<1x16xf32> to vector<16xf32>
    %swap3A_2022 = vector.shape_cast %get3A_1962 : vector<16xf32> to vector<1x16xf32>
    tpu.vector_store %arg5[%swap3A_2018, %swap3A_2019], %swap3A_2022 {strides = array<i32>} : memref<32x512xf32, #tpu.memory_space<vmem>>, vector<1x16xf32>,
    %swap3A_2023 = arith.constant 10 : i32
    %swap3A_2024 = arith.index_cast %swap3A_2023 : i32 to index
    %swap3A_2025 = arith.constant 416 : index
    %swap3A_2026 = tpu.vector_load %arg5[%swap3A_2024, %swap3A_2025] {strides = array<i32>} : memref<32x512xf32, #tpu.memory_space<vmem>>, vector<1x16xf32>,
    %swap3A_2027 = vector.shape_cast %swap3A_2026 : vector<1x16xf32> to vector<16xf32>
    %swap3A_2028 = vector.shape_cast %get3A_1962 : vector<16xf32> to vector<1x16xf32>
    tpu.vector_store %arg5[%swap3A_2024, %swap3A_2025], %swap3A_2028 {strides = array<i32>} : memref<32x512xf32, #tpu.memory_space<vmem>>, vector<1x16xf32>,
    %swap3A_2029 = arith.constant 11 : i32
    %swap3A_2030 = arith.index_cast %swap3A_2029 : i32 to index
    %swap3A_2031 = arith.constant 416 : index
    %swap3A_2032 = tpu.vector_load %arg5[%swap3A_2030, %swap3A_2031] {strides = array<i32>} : memref<32x512xf32, #tpu.memory_space<vmem>>, vector<1x16xf32>,
    %swap3A_2033 = vector.shape_cast %swap3A_2032 : vector<1x16xf32> to vector<16xf32>
    %swap3A_2034 = vector.shape_cast %get3A_1962 : vector<16xf32> to vector<1x16xf32>
    tpu.vector_store %arg5[%swap3A_2030, %swap3A_2031], %swap3A_2034 {strides = array<i32>} : memref<32x512xf32, #tpu.memory_space<vmem>>, vector<1x16xf32>,
    %swap3A_2035 = arith.constant 12 : i32
    %swap3A_2036 = arith.index_cast %swap3A_2035 : i32 to index
    %swap3A_2037 = arith.constant 416 : index
    %swap3A_2038 = tpu.vector_load %arg5[%swap3A_2036, %swap3A_2037] {strides = array<i32>} : memref<32x512xf32, #tpu.memory_space<vmem>>, vector<1x16xf32>,
    %swap3A_2039 = vector.shape_cast %swap3A_2038 : vector<1x16xf32> to vector<16xf32>
    %swap3A_2040 = vector.shape_cast %get3A_1962 : vector<16xf32> to vector<1x16xf32>
    tpu.vector_store %arg5[%swap3A_2036, %swap3A_2037], %swap3A_2040 {strides = array<i32>} : memref<32x512xf32, #tpu.memory_space<vmem>>, vector<1x16xf32>,
    %swap3A_2041 = arith.constant 13 : i32
    %swap3A_2042 = arith.index_cast %swap3A_2041 : i32 to index
    %swap3A_2043 = arith.constant 416 : index
    %swap3A_2044 = tpu.vector_load %arg5[%swap3A_2042, %swap3A_2043] {strides = array<i32>} : memref<32x512xf32, #tpu.memory_space<vmem>>, vector<1x16xf32>,
    %swap3A_2045 = vector.shape_cast %swap3A_2044 : vector<1x16xf32> to vector<16xf32>
    %swap3A_2046 = vector.shape_cast %get3A_1962 : vector<16xf32> to vector<1x16xf32>
    tpu.vector_store %arg5[%swap3A_2042, %swap3A_2043], %swap3A_2046 {strides = array<i32>} : memref<32x512xf32, #tpu.memory_space<vmem>>, vector<1x16xf32>,
    %swap3A_2047 = arith.constant 14 : i32
    %swap3A_2048 = arith.index_cast %swap3A_2047 : i32 to index
    %swap3A_2049 = arith.constant 416 : index
    %swap3A_2050 = tpu.vector_load %arg5[%swap3A_2048, %swap3A_2049] {strides = array<i32>} : memref<32x512xf32, #tpu.memory_space<vmem>>, vector<1x16xf32>,
    %swap3A_2051 = vector.shape_cast %swap3A_2050 : vector<1x16xf32> to vector<16xf32>
    %swap3A_2052 = vector.shape_cast %get3A_1962 : vector<16xf32> to vector<1x16xf32>
    tpu.vector_store %arg5[%swap3A_2048, %swap3A_2049], %swap3A_2052 {strides = array<i32>} : memref<32x512xf32, #tpu.memory_space<vmem>>, vector<1x16xf32>,
    %swap3A_2053 = arith.constant 15 : i32
    %swap3A_2054 = arith.index_cast %swap3A_2053 : i32 to index
    %swap3A_2055 = arith.constant 416 : index
    %swap3A_2056 = tpu.vector_load %arg5[%swap3A_2054, %swap3A_2055] {strides = array<i32>} : memref<32x512xf32, #tpu.memory_space<vmem>>, vector<1x16xf32>,
    %swap3A_2057 = vector.shape_cast %swap3A_2056 : vector<1x16xf32> to vector<16xf32>
    %swap3A_2058 = vector.shape_cast %get3A_1962 : vector<16xf32> to vector<1x16xf32>
    tpu.vector_store %arg5[%swap3A_2054, %swap3A_2055], %swap3A_2058 {strides = array<i32>} : memref<32x512xf32, #tpu.memory_space<vmem>>, vector<1x16xf32>,
    %swap3A_2059 = arith.constant 16 : i32
    %swap3A_2060 = arith.index_cast %swap3A_2059 : i32 to index
    %swap3A_2061 = arith.constant 416 : index
    %swap3A_2062 = tpu.vector_load %arg5[%swap3A_2060, %swap3A_2061] {strides = array<i32>} : memref<32x512xf32, #tpu.memory_space<vmem>>, vector<1x16xf32>,
    %swap3A_2063 = vector.shape_cast %swap3A_2062 : vector<1x16xf32> to vector<16xf32>
    %swap3A_2064 = vector.shape_cast %get3A_1962 : vector<16xf32> to vector<1x16xf32>
    tpu.vector_store %arg5[%swap3A_2060, %swap3A_2061], %swap3A_2064 {strides = array<i32>} : memref<32x512xf32, #tpu.memory_space<vmem>>, vector<1x16xf32>,
    %swap3A_2065 = arith.constant 17 : i32
    %swap3A_2066 = arith.index_cast %swap3A_2065 : i32 to index
    %swap3A_2067 = arith.constant 416 : index
    %swap3A_2068 = tpu.vector_load %arg5[%swap3A_2066, %swap3A_2067] {strides = array<i32>} : memref<32x512xf32, #tpu.memory_space<vmem>>, vector<1x16xf32>,
    %swap3A_2069 = vector.shape_cast %swap3A_2068 : vector<1x16xf32> to vector<16xf32>
    %swap3A_2070 = vector.shape_cast %get3A_1962 : vector<16xf32> to vector<1x16xf32>
    tpu.vector_store %arg5[%swap3A_2066, %swap3A_2067], %swap3A_2070 {strides = array<i32>} : memref<32x512xf32, #tpu.memory_space<vmem>>, vector<1x16xf32>,
    %swap3A_2071 = arith.constant 18 : i32
    %swap3A_2072 = arith.index_cast %swap3A_2071 : i32 to index
    %swap3A_2073 = arith.constant 416 : index
    %swap3A_2074 = tpu.vector_load %arg5[%swap3A_2072, %swap3A_2073] {strides = array<i32>} : memref<32x512xf32, #tpu.memory_space<vmem>>, vector<1x16xf32>,
    %swap3A_2075 = vector.shape_cast %swap3A_2074 : vector<1x16xf32> to vector<16xf32>
    %swap3A_2076 = vector.shape_cast %get3A_1962 : vector<16xf32> to vector<1x16xf32>
    tpu.vector_store %arg5[%swap3A_2072, %swap3A_2073], %swap3A_2076 {strides = array<i32>} : memref<32x512xf32, #tpu.memory_space<vmem>>, vector<1x16xf32>,
    %swap3A_2077 = arith.constant 19 : i32
    %swap3A_2078 = arith.index_cast %swap3A_2077 : i32 to index
    %swap3A_2079 = arith.constant 416 : index
    %swap3A_2080 = tpu.vector_load %arg5[%swap3A_2078, %swap3A_2079] {strides = array<i32>} : memref<32x512xf32, #tpu.memory_space<vmem>>, vector<1x16xf32>,
    %swap3A_2081 = vector.shape_cast %swap3A_2080 : vector<1x16xf32> to vector<16xf32>
    %swap3A_2082 = vector.shape_cast %get3A_1962 : vector<16xf32> to vector<1x16xf32>
    tpu.vector_store %arg5[%swap3A_2078, %swap3A_2079], %swap3A_2082 {strides = array<i32>} : memref<32x512xf32, #tpu.memory_space<vmem>>, vector<1x16xf32>,
    %swap3A_2083 = arith.constant 20 : i32
    %swap3A_2084 = arith.index_cast %swap3A_2083 : i32 to index
    %swap3A_2085 = arith.constant 416 : index
    %swap3A_2086 = tpu.vector_load %arg5[%swap3A_2084, %swap3A_2085] {strides = array<i32>} : memref<32x512xf32, #tpu.memory_space<vmem>>, vector<1x16xf32>,
    %swap3A_2087 = vector.shape_cast %swap3A_2086 : vector<1x16xf32> to vector<16xf32>
    %swap3A_2088 = vector.shape_cast %get3A_1962 : vector<16xf32> to vector<1x16xf32>
    tpu.vector_store %arg5[%swap3A_2084, %swap3A_2085], %swap3A_2088 {strides = array<i32>} : memref<32x512xf32, #tpu.memory_space<vmem>>, vector<1x16xf32>,
    %swap3A_2089 = arith.constant 21 : i32
    %swap3A_2090 = arith.index_cast %swap3A_2089 : i32 to index
    %swap3A_2091 = arith.constant 416 : index
    %swap3A_2092 = tpu.vector_load %arg5[%swap3A_2090, %swap3A_2091] {strides = array<i32>} : memref<32x512xf32, #tpu.memory_space<vmem>>, vector<1x16xf32>,
    %swap3A_2093 = vector.shape_cast %swap3A_2092 : vector<1x16xf32> to vector<16xf32>
    %swap3A_2094 = vector.shape_cast %get3A_1962 : vector<16xf32> to vector<1x16xf32>
    tpu.vector_store %arg5[%swap3A_2090, %swap3A_2091], %swap3A_2094 {strides = array<i32>} : memref<32x512xf32, #tpu.memory_space<vmem>>, vector<1x16xf32>,
    %swap3A_2095 = arith.constant 22 : i32
    %swap3A_2096 = arith.index_cast %swap3A_2095 : i32 to index
    %swap3A_2097 = arith.constant 416 : index
    %swap3A_2098 = tpu.vector_load %arg5[%swap3A_2096, %swap3A_2097] {strides = array<i32>} : memref<32x512xf32, #tpu.memory_space<vmem>>, vector<1x16xf32>,
    %swap3A_2099 = vector.shape_cast %swap3A_2098 : vector<1x16xf32> to vector<16xf32>
    %swap3A_2100 = vector.shape_cast %get3A_1962 : vector<16xf32> to vector<1x16xf32>
    tpu.vector_store %arg5[%swap3A_2096, %swap3A_2097], %swap3A_2100 {strides = array<i32>} : memref<32x512xf32, #tpu.memory_space<vmem>>, vector<1x16xf32>,
    %swap3A_2101 = arith.constant 23 : i32
    %swap3A_2102 = arith.index_cast %swap3A_2101 : i32 to index
    %swap3A_2103 = arith.constant 416 : index
    %swap3A_2104 = tpu.vector_load %arg5[%swap3A_2102, %swap3A_2103] {strides = array<i32>} : memref<32x512xf32, #tpu.memory_space<vmem>>, vector<1x16xf32>,
    %swap3A_2105 = vector.shape_cast %swap3A_2104 : vector<1x16xf32> to vector<16xf32>
    %swap3A_2106 = vector.shape_cast %get3A_1962 : vector<16xf32> to vector<1x16xf32>
    tpu.vector_store %arg5[%swap3A_2102, %swap3A_2103], %swap3A_2106 {strides = array<i32>} : memref<32x512xf32, #tpu.memory_space<vmem>>, vector<1x16xf32>,
    %swap3A_2107 = arith.constant 24 : i32
    %swap3A_2108 = arith.index_cast %swap3A_2107 : i32 to index
    %swap3A_2109 = arith.constant 416 : index
    %swap3A_2110 = tpu.vector_load %arg5[%swap3A_2108, %swap3A_2109] {strides = array<i32>} : memref<32x512xf32, #tpu.memory_space<vmem>>, vector<1x16xf32>,
    %swap3A_2111 = vector.shape_cast %swap3A_2110 : vector<1x16xf32> to vector<16xf32>
    %swap3A_2112 = vector.shape_cast %get3A_1962 : vector<16xf32> to vector<1x16xf32>
    tpu.vector_store %arg5[%swap3A_2108, %swap3A_2109], %swap3A_2112 {strides = array<i32>} : memref<32x512xf32, #tpu.memory_space<vmem>>, vector<1x16xf32>,
    %swap3A_2113 = arith.constant 25 : i32
    %swap3A_2114 = arith.index_cast %swap3A_2113 : i32 to index
    %swap3A_2115 = arith.constant 416 : index
    %swap3A_2116 = tpu.vector_load %arg5[%swap3A_2114, %swap3A_2115] {strides = array<i32>} : memref<32x512xf32, #tpu.memory_space<vmem>>, vector<1x16xf32>,
    %swap3A_2117 = vector.shape_cast %swap3A_2116 : vector<1x16xf32> to vector<16xf32>
    %swap3A_2118 = vector.shape_cast %get3A_1962 : vector<16xf32> to vector<1x16xf32>
    tpu.vector_store %arg5[%swap3A_2114, %swap3A_2115], %swap3A_2118 {strides = array<i32>} : memref<32x512xf32, #tpu.memory_space<vmem>>, vector<1x16xf32>,
    %swap3A_2119 = arith.constant 26 : i32
    %swap3A_2120 = arith.index_cast %swap3A_2119 : i32 to index
    %swap3A_2121 = arith.constant 416 : index
    %swap3A_2122 = tpu.vector_load %arg5[%swap3A_2120, %swap3A_2121] {strides = array<i32>} : memref<32x512xf32, #tpu.memory_space<vmem>>, vector<1x16xf32>,
    %swap3A_2123 = vector.shape_cast %swap3A_2122 : vector<1x16xf32> to vector<16xf32>
    %swap3A_2124 = vector.shape_cast %get3A_1962 : vector<16xf32> to vector<1x16xf32>
    tpu.vector_store %arg5[%swap3A_2120, %swap3A_2121], %swap3A_2124 {strides = array<i32>} : memref<32x512xf32, #tpu.memory_space<vmem>>, vector<1x16xf32>,
    %swap3A_2125 = arith.constant 27 : i32
    %swap3A_2126 = arith.index_cast %swap3A_2125 : i32 to index
    %swap3A_2127 = arith.constant 416 : index
    %swap3A_2128 = tpu.vector_load %arg5[%swap3A_2126, %swap3A_2127] {strides = array<i32>} : memref<32x512xf32, #tpu.memory_space<vmem>>, vector<1x16xf32>,
    %swap3A_2129 = vector.shape_cast %swap3A_2128 : vector<1x16xf32> to vector<16xf32>
    %swap3A_2130 = vector.shape_cast %get3A_1962 : vector<16xf32> to vector<1x16xf32>
    tpu.vector_store %arg5[%swap3A_2126, %swap3A_2127], %swap3A_2130 {strides = array<i32>} : memref<32x512xf32, #tpu.memory_space<vmem>>, vector<1x16xf32>,
    %swap3A_2131 = arith.constant 28 : i32
    %swap3A_2132 = arith.index_cast %swap3A_2131 : i32 to index
    %swap3A_2133 = arith.constant 416 : index
    %swap3A_2134 = tpu.vector_load %arg5[%swap3A_2132, %swap3A_2133] {strides = array<i32>} : memref<32x512xf32, #tpu.memory_space<vmem>>, vector<1x16xf32>,
    %swap3A_2135 = vector.shape_cast %swap3A_2134 : vector<1x16xf32> to vector<16xf32>
    %swap3A_2136 = vector.shape_cast %get3A_1962 : vector<16xf32> to vector<1x16xf32>
    tpu.vector_store %arg5[%swap3A_2132, %swap3A_2133], %swap3A_2136 {strides = array<i32>} : memref<32x512xf32, #tpu.memory_space<vmem>>, vector<1x16xf32>,
    %swap3A_2137 = arith.constant 29 : i32
    %swap3A_2138 = arith.index_cast %swap3A_2137 : i32 to index
    %swap3A_2139 = arith.constant 416 : index
    %swap3A_2140 = tpu.vector_load %arg5[%swap3A_2138, %swap3A_2139] {strides = array<i32>} : memref<32x512xf32, #tpu.memory_space<vmem>>, vector<1x16xf32>,
    %swap3A_2141 = vector.shape_cast %swap3A_2140 : vector<1x16xf32> to vector<16xf32>
    %swap3A_2142 = vector.shape_cast %get3A_1962 : vector<16xf32> to vector<1x16xf32>
    tpu.vector_store %arg5[%swap3A_2138, %swap3A_2139], %swap3A_2142 {strides = array<i32>} : memref<32x512xf32, #tpu.memory_space<vmem>>, vector<1x16xf32>,
    %swap3A_2143 = arith.constant 30 : i32
    %swap3A_2144 = arith.index_cast %swap3A_2143 : i32 to index
    %swap3A_2145 = arith.constant 416 : index
    %swap3A_2146 = tpu.vector_load %arg5[%swap3A_2144, %swap3A_2145] {strides = array<i32>} : memref<32x512xf32, #tpu.memory_space<vmem>>, vector<1x16xf32>,
    %swap3A_2147 = vector.shape_cast %swap3A_2146 : vector<1x16xf32> to vector<16xf32>
    %swap3A_2148 = vector.shape_cast %get3A_1962 : vector<16xf32> to vector<1x16xf32>
    tpu.vector_store %arg5[%swap3A_2144, %swap3A_2145], %swap3A_2148 {strides = array<i32>} : memref<32x512xf32, #tpu.memory_space<vmem>>, vector<1x16xf32>,
    %swap3A_2149 = arith.constant 31 : i32
    %swap3A_2150 = arith.index_cast %swap3A_2149 : i32 to index
    %swap3A_2151 = arith.constant 416 : index
    %swap3A_2152 = tpu.vector_load %arg5[%swap3A_2150, %swap3A_2151] {strides = array<i32>} : memref<32x512xf32, #tpu.memory_space<vmem>>, vector<1x16xf32>,
    %swap3A_2153 = vector.shape_cast %swap3A_2152 : vector<1x16xf32> to vector<16xf32>
    %swap3A_2154 = vector.shape_cast %get3A_1962 : vector<16xf32> to vector<1x16xf32>
    tpu.vector_store %arg5[%swap3A_2150, %swap3A_2151], %swap3A_2154 {strides = array<i32>} : memref<32x512xf32, #tpu.memory_space<vmem>>, vector<1x16xf32>,
    %get3A_2155 = arith.constant 176 : index
    %get3A_2156 = tpu.vector_load %arg6[%get3A_2155] {strides = array<i32>} : memref<256xf32, #tpu.memory_space<vmem>>, vector<16xf32>,
    %get3A_2157 = vector.shape_cast %get3A_2156 : vector<16xf32> to vector<16xf32>
    %swap3A_2158 = arith.constant 0 : i32
    %swap3A_2159 = arith.index_cast %swap3A_2158 : i32 to index
    %swap3A_2160 = arith.constant 432 : index
    %swap3A_2161 = tpu.vector_load %arg5[%swap3A_2159, %swap3A_2160] {strides = array<i32>} : memref<32x512xf32, #tpu.memory_space<vmem>>, vector<1x16xf32>,
    %swap3A_2162 = vector.shape_cast %swap3A_2161 : vector<1x16xf32> to vector<16xf32>
    %swap3A_2163 = vector.shape_cast %get3A_2157 : vector<16xf32> to vector<1x16xf32>
    tpu.vector_store %arg5[%swap3A_2159, %swap3A_2160], %swap3A_2163 {strides = array<i32>} : memref<32x512xf32, #tpu.memory_space<vmem>>, vector<1x16xf32>,
    %swap3A_2164 = arith.constant 1 : i32
    %swap3A_2165 = arith.index_cast %swap3A_2164 : i32 to index
    %swap3A_2166 = arith.constant 432 : index
    %swap3A_2167 = tpu.vector_load %arg5[%swap3A_2165, %swap3A_2166] {strides = array<i32>} : memref<32x512xf32, #tpu.memory_space<vmem>>, vector<1x16xf32>,
    %swap3A_2168 = vector.shape_cast %swap3A_2167 : vector<1x16xf32> to vector<16xf32>
    %swap3A_2169 = vector.shape_cast %get3A_2157 : vector<16xf32> to vector<1x16xf32>
    tpu.vector_store %arg5[%swap3A_2165, %swap3A_2166], %swap3A_2169 {strides = array<i32>} : memref<32x512xf32, #tpu.memory_space<vmem>>, vector<1x16xf32>,
    %swap3A_2170 = arith.constant 2 : i32
    %swap3A_2171 = arith.index_cast %swap3A_2170 : i32 to index
    %swap3A_2172 = arith.constant 432 : index
    %swap3A_2173 = tpu.vector_load %arg5[%swap3A_2171, %swap3A_2172] {strides = array<i32>} : memref<32x512xf32, #tpu.memory_space<vmem>>, vector<1x16xf32>,
    %swap3A_2174 = vector.shape_cast %swap3A_2173 : vector<1x16xf32> to vector<16xf32>
    %swap3A_2175 = vector.shape_cast %get3A_2157 : vector<16xf32> to vector<1x16xf32>
    tpu.vector_store %arg5[%swap3A_2171, %swap3A_2172], %swap3A_2175 {strides = array<i32>} : memref<32x512xf32, #tpu.memory_space<vmem>>, vector<1x16xf32>,
    %swap3A_2176 = arith.constant 3 : i32
    %swap3A_2177 = arith.index_cast %swap3A_2176 : i32 to index
    %swap3A_2178 = arith.constant 432 : index
    %swap3A_2179 = tpu.vector_load %arg5[%swap3A_2177, %swap3A_2178] {strides = array<i32>} : memref<32x512xf32, #tpu.memory_space<vmem>>, vector<1x16xf32>,
    %swap3A_2180 = vector.shape_cast %swap3A_2179 : vector<1x16xf32> to vector<16xf32>
    %swap3A_2181 = vector.shape_cast %get3A_2157 : vector<16xf32> to vector<1x16xf32>
    tpu.vector_store %arg5[%swap3A_2177, %swap3A_2178], %swap3A_2181 {strides = array<i32>} : memref<32x512xf32, #tpu.memory_space<vmem>>, vector<1x16xf32>,
    %swap3A_2182 = arith.constant 4 : i32
    %swap3A_2183 = arith.index_cast %swap3A_2182 : i32 to index
    %swap3A_2184 = arith.constant 432 : index
    %swap3A_2185 = tpu.vector_load %arg5[%swap3A_2183, %swap3A_2184] {strides = array<i32>} : memref<32x512xf32, #tpu.memory_space<vmem>>, vector<1x16xf32>,
    %swap3A_2186 = vector.shape_cast %swap3A_2185 : vector<1x16xf32> to vector<16xf32>
    %swap3A_2187 = vector.shape_cast %get3A_2157 : vector<16xf32> to vector<1x16xf32>
    tpu.vector_store %arg5[%swap3A_2183, %swap3A_2184], %swap3A_2187 {strides = array<i32>} : memref<32x512xf32, #tpu.memory_space<vmem>>, vector<1x16xf32>,
    %swap3A_2188 = arith.constant 5 : i32
    %swap3A_2189 = arith.index_cast %swap3A_2188 : i32 to index
    %swap3A_2190 = arith.constant 432 : index
    %swap3A_2191 = tpu.vector_load %arg5[%swap3A_2189, %swap3A_2190] {strides = array<i32>} : memref<32x512xf32, #tpu.memory_space<vmem>>, vector<1x16xf32>,
    %swap3A_2192 = vector.shape_cast %swap3A_2191 : vector<1x16xf32> to vector<16xf32>
    %swap3A_2193 = vector.shape_cast %get3A_2157 : vector<16xf32> to vector<1x16xf32>
    tpu.vector_store %arg5[%swap3A_2189, %swap3A_2190], %swap3A_2193 {strides = array<i32>} : memref<32x512xf32, #tpu.memory_space<vmem>>, vector<1x16xf32>,
    %swap3A_2194 = arith.constant 6 : i32
    %swap3A_2195 = arith.index_cast %swap3A_2194 : i32 to index
    %swap3A_2196 = arith.constant 432 : index
    %swap3A_2197 = tpu.vector_load %arg5[%swap3A_2195, %swap3A_2196] {strides = array<i32>} : memref<32x512xf32, #tpu.memory_space<vmem>>, vector<1x16xf32>,
    %swap3A_2198 = vector.shape_cast %swap3A_2197 : vector<1x16xf32> to vector<16xf32>
    %swap3A_2199 = vector.shape_cast %get3A_2157 : vector<16xf32> to vector<1x16xf32>
    tpu.vector_store %arg5[%swap3A_2195, %swap3A_2196], %swap3A_2199 {strides = array<i32>} : memref<32x512xf32, #tpu.memory_space<vmem>>, vector<1x16xf32>,
    %swap3A_2200 = arith.constant 7 : i32
    %swap3A_2201 = arith.index_cast %swap3A_2200 : i32 to index
    %swap3A_2202 = arith.constant 432 : index
    %swap3A_2203 = tpu.vector_load %arg5[%swap3A_2201, %swap3A_2202] {strides = array<i32>} : memref<32x512xf32, #tpu.memory_space<vmem>>, vector<1x16xf32>,
    %swap3A_2204 = vector.shape_cast %swap3A_2203 : vector<1x16xf32> to vector<16xf32>
    %swap3A_2205 = vector.shape_cast %get3A_2157 : vector<16xf32> to vector<1x16xf32>
    tpu.vector_store %arg5[%swap3A_2201, %swap3A_2202], %swap3A_2205 {strides = array<i32>} : memref<32x512xf32, #tpu.memory_space<vmem>>, vector<1x16xf32>,
    %swap3A_2206 = arith.constant 8 : i32
    %swap3A_2207 = arith.index_cast %swap3A_2206 : i32 to index
    %swap3A_2208 = arith.constant 432 : index
    %swap3A_2209 = tpu.vector_load %arg5[%swap3A_2207, %swap3A_2208] {strides = array<i32>} : memref<32x512xf32, #tpu.memory_space<vmem>>, vector<1x16xf32>,
    %swap3A_2210 = vector.shape_cast %swap3A_2209 : vector<1x16xf32> to vector<16xf32>
    %swap3A_2211 = vector.shape_cast %get3A_2157 : vector<16xf32> to vector<1x16xf32>
    tpu.vector_store %arg5[%swap3A_2207, %swap3A_2208], %swap3A_2211 {strides = array<i32>} : memref<32x512xf32, #tpu.memory_space<vmem>>, vector<1x16xf32>,
    %swap3A_2212 = arith.constant 9 : i32
    %swap3A_2213 = arith.index_cast %swap3A_2212 : i32 to index
    %swap3A_2214 = arith.constant 432 : index
    %swap3A_2215 = tpu.vector_load %arg5[%swap3A_2213, %swap3A_2214] {strides = array<i32>} : memref<32x512xf32, #tpu.memory_space<vmem>>, vector<1x16xf32>,
    %swap3A_2216 = vector.shape_cast %swap3A_2215 : vector<1x16xf32> to vector<16xf32>
    %swap3A_2217 = vector.shape_cast %get3A_2157 : vector<16xf32> to vector<1x16xf32>
    tpu.vector_store %arg5[%swap3A_2213, %swap3A_2214], %swap3A_2217 {strides = array<i32>} : memref<32x512xf32, #tpu.memory_space<vmem>>, vector<1x16xf32>,
    %swap3A_2218 = arith.constant 10 : i32
    %swap3A_2219 = arith.index_cast %swap3A_2218 : i32 to index
    %swap3A_2220 = arith.constant 432 : index
    %swap3A_2221 = tpu.vector_load %arg5[%swap3A_2219, %swap3A_2220] {strides = array<i32>} : memref<32x512xf32, #tpu.memory_space<vmem>>, vector<1x16xf32>,
    %swap3A_2222 = vector.shape_cast %swap3A_2221 : vector<1x16xf32> to vector<16xf32>
    %swap3A_2223 = vector.shape_cast %get3A_2157 : vector<16xf32> to vector<1x16xf32>
    tpu.vector_store %arg5[%swap3A_2219, %swap3A_2220], %swap3A_2223 {strides = array<i32>} : memref<32x512xf32, #tpu.memory_space<vmem>>, vector<1x16xf32>,
    %swap3A_2224 = arith.constant 11 : i32
    %swap3A_2225 = arith.index_cast %swap3A_2224 : i32 to index
    %swap3A_2226 = arith.constant 432 : index
    %swap3A_2227 = tpu.vector_load %arg5[%swap3A_2225, %swap3A_2226] {strides = array<i32>} : memref<32x512xf32, #tpu.memory_space<vmem>>, vector<1x16xf32>,
    %swap3A_2228 = vector.shape_cast %swap3A_2227 : vector<1x16xf32> to vector<16xf32>
    %swap3A_2229 = vector.shape_cast %get3A_2157 : vector<16xf32> to vector<1x16xf32>
    tpu.vector_store %arg5[%swap3A_2225, %swap3A_2226], %swap3A_2229 {strides = array<i32>} : memref<32x512xf32, #tpu.memory_space<vmem>>, vector<1x16xf32>,
    %swap3A_2230 = arith.constant 12 : i32
    %swap3A_2231 = arith.index_cast %swap3A_2230 : i32 to index
    %swap3A_2232 = arith.constant 432 : index
    %swap3A_2233 = tpu.vector_load %arg5[%swap3A_2231, %swap3A_2232] {strides = array<i32>} : memref<32x512xf32, #tpu.memory_space<vmem>>, vector<1x16xf32>,
    %swap3A_2234 = vector.shape_cast %swap3A_2233 : vector<1x16xf32> to vector<16xf32>
    %swap3A_2235 = vector.shape_cast %get3A_2157 : vector<16xf32> to vector<1x16xf32>
    tpu.vector_store %arg5[%swap3A_2231, %swap3A_2232], %swap3A_2235 {strides = array<i32>} : memref<32x512xf32, #tpu.memory_space<vmem>>, vector<1x16xf32>,
    %swap3A_2236 = arith.constant 13 : i32
    %swap3A_2237 = arith.index_cast %swap3A_2236 : i32 to index
    %swap3A_2238 = arith.constant 432 : index
    %swap3A_2239 = tpu.vector_load %arg5[%swap3A_2237, %swap3A_2238] {strides = array<i32>} : memref<32x512xf32, #tpu.memory_space<vmem>>, vector<1x16xf32>,
    %swap3A_2240 = vector.shape_cast %swap3A_2239 : vector<1x16xf32> to vector<16xf32>
    %swap3A_2241 = vector.shape_cast %get3A_2157 : vector<16xf32> to vector<1x16xf32>
    tpu.vector_store %arg5[%swap3A_2237, %swap3A_2238], %swap3A_2241 {strides = array<i32>} : memref<32x512xf32, #tpu.memory_space<vmem>>, vector<1x16xf32>,
    %swap3A_2242 = arith.constant 14 : i32
    %swap3A_2243 = arith.index_cast %swap3A_2242 : i32 to index
    %swap3A_2244 = arith.constant 432 : index
    %swap3A_2245 = tpu.vector_load %arg5[%swap3A_2243, %swap3A_2244] {strides = array<i32>} : memref<32x512xf32, #tpu.memory_space<vmem>>, vector<1x16xf32>,
    %swap3A_2246 = vector.shape_cast %swap3A_2245 : vector<1x16xf32> to vector<16xf32>
    %swap3A_2247 = vector.shape_cast %get3A_2157 : vector<16xf32> to vector<1x16xf32>
    tpu.vector_store %arg5[%swap3A_2243, %swap3A_2244], %swap3A_2247 {strides = array<i32>} : memref<32x512xf32, #tpu.memory_space<vmem>>, vector<1x16xf32>,
    %swap3A_2248 = arith.constant 15 : i32
    %swap3A_2249 = arith.index_cast %swap3A_2248 : i32 to index
    %swap3A_2250 = arith.constant 432 : index
    %swap3A_2251 = tpu.vector_load %arg5[%swap3A_2249, %swap3A_2250] {strides = array<i32>} : memref<32x512xf32, #tpu.memory_space<vmem>>, vector<1x16xf32>,
    %swap3A_2252 = vector.shape_cast %swap3A_2251 : vector<1x16xf32> to vector<16xf32>
    %swap3A_2253 = vector.shape_cast %get3A_2157 : vector<16xf32> to vector<1x16xf32>
    tpu.vector_store %arg5[%swap3A_2249, %swap3A_2250], %swap3A_2253 {strides = array<i32>} : memref<32x512xf32, #tpu.memory_space<vmem>>, vector<1x16xf32>,
    %swap3A_2254 = arith.constant 16 : i32
    %swap3A_2255 = arith.index_cast %swap3A_2254 : i32 to index
    %swap3A_2256 = arith.constant 432 : index
    %swap3A_2257 = tpu.vector_load %arg5[%swap3A_2255, %swap3A_2256] {strides = array<i32>} : memref<32x512xf32, #tpu.memory_space<vmem>>, vector<1x16xf32>,
    %swap3A_2258 = vector.shape_cast %swap3A_2257 : vector<1x16xf32> to vector<16xf32>
    %swap3A_2259 = vector.shape_cast %get3A_2157 : vector<16xf32> to vector<1x16xf32>
    tpu.vector_store %arg5[%swap3A_2255, %swap3A_2256], %swap3A_2259 {strides = array<i32>} : memref<32x512xf32, #tpu.memory_space<vmem>>, vector<1x16xf32>,
    %swap3A_2260 = arith.constant 17 : i32
    %swap3A_2261 = arith.index_cast %swap3A_2260 : i32 to index
    %swap3A_2262 = arith.constant 432 : index
    %swap3A_2263 = tpu.vector_load %arg5[%swap3A_2261, %swap3A_2262] {strides = array<i32>} : memref<32x512xf32, #tpu.memory_space<vmem>>, vector<1x16xf32>,
    %swap3A_2264 = vector.shape_cast %swap3A_2263 : vector<1x16xf32> to vector<16xf32>
    %swap3A_2265 = vector.shape_cast %get3A_2157 : vector<16xf32> to vector<1x16xf32>
    tpu.vector_store %arg5[%swap3A_2261, %swap3A_2262], %swap3A_2265 {strides = array<i32>} : memref<32x512xf32, #tpu.memory_space<vmem>>, vector<1x16xf32>,
    %swap3A_2266 = arith.constant 18 : i32
    %swap3A_2267 = arith.index_cast %swap3A_2266 : i32 to index
    %swap3A_2268 = arith.constant 432 : index
    %swap3A_2269 = tpu.vector_load %arg5[%swap3A_2267, %swap3A_2268] {strides = array<i32>} : memref<32x512xf32, #tpu.memory_space<vmem>>, vector<1x16xf32>,
    %swap3A_2270 = vector.shape_cast %swap3A_2269 : vector<1x16xf32> to vector<16xf32>
    %swap3A_2271 = vector.shape_cast %get3A_2157 : vector<16xf32> to vector<1x16xf32>
    tpu.vector_store %arg5[%swap3A_2267, %swap3A_2268], %swap3A_2271 {strides = array<i32>} : memref<32x512xf32, #tpu.memory_space<vmem>>, vector<1x16xf32>,
    %swap3A_2272 = arith.constant 19 : i32
    %swap3A_2273 = arith.index_cast %swap3A_2272 : i32 to index
    %swap3A_2274 = arith.constant 432 : index
    %swap3A_2275 = tpu.vector_load %arg5[%swap3A_2273, %swap3A_2274] {strides = array<i32>} : memref<32x512xf32, #tpu.memory_space<vmem>>, vector<1x16xf32>,
    %swap3A_2276 = vector.shape_cast %swap3A_2275 : vector<1x16xf32> to vector<16xf32>
    %swap3A_2277 = vector.shape_cast %get3A_2157 : vector<16xf32> to vector<1x16xf32>
    tpu.vector_store %arg5[%swap3A_2273, %swap3A_2274], %swap3A_2277 {strides = array<i32>} : memref<32x512xf32, #tpu.memory_space<vmem>>, vector<1x16xf32>,
    %swap3A_2278 = arith.constant 20 : i32
    %swap3A_2279 = arith.index_cast %swap3A_2278 : i32 to index
    %swap3A_2280 = arith.constant 432 : index
    %swap3A_2281 = tpu.vector_load %arg5[%swap3A_2279, %swap3A_2280] {strides = array<i32>} : memref<32x512xf32, #tpu.memory_space<vmem>>, vector<1x16xf32>,
    %swap3A_2282 = vector.shape_cast %swap3A_2281 : vector<1x16xf32> to vector<16xf32>
    %swap3A_2283 = vector.shape_cast %get3A_2157 : vector<16xf32> to vector<1x16xf32>
    tpu.vector_store %arg5[%swap3A_2279, %swap3A_2280], %swap3A_2283 {strides = array<i32>} : memref<32x512xf32, #tpu.memory_space<vmem>>, vector<1x16xf32>,
    %swap3A_2284 = arith.constant 21 : i32
    %swap3A_2285 = arith.index_cast %swap3A_2284 : i32 to index
    %swap3A_2286 = arith.constant 432 : index
    %swap3A_2287 = tpu.vector_load %arg5[%swap3A_2285, %swap3A_2286] {strides = array<i32>} : memref<32x512xf32, #tpu.memory_space<vmem>>, vector<1x16xf32>,
    %swap3A_2288 = vector.shape_cast %swap3A_2287 : vector<1x16xf32> to vector<16xf32>
    %swap3A_2289 = vector.shape_cast %get3A_2157 : vector<16xf32> to vector<1x16xf32>
    tpu.vector_store %arg5[%swap3A_2285, %swap3A_2286], %swap3A_2289 {strides = array<i32>} : memref<32x512xf32, #tpu.memory_space<vmem>>, vector<1x16xf32>,
    %swap3A_2290 = arith.constant 22 : i32
    %swap3A_2291 = arith.index_cast %swap3A_2290 : i32 to index
    %swap3A_2292 = arith.constant 432 : index
    %swap3A_2293 = tpu.vector_load %arg5[%swap3A_2291, %swap3A_2292] {strides = array<i32>} : memref<32x512xf32, #tpu.memory_space<vmem>>, vector<1x16xf32>,
    %swap3A_2294 = vector.shape_cast %swap3A_2293 : vector<1x16xf32> to vector<16xf32>
    %swap3A_2295 = vector.shape_cast %get3A_2157 : vector<16xf32> to vector<1x16xf32>
    tpu.vector_store %arg5[%swap3A_2291, %swap3A_2292], %swap3A_2295 {strides = array<i32>} : memref<32x512xf32, #tpu.memory_space<vmem>>, vector<1x16xf32>,
    %swap3A_2296 = arith.constant 23 : i32
    %swap3A_2297 = arith.index_cast %swap3A_2296 : i32 to index
    %swap3A_2298 = arith.constant 432 : index
    %swap3A_2299 = tpu.vector_load %arg5[%swap3A_2297, %swap3A_2298] {strides = array<i32>} : memref<32x512xf32, #tpu.memory_space<vmem>>, vector<1x16xf32>,
    %swap3A_2300 = vector.shape_cast %swap3A_2299 : vector<1x16xf32> to vector<16xf32>
    %swap3A_2301 = vector.shape_cast %get3A_2157 : vector<16xf32> to vector<1x16xf32>
    tpu.vector_store %arg5[%swap3A_2297, %swap3A_2298], %swap3A_2301 {strides = array<i32>} : memref<32x512xf32, #tpu.memory_space<vmem>>, vector<1x16xf32>,
    %swap3A_2302 = arith.constant 24 : i32
    %swap3A_2303 = arith.index_cast %swap3A_2302 : i32 to index
    %swap3A_2304 = arith.constant 432 : index
    %swap3A_2305 = tpu.vector_load %arg5[%swap3A_2303, %swap3A_2304] {strides = array<i32>} : memref<32x512xf32, #tpu.memory_space<vmem>>, vector<1x16xf32>,
    %swap3A_2306 = vector.shape_cast %swap3A_2305 : vector<1x16xf32> to vector<16xf32>
    %swap3A_2307 = vector.shape_cast %get3A_2157 : vector<16xf32> to vector<1x16xf32>
    tpu.vector_store %arg5[%swap3A_2303, %swap3A_2304], %swap3A_2307 {strides = array<i32>} : memref<32x512xf32, #tpu.memory_space<vmem>>, vector<1x16xf32>,
    %swap3A_2308 = arith.constant 25 : i32
    %swap3A_2309 = arith.index_cast %swap3A_2308 : i32 to index
    %swap3A_2310 = arith.constant 432 : index
    %swap3A_2311 = tpu.vector_load %arg5[%swap3A_2309, %swap3A_2310] {strides = array<i32>} : memref<32x512xf32, #tpu.memory_space<vmem>>, vector<1x16xf32>,
    %swap3A_2312 = vector.shape_cast %swap3A_2311 : vector<1x16xf32> to vector<16xf32>
    %swap3A_2313 = vector.shape_cast %get3A_2157 : vector<16xf32> to vector<1x16xf32>
    tpu.vector_store %arg5[%swap3A_2309, %swap3A_2310], %swap3A_2313 {strides = array<i32>} : memref<32x512xf32, #tpu.memory_space<vmem>>, vector<1x16xf32>,
    %swap3A_2314 = arith.constant 26 : i32
    %swap3A_2315 = arith.index_cast %swap3A_2314 : i32 to index
    %swap3A_2316 = arith.constant 432 : index
    %swap3A_2317 = tpu.vector_load %arg5[%swap3A_2315, %swap3A_2316] {strides = array<i32>} : memref<32x512xf32, #tpu.memory_space<vmem>>, vector<1x16xf32>,
    %swap3A_2318 = vector.shape_cast %swap3A_2317 : vector<1x16xf32> to vector<16xf32>
    %swap3A_2319 = vector.shape_cast %get3A_2157 : vector<16xf32> to vector<1x16xf32>
    tpu.vector_store %arg5[%swap3A_2315, %swap3A_2316], %swap3A_2319 {strides = array<i32>} : memref<32x512xf32, #tpu.memory_space<vmem>>, vector<1x16xf32>,
    %swap3A_2320 = arith.constant 27 : i32
    %swap3A_2321 = arith.index_cast %swap3A_2320 : i32 to index
    %swap3A_2322 = arith.constant 432 : index
    %swap3A_2323 = tpu.vector_load %arg5[%swap3A_2321, %swap3A_2322] {strides = array<i32>} : memref<32x512xf32, #tpu.memory_space<vmem>>, vector<1x16xf32>,
    %swap3A_2324 = vector.shape_cast %swap3A_2323 : vector<1x16xf32> to vector<16xf32>
    %swap3A_2325 = vector.shape_cast %get3A_2157 : vector<16xf32> to vector<1x16xf32>
    tpu.vector_store %arg5[%swap3A_2321, %swap3A_2322], %swap3A_2325 {strides = array<i32>} : memref<32x512xf32, #tpu.memory_space<vmem>>, vector<1x16xf32>,
    %swap3A_2326 = arith.constant 28 : i32
    %swap3A_2327 = arith.index_cast %swap3A_2326 : i32 to index
    %swap3A_2328 = arith.constant 432 : index
    %swap3A_2329 = tpu.vector_load %arg5[%swap3A_2327, %swap3A_2328] {strides = array<i32>} : memref<32x512xf32, #tpu.memory_space<vmem>>, vector<1x16xf32>,
    %swap3A_2330 = vector.shape_cast %swap3A_2329 : vector<1x16xf32> to vector<16xf32>
    %swap3A_2331 = vector.shape_cast %get3A_2157 : vector<16xf32> to vector<1x16xf32>
    tpu.vector_store %arg5[%swap3A_2327, %swap3A_2328], %swap3A_2331 {strides = array<i32>} : memref<32x512xf32, #tpu.memory_space<vmem>>, vector<1x16xf32>,
    %swap3A_2332 = arith.constant 29 : i32
    %swap3A_2333 = arith.index_cast %swap3A_2332 : i32 to index
    %swap3A_2334 = arith.constant 432 : index
    %swap3A_2335 = tpu.vector_load %arg5[%swap3A_2333, %swap3A_2334] {strides = array<i32>} : memref<32x512xf32, #tpu.memory_space<vmem>>, vector<1x16xf32>,
    %swap3A_2336 = vector.shape_cast %swap3A_2335 : vector<1x16xf32> to vector<16xf32>
    %swap3A_2337 = vector.shape_cast %get3A_2157 : vector<16xf32> to vector<1x16xf32>
    tpu.vector_store %arg5[%swap3A_2333, %swap3A_2334], %swap3A_2337 {strides = array<i32>} : memref<32x512xf32, #tpu.memory_space<vmem>>, vector<1x16xf32>,
    %swap3A_2338 = arith.constant 30 : i32
    %swap3A_2339 = arith.index_cast %swap3A_2338 : i32 to index
    %swap3A_2340 = arith.constant 432 : index
    %swap3A_2341 = tpu.vector_load %arg5[%swap3A_2339, %swap3A_2340] {strides = array<i32>} : memref<32x512xf32, #tpu.memory_space<vmem>>, vector<1x16xf32>,
    %swap3A_2342 = vector.shape_cast %swap3A_2341 : vector<1x16xf32> to vector<16xf32>
    %swap3A_2343 = vector.shape_cast %get3A_2157 : vector<16xf32> to vector<1x16xf32>
    tpu.vector_store %arg5[%swap3A_2339, %swap3A_2340], %swap3A_2343 {strides = array<i32>} : memref<32x512xf32, #tpu.memory_space<vmem>>, vector<1x16xf32>,
    %swap3A_2344 = arith.constant 31 : i32
    %swap3A_2345 = arith.index_cast %swap3A_2344 : i32 to index
    %swap3A_2346 = arith.constant 432 : index
    %swap3A_2347 = tpu.vector_load %arg5[%swap3A_2345, %swap3A_2346] {strides = array<i32>} : memref<32x512xf32, #tpu.memory_space<vmem>>, vector<1x16xf32>,
    %swap3A_2348 = vector.shape_cast %swap3A_2347 : vector<1x16xf32> to vector<16xf32>
    %swap3A_2349 = vector.shape_cast %get3A_2157 : vector<16xf32> to vector<1x16xf32>
    tpu.vector_store %arg5[%swap3A_2345, %swap3A_2346], %swap3A_2349 {strides = array<i32>} : memref<32x512xf32, #tpu.memory_space<vmem>>, vector<1x16xf32>,
    %get3A_2350 = arith.constant 192 : index
    %get3A_2351 = tpu.vector_load %arg6[%get3A_2350] {strides = array<i32>} : memref<256xf32, #tpu.memory_space<vmem>>, vector<16xf32>,
    %get3A_2352 = vector.shape_cast %get3A_2351 : vector<16xf32> to vector<16xf32>
    %swap3A_2353 = arith.constant 0 : i32
    %swap3A_2354 = arith.index_cast %swap3A_2353 : i32 to index
    %swap3A_2355 = arith.constant 448 : index
    %swap3A_2356 = tpu.vector_load %arg5[%swap3A_2354, %swap3A_2355] {strides = array<i32>} : memref<32x512xf32, #tpu.memory_space<vmem>>, vector<1x16xf32>,
    %swap3A_2357 = vector.shape_cast %swap3A_2356 : vector<1x16xf32> to vector<16xf32>
    %swap3A_2358 = vector.shape_cast %get3A_2352 : vector<16xf32> to vector<1x16xf32>
    tpu.vector_store %arg5[%swap3A_2354, %swap3A_2355], %swap3A_2358 {strides = array<i32>} : memref<32x512xf32, #tpu.memory_space<vmem>>, vector<1x16xf32>,
    %swap3A_2359 = arith.constant 1 : i32
    %swap3A_2360 = arith.index_cast %swap3A_2359 : i32 to index
    %swap3A_2361 = arith.constant 448 : index
    %swap3A_2362 = tpu.vector_load %arg5[%swap3A_2360, %swap3A_2361] {strides = array<i32>} : memref<32x512xf32, #tpu.memory_space<vmem>>, vector<1x16xf32>,
    %swap3A_2363 = vector.shape_cast %swap3A_2362 : vector<1x16xf32> to vector<16xf32>
    %swap3A_2364 = vector.shape_cast %get3A_2352 : vector<16xf32> to vector<1x16xf32>
    tpu.vector_store %arg5[%swap3A_2360, %swap3A_2361], %swap3A_2364 {strides = array<i32>} : memref<32x512xf32, #tpu.memory_space<vmem>>, vector<1x16xf32>,
    %swap3A_2365 = arith.constant 2 : i32
    %swap3A_2366 = arith.index_cast %swap3A_2365 : i32 to index
    %swap3A_2367 = arith.constant 448 : index
    %swap3A_2368 = tpu.vector_load %arg5[%swap3A_2366, %swap3A_2367] {strides = array<i32>} : memref<32x512xf32, #tpu.memory_space<vmem>>, vector<1x16xf32>,
    %swap3A_2369 = vector.shape_cast %swap3A_2368 : vector<1x16xf32> to vector<16xf32>
    %swap3A_2370 = vector.shape_cast %get3A_2352 : vector<16xf32> to vector<1x16xf32>
    tpu.vector_store %arg5[%swap3A_2366, %swap3A_2367], %swap3A_2370 {strides = array<i32>} : memref<32x512xf32, #tpu.memory_space<vmem>>, vector<1x16xf32>,
    %swap3A_2371 = arith.constant 3 : i32
    %swap3A_2372 = arith.index_cast %swap3A_2371 : i32 to index
    %swap3A_2373 = arith.constant 448 : index
    %swap3A_2374 = tpu.vector_load %arg5[%swap3A_2372, %swap3A_2373] {strides = array<i32>} : memref<32x512xf32, #tpu.memory_space<vmem>>, vector<1x16xf32>,
    %swap3A_2375 = vector.shape_cast %swap3A_2374 : vector<1x16xf32> to vector<16xf32>
    %swap3A_2376 = vector.shape_cast %get3A_2352 : vector<16xf32> to vector<1x16xf32>
    tpu.vector_store %arg5[%swap3A_2372, %swap3A_2373], %swap3A_2376 {strides = array<i32>} : memref<32x512xf32, #tpu.memory_space<vmem>>, vector<1x16xf32>,
    %swap3A_2377 = arith.constant 4 : i32
    %swap3A_2378 = arith.index_cast %swap3A_2377 : i32 to index
    %swap3A_2379 = arith.constant 448 : index
    %swap3A_2380 = tpu.vector_load %arg5[%swap3A_2378, %swap3A_2379] {strides = array<i32>} : memref<32x512xf32, #tpu.memory_space<vmem>>, vector<1x16xf32>,
    %swap3A_2381 = vector.shape_cast %swap3A_2380 : vector<1x16xf32> to vector<16xf32>
    %swap3A_2382 = vector.shape_cast %get3A_2352 : vector<16xf32> to vector<1x16xf32>
    tpu.vector_store %arg5[%swap3A_2378, %swap3A_2379], %swap3A_2382 {strides = array<i32>} : memref<32x512xf32, #tpu.memory_space<vmem>>, vector<1x16xf32>,
    %swap3A_2383 = arith.constant 5 : i32
    %swap3A_2384 = arith.index_cast %swap3A_2383 : i32 to index
    %swap3A_2385 = arith.constant 448 : index
    %swap3A_2386 = tpu.vector_load %arg5[%swap3A_2384, %swap3A_2385] {strides = array<i32>} : memref<32x512xf32, #tpu.memory_space<vmem>>, vector<1x16xf32>,
    %swap3A_2387 = vector.shape_cast %swap3A_2386 : vector<1x16xf32> to vector<16xf32>
    %swap3A_2388 = vector.shape_cast %get3A_2352 : vector<16xf32> to vector<1x16xf32>
    tpu.vector_store %arg5[%swap3A_2384, %swap3A_2385], %swap3A_2388 {strides = array<i32>} : memref<32x512xf32, #tpu.memory_space<vmem>>, vector<1x16xf32>,
    %swap3A_2389 = arith.constant 6 : i32
    %swap3A_2390 = arith.index_cast %swap3A_2389 : i32 to index
    %swap3A_2391 = arith.constant 448 : index
    %swap3A_2392 = tpu.vector_load %arg5[%swap3A_2390, %swap3A_2391] {strides = array<i32>} : memref<32x512xf32, #tpu.memory_space<vmem>>, vector<1x16xf32>,
    %swap3A_2393 = vector.shape_cast %swap3A_2392 : vector<1x16xf32> to vector<16xf32>
    %swap3A_2394 = vector.shape_cast %get3A_2352 : vector<16xf32> to vector<1x16xf32>
    tpu.vector_store %arg5[%swap3A_2390, %swap3A_2391], %swap3A_2394 {strides = array<i32>} : memref<32x512xf32, #tpu.memory_space<vmem>>, vector<1x16xf32>,
    %swap3A_2395 = arith.constant 7 : i32
    %swap3A_2396 = arith.index_cast %swap3A_2395 : i32 to index
    %swap3A_2397 = arith.constant 448 : index
    %swap3A_2398 = tpu.vector_load %arg5[%swap3A_2396, %swap3A_2397] {strides = array<i32>} : memref<32x512xf32, #tpu.memory_space<vmem>>, vector<1x16xf32>,
    %swap3A_2399 = vector.shape_cast %swap3A_2398 : vector<1x16xf32> to vector<16xf32>
    %swap3A_2400 = vector.shape_cast %get3A_2352 : vector<16xf32> to vector<1x16xf32>
    tpu.vector_store %arg5[%swap3A_2396, %swap3A_2397], %swap3A_2400 {strides = array<i32>} : memref<32x512xf32, #tpu.memory_space<vmem>>, vector<1x16xf32>,
    %swap3A_2401 = arith.constant 8 : i32
    %swap3A_2402 = arith.index_cast %swap3A_2401 : i32 to index
    %swap3A_2403 = arith.constant 448 : index
    %swap3A_2404 = tpu.vector_load %arg5[%swap3A_2402, %swap3A_2403] {strides = array<i32>} : memref<32x512xf32, #tpu.memory_space<vmem>>, vector<1x16xf32>,
    %swap3A_2405 = vector.shape_cast %swap3A_2404 : vector<1x16xf32> to vector<16xf32>
    %swap3A_2406 = vector.shape_cast %get3A_2352 : vector<16xf32> to vector<1x16xf32>
    tpu.vector_store %arg5[%swap3A_2402, %swap3A_2403], %swap3A_2406 {strides = array<i32>} : memref<32x512xf32, #tpu.memory_space<vmem>>, vector<1x16xf32>,
    %swap3A_2407 = arith.constant 9 : i32
    %swap3A_2408 = arith.index_cast %swap3A_2407 : i32 to index
    %swap3A_2409 = arith.constant 448 : index
    %swap3A_2410 = tpu.vector_load %arg5[%swap3A_2408, %swap3A_2409] {strides = array<i32>} : memref<32x512xf32, #tpu.memory_space<vmem>>, vector<1x16xf32>,
    %swap3A_2411 = vector.shape_cast %swap3A_2410 : vector<1x16xf32> to vector<16xf32>
    %swap3A_2412 = vector.shape_cast %get3A_2352 : vector<16xf32> to vector<1x16xf32>
    tpu.vector_store %arg5[%swap3A_2408, %swap3A_2409], %swap3A_2412 {strides = array<i32>} : memref<32x512xf32, #tpu.memory_space<vmem>>, vector<1x16xf32>,
    %swap3A_2413 = arith.constant 10 : i32
    %swap3A_2414 = arith.index_cast %swap3A_2413 : i32 to index
    %swap3A_2415 = arith.constant 448 : index
    %swap3A_2416 = tpu.vector_load %arg5[%swap3A_2414, %swap3A_2415] {strides = array<i32>} : memref<32x512xf32, #tpu.memory_space<vmem>>, vector<1x16xf32>,
    %swap3A_2417 = vector.shape_cast %swap3A_2416 : vector<1x16xf32> to vector<16xf32>
    %swap3A_2418 = vector.shape_cast %get3A_2352 : vector<16xf32> to vector<1x16xf32>
    tpu.vector_store %arg5[%swap3A_2414, %swap3A_2415], %swap3A_2418 {strides = array<i32>} : memref<32x512xf32, #tpu.memory_space<vmem>>, vector<1x16xf32>,
    %swap3A_2419 = arith.constant 11 : i32
    %swap3A_2420 = arith.index_cast %swap3A_2419 : i32 to index
    %swap3A_2421 = arith.constant 448 : index
    %swap3A_2422 = tpu.vector_load %arg5[%swap3A_2420, %swap3A_2421] {strides = array<i32>} : memref<32x512xf32, #tpu.memory_space<vmem>>, vector<1x16xf32>,
    %swap3A_2423 = vector.shape_cast %swap3A_2422 : vector<1x16xf32> to vector<16xf32>
    %swap3A_2424 = vector.shape_cast %get3A_2352 : vector<16xf32> to vector<1x16xf32>
    tpu.vector_store %arg5[%swap3A_2420, %swap3A_2421], %swap3A_2424 {strides = array<i32>} : memref<32x512xf32, #tpu.memory_space<vmem>>, vector<1x16xf32>,
    %swap3A_2425 = arith.constant 12 : i32
    %swap3A_2426 = arith.index_cast %swap3A_2425 : i32 to index
    %swap3A_2427 = arith.constant 448 : index
    %swap3A_2428 = tpu.vector_load %arg5[%swap3A_2426, %swap3A_2427] {strides = array<i32>} : memref<32x512xf32, #tpu.memory_space<vmem>>, vector<1x16xf32>,
    %swap3A_2429 = vector.shape_cast %swap3A_2428 : vector<1x16xf32> to vector<16xf32>
    %swap3A_2430 = vector.shape_cast %get3A_2352 : vector<16xf32> to vector<1x16xf32>
    tpu.vector_store %arg5[%swap3A_2426, %swap3A_2427], %swap3A_2430 {strides = array<i32>} : memref<32x512xf32, #tpu.memory_space<vmem>>, vector<1x16xf32>,
    %swap3A_2431 = arith.constant 13 : i32
    %swap3A_2432 = arith.index_cast %swap3A_2431 : i32 to index
    %swap3A_2433 = arith.constant 448 : index
    %swap3A_2434 = tpu.vector_load %arg5[%swap3A_2432, %swap3A_2433] {strides = array<i32>} : memref<32x512xf32, #tpu.memory_space<vmem>>, vector<1x16xf32>,
    %swap3A_2435 = vector.shape_cast %swap3A_2434 : vector<1x16xf32> to vector<16xf32>
    %swap3A_2436 = vector.shape_cast %get3A_2352 : vector<16xf32> to vector<1x16xf32>
    tpu.vector_store %arg5[%swap3A_2432, %swap3A_2433], %swap3A_2436 {strides = array<i32>} : memref<32x512xf32, #tpu.memory_space<vmem>>, vector<1x16xf32>,
    %swap3A_2437 = arith.constant 14 : i32
    %swap3A_2438 = arith.index_cast %swap3A_2437 : i32 to index
    %swap3A_2439 = arith.constant 448 : index
    %swap3A_2440 = tpu.vector_load %arg5[%swap3A_2438, %swap3A_2439] {strides = array<i32>} : memref<32x512xf32, #tpu.memory_space<vmem>>, vector<1x16xf32>,
    %swap3A_2441 = vector.shape_cast %swap3A_2440 : vector<1x16xf32> to vector<16xf32>
    %swap3A_2442 = vector.shape_cast %get3A_2352 : vector<16xf32> to vector<1x16xf32>
    tpu.vector_store %arg5[%swap3A_2438, %swap3A_2439], %swap3A_2442 {strides = array<i32>} : memref<32x512xf32, #tpu.memory_space<vmem>>, vector<1x16xf32>,
    %swap3A_2443 = arith.constant 15 : i32
    %swap3A_2444 = arith.index_cast %swap3A_2443 : i32 to index
    %swap3A_2445 = arith.constant 448 : index
    %swap3A_2446 = tpu.vector_load %arg5[%swap3A_2444, %swap3A_2445] {strides = array<i32>} : memref<32x512xf32, #tpu.memory_space<vmem>>, vector<1x16xf32>,
    %swap3A_2447 = vector.shape_cast %swap3A_2446 : vector<1x16xf32> to vector<16xf32>
    %swap3A_2448 = vector.shape_cast %get3A_2352 : vector<16xf32> to vector<1x16xf32>
    tpu.vector_store %arg5[%swap3A_2444, %swap3A_2445], %swap3A_2448 {strides = array<i32>} : memref<32x512xf32, #tpu.memory_space<vmem>>, vector<1x16xf32>,
    %swap3A_2449 = arith.constant 16 : i32
    %swap3A_2450 = arith.index_cast %swap3A_2449 : i32 to index
    %swap3A_2451 = arith.constant 448 : index
    %swap3A_2452 = tpu.vector_load %arg5[%swap3A_2450, %swap3A_2451] {strides = array<i32>} : memref<32x512xf32, #tpu.memory_space<vmem>>, vector<1x16xf32>,
    %swap3A_2453 = vector.shape_cast %swap3A_2452 : vector<1x16xf32> to vector<16xf32>
    %swap3A_2454 = vector.shape_cast %get3A_2352 : vector<16xf32> to vector<1x16xf32>
    tpu.vector_store %arg5[%swap3A_2450, %swap3A_2451], %swap3A_2454 {strides = array<i32>} : memref<32x512xf32, #tpu.memory_space<vmem>>, vector<1x16xf32>,
    %swap3A_2455 = arith.constant 17 : i32
    %swap3A_2456 = arith.index_cast %swap3A_2455 : i32 to index
    %swap3A_2457 = arith.constant 448 : index
    %swap3A_2458 = tpu.vector_load %arg5[%swap3A_2456, %swap3A_2457] {strides = array<i32>} : memref<32x512xf32, #tpu.memory_space<vmem>>, vector<1x16xf32>,
    %swap3A_2459 = vector.shape_cast %swap3A_2458 : vector<1x16xf32> to vector<16xf32>
    %swap3A_2460 = vector.shape_cast %get3A_2352 : vector<16xf32> to vector<1x16xf32>
    tpu.vector_store %arg5[%swap3A_2456, %swap3A_2457], %swap3A_2460 {strides = array<i32>} : memref<32x512xf32, #tpu.memory_space<vmem>>, vector<1x16xf32>,
    %swap3A_2461 = arith.constant 18 : i32
    %swap3A_2462 = arith.index_cast %swap3A_2461 : i32 to index
    %swap3A_2463 = arith.constant 448 : index
    %swap3A_2464 = tpu.vector_load %arg5[%swap3A_2462, %swap3A_2463] {strides = array<i32>} : memref<32x512xf32, #tpu.memory_space<vmem>>, vector<1x16xf32>,
    %swap3A_2465 = vector.shape_cast %swap3A_2464 : vector<1x16xf32> to vector<16xf32>
    %swap3A_2466 = vector.shape_cast %get3A_2352 : vector<16xf32> to vector<1x16xf32>
    tpu.vector_store %arg5[%swap3A_2462, %swap3A_2463], %swap3A_2466 {strides = array<i32>} : memref<32x512xf32, #tpu.memory_space<vmem>>, vector<1x16xf32>,
    %swap3A_2467 = arith.constant 19 : i32
    %swap3A_2468 = arith.index_cast %swap3A_2467 : i32 to index
    %swap3A_2469 = arith.constant 448 : index
    %swap3A_2470 = tpu.vector_load %arg5[%swap3A_2468, %swap3A_2469] {strides = array<i32>} : memref<32x512xf32, #tpu.memory_space<vmem>>, vector<1x16xf32>,
    %swap3A_2471 = vector.shape_cast %swap3A_2470 : vector<1x16xf32> to vector<16xf32>
    %swap3A_2472 = vector.shape_cast %get3A_2352 : vector<16xf32> to vector<1x16xf32>
    tpu.vector_store %arg5[%swap3A_2468, %swap3A_2469], %swap3A_2472 {strides = array<i32>} : memref<32x512xf32, #tpu.memory_space<vmem>>, vector<1x16xf32>,
    %swap3A_2473 = arith.constant 20 : i32
    %swap3A_2474 = arith.index_cast %swap3A_2473 : i32 to index
    %swap3A_2475 = arith.constant 448 : index
    %swap3A_2476 = tpu.vector_load %arg5[%swap3A_2474, %swap3A_2475] {strides = array<i32>} : memref<32x512xf32, #tpu.memory_space<vmem>>, vector<1x16xf32>,
    %swap3A_2477 = vector.shape_cast %swap3A_2476 : vector<1x16xf32> to vector<16xf32>
    %swap3A_2478 = vector.shape_cast %get3A_2352 : vector<16xf32> to vector<1x16xf32>
    tpu.vector_store %arg5[%swap3A_2474, %swap3A_2475], %swap3A_2478 {strides = array<i32>} : memref<32x512xf32, #tpu.memory_space<vmem>>, vector<1x16xf32>,
    %swap3A_2479 = arith.constant 21 : i32
    %swap3A_2480 = arith.index_cast %swap3A_2479 : i32 to index
    %swap3A_2481 = arith.constant 448 : index
    %swap3A_2482 = tpu.vector_load %arg5[%swap3A_2480, %swap3A_2481] {strides = array<i32>} : memref<32x512xf32, #tpu.memory_space<vmem>>, vector<1x16xf32>,
    %swap3A_2483 = vector.shape_cast %swap3A_2482 : vector<1x16xf32> to vector<16xf32>
    %swap3A_2484 = vector.shape_cast %get3A_2352 : vector<16xf32> to vector<1x16xf32>
    tpu.vector_store %arg5[%swap3A_2480, %swap3A_2481], %swap3A_2484 {strides = array<i32>} : memref<32x512xf32, #tpu.memory_space<vmem>>, vector<1x16xf32>,
    %swap3A_2485 = arith.constant 22 : i32
    %swap3A_2486 = arith.index_cast %swap3A_2485 : i32 to index
    %swap3A_2487 = arith.constant 448 : index
    %swap3A_2488 = tpu.vector_load %arg5[%swap3A_2486, %swap3A_2487] {strides = array<i32>} : memref<32x512xf32, #tpu.memory_space<vmem>>, vector<1x16xf32>,
    %swap3A_2489 = vector.shape_cast %swap3A_2488 : vector<1x16xf32> to vector<16xf32>
    %swap3A_2490 = vector.shape_cast %get3A_2352 : vector<16xf32> to vector<1x16xf32>
    tpu.vector_store %arg5[%swap3A_2486, %swap3A_2487], %swap3A_2490 {strides = array<i32>} : memref<32x512xf32, #tpu.memory_space<vmem>>, vector<1x16xf32>,
    %swap3A_2491 = arith.constant 23 : i32
    %swap3A_2492 = arith.index_cast %swap3A_2491 : i32 to index
    %swap3A_2493 = arith.constant 448 : index
    %swap3A_2494 = tpu.vector_load %arg5[%swap3A_2492, %swap3A_2493] {strides = array<i32>} : memref<32x512xf32, #tpu.memory_space<vmem>>, vector<1x16xf32>,
    %swap3A_2495 = vector.shape_cast %swap3A_2494 : vector<1x16xf32> to vector<16xf32>
    %swap3A_2496 = vector.shape_cast %get3A_2352 : vector<16xf32> to vector<1x16xf32>
    tpu.vector_store %arg5[%swap3A_2492, %swap3A_2493], %swap3A_2496 {strides = array<i32>} : memref<32x512xf32, #tpu.memory_space<vmem>>, vector<1x16xf32>,
    %swap3A_2497 = arith.constant 24 : i32
    %swap3A_2498 = arith.index_cast %swap3A_2497 : i32 to index
    %swap3A_2499 = arith.constant 448 : index
    %swap3A_2500 = tpu.vector_load %arg5[%swap3A_2498, %swap3A_2499] {strides = array<i32>} : memref<32x512xf32, #tpu.memory_space<vmem>>, vector<1x16xf32>,
    %swap3A_2501 = vector.shape_cast %swap3A_2500 : vector<1x16xf32> to vector<16xf32>
    %swap3A_2502 = vector.shape_cast %get3A_2352 : vector<16xf32> to vector<1x16xf32>
    tpu.vector_store %arg5[%swap3A_2498, %swap3A_2499], %swap3A_2502 {strides = array<i32>} : memref<32x512xf32, #tpu.memory_space<vmem>>, vector<1x16xf32>,
    %swap3A_2503 = arith.constant 25 : i32
    %swap3A_2504 = arith.index_cast %swap3A_2503 : i32 to index
    %swap3A_2505 = arith.constant 448 : index
    %swap3A_2506 = tpu.vector_load %arg5[%swap3A_2504, %swap3A_2505] {strides = array<i32>} : memref<32x512xf32, #tpu.memory_space<vmem>>, vector<1x16xf32>,
    %swap3A_2507 = vector.shape_cast %swap3A_2506 : vector<1x16xf32> to vector<16xf32>
    %swap3A_2508 = vector.shape_cast %get3A_2352 : vector<16xf32> to vector<1x16xf32>
    tpu.vector_store %arg5[%swap3A_2504, %swap3A_2505], %swap3A_2508 {strides = array<i32>} : memref<32x512xf32, #tpu.memory_space<vmem>>, vector<1x16xf32>,
    %swap3A_2509 = arith.constant 26 : i32
    %swap3A_2510 = arith.index_cast %swap3A_2509 : i32 to index
    %swap3A_2511 = arith.constant 448 : index
    %swap3A_2512 = tpu.vector_load %arg5[%swap3A_2510, %swap3A_2511] {strides = array<i32>} : memref<32x512xf32, #tpu.memory_space<vmem>>, vector<1x16xf32>,
    %swap3A_2513 = vector.shape_cast %swap3A_2512 : vector<1x16xf32> to vector<16xf32>
    %swap3A_2514 = vector.shape_cast %get3A_2352 : vector<16xf32> to vector<1x16xf32>
    tpu.vector_store %arg5[%swap3A_2510, %swap3A_2511], %swap3A_2514 {strides = array<i32>} : memref<32x512xf32, #tpu.memory_space<vmem>>, vector<1x16xf32>,
    %swap3A_2515 = arith.constant 27 : i32
    %swap3A_2516 = arith.index_cast %swap3A_2515 : i32 to index
    %swap3A_2517 = arith.constant 448 : index
    %swap3A_2518 = tpu.vector_load %arg5[%swap3A_2516, %swap3A_2517] {strides = array<i32>} : memref<32x512xf32, #tpu.memory_space<vmem>>, vector<1x16xf32>,
    %swap3A_2519 = vector.shape_cast %swap3A_2518 : vector<1x16xf32> to vector<16xf32>
    %swap3A_2520 = vector.shape_cast %get3A_2352 : vector<16xf32> to vector<1x16xf32>
    tpu.vector_store %arg5[%swap3A_2516, %swap3A_2517], %swap3A_2520 {strides = array<i32>} : memref<32x512xf32, #tpu.memory_space<vmem>>, vector<1x16xf32>,
    %swap3A_2521 = arith.constant 28 : i32
    %swap3A_2522 = arith.index_cast %swap3A_2521 : i32 to index
    %swap3A_2523 = arith.constant 448 : index
    %swap3A_2524 = tpu.vector_load %arg5[%swap3A_2522, %swap3A_2523] {strides = array<i32>} : memref<32x512xf32, #tpu.memory_space<vmem>>, vector<1x16xf32>,
    %swap3A_2525 = vector.shape_cast %swap3A_2524 : vector<1x16xf32> to vector<16xf32>
    %swap3A_2526 = vector.shape_cast %get3A_2352 : vector<16xf32> to vector<1x16xf32>
    tpu.vector_store %arg5[%swap3A_2522, %swap3A_2523], %swap3A_2526 {strides = array<i32>} : memref<32x512xf32, #tpu.memory_space<vmem>>, vector<1x16xf32>,
    %swap3A_2527 = arith.constant 29 : i32
    %swap3A_2528 = arith.index_cast %swap3A_2527 : i32 to index
    %swap3A_2529 = arith.constant 448 : index
    %swap3A_2530 = tpu.vector_load %arg5[%swap3A_2528, %swap3A_2529] {strides = array<i32>} : memref<32x512xf32, #tpu.memory_space<vmem>>, vector<1x16xf32>,
    %swap3A_2531 = vector.shape_cast %swap3A_2530 : vector<1x16xf32> to vector<16xf32>
    %swap3A_2532 = vector.shape_cast %get3A_2352 : vector<16xf32> to vector<1x16xf32>
    tpu.vector_store %arg5[%swap3A_2528, %swap3A_2529], %swap3A_2532 {strides = array<i32>} : memref<32x512xf32, #tpu.memory_space<vmem>>, vector<1x16xf32>,
    %swap3A_2533 = arith.constant 30 : i32
    %swap3A_2534 = arith.index_cast %swap3A_2533 : i32 to index
    %swap3A_2535 = arith.constant 448 : index
    %swap3A_2536 = tpu.vector_load %arg5[%swap3A_2534, %swap3A_2535] {strides = array<i32>} : memref<32x512xf32, #tpu.memory_space<vmem>>, vector<1x16xf32>,
    %swap3A_2537 = vector.shape_cast %swap3A_2536 : vector<1x16xf32> to vector<16xf32>
    %swap3A_2538 = vector.shape_cast %get3A_2352 : vector<16xf32> to vector<1x16xf32>
    tpu.vector_store %arg5[%swap3A_2534, %swap3A_2535], %swap3A_2538 {strides = array<i32>} : memref<32x512xf32, #tpu.memory_space<vmem>>, vector<1x16xf32>,
    %swap3A_2539 = arith.constant 31 : i32
    %swap3A_2540 = arith.index_cast %swap3A_2539 : i32 to index
    %swap3A_2541 = arith.constant 448 : index
    %swap3A_2542 = tpu.vector_load %arg5[%swap3A_2540, %swap3A_2541] {strides = array<i32>} : memref<32x512xf32, #tpu.memory_space<vmem>>, vector<1x16xf32>,
    %swap3A_2543 = vector.shape_cast %swap3A_2542 : vector<1x16xf32> to vector<16xf32>
    %swap3A_2544 = vector.shape_cast %get3A_2352 : vector<16xf32> to vector<1x16xf32>
    tpu.vector_store %arg5[%swap3A_2540, %swap3A_2541], %swap3A_2544 {strides = array<i32>} : memref<32x512xf32, #tpu.memory_space<vmem>>, vector<1x16xf32>,
    %get3A_2545 = arith.constant 208 : index
    %get3A_2546 = tpu.vector_load %arg6[%get3A_2545] {strides = array<i32>} : memref<256xf32, #tpu.memory_space<vmem>>, vector<16xf32>,
    %get3A_2547 = vector.shape_cast %get3A_2546 : vector<16xf32> to vector<16xf32>
    %swap3A_2548 = arith.constant 0 : i32
    %swap3A_2549 = arith.index_cast %swap3A_2548 : i32 to index
    %swap3A_2550 = arith.constant 464 : index
    %swap3A_2551 = tpu.vector_load %arg5[%swap3A_2549, %swap3A_2550] {strides = array<i32>} : memref<32x512xf32, #tpu.memory_space<vmem>>, vector<1x16xf32>,
    %swap3A_2552 = vector.shape_cast %swap3A_2551 : vector<1x16xf32> to vector<16xf32>
    %swap3A_2553 = vector.shape_cast %get3A_2547 : vector<16xf32> to vector<1x16xf32>
    tpu.vector_store %arg5[%swap3A_2549, %swap3A_2550], %swap3A_2553 {strides = array<i32>} : memref<32x512xf32, #tpu.memory_space<vmem>>, vector<1x16xf32>,
    %swap3A_2554 = arith.constant 1 : i32
    %swap3A_2555 = arith.index_cast %swap3A_2554 : i32 to index
    %swap3A_2556 = arith.constant 464 : index
    %swap3A_2557 = tpu.vector_load %arg5[%swap3A_2555, %swap3A_2556] {strides = array<i32>} : memref<32x512xf32, #tpu.memory_space<vmem>>, vector<1x16xf32>,
    %swap3A_2558 = vector.shape_cast %swap3A_2557 : vector<1x16xf32> to vector<16xf32>
    %swap3A_2559 = vector.shape_cast %get3A_2547 : vector<16xf32> to vector<1x16xf32>
    tpu.vector_store %arg5[%swap3A_2555, %swap3A_2556], %swap3A_2559 {strides = array<i32>} : memref<32x512xf32, #tpu.memory_space<vmem>>, vector<1x16xf32>,
    %swap3A_2560 = arith.constant 2 : i32
    %swap3A_2561 = arith.index_cast %swap3A_2560 : i32 to index
    %swap3A_2562 = arith.constant 464 : index
    %swap3A_2563 = tpu.vector_load %arg5[%swap3A_2561, %swap3A_2562] {strides = array<i32>} : memref<32x512xf32, #tpu.memory_space<vmem>>, vector<1x16xf32>,
    %swap3A_2564 = vector.shape_cast %swap3A_2563 : vector<1x16xf32> to vector<16xf32>
    %swap3A_2565 = vector.shape_cast %get3A_2547 : vector<16xf32> to vector<1x16xf32>
    tpu.vector_store %arg5[%swap3A_2561, %swap3A_2562], %swap3A_2565 {strides = array<i32>} : memref<32x512xf32, #tpu.memory_space<vmem>>, vector<1x16xf32>,
    %swap3A_2566 = arith.constant 3 : i32
    %swap3A_2567 = arith.index_cast %swap3A_2566 : i32 to index
    %swap3A_2568 = arith.constant 464 : index
    %swap3A_2569 = tpu.vector_load %arg5[%swap3A_2567, %swap3A_2568] {strides = array<i32>} : memref<32x512xf32, #tpu.memory_space<vmem>>, vector<1x16xf32>,
    %swap3A_2570 = vector.shape_cast %swap3A_2569 : vector<1x16xf32> to vector<16xf32>
    %swap3A_2571 = vector.shape_cast %get3A_2547 : vector<16xf32> to vector<1x16xf32>
    tpu.vector_store %arg5[%swap3A_2567, %swap3A_2568], %swap3A_2571 {strides = array<i32>} : memref<32x512xf32, #tpu.memory_space<vmem>>, vector<1x16xf32>,
    %swap3A_2572 = arith.constant 4 : i32
    %swap3A_2573 = arith.index_cast %swap3A_2572 : i32 to index
    %swap3A_2574 = arith.constant 464 : index
    %swap3A_2575 = tpu.vector_load %arg5[%swap3A_2573, %swap3A_2574] {strides = array<i32>} : memref<32x512xf32, #tpu.memory_space<vmem>>, vector<1x16xf32>,
    %swap3A_2576 = vector.shape_cast %swap3A_2575 : vector<1x16xf32> to vector<16xf32>
    %swap3A_2577 = vector.shape_cast %get3A_2547 : vector<16xf32> to vector<1x16xf32>
    tpu.vector_store %arg5[%swap3A_2573, %swap3A_2574], %swap3A_2577 {strides = array<i32>} : memref<32x512xf32, #tpu.memory_space<vmem>>, vector<1x16xf32>,
    %swap3A_2578 = arith.constant 5 : i32
    %swap3A_2579 = arith.index_cast %swap3A_2578 : i32 to index
    %swap3A_2580 = arith.constant 464 : index
    %swap3A_2581 = tpu.vector_load %arg5[%swap3A_2579, %swap3A_2580] {strides = array<i32>} : memref<32x512xf32, #tpu.memory_space<vmem>>, vector<1x16xf32>,
    %swap3A_2582 = vector.shape_cast %swap3A_2581 : vector<1x16xf32> to vector<16xf32>
    %swap3A_2583 = vector.shape_cast %get3A_2547 : vector<16xf32> to vector<1x16xf32>
    tpu.vector_store %arg5[%swap3A_2579, %swap3A_2580], %swap3A_2583 {strides = array<i32>} : memref<32x512xf32, #tpu.memory_space<vmem>>, vector<1x16xf32>,
    %swap3A_2584 = arith.constant 6 : i32
    %swap3A_2585 = arith.index_cast %swap3A_2584 : i32 to index
    %swap3A_2586 = arith.constant 464 : index
    %swap3A_2587 = tpu.vector_load %arg5[%swap3A_2585, %swap3A_2586] {strides = array<i32>} : memref<32x512xf32, #tpu.memory_space<vmem>>, vector<1x16xf32>,
    %swap3A_2588 = vector.shape_cast %swap3A_2587 : vector<1x16xf32> to vector<16xf32>
    %swap3A_2589 = vector.shape_cast %get3A_2547 : vector<16xf32> to vector<1x16xf32>
    tpu.vector_store %arg5[%swap3A_2585, %swap3A_2586], %swap3A_2589 {strides = array<i32>} : memref<32x512xf32, #tpu.memory_space<vmem>>, vector<1x16xf32>,
    %swap3A_2590 = arith.constant 7 : i32
    %swap3A_2591 = arith.index_cast %swap3A_2590 : i32 to index
    %swap3A_2592 = arith.constant 464 : index
    %swap3A_2593 = tpu.vector_load %arg5[%swap3A_2591, %swap3A_2592] {strides = array<i32>} : memref<32x512xf32, #tpu.memory_space<vmem>>, vector<1x16xf32>,
    %swap3A_2594 = vector.shape_cast %swap3A_2593 : vector<1x16xf32> to vector<16xf32>
    %swap3A_2595 = vector.shape_cast %get3A_2547 : vector<16xf32> to vector<1x16xf32>
    tpu.vector_store %arg5[%swap3A_2591, %swap3A_2592], %swap3A_2595 {strides = array<i32>} : memref<32x512xf32, #tpu.memory_space<vmem>>, vector<1x16xf32>,
    %swap3A_2596 = arith.constant 8 : i32
    %swap3A_2597 = arith.index_cast %swap3A_2596 : i32 to index
    %swap3A_2598 = arith.constant 464 : index
    %swap3A_2599 = tpu.vector_load %arg5[%swap3A_2597, %swap3A_2598] {strides = array<i32>} : memref<32x512xf32, #tpu.memory_space<vmem>>, vector<1x16xf32>,
    %swap3A_2600 = vector.shape_cast %swap3A_2599 : vector<1x16xf32> to vector<16xf32>
    %swap3A_2601 = vector.shape_cast %get3A_2547 : vector<16xf32> to vector<1x16xf32>
    tpu.vector_store %arg5[%swap3A_2597, %swap3A_2598], %swap3A_2601 {strides = array<i32>} : memref<32x512xf32, #tpu.memory_space<vmem>>, vector<1x16xf32>,
    %swap3A_2602 = arith.constant 9 : i32
    %swap3A_2603 = arith.index_cast %swap3A_2602 : i32 to index
    %swap3A_2604 = arith.constant 464 : index
    %swap3A_2605 = tpu.vector_load %arg5[%swap3A_2603, %swap3A_2604] {strides = array<i32>} : memref<32x512xf32, #tpu.memory_space<vmem>>, vector<1x16xf32>,
    %swap3A_2606 = vector.shape_cast %swap3A_2605 : vector<1x16xf32> to vector<16xf32>
    %swap3A_2607 = vector.shape_cast %get3A_2547 : vector<16xf32> to vector<1x16xf32>
    tpu.vector_store %arg5[%swap3A_2603, %swap3A_2604], %swap3A_2607 {strides = array<i32>} : memref<32x512xf32, #tpu.memory_space<vmem>>, vector<1x16xf32>,
    %swap3A_2608 = arith.constant 10 : i32
    %swap3A_2609 = arith.index_cast %swap3A_2608 : i32 to index
    %swap3A_2610 = arith.constant 464 : index
    %swap3A_2611 = tpu.vector_load %arg5[%swap3A_2609, %swap3A_2610] {strides = array<i32>} : memref<32x512xf32, #tpu.memory_space<vmem>>, vector<1x16xf32>,
    %swap3A_2612 = vector.shape_cast %swap3A_2611 : vector<1x16xf32> to vector<16xf32>
    %swap3A_2613 = vector.shape_cast %get3A_2547 : vector<16xf32> to vector<1x16xf32>
    tpu.vector_store %arg5[%swap3A_2609, %swap3A_2610], %swap3A_2613 {strides = array<i32>} : memref<32x512xf32, #tpu.memory_space<vmem>>, vector<1x16xf32>,
    %swap3A_2614 = arith.constant 11 : i32
    %swap3A_2615 = arith.index_cast %swap3A_2614 : i32 to index
    %swap3A_2616 = arith.constant 464 : index
    %swap3A_2617 = tpu.vector_load %arg5[%swap3A_2615, %swap3A_2616] {strides = array<i32>} : memref<32x512xf32, #tpu.memory_space<vmem>>, vector<1x16xf32>,
    %swap3A_2618 = vector.shape_cast %swap3A_2617 : vector<1x16xf32> to vector<16xf32>
    %swap3A_2619 = vector.shape_cast %get3A_2547 : vector<16xf32> to vector<1x16xf32>
    tpu.vector_store %arg5[%swap3A_2615, %swap3A_2616], %swap3A_2619 {strides = array<i32>} : memref<32x512xf32, #tpu.memory_space<vmem>>, vector<1x16xf32>,
    %swap3A_2620 = arith.constant 12 : i32
    %swap3A_2621 = arith.index_cast %swap3A_2620 : i32 to index
    %swap3A_2622 = arith.constant 464 : index
    %swap3A_2623 = tpu.vector_load %arg5[%swap3A_2621, %swap3A_2622] {strides = array<i32>} : memref<32x512xf32, #tpu.memory_space<vmem>>, vector<1x16xf32>,
    %swap3A_2624 = vector.shape_cast %swap3A_2623 : vector<1x16xf32> to vector<16xf32>
    %swap3A_2625 = vector.shape_cast %get3A_2547 : vector<16xf32> to vector<1x16xf32>
    tpu.vector_store %arg5[%swap3A_2621, %swap3A_2622], %swap3A_2625 {strides = array<i32>} : memref<32x512xf32, #tpu.memory_space<vmem>>, vector<1x16xf32>,
    %swap3A_2626 = arith.constant 13 : i32
    %swap3A_2627 = arith.index_cast %swap3A_2626 : i32 to index
    %swap3A_2628 = arith.constant 464 : index
    %swap3A_2629 = tpu.vector_load %arg5[%swap3A_2627, %swap3A_2628] {strides = array<i32>} : memref<32x512xf32, #tpu.memory_space<vmem>>, vector<1x16xf32>,
    %swap3A_2630 = vector.shape_cast %swap3A_2629 : vector<1x16xf32> to vector<16xf32>
    %swap3A_2631 = vector.shape_cast %get3A_2547 : vector<16xf32> to vector<1x16xf32>
    tpu.vector_store %arg5[%swap3A_2627, %swap3A_2628], %swap3A_2631 {strides = array<i32>} : memref<32x512xf32, #tpu.memory_space<vmem>>, vector<1x16xf32>,
    %swap3A_2632 = arith.constant 14 : i32
    %swap3A_2633 = arith.index_cast %swap3A_2632 : i32 to index
    %swap3A_2634 = arith.constant 464 : index
    %swap3A_2635 = tpu.vector_load %arg5[%swap3A_2633, %swap3A_2634] {strides = array<i32>} : memref<32x512xf32, #tpu.memory_space<vmem>>, vector<1x16xf32>,
    %swap3A_2636 = vector.shape_cast %swap3A_2635 : vector<1x16xf32> to vector<16xf32>
    %swap3A_2637 = vector.shape_cast %get3A_2547 : vector<16xf32> to vector<1x16xf32>
    tpu.vector_store %arg5[%swap3A_2633, %swap3A_2634], %swap3A_2637 {strides = array<i32>} : memref<32x512xf32, #tpu.memory_space<vmem>>, vector<1x16xf32>,
    %swap3A_2638 = arith.constant 15 : i32
    %swap3A_2639 = arith.index_cast %swap3A_2638 : i32 to index
    %swap3A_2640 = arith.constant 464 : index
    %swap3A_2641 = tpu.vector_load %arg5[%swap3A_2639, %swap3A_2640] {strides = array<i32>} : memref<32x512xf32, #tpu.memory_space<vmem>>, vector<1x16xf32>,
    %swap3A_2642 = vector.shape_cast %swap3A_2641 : vector<1x16xf32> to vector<16xf32>
    %swap3A_2643 = vector.shape_cast %get3A_2547 : vector<16xf32> to vector<1x16xf32>
    tpu.vector_store %arg5[%swap3A_2639, %swap3A_2640], %swap3A_2643 {strides = array<i32>} : memref<32x512xf32, #tpu.memory_space<vmem>>, vector<1x16xf32>,
    %swap3A_2644 = arith.constant 16 : i32
    %swap3A_2645 = arith.index_cast %swap3A_2644 : i32 to index
    %swap3A_2646 = arith.constant 464 : index
    %swap3A_2647 = tpu.vector_load %arg5[%swap3A_2645, %swap3A_2646] {strides = array<i32>} : memref<32x512xf32, #tpu.memory_space<vmem>>, vector<1x16xf32>,
    %swap3A_2648 = vector.shape_cast %swap3A_2647 : vector<1x16xf32> to vector<16xf32>
    %swap3A_2649 = vector.shape_cast %get3A_2547 : vector<16xf32> to vector<1x16xf32>
    tpu.vector_store %arg5[%swap3A_2645, %swap3A_2646], %swap3A_2649 {strides = array<i32>} : memref<32x512xf32, #tpu.memory_space<vmem>>, vector<1x16xf32>,
    %swap3A_2650 = arith.constant 17 : i32
    %swap3A_2651 = arith.index_cast %swap3A_2650 : i32 to index
    %swap3A_2652 = arith.constant 464 : index
    %swap3A_2653 = tpu.vector_load %arg5[%swap3A_2651, %swap3A_2652] {strides = array<i32>} : memref<32x512xf32, #tpu.memory_space<vmem>>, vector<1x16xf32>,
    %swap3A_2654 = vector.shape_cast %swap3A_2653 : vector<1x16xf32> to vector<16xf32>
    %swap3A_2655 = vector.shape_cast %get3A_2547 : vector<16xf32> to vector<1x16xf32>
    tpu.vector_store %arg5[%swap3A_2651, %swap3A_2652], %swap3A_2655 {strides = array<i32>} : memref<32x512xf32, #tpu.memory_space<vmem>>, vector<1x16xf32>,
    %swap3A_2656 = arith.constant 18 : i32
    %swap3A_2657 = arith.index_cast %swap3A_2656 : i32 to index
    %swap3A_2658 = arith.constant 464 : index
    %swap3A_2659 = tpu.vector_load %arg5[%swap3A_2657, %swap3A_2658] {strides = array<i32>} : memref<32x512xf32, #tpu.memory_space<vmem>>, vector<1x16xf32>,
    %swap3A_2660 = vector.shape_cast %swap3A_2659 : vector<1x16xf32> to vector<16xf32>
    %swap3A_2661 = vector.shape_cast %get3A_2547 : vector<16xf32> to vector<1x16xf32>
    tpu.vector_store %arg5[%swap3A_2657, %swap3A_2658], %swap3A_2661 {strides = array<i32>} : memref<32x512xf32, #tpu.memory_space<vmem>>, vector<1x16xf32>,
    %swap3A_2662 = arith.constant 19 : i32
    %swap3A_2663 = arith.index_cast %swap3A_2662 : i32 to index
    %swap3A_2664 = arith.constant 464 : index
    %swap3A_2665 = tpu.vector_load %arg5[%swap3A_2663, %swap3A_2664] {strides = array<i32>} : memref<32x512xf32, #tpu.memory_space<vmem>>, vector<1x16xf32>,
    %swap3A_2666 = vector.shape_cast %swap3A_2665 : vector<1x16xf32> to vector<16xf32>
    %swap3A_2667 = vector.shape_cast %get3A_2547 : vector<16xf32> to vector<1x16xf32>
    tpu.vector_store %arg5[%swap3A_2663, %swap3A_2664], %swap3A_2667 {strides = array<i32>} : memref<32x512xf32, #tpu.memory_space<vmem>>, vector<1x16xf32>,
    %swap3A_2668 = arith.constant 20 : i32
    %swap3A_2669 = arith.index_cast %swap3A_2668 : i32 to index
    %swap3A_2670 = arith.constant 464 : index
    %swap3A_2671 = tpu.vector_load %arg5[%swap3A_2669, %swap3A_2670] {strides = array<i32>} : memref<32x512xf32, #tpu.memory_space<vmem>>, vector<1x16xf32>,
    %swap3A_2672 = vector.shape_cast %swap3A_2671 : vector<1x16xf32> to vector<16xf32>
    %swap3A_2673 = vector.shape_cast %get3A_2547 : vector<16xf32> to vector<1x16xf32>
    tpu.vector_store %arg5[%swap3A_2669, %swap3A_2670], %swap3A_2673 {strides = array<i32>} : memref<32x512xf32, #tpu.memory_space<vmem>>, vector<1x16xf32>,
    %swap3A_2674 = arith.constant 21 : i32
    %swap3A_2675 = arith.index_cast %swap3A_2674 : i32 to index
    %swap3A_2676 = arith.constant 464 : index
    %swap3A_2677 = tpu.vector_load %arg5[%swap3A_2675, %swap3A_2676] {strides = array<i32>} : memref<32x512xf32, #tpu.memory_space<vmem>>, vector<1x16xf32>,
    %swap3A_2678 = vector.shape_cast %swap3A_2677 : vector<1x16xf32> to vector<16xf32>
    %swap3A_2679 = vector.shape_cast %get3A_2547 : vector<16xf32> to vector<1x16xf32>
    tpu.vector_store %arg5[%swap3A_2675, %swap3A_2676], %swap3A_2679 {strides = array<i32>} : memref<32x512xf32, #tpu.memory_space<vmem>>, vector<1x16xf32>,
    %swap3A_2680 = arith.constant 22 : i32
    %swap3A_2681 = arith.index_cast %swap3A_2680 : i32 to index
    %swap3A_2682 = arith.constant 464 : index
    %swap3A_2683 = tpu.vector_load %arg5[%swap3A_2681, %swap3A_2682] {strides = array<i32>} : memref<32x512xf32, #tpu.memory_space<vmem>>, vector<1x16xf32>,
    %swap3A_2684 = vector.shape_cast %swap3A_2683 : vector<1x16xf32> to vector<16xf32>
    %swap3A_2685 = vector.shape_cast %get3A_2547 : vector<16xf32> to vector<1x16xf32>
    tpu.vector_store %arg5[%swap3A_2681, %swap3A_2682], %swap3A_2685 {strides = array<i32>} : memref<32x512xf32, #tpu.memory_space<vmem>>, vector<1x16xf32>,
    %swap3A_2686 = arith.constant 23 : i32
    %swap3A_2687 = arith.index_cast %swap3A_2686 : i32 to index
    %swap3A_2688 = arith.constant 464 : index
    %swap3A_2689 = tpu.vector_load %arg5[%swap3A_2687, %swap3A_2688] {strides = array<i32>} : memref<32x512xf32, #tpu.memory_space<vmem>>, vector<1x16xf32>,
    %swap3A_2690 = vector.shape_cast %swap3A_2689 : vector<1x16xf32> to vector<16xf32>
    %swap3A_2691 = vector.shape_cast %get3A_2547 : vector<16xf32> to vector<1x16xf32>
    tpu.vector_store %arg5[%swap3A_2687, %swap3A_2688], %swap3A_2691 {strides = array<i32>} : memref<32x512xf32, #tpu.memory_space<vmem>>, vector<1x16xf32>,
    %swap3A_2692 = arith.constant 24 : i32
    %swap3A_2693 = arith.index_cast %swap3A_2692 : i32 to index
    %swap3A_2694 = arith.constant 464 : index
    %swap3A_2695 = tpu.vector_load %arg5[%swap3A_2693, %swap3A_2694] {strides = array<i32>} : memref<32x512xf32, #tpu.memory_space<vmem>>, vector<1x16xf32>,
    %swap3A_2696 = vector.shape_cast %swap3A_2695 : vector<1x16xf32> to vector<16xf32>
    %swap3A_2697 = vector.shape_cast %get3A_2547 : vector<16xf32> to vector<1x16xf32>
    tpu.vector_store %arg5[%swap3A_2693, %swap3A_2694], %swap3A_2697 {strides = array<i32>} : memref<32x512xf32, #tpu.memory_space<vmem>>, vector<1x16xf32>,
    %swap3A_2698 = arith.constant 25 : i32
    %swap3A_2699 = arith.index_cast %swap3A_2698 : i32 to index
    %swap3A_2700 = arith.constant 464 : index
    %swap3A_2701 = tpu.vector_load %arg5[%swap3A_2699, %swap3A_2700] {strides = array<i32>} : memref<32x512xf32, #tpu.memory_space<vmem>>, vector<1x16xf32>,
    %swap3A_2702 = vector.shape_cast %swap3A_2701 : vector<1x16xf32> to vector<16xf32>
    %swap3A_2703 = vector.shape_cast %get3A_2547 : vector<16xf32> to vector<1x16xf32>
    tpu.vector_store %arg5[%swap3A_2699, %swap3A_2700], %swap3A_2703 {strides = array<i32>} : memref<32x512xf32, #tpu.memory_space<vmem>>, vector<1x16xf32>,
    %swap3A_2704 = arith.constant 26 : i32
    %swap3A_2705 = arith.index_cast %swap3A_2704 : i32 to index
    %swap3A_2706 = arith.constant 464 : index
    %swap3A_2707 = tpu.vector_load %arg5[%swap3A_2705, %swap3A_2706] {strides = array<i32>} : memref<32x512xf32, #tpu.memory_space<vmem>>, vector<1x16xf32>,
    %swap3A_2708 = vector.shape_cast %swap3A_2707 : vector<1x16xf32> to vector<16xf32>
    %swap3A_2709 = vector.shape_cast %get3A_2547 : vector<16xf32> to vector<1x16xf32>
    tpu.vector_store %arg5[%swap3A_2705, %swap3A_2706], %swap3A_2709 {strides = array<i32>} : memref<32x512xf32, #tpu.memory_space<vmem>>, vector<1x16xf32>,
    %swap3A_2710 = arith.constant 27 : i32
    %swap3A_2711 = arith.index_cast %swap3A_2710 : i32 to index
    %swap3A_2712 = arith.constant 464 : index
    %swap3A_2713 = tpu.vector_load %arg5[%swap3A_2711, %swap3A_2712] {strides = array<i32>} : memref<32x512xf32, #tpu.memory_space<vmem>>, vector<1x16xf32>,
    %swap3A_2714 = vector.shape_cast %swap3A_2713 : vector<1x16xf32> to vector<16xf32>
    %swap3A_2715 = vector.shape_cast %get3A_2547 : vector<16xf32> to vector<1x16xf32>
    tpu.vector_store %arg5[%swap3A_2711, %swap3A_2712], %swap3A_2715 {strides = array<i32>} : memref<32x512xf32, #tpu.memory_space<vmem>>, vector<1x16xf32>,
    %swap3A_2716 = arith.constant 28 : i32
    %swap3A_2717 = arith.index_cast %swap3A_2716 : i32 to index
    %swap3A_2718 = arith.constant 464 : index
    %swap3A_2719 = tpu.vector_load %arg5[%swap3A_2717, %swap3A_2718] {strides = array<i32>} : memref<32x512xf32, #tpu.memory_space<vmem>>, vector<1x16xf32>,
    %swap3A_2720 = vector.shape_cast %swap3A_2719 : vector<1x16xf32> to vector<16xf32>
    %swap3A_2721 = vector.shape_cast %get3A_2547 : vector<16xf32> to vector<1x16xf32>
    tpu.vector_store %arg5[%swap3A_2717, %swap3A_2718], %swap3A_2721 {strides = array<i32>} : memref<32x512xf32, #tpu.memory_space<vmem>>, vector<1x16xf32>,
    %swap3A_2722 = arith.constant 29 : i32
    %swap3A_2723 = arith.index_cast %swap3A_2722 : i32 to index
    %swap3A_2724 = arith.constant 464 : index
    %swap3A_2725 = tpu.vector_load %arg5[%swap3A_2723, %swap3A_2724] {strides = array<i32>} : memref<32x512xf32, #tpu.memory_space<vmem>>, vector<1x16xf32>,
    %swap3A_2726 = vector.shape_cast %swap3A_2725 : vector<1x16xf32> to vector<16xf32>
    %swap3A_2727 = vector.shape_cast %get3A_2547 : vector<16xf32> to vector<1x16xf32>
    tpu.vector_store %arg5[%swap3A_2723, %swap3A_2724], %swap3A_2727 {strides = array<i32>} : memref<32x512xf32, #tpu.memory_space<vmem>>, vector<1x16xf32>,
    %swap3A_2728 = arith.constant 30 : i32
    %swap3A_2729 = arith.index_cast %swap3A_2728 : i32 to index
    %swap3A_2730 = arith.constant 464 : index
    %swap3A_2731 = tpu.vector_load %arg5[%swap3A_2729, %swap3A_2730] {strides = array<i32>} : memref<32x512xf32, #tpu.memory_space<vmem>>, vector<1x16xf32>,
    %swap3A_2732 = vector.shape_cast %swap3A_2731 : vector<1x16xf32> to vector<16xf32>
    %swap3A_2733 = vector.shape_cast %get3A_2547 : vector<16xf32> to vector<1x16xf32>
    tpu.vector_store %arg5[%swap3A_2729, %swap3A_2730], %swap3A_2733 {strides = array<i32>} : memref<32x512xf32, #tpu.memory_space<vmem>>, vector<1x16xf32>,
    %swap3A_2734 = arith.constant 31 : i32
    %swap3A_2735 = arith.index_cast %swap3A_2734 : i32 to index
    %swap3A_2736 = arith.constant 464 : index
    %swap3A_2737 = tpu.vector_load %arg5[%swap3A_2735, %swap3A_2736] {strides = array<i32>} : memref<32x512xf32, #tpu.memory_space<vmem>>, vector<1x16xf32>,
    %swap3A_2738 = vector.shape_cast %swap3A_2737 : vector<1x16xf32> to vector<16xf32>
    %swap3A_2739 = vector.shape_cast %get3A_2547 : vector<16xf32> to vector<1x16xf32>
    tpu.vector_store %arg5[%swap3A_2735, %swap3A_2736], %swap3A_2739 {strides = array<i32>} : memref<32x512xf32, #tpu.memory_space<vmem>>, vector<1x16xf32>,
    %get3A_2740 = arith.constant 224 : index
    %get3A_2741 = tpu.vector_load %arg6[%get3A_2740] {strides = array<i32>} : memref<256xf32, #tpu.memory_space<vmem>>, vector<16xf32>,
    %get3A_2742 = vector.shape_cast %get3A_2741 : vector<16xf32> to vector<16xf32>
    %swap3A_2743 = arith.constant 0 : i32
    %swap3A_2744 = arith.index_cast %swap3A_2743 : i32 to index
    %swap3A_2745 = arith.constant 480 : index
    %swap3A_2746 = tpu.vector_load %arg5[%swap3A_2744, %swap3A_2745] {strides = array<i32>} : memref<32x512xf32, #tpu.memory_space<vmem>>, vector<1x16xf32>,
    %swap3A_2747 = vector.shape_cast %swap3A_2746 : vector<1x16xf32> to vector<16xf32>
    %swap3A_2748 = vector.shape_cast %get3A_2742 : vector<16xf32> to vector<1x16xf32>
    tpu.vector_store %arg5[%swap3A_2744, %swap3A_2745], %swap3A_2748 {strides = array<i32>} : memref<32x512xf32, #tpu.memory_space<vmem>>, vector<1x16xf32>,
    %swap3A_2749 = arith.constant 1 : i32
    %swap3A_2750 = arith.index_cast %swap3A_2749 : i32 to index
    %swap3A_2751 = arith.constant 480 : index
    %swap3A_2752 = tpu.vector_load %arg5[%swap3A_2750, %swap3A_2751] {strides = array<i32>} : memref<32x512xf32, #tpu.memory_space<vmem>>, vector<1x16xf32>,
    %swap3A_2753 = vector.shape_cast %swap3A_2752 : vector<1x16xf32> to vector<16xf32>
    %swap3A_2754 = vector.shape_cast %get3A_2742 : vector<16xf32> to vector<1x16xf32>
    tpu.vector_store %arg5[%swap3A_2750, %swap3A_2751], %swap3A_2754 {strides = array<i32>} : memref<32x512xf32, #tpu.memory_space<vmem>>, vector<1x16xf32>,
    %swap3A_2755 = arith.constant 2 : i32
    %swap3A_2756 = arith.index_cast %swap3A_2755 : i32 to index
    %swap3A_2757 = arith.constant 480 : index
    %swap3A_2758 = tpu.vector_load %arg5[%swap3A_2756, %swap3A_2757] {strides = array<i32>} : memref<32x512xf32, #tpu.memory_space<vmem>>, vector<1x16xf32>,
    %swap3A_2759 = vector.shape_cast %swap3A_2758 : vector<1x16xf32> to vector<16xf32>
    %swap3A_2760 = vector.shape_cast %get3A_2742 : vector<16xf32> to vector<1x16xf32>
    tpu.vector_store %arg5[%swap3A_2756, %swap3A_2757], %swap3A_2760 {strides = array<i32>} : memref<32x512xf32, #tpu.memory_space<vmem>>, vector<1x16xf32>,
    %swap3A_2761 = arith.constant 3 : i32
    %swap3A_2762 = arith.index_cast %swap3A_2761 : i32 to index
    %swap3A_2763 = arith.constant 480 : index
    %swap3A_2764 = tpu.vector_load %arg5[%swap3A_2762, %swap3A_2763] {strides = array<i32>} : memref<32x512xf32, #tpu.memory_space<vmem>>, vector<1x16xf32>,
    %swap3A_2765 = vector.shape_cast %swap3A_2764 : vector<1x16xf32> to vector<16xf32>
    %swap3A_2766 = vector.shape_cast %get3A_2742 : vector<16xf32> to vector<1x16xf32>
    tpu.vector_store %arg5[%swap3A_2762, %swap3A_2763], %swap3A_2766 {strides = array<i32>} : memref<32x512xf32, #tpu.memory_space<vmem>>, vector<1x16xf32>,
    %swap3A_2767 = arith.constant 4 : i32
    %swap3A_2768 = arith.index_cast %swap3A_2767 : i32 to index
    %swap3A_2769 = arith.constant 480 : index
    %swap3A_2770 = tpu.vector_load %arg5[%swap3A_2768, %swap3A_2769] {strides = array<i32>} : memref<32x512xf32, #tpu.memory_space<vmem>>, vector<1x16xf32>,
    %swap3A_2771 = vector.shape_cast %swap3A_2770 : vector<1x16xf32> to vector<16xf32>
    %swap3A_2772 = vector.shape_cast %get3A_2742 : vector<16xf32> to vector<1x16xf32>
    tpu.vector_store %arg5[%swap3A_2768, %swap3A_2769], %swap3A_2772 {strides = array<i32>} : memref<32x512xf32, #tpu.memory_space<vmem>>, vector<1x16xf32>,
    %swap3A_2773 = arith.constant 5 : i32
    %swap3A_2774 = arith.index_cast %swap3A_2773 : i32 to index
    %swap3A_2775 = arith.constant 480 : index
    %swap3A_2776 = tpu.vector_load %arg5[%swap3A_2774, %swap3A_2775] {strides = array<i32>} : memref<32x512xf32, #tpu.memory_space<vmem>>, vector<1x16xf32>,
    %swap3A_2777 = vector.shape_cast %swap3A_2776 : vector<1x16xf32> to vector<16xf32>
    %swap3A_2778 = vector.shape_cast %get3A_2742 : vector<16xf32> to vector<1x16xf32>
    tpu.vector_store %arg5[%swap3A_2774, %swap3A_2775], %swap3A_2778 {strides = array<i32>} : memref<32x512xf32, #tpu.memory_space<vmem>>, vector<1x16xf32>,
    %swap3A_2779 = arith.constant 6 : i32
    %swap3A_2780 = arith.index_cast %swap3A_2779 : i32 to index
    %swap3A_2781 = arith.constant 480 : index
    %swap3A_2782 = tpu.vector_load %arg5[%swap3A_2780, %swap3A_2781] {strides = array<i32>} : memref<32x512xf32, #tpu.memory_space<vmem>>, vector<1x16xf32>,
    %swap3A_2783 = vector.shape_cast %swap3A_2782 : vector<1x16xf32> to vector<16xf32>
    %swap3A_2784 = vector.shape_cast %get3A_2742 : vector<16xf32> to vector<1x16xf32>
    tpu.vector_store %arg5[%swap3A_2780, %swap3A_2781], %swap3A_2784 {strides = array<i32>} : memref<32x512xf32, #tpu.memory_space<vmem>>, vector<1x16xf32>,
    %swap3A_2785 = arith.constant 7 : i32
    %swap3A_2786 = arith.index_cast %swap3A_2785 : i32 to index
    %swap3A_2787 = arith.constant 480 : index
    %swap3A_2788 = tpu.vector_load %arg5[%swap3A_2786, %swap3A_2787] {strides = array<i32>} : memref<32x512xf32, #tpu.memory_space<vmem>>, vector<1x16xf32>,
    %swap3A_2789 = vector.shape_cast %swap3A_2788 : vector<1x16xf32> to vector<16xf32>
    %swap3A_2790 = vector.shape_cast %get3A_2742 : vector<16xf32> to vector<1x16xf32>
    tpu.vector_store %arg5[%swap3A_2786, %swap3A_2787], %swap3A_2790 {strides = array<i32>} : memref<32x512xf32, #tpu.memory_space<vmem>>, vector<1x16xf32>,
    %swap3A_2791 = arith.constant 8 : i32
    %swap3A_2792 = arith.index_cast %swap3A_2791 : i32 to index
    %swap3A_2793 = arith.constant 480 : index
    %swap3A_2794 = tpu.vector_load %arg5[%swap3A_2792, %swap3A_2793] {strides = array<i32>} : memref<32x512xf32, #tpu.memory_space<vmem>>, vector<1x16xf32>,
    %swap3A_2795 = vector.shape_cast %swap3A_2794 : vector<1x16xf32> to vector<16xf32>
    %swap3A_2796 = vector.shape_cast %get3A_2742 : vector<16xf32> to vector<1x16xf32>
    tpu.vector_store %arg5[%swap3A_2792, %swap3A_2793], %swap3A_2796 {strides = array<i32>} : memref<32x512xf32, #tpu.memory_space<vmem>>, vector<1x16xf32>,
    %swap3A_2797 = arith.constant 9 : i32
    %swap3A_2798 = arith.index_cast %swap3A_2797 : i32 to index
    %swap3A_2799 = arith.constant 480 : index
    %swap3A_2800 = tpu.vector_load %arg5[%swap3A_2798, %swap3A_2799] {strides = array<i32>} : memref<32x512xf32, #tpu.memory_space<vmem>>, vector<1x16xf32>,
    %swap3A_2801 = vector.shape_cast %swap3A_2800 : vector<1x16xf32> to vector<16xf32>
    %swap3A_2802 = vector.shape_cast %get3A_2742 : vector<16xf32> to vector<1x16xf32>
    tpu.vector_store %arg5[%swap3A_2798, %swap3A_2799], %swap3A_2802 {strides = array<i32>} : memref<32x512xf32, #tpu.memory_space<vmem>>, vector<1x16xf32>,
    %swap3A_2803 = arith.constant 10 : i32
    %swap3A_2804 = arith.index_cast %swap3A_2803 : i32 to index
    %swap3A_2805 = arith.constant 480 : index
    %swap3A_2806 = tpu.vector_load %arg5[%swap3A_2804, %swap3A_2805] {strides = array<i32>} : memref<32x512xf32, #tpu.memory_space<vmem>>, vector<1x16xf32>,
    %swap3A_2807 = vector.shape_cast %swap3A_2806 : vector<1x16xf32> to vector<16xf32>
    %swap3A_2808 = vector.shape_cast %get3A_2742 : vector<16xf32> to vector<1x16xf32>
    tpu.vector_store %arg5[%swap3A_2804, %swap3A_2805], %swap3A_2808 {strides = array<i32>} : memref<32x512xf32, #tpu.memory_space<vmem>>, vector<1x16xf32>,
    %swap3A_2809 = arith.constant 11 : i32
    %swap3A_2810 = arith.index_cast %swap3A_2809 : i32 to index
    %swap3A_2811 = arith.constant 480 : index
    %swap3A_2812 = tpu.vector_load %arg5[%swap3A_2810, %swap3A_2811] {strides = array<i32>} : memref<32x512xf32, #tpu.memory_space<vmem>>, vector<1x16xf32>,
    %swap3A_2813 = vector.shape_cast %swap3A_2812 : vector<1x16xf32> to vector<16xf32>
    %swap3A_2814 = vector.shape_cast %get3A_2742 : vector<16xf32> to vector<1x16xf32>
    tpu.vector_store %arg5[%swap3A_2810, %swap3A_2811], %swap3A_2814 {strides = array<i32>} : memref<32x512xf32, #tpu.memory_space<vmem>>, vector<1x16xf32>,
    %swap3A_2815 = arith.constant 12 : i32
    %swap3A_2816 = arith.index_cast %swap3A_2815 : i32 to index
    %swap3A_2817 = arith.constant 480 : index
    %swap3A_2818 = tpu.vector_load %arg5[%swap3A_2816, %swap3A_2817] {strides = array<i32>} : memref<32x512xf32, #tpu.memory_space<vmem>>, vector<1x16xf32>,
    %swap3A_2819 = vector.shape_cast %swap3A_2818 : vector<1x16xf32> to vector<16xf32>
    %swap3A_2820 = vector.shape_cast %get3A_2742 : vector<16xf32> to vector<1x16xf32>
    tpu.vector_store %arg5[%swap3A_2816, %swap3A_2817], %swap3A_2820 {strides = array<i32>} : memref<32x512xf32, #tpu.memory_space<vmem>>, vector<1x16xf32>,
    %swap3A_2821 = arith.constant 13 : i32
    %swap3A_2822 = arith.index_cast %swap3A_2821 : i32 to index
    %swap3A_2823 = arith.constant 480 : index
    %swap3A_2824 = tpu.vector_load %arg5[%swap3A_2822, %swap3A_2823] {strides = array<i32>} : memref<32x512xf32, #tpu.memory_space<vmem>>, vector<1x16xf32>,
    %swap3A_2825 = vector.shape_cast %swap3A_2824 : vector<1x16xf32> to vector<16xf32>
    %swap3A_2826 = vector.shape_cast %get3A_2742 : vector<16xf32> to vector<1x16xf32>
    tpu.vector_store %arg5[%swap3A_2822, %swap3A_2823], %swap3A_2826 {strides = array<i32>} : memref<32x512xf32, #tpu.memory_space<vmem>>, vector<1x16xf32>,
    %swap3A_2827 = arith.constant 14 : i32
    %swap3A_2828 = arith.index_cast %swap3A_2827 : i32 to index
    %swap3A_2829 = arith.constant 480 : index
    %swap3A_2830 = tpu.vector_load %arg5[%swap3A_2828, %swap3A_2829] {strides = array<i32>} : memref<32x512xf32, #tpu.memory_space<vmem>>, vector<1x16xf32>,
    %swap3A_2831 = vector.shape_cast %swap3A_2830 : vector<1x16xf32> to vector<16xf32>
    %swap3A_2832 = vector.shape_cast %get3A_2742 : vector<16xf32> to vector<1x16xf32>
    tpu.vector_store %arg5[%swap3A_2828, %swap3A_2829], %swap3A_2832 {strides = array<i32>} : memref<32x512xf32, #tpu.memory_space<vmem>>, vector<1x16xf32>,
    %swap3A_2833 = arith.constant 15 : i32
    %swap3A_2834 = arith.index_cast %swap3A_2833 : i32 to index
    %swap3A_2835 = arith.constant 480 : index
    %swap3A_2836 = tpu.vector_load %arg5[%swap3A_2834, %swap3A_2835] {strides = array<i32>} : memref<32x512xf32, #tpu.memory_space<vmem>>, vector<1x16xf32>,
    %swap3A_2837 = vector.shape_cast %swap3A_2836 : vector<1x16xf32> to vector<16xf32>
    %swap3A_2838 = vector.shape_cast %get3A_2742 : vector<16xf32> to vector<1x16xf32>
    tpu.vector_store %arg5[%swap3A_2834, %swap3A_2835], %swap3A_2838 {strides = array<i32>} : memref<32x512xf32, #tpu.memory_space<vmem>>, vector<1x16xf32>,
    %swap3A_2839 = arith.constant 16 : i32
    %swap3A_2840 = arith.index_cast %swap3A_2839 : i32 to index
    %swap3A_2841 = arith.constant 480 : index
    %swap3A_2842 = tpu.vector_load %arg5[%swap3A_2840, %swap3A_2841] {strides = array<i32>} : memref<32x512xf32, #tpu.memory_space<vmem>>, vector<1x16xf32>,
    %swap3A_2843 = vector.shape_cast %swap3A_2842 : vector<1x16xf32> to vector<16xf32>
    %swap3A_2844 = vector.shape_cast %get3A_2742 : vector<16xf32> to vector<1x16xf32>
    tpu.vector_store %arg5[%swap3A_2840, %swap3A_2841], %swap3A_2844 {strides = array<i32>} : memref<32x512xf32, #tpu.memory_space<vmem>>, vector<1x16xf32>,
    %swap3A_2845 = arith.constant 17 : i32
    %swap3A_2846 = arith.index_cast %swap3A_2845 : i32 to index
    %swap3A_2847 = arith.constant 480 : index
    %swap3A_2848 = tpu.vector_load %arg5[%swap3A_2846, %swap3A_2847] {strides = array<i32>} : memref<32x512xf32, #tpu.memory_space<vmem>>, vector<1x16xf32>,
    %swap3A_2849 = vector.shape_cast %swap3A_2848 : vector<1x16xf32> to vector<16xf32>
    %swap3A_2850 = vector.shape_cast %get3A_2742 : vector<16xf32> to vector<1x16xf32>
    tpu.vector_store %arg5[%swap3A_2846, %swap3A_2847], %swap3A_2850 {strides = array<i32>} : memref<32x512xf32, #tpu.memory_space<vmem>>, vector<1x16xf32>,
    %swap3A_2851 = arith.constant 18 : i32
    %swap3A_2852 = arith.index_cast %swap3A_2851 : i32 to index
    %swap3A_2853 = arith.constant 480 : index
    %swap3A_2854 = tpu.vector_load %arg5[%swap3A_2852, %swap3A_2853] {strides = array<i32>} : memref<32x512xf32, #tpu.memory_space<vmem>>, vector<1x16xf32>,
    %swap3A_2855 = vector.shape_cast %swap3A_2854 : vector<1x16xf32> to vector<16xf32>
    %swap3A_2856 = vector.shape_cast %get3A_2742 : vector<16xf32> to vector<1x16xf32>
    tpu.vector_store %arg5[%swap3A_2852, %swap3A_2853], %swap3A_2856 {strides = array<i32>} : memref<32x512xf32, #tpu.memory_space<vmem>>, vector<1x16xf32>,
    %swap3A_2857 = arith.constant 19 : i32
    %swap3A_2858 = arith.index_cast %swap3A_2857 : i32 to index
    %swap3A_2859 = arith.constant 480 : index
    %swap3A_2860 = tpu.vector_load %arg5[%swap3A_2858, %swap3A_2859] {strides = array<i32>} : memref<32x512xf32, #tpu.memory_space<vmem>>, vector<1x16xf32>,
    %swap3A_2861 = vector.shape_cast %swap3A_2860 : vector<1x16xf32> to vector<16xf32>
    %swap3A_2862 = vector.shape_cast %get3A_2742 : vector<16xf32> to vector<1x16xf32>
    tpu.vector_store %arg5[%swap3A_2858, %swap3A_2859], %swap3A_2862 {strides = array<i32>} : memref<32x512xf32, #tpu.memory_space<vmem>>, vector<1x16xf32>,
    %swap3A_2863 = arith.constant 20 : i32
    %swap3A_2864 = arith.index_cast %swap3A_2863 : i32 to index
    %swap3A_2865 = arith.constant 480 : index
    %swap3A_2866 = tpu.vector_load %arg5[%swap3A_2864, %swap3A_2865] {strides = array<i32>} : memref<32x512xf32, #tpu.memory_space<vmem>>, vector<1x16xf32>,
    %swap3A_2867 = vector.shape_cast %swap3A_2866 : vector<1x16xf32> to vector<16xf32>
    %swap3A_2868 = vector.shape_cast %get3A_2742 : vector<16xf32> to vector<1x16xf32>
    tpu.vector_store %arg5[%swap3A_2864, %swap3A_2865], %swap3A_2868 {strides = array<i32>} : memref<32x512xf32, #tpu.memory_space<vmem>>, vector<1x16xf32>,
    %swap3A_2869 = arith.constant 21 : i32
    %swap3A_2870 = arith.index_cast %swap3A_2869 : i32 to index
    %swap3A_2871 = arith.constant 480 : index
    %swap3A_2872 = tpu.vector_load %arg5[%swap3A_2870, %swap3A_2871] {strides = array<i32>} : memref<32x512xf32, #tpu.memory_space<vmem>>, vector<1x16xf32>,
    %swap3A_2873 = vector.shape_cast %swap3A_2872 : vector<1x16xf32> to vector<16xf32>
    %swap3A_2874 = vector.shape_cast %get3A_2742 : vector<16xf32> to vector<1x16xf32>
    tpu.vector_store %arg5[%swap3A_2870, %swap3A_2871], %swap3A_2874 {strides = array<i32>} : memref<32x512xf32, #tpu.memory_space<vmem>>, vector<1x16xf32>,
    %swap3A_2875 = arith.constant 22 : i32
    %swap3A_2876 = arith.index_cast %swap3A_2875 : i32 to index
    %swap3A_2877 = arith.constant 480 : index
    %swap3A_2878 = tpu.vector_load %arg5[%swap3A_2876, %swap3A_2877] {strides = array<i32>} : memref<32x512xf32, #tpu.memory_space<vmem>>, vector<1x16xf32>,
    %swap3A_2879 = vector.shape_cast %swap3A_2878 : vector<1x16xf32> to vector<16xf32>
    %swap3A_2880 = vector.shape_cast %get3A_2742 : vector<16xf32> to vector<1x16xf32>
    tpu.vector_store %arg5[%swap3A_2876, %swap3A_2877], %swap3A_2880 {strides = array<i32>} : memref<32x512xf32, #tpu.memory_space<vmem>>, vector<1x16xf32>,
    %swap3A_2881 = arith.constant 23 : i32
    %swap3A_2882 = arith.index_cast %swap3A_2881 : i32 to index
    %swap3A_2883 = arith.constant 480 : index
    %swap3A_2884 = tpu.vector_load %arg5[%swap3A_2882, %swap3A_2883] {strides = array<i32>} : memref<32x512xf32, #tpu.memory_space<vmem>>, vector<1x16xf32>,
    %swap3A_2885 = vector.shape_cast %swap3A_2884 : vector<1x16xf32> to vector<16xf32>
    %swap3A_2886 = vector.shape_cast %get3A_2742 : vector<16xf32> to vector<1x16xf32>
    tpu.vector_store %arg5[%swap3A_2882, %swap3A_2883], %swap3A_2886 {strides = array<i32>} : memref<32x512xf32, #tpu.memory_space<vmem>>, vector<1x16xf32>,
    %swap3A_2887 = arith.constant 24 : i32
    %swap3A_2888 = arith.index_cast %swap3A_2887 : i32 to index
    %swap3A_2889 = arith.constant 480 : index
    %swap3A_2890 = tpu.vector_load %arg5[%swap3A_2888, %swap3A_2889] {strides = array<i32>} : memref<32x512xf32, #tpu.memory_space<vmem>>, vector<1x16xf32>,
    %swap3A_2891 = vector.shape_cast %swap3A_2890 : vector<1x16xf32> to vector<16xf32>
    %swap3A_2892 = vector.shape_cast %get3A_2742 : vector<16xf32> to vector<1x16xf32>
    tpu.vector_store %arg5[%swap3A_2888, %swap3A_2889], %swap3A_2892 {strides = array<i32>} : memref<32x512xf32, #tpu.memory_space<vmem>>, vector<1x16xf32>,
    %swap3A_2893 = arith.constant 25 : i32
    %swap3A_2894 = arith.index_cast %swap3A_2893 : i32 to index
    %swap3A_2895 = arith.constant 480 : index
    %swap3A_2896 = tpu.vector_load %arg5[%swap3A_2894, %swap3A_2895] {strides = array<i32>} : memref<32x512xf32, #tpu.memory_space<vmem>>, vector<1x16xf32>,
    %swap3A_2897 = vector.shape_cast %swap3A_2896 : vector<1x16xf32> to vector<16xf32>
    %swap3A_2898 = vector.shape_cast %get3A_2742 : vector<16xf32> to vector<1x16xf32>
    tpu.vector_store %arg5[%swap3A_2894, %swap3A_2895], %swap3A_2898 {strides = array<i32>} : memref<32x512xf32, #tpu.memory_space<vmem>>, vector<1x16xf32>,
    %swap3A_2899 = arith.constant 26 : i32
    %swap3A_2900 = arith.index_cast %swap3A_2899 : i32 to index
    %swap3A_2901 = arith.constant 480 : index
    %swap3A_2902 = tpu.vector_load %arg5[%swap3A_2900, %swap3A_2901] {strides = array<i32>} : memref<32x512xf32, #tpu.memory_space<vmem>>, vector<1x16xf32>,
    %swap3A_2903 = vector.shape_cast %swap3A_2902 : vector<1x16xf32> to vector<16xf32>
    %swap3A_2904 = vector.shape_cast %get3A_2742 : vector<16xf32> to vector<1x16xf32>
    tpu.vector_store %arg5[%swap3A_2900, %swap3A_2901], %swap3A_2904 {strides = array<i32>} : memref<32x512xf32, #tpu.memory_space<vmem>>, vector<1x16xf32>,
    %swap3A_2905 = arith.constant 27 : i32
    %swap3A_2906 = arith.index_cast %swap3A_2905 : i32 to index
    %swap3A_2907 = arith.constant 480 : index
    %swap3A_2908 = tpu.vector_load %arg5[%swap3A_2906, %swap3A_2907] {strides = array<i32>} : memref<32x512xf32, #tpu.memory_space<vmem>>, vector<1x16xf32>,
    %swap3A_2909 = vector.shape_cast %swap3A_2908 : vector<1x16xf32> to vector<16xf32>
    %swap3A_2910 = vector.shape_cast %get3A_2742 : vector<16xf32> to vector<1x16xf32>
    tpu.vector_store %arg5[%swap3A_2906, %swap3A_2907], %swap3A_2910 {strides = array<i32>} : memref<32x512xf32, #tpu.memory_space<vmem>>, vector<1x16xf32>,
    %swap3A_2911 = arith.constant 28 : i32
    %swap3A_2912 = arith.index_cast %swap3A_2911 : i32 to index
    %swap3A_2913 = arith.constant 480 : index
    %swap3A_2914 = tpu.vector_load %arg5[%swap3A_2912, %swap3A_2913] {strides = array<i32>} : memref<32x512xf32, #tpu.memory_space<vmem>>, vector<1x16xf32>,
    %swap3A_2915 = vector.shape_cast %swap3A_2914 : vector<1x16xf32> to vector<16xf32>
    %swap3A_2916 = vector.shape_cast %get3A_2742 : vector<16xf32> to vector<1x16xf32>
    tpu.vector_store %arg5[%swap3A_2912, %swap3A_2913], %swap3A_2916 {strides = array<i32>} : memref<32x512xf32, #tpu.memory_space<vmem>>, vector<1x16xf32>,
    %swap3A_2917 = arith.constant 29 : i32
    %swap3A_2918 = arith.index_cast %swap3A_2917 : i32 to index
    %swap3A_2919 = arith.constant 480 : index
    %swap3A_2920 = tpu.vector_load %arg5[%swap3A_2918, %swap3A_2919] {strides = array<i32>} : memref<32x512xf32, #tpu.memory_space<vmem>>, vector<1x16xf32>,
    %swap3A_2921 = vector.shape_cast %swap3A_2920 : vector<1x16xf32> to vector<16xf32>
    %swap3A_2922 = vector.shape_cast %get3A_2742 : vector<16xf32> to vector<1x16xf32>
    tpu.vector_store %arg5[%swap3A_2918, %swap3A_2919], %swap3A_2922 {strides = array<i32>} : memref<32x512xf32, #tpu.memory_space<vmem>>, vector<1x16xf32>,
    %swap3A_2923 = arith.constant 30 : i32
    %swap3A_2924 = arith.index_cast %swap3A_2923 : i32 to index
    %swap3A_2925 = arith.constant 480 : index
    %swap3A_2926 = tpu.vector_load %arg5[%swap3A_2924, %swap3A_2925] {strides = array<i32>} : memref<32x512xf32, #tpu.memory_space<vmem>>, vector<1x16xf32>,
    %swap3A_2927 = vector.shape_cast %swap3A_2926 : vector<1x16xf32> to vector<16xf32>
    %swap3A_2928 = vector.shape_cast %get3A_2742 : vector<16xf32> to vector<1x16xf32>
    tpu.vector_store %arg5[%swap3A_2924, %swap3A_2925], %swap3A_2928 {strides = array<i32>} : memref<32x512xf32, #tpu.memory_space<vmem>>, vector<1x16xf32>,
    %swap3A_2929 = arith.constant 31 : i32
    %swap3A_2930 = arith.index_cast %swap3A_2929 : i32 to index
    %swap3A_2931 = arith.constant 480 : index
    %swap3A_2932 = tpu.vector_load %arg5[%swap3A_2930, %swap3A_2931] {strides = array<i32>} : memref<32x512xf32, #tpu.memory_space<vmem>>, vector<1x16xf32>,
    %swap3A_2933 = vector.shape_cast %swap3A_2932 : vector<1x16xf32> to vector<16xf32>
    %swap3A_2934 = vector.shape_cast %get3A_2742 : vector<16xf32> to vector<1x16xf32>
    tpu.vector_store %arg5[%swap3A_2930, %swap3A_2931], %swap3A_2934 {strides = array<i32>} : memref<32x512xf32, #tpu.memory_space<vmem>>, vector<1x16xf32>,
    %get3A_2935 = arith.constant 240 : index
    %get3A_2936 = tpu.vector_load %arg6[%get3A_2935] {strides = array<i32>} : memref<256xf32, #tpu.memory_space<vmem>>, vector<16xf32>,
    %get3A_2937 = vector.shape_cast %get3A_2936 : vector<16xf32> to vector<16xf32>
    %swap3A_2938 = arith.constant 0 : i32
    %swap3A_2939 = arith.index_cast %swap3A_2938 : i32 to index
    %swap3A_2940 = arith.constant 496 : index
    %swap3A_2941 = tpu.vector_load %arg5[%swap3A_2939, %swap3A_2940] {strides = array<i32>} : memref<32x512xf32, #tpu.memory_space<vmem>>, vector<1x16xf32>,
    %swap3A_2942 = vector.shape_cast %swap3A_2941 : vector<1x16xf32> to vector<16xf32>
    %swap3A_2943 = vector.shape_cast %get3A_2937 : vector<16xf32> to vector<1x16xf32>
    tpu.vector_store %arg5[%swap3A_2939, %swap3A_2940], %swap3A_2943 {strides = array<i32>} : memref<32x512xf32, #tpu.memory_space<vmem>>, vector<1x16xf32>,
    %swap3A_2944 = arith.constant 1 : i32
    %swap3A_2945 = arith.index_cast %swap3A_2944 : i32 to index
    %swap3A_2946 = arith.constant 496 : index
    %swap3A_2947 = tpu.vector_load %arg5[%swap3A_2945, %swap3A_2946] {strides = array<i32>} : memref<32x512xf32, #tpu.memory_space<vmem>>, vector<1x16xf32>,
    %swap3A_2948 = vector.shape_cast %swap3A_2947 : vector<1x16xf32> to vector<16xf32>
    %swap3A_2949 = vector.shape_cast %get3A_2937 : vector<16xf32> to vector<1x16xf32>
    tpu.vector_store %arg5[%swap3A_2945, %swap3A_2946], %swap3A_2949 {strides = array<i32>} : memref<32x512xf32, #tpu.memory_space<vmem>>, vector<1x16xf32>,
    %swap3A_2950 = arith.constant 2 : i32
    %swap3A_2951 = arith.index_cast %swap3A_2950 : i32 to index
    %swap3A_2952 = arith.constant 496 : index
    %swap3A_2953 = tpu.vector_load %arg5[%swap3A_2951, %swap3A_2952] {strides = array<i32>} : memref<32x512xf32, #tpu.memory_space<vmem>>, vector<1x16xf32>,
    %swap3A_2954 = vector.shape_cast %swap3A_2953 : vector<1x16xf32> to vector<16xf32>
    %swap3A_2955 = vector.shape_cast %get3A_2937 : vector<16xf32> to vector<1x16xf32>
    tpu.vector_store %arg5[%swap3A_2951, %swap3A_2952], %swap3A_2955 {strides = array<i32>} : memref<32x512xf32, #tpu.memory_space<vmem>>, vector<1x16xf32>,
    %swap3A_2956 = arith.constant 3 : i32
    %swap3A_2957 = arith.index_cast %swap3A_2956 : i32 to index
    %swap3A_2958 = arith.constant 496 : index
    %swap3A_2959 = tpu.vector_load %arg5[%swap3A_2957, %swap3A_2958] {strides = array<i32>} : memref<32x512xf32, #tpu.memory_space<vmem>>, vector<1x16xf32>,
    %swap3A_2960 = vector.shape_cast %swap3A_2959 : vector<1x16xf32> to vector<16xf32>
    %swap3A_2961 = vector.shape_cast %get3A_2937 : vector<16xf32> to vector<1x16xf32>
    tpu.vector_store %arg5[%swap3A_2957, %swap3A_2958], %swap3A_2961 {strides = array<i32>} : memref<32x512xf32, #tpu.memory_space<vmem>>, vector<1x16xf32>,
    %swap3A_2962 = arith.constant 4 : i32
    %swap3A_2963 = arith.index_cast %swap3A_2962 : i32 to index
    %swap3A_2964 = arith.constant 496 : index
    %swap3A_2965 = tpu.vector_load %arg5[%swap3A_2963, %swap3A_2964] {strides = array<i32>} : memref<32x512xf32, #tpu.memory_space<vmem>>, vector<1x16xf32>,
    %swap3A_2966 = vector.shape_cast %swap3A_2965 : vector<1x16xf32> to vector<16xf32>
    %swap3A_2967 = vector.shape_cast %get3A_2937 : vector<16xf32> to vector<1x16xf32>
    tpu.vector_store %arg5[%swap3A_2963, %swap3A_2964], %swap3A_2967 {strides = array<i32>} : memref<32x512xf32, #tpu.memory_space<vmem>>, vector<1x16xf32>,
    %swap3A_2968 = arith.constant 5 : i32
    %swap3A_2969 = arith.index_cast %swap3A_2968 : i32 to index
    %swap3A_2970 = arith.constant 496 : index
    %swap3A_2971 = tpu.vector_load %arg5[%swap3A_2969, %swap3A_2970] {strides = array<i32>} : memref<32x512xf32, #tpu.memory_space<vmem>>, vector<1x16xf32>,
    %swap3A_2972 = vector.shape_cast %swap3A_2971 : vector<1x16xf32> to vector<16xf32>
    %swap3A_2973 = vector.shape_cast %get3A_2937 : vector<16xf32> to vector<1x16xf32>
    tpu.vector_store %arg5[%swap3A_2969, %swap3A_2970], %swap3A_2973 {strides = array<i32>} : memref<32x512xf32, #tpu.memory_space<vmem>>, vector<1x16xf32>,
    %swap3A_2974 = arith.constant 6 : i32
    %swap3A_2975 = arith.index_cast %swap3A_2974 : i32 to index
    %swap3A_2976 = arith.constant 496 : index
    %swap3A_2977 = tpu.vector_load %arg5[%swap3A_2975, %swap3A_2976] {strides = array<i32>} : memref<32x512xf32, #tpu.memory_space<vmem>>, vector<1x16xf32>,
    %swap3A_2978 = vector.shape_cast %swap3A_2977 : vector<1x16xf32> to vector<16xf32>
    %swap3A_2979 = vector.shape_cast %get3A_2937 : vector<16xf32> to vector<1x16xf32>
    tpu.vector_store %arg5[%swap3A_2975, %swap3A_2976], %swap3A_2979 {strides = array<i32>} : memref<32x512xf32, #tpu.memory_space<vmem>>, vector<1x16xf32>,
    %swap3A_2980 = arith.constant 7 : i32
    %swap3A_2981 = arith.index_cast %swap3A_2980 : i32 to index
    %swap3A_2982 = arith.constant 496 : index
    %swap3A_2983 = tpu.vector_load %arg5[%swap3A_2981, %swap3A_2982] {strides = array<i32>} : memref<32x512xf32, #tpu.memory_space<vmem>>, vector<1x16xf32>,
    %swap3A_2984 = vector.shape_cast %swap3A_2983 : vector<1x16xf32> to vector<16xf32>
    %swap3A_2985 = vector.shape_cast %get3A_2937 : vector<16xf32> to vector<1x16xf32>
    tpu.vector_store %arg5[%swap3A_2981, %swap3A_2982], %swap3A_2985 {strides = array<i32>} : memref<32x512xf32, #tpu.memory_space<vmem>>, vector<1x16xf32>,
    %swap3A_2986 = arith.constant 8 : i32
    %swap3A_2987 = arith.index_cast %swap3A_2986 : i32 to index
    %swap3A_2988 = arith.constant 496 : index
    %swap3A_2989 = tpu.vector_load %arg5[%swap3A_2987, %swap3A_2988] {strides = array<i32>} : memref<32x512xf32, #tpu.memory_space<vmem>>, vector<1x16xf32>,
    %swap3A_2990 = vector.shape_cast %swap3A_2989 : vector<1x16xf32> to vector<16xf32>
    %swap3A_2991 = vector.shape_cast %get3A_2937 : vector<16xf32> to vector<1x16xf32>
    tpu.vector_store %arg5[%swap3A_2987, %swap3A_2988], %swap3A_2991 {strides = array<i32>} : memref<32x512xf32, #tpu.memory_space<vmem>>, vector<1x16xf32>,
    %swap3A_2992 = arith.constant 9 : i32
    %swap3A_2993 = arith.index_cast %swap3A_2992 : i32 to index
    %swap3A_2994 = arith.constant 496 : index
    %swap3A_2995 = tpu.vector_load %arg5[%swap3A_2993, %swap3A_2994] {strides = array<i32>} : memref<32x512xf32, #tpu.memory_space<vmem>>, vector<1x16xf32>,
    %swap3A_2996 = vector.shape_cast %swap3A_2995 : vector<1x16xf32> to vector<16xf32>
    %swap3A_2997 = vector.shape_cast %get3A_2937 : vector<16xf32> to vector<1x16xf32>
    tpu.vector_store %arg5[%swap3A_2993, %swap3A_2994], %swap3A_2997 {strides = array<i32>} : memref<32x512xf32, #tpu.memory_space<vmem>>, vector<1x16xf32>,
    %swap3A_2998 = arith.constant 10 : i32
    %swap3A_2999 = arith.index_cast %swap3A_2998 : i32 to index
    %swap3A_3000 = arith.constant 496 : index
    %swap3A_3001 = tpu.vector_load %arg5[%swap3A_2999, %swap3A_3000] {strides = array<i32>} : memref<32x512xf32, #tpu.memory_space<vmem>>, vector<1x16xf32>,
    %swap3A_3002 = vector.shape_cast %swap3A_3001 : vector<1x16xf32> to vector<16xf32>
    %swap3A_3003 = vector.shape_cast %get3A_2937 : vector<16xf32> to vector<1x16xf32>
    tpu.vector_store %arg5[%swap3A_2999, %swap3A_3000], %swap3A_3003 {strides = array<i32>} : memref<32x512xf32, #tpu.memory_space<vmem>>, vector<1x16xf32>,
    %swap3A_3004 = arith.constant 11 : i32
    %swap3A_3005 = arith.index_cast %swap3A_3004 : i32 to index
    %swap3A_3006 = arith.constant 496 : index
    %swap3A_3007 = tpu.vector_load %arg5[%swap3A_3005, %swap3A_3006] {strides = array<i32>} : memref<32x512xf32, #tpu.memory_space<vmem>>, vector<1x16xf32>,
    %swap3A_3008 = vector.shape_cast %swap3A_3007 : vector<1x16xf32> to vector<16xf32>
    %swap3A_3009 = vector.shape_cast %get3A_2937 : vector<16xf32> to vector<1x16xf32>
    tpu.vector_store %arg5[%swap3A_3005, %swap3A_3006], %swap3A_3009 {strides = array<i32>} : memref<32x512xf32, #tpu.memory_space<vmem>>, vector<1x16xf32>,
    %swap3A_3010 = arith.constant 12 : i32
    %swap3A_3011 = arith.index_cast %swap3A_3010 : i32 to index
    %swap3A_3012 = arith.constant 496 : index
    %swap3A_3013 = tpu.vector_load %arg5[%swap3A_3011, %swap3A_3012] {strides = array<i32>} : memref<32x512xf32, #tpu.memory_space<vmem>>, vector<1x16xf32>,
    %swap3A_3014 = vector.shape_cast %swap3A_3013 : vector<1x16xf32> to vector<16xf32>
    %swap3A_3015 = vector.shape_cast %get3A_2937 : vector<16xf32> to vector<1x16xf32>
    tpu.vector_store %arg5[%swap3A_3011, %swap3A_3012], %swap3A_3015 {strides = array<i32>} : memref<32x512xf32, #tpu.memory_space<vmem>>, vector<1x16xf32>,
    %swap3A_3016 = arith.constant 13 : i32
    %swap3A_3017 = arith.index_cast %swap3A_3016 : i32 to index
    %swap3A_3018 = arith.constant 496 : index
    %swap3A_3019 = tpu.vector_load %arg5[%swap3A_3017, %swap3A_3018] {strides = array<i32>} : memref<32x512xf32, #tpu.memory_space<vmem>>, vector<1x16xf32>,
    %swap3A_3020 = vector.shape_cast %swap3A_3019 : vector<1x16xf32> to vector<16xf32>
    %swap3A_3021 = vector.shape_cast %get3A_2937 : vector<16xf32> to vector<1x16xf32>
    tpu.vector_store %arg5[%swap3A_3017, %swap3A_3018], %swap3A_3021 {strides = array<i32>} : memref<32x512xf32, #tpu.memory_space<vmem>>, vector<1x16xf32>,
    %swap3A_3022 = arith.constant 14 : i32
    %swap3A_3023 = arith.index_cast %swap3A_3022 : i32 to index
    %swap3A_3024 = arith.constant 496 : index
    %swap3A_3025 = tpu.vector_load %arg5[%swap3A_3023, %swap3A_3024] {strides = array<i32>} : memref<32x512xf32, #tpu.memory_space<vmem>>, vector<1x16xf32>,
    %swap3A_3026 = vector.shape_cast %swap3A_3025 : vector<1x16xf32> to vector<16xf32>
    %swap3A_3027 = vector.shape_cast %get3A_2937 : vector<16xf32> to vector<1x16xf32>
    tpu.vector_store %arg5[%swap3A_3023, %swap3A_3024], %swap3A_3027 {strides = array<i32>} : memref<32x512xf32, #tpu.memory_space<vmem>>, vector<1x16xf32>,
    %swap3A_3028 = arith.constant 15 : i32
    %swap3A_3029 = arith.index_cast %swap3A_3028 : i32 to index
    %swap3A_3030 = arith.constant 496 : index
    %swap3A_3031 = tpu.vector_load %arg5[%swap3A_3029, %swap3A_3030] {strides = array<i32>} : memref<32x512xf32, #tpu.memory_space<vmem>>, vector<1x16xf32>,
    %swap3A_3032 = vector.shape_cast %swap3A_3031 : vector<1x16xf32> to vector<16xf32>
    %swap3A_3033 = vector.shape_cast %get3A_2937 : vector<16xf32> to vector<1x16xf32>
    tpu.vector_store %arg5[%swap3A_3029, %swap3A_3030], %swap3A_3033 {strides = array<i32>} : memref<32x512xf32, #tpu.memory_space<vmem>>, vector<1x16xf32>,
    %swap3A_3034 = arith.constant 16 : i32
    %swap3A_3035 = arith.index_cast %swap3A_3034 : i32 to index
    %swap3A_3036 = arith.constant 496 : index
    %swap3A_3037 = tpu.vector_load %arg5[%swap3A_3035, %swap3A_3036] {strides = array<i32>} : memref<32x512xf32, #tpu.memory_space<vmem>>, vector<1x16xf32>,
    %swap3A_3038 = vector.shape_cast %swap3A_3037 : vector<1x16xf32> to vector<16xf32>
    %swap3A_3039 = vector.shape_cast %get3A_2937 : vector<16xf32> to vector<1x16xf32>
    tpu.vector_store %arg5[%swap3A_3035, %swap3A_3036], %swap3A_3039 {strides = array<i32>} : memref<32x512xf32, #tpu.memory_space<vmem>>, vector<1x16xf32>,
    %swap3A_3040 = arith.constant 17 : i32
    %swap3A_3041 = arith.index_cast %swap3A_3040 : i32 to index
    %swap3A_3042 = arith.constant 496 : index
    %swap3A_3043 = tpu.vector_load %arg5[%swap3A_3041, %swap3A_3042] {strides = array<i32>} : memref<32x512xf32, #tpu.memory_space<vmem>>, vector<1x16xf32>,
    %swap3A_3044 = vector.shape_cast %swap3A_3043 : vector<1x16xf32> to vector<16xf32>
    %swap3A_3045 = vector.shape_cast %get3A_2937 : vector<16xf32> to vector<1x16xf32>
    tpu.vector_store %arg5[%swap3A_3041, %swap3A_3042], %swap3A_3045 {strides = array<i32>} : memref<32x512xf32, #tpu.memory_space<vmem>>, vector<1x16xf32>,
    %swap3A_3046 = arith.constant 18 : i32
    %swap3A_3047 = arith.index_cast %swap3A_3046 : i32 to index
    %swap3A_3048 = arith.constant 496 : index
    %swap3A_3049 = tpu.vector_load %arg5[%swap3A_3047, %swap3A_3048] {strides = array<i32>} : memref<32x512xf32, #tpu.memory_space<vmem>>, vector<1x16xf32>,
    %swap3A_3050 = vector.shape_cast %swap3A_3049 : vector<1x16xf32> to vector<16xf32>
    %swap3A_3051 = vector.shape_cast %get3A_2937 : vector<16xf32> to vector<1x16xf32>
    tpu.vector_store %arg5[%swap3A_3047, %swap3A_3048], %swap3A_3051 {strides = array<i32>} : memref<32x512xf32, #tpu.memory_space<vmem>>, vector<1x16xf32>,
    %swap3A_3052 = arith.constant 19 : i32
    %swap3A_3053 = arith.index_cast %swap3A_3052 : i32 to index
    %swap3A_3054 = arith.constant 496 : index
    %swap3A_3055 = tpu.vector_load %arg5[%swap3A_3053, %swap3A_3054] {strides = array<i32>} : memref<32x512xf32, #tpu.memory_space<vmem>>, vector<1x16xf32>,
    %swap3A_3056 = vector.shape_cast %swap3A_3055 : vector<1x16xf32> to vector<16xf32>
    %swap3A_3057 = vector.shape_cast %get3A_2937 : vector<16xf32> to vector<1x16xf32>
    tpu.vector_store %arg5[%swap3A_3053, %swap3A_3054], %swap3A_3057 {strides = array<i32>} : memref<32x512xf32, #tpu.memory_space<vmem>>, vector<1x16xf32>,
    %swap3A_3058 = arith.constant 20 : i32
    %swap3A_3059 = arith.index_cast %swap3A_3058 : i32 to index
    %swap3A_3060 = arith.constant 496 : index
    %swap3A_3061 = tpu.vector_load %arg5[%swap3A_3059, %swap3A_3060] {strides = array<i32>} : memref<32x512xf32, #tpu.memory_space<vmem>>, vector<1x16xf32>,
    %swap3A_3062 = vector.shape_cast %swap3A_3061 : vector<1x16xf32> to vector<16xf32>
    %swap3A_3063 = vector.shape_cast %get3A_2937 : vector<16xf32> to vector<1x16xf32>
    tpu.vector_store %arg5[%swap3A_3059, %swap3A_3060], %swap3A_3063 {strides = array<i32>} : memref<32x512xf32, #tpu.memory_space<vmem>>, vector<1x16xf32>,
    %swap3A_3064 = arith.constant 21 : i32
    %swap3A_3065 = arith.index_cast %swap3A_3064 : i32 to index
    %swap3A_3066 = arith.constant 496 : index
    %swap3A_3067 = tpu.vector_load %arg5[%swap3A_3065, %swap3A_3066] {strides = array<i32>} : memref<32x512xf32, #tpu.memory_space<vmem>>, vector<1x16xf32>,
    %swap3A_3068 = vector.shape_cast %swap3A_3067 : vector<1x16xf32> to vector<16xf32>
    %swap3A_3069 = vector.shape_cast %get3A_2937 : vector<16xf32> to vector<1x16xf32>
    tpu.vector_store %arg5[%swap3A_3065, %swap3A_3066], %swap3A_3069 {strides = array<i32>} : memref<32x512xf32, #tpu.memory_space<vmem>>, vector<1x16xf32>,
    %swap3A_3070 = arith.constant 22 : i32
    %swap3A_3071 = arith.index_cast %swap3A_3070 : i32 to index
    %swap3A_3072 = arith.constant 496 : index
    %swap3A_3073 = tpu.vector_load %arg5[%swap3A_3071, %swap3A_3072] {strides = array<i32>} : memref<32x512xf32, #tpu.memory_space<vmem>>, vector<1x16xf32>,
    %swap3A_3074 = vector.shape_cast %swap3A_3073 : vector<1x16xf32> to vector<16xf32>
    %swap3A_3075 = vector.shape_cast %get3A_2937 : vector<16xf32> to vector<1x16xf32>
    tpu.vector_store %arg5[%swap3A_3071, %swap3A_3072], %swap3A_3075 {strides = array<i32>} : memref<32x512xf32, #tpu.memory_space<vmem>>, vector<1x16xf32>,
    %swap3A_3076 = arith.constant 23 : i32
    %swap3A_3077 = arith.index_cast %swap3A_3076 : i32 to index
    %swap3A_3078 = arith.constant 496 : index
    %swap3A_3079 = tpu.vector_load %arg5[%swap3A_3077, %swap3A_3078] {strides = array<i32>} : memref<32x512xf32, #tpu.memory_space<vmem>>, vector<1x16xf32>,
    %swap3A_3080 = vector.shape_cast %swap3A_3079 : vector<1x16xf32> to vector<16xf32>
    %swap3A_3081 = vector.shape_cast %get3A_2937 : vector<16xf32> to vector<1x16xf32>
    tpu.vector_store %arg5[%swap3A_3077, %swap3A_3078], %swap3A_3081 {strides = array<i32>} : memref<32x512xf32, #tpu.memory_space<vmem>>, vector<1x16xf32>,
    %swap3A_3082 = arith.constant 24 : i32
    %swap3A_3083 = arith.index_cast %swap3A_3082 : i32 to index
    %swap3A_3084 = arith.constant 496 : index
    %swap3A_3085 = tpu.vector_load %arg5[%swap3A_3083, %swap3A_3084] {strides = array<i32>} : memref<32x512xf32, #tpu.memory_space<vmem>>, vector<1x16xf32>,
    %swap3A_3086 = vector.shape_cast %swap3A_3085 : vector<1x16xf32> to vector<16xf32>
    %swap3A_3087 = vector.shape_cast %get3A_2937 : vector<16xf32> to vector<1x16xf32>
    tpu.vector_store %arg5[%swap3A_3083, %swap3A_3084], %swap3A_3087 {strides = array<i32>} : memref<32x512xf32, #tpu.memory_space<vmem>>, vector<1x16xf32>,
    %swap3A_3088 = arith.constant 25 : i32
    %swap3A_3089 = arith.index_cast %swap3A_3088 : i32 to index
    %swap3A_3090 = arith.constant 496 : index
    %swap3A_3091 = tpu.vector_load %arg5[%swap3A_3089, %swap3A_3090] {strides = array<i32>} : memref<32x512xf32, #tpu.memory_space<vmem>>, vector<1x16xf32>,
    %swap3A_3092 = vector.shape_cast %swap3A_3091 : vector<1x16xf32> to vector<16xf32>
    %swap3A_3093 = vector.shape_cast %get3A_2937 : vector<16xf32> to vector<1x16xf32>
    tpu.vector_store %arg5[%swap3A_3089, %swap3A_3090], %swap3A_3093 {strides = array<i32>} : memref<32x512xf32, #tpu.memory_space<vmem>>, vector<1x16xf32>,
    %swap3A_3094 = arith.constant 26 : i32
    %swap3A_3095 = arith.index_cast %swap3A_3094 : i32 to index
    %swap3A_3096 = arith.constant 496 : index
    %swap3A_3097 = tpu.vector_load %arg5[%swap3A_3095, %swap3A_3096] {strides = array<i32>} : memref<32x512xf32, #tpu.memory_space<vmem>>, vector<1x16xf32>,
    %swap3A_3098 = vector.shape_cast %swap3A_3097 : vector<1x16xf32> to vector<16xf32>
    %swap3A_3099 = vector.shape_cast %get3A_2937 : vector<16xf32> to vector<1x16xf32>
    tpu.vector_store %arg5[%swap3A_3095, %swap3A_3096], %swap3A_3099 {strides = array<i32>} : memref<32x512xf32, #tpu.memory_space<vmem>>, vector<1x16xf32>,
    %swap3A_3100 = arith.constant 27 : i32
    %swap3A_3101 = arith.index_cast %swap3A_3100 : i32 to index
    %swap3A_3102 = arith.constant 496 : index
    %swap3A_3103 = tpu.vector_load %arg5[%swap3A_3101, %swap3A_3102] {strides = array<i32>} : memref<32x512xf32, #tpu.memory_space<vmem>>, vector<1x16xf32>,
    %swap3A_3104 = vector.shape_cast %swap3A_3103 : vector<1x16xf32> to vector<16xf32>
    %swap3A_3105 = vector.shape_cast %get3A_2937 : vector<16xf32> to vector<1x16xf32>
    tpu.vector_store %arg5[%swap3A_3101, %swap3A_3102], %swap3A_3105 {strides = array<i32>} : memref<32x512xf32, #tpu.memory_space<vmem>>, vector<1x16xf32>,
    %swap3A_3106 = arith.constant 28 : i32
    %swap3A_3107 = arith.index_cast %swap3A_3106 : i32 to index
    %swap3A_3108 = arith.constant 496 : index
    %swap3A_3109 = tpu.vector_load %arg5[%swap3A_3107, %swap3A_3108] {strides = array<i32>} : memref<32x512xf32, #tpu.memory_space<vmem>>, vector<1x16xf32>,
    %swap3A_3110 = vector.shape_cast %swap3A_3109 : vector<1x16xf32> to vector<16xf32>
    %swap3A_3111 = vector.shape_cast %get3A_2937 : vector<16xf32> to vector<1x16xf32>
    tpu.vector_store %arg5[%swap3A_3107, %swap3A_3108], %swap3A_3111 {strides = array<i32>} : memref<32x512xf32, #tpu.memory_space<vmem>>, vector<1x16xf32>,
    %swap3A_3112 = arith.constant 29 : i32
    %swap3A_3113 = arith.index_cast %swap3A_3112 : i32 to index
    %swap3A_3114 = arith.constant 496 : index
    %swap3A_3115 = tpu.vector_load %arg5[%swap3A_3113, %swap3A_3114] {strides = array<i32>} : memref<32x512xf32, #tpu.memory_space<vmem>>, vector<1x16xf32>,
    %swap3A_3116 = vector.shape_cast %swap3A_3115 : vector<1x16xf32> to vector<16xf32>
    %swap3A_3117 = vector.shape_cast %get3A_2937 : vector<16xf32> to vector<1x16xf32>
    tpu.vector_store %arg5[%swap3A_3113, %swap3A_3114], %swap3A_3117 {strides = array<i32>} : memref<32x512xf32, #tpu.memory_space<vmem>>, vector<1x16xf32>,
    %swap3A_3118 = arith.constant 30 : i32
    %swap3A_3119 = arith.index_cast %swap3A_3118 : i32 to index
    %swap3A_3120 = arith.constant 496 : index
    %swap3A_3121 = tpu.vector_load %arg5[%swap3A_3119, %swap3A_3120] {strides = array<i32>} : memref<32x512xf32, #tpu.memory_space<vmem>>, vector<1x16xf32>,
    %swap3A_3122 = vector.shape_cast %swap3A_3121 : vector<1x16xf32> to vector<16xf32>
    %swap3A_3123 = vector.shape_cast %get3A_2937 : vector<16xf32> to vector<1x16xf32>
    tpu.vector_store %arg5[%swap3A_3119, %swap3A_3120], %swap3A_3123 {strides = array<i32>} : memref<32x512xf32, #tpu.memory_space<vmem>>, vector<1x16xf32>,
    %swap3A_3124 = arith.constant 31 : i32
    %swap3A_3125 = arith.index_cast %swap3A_3124 : i32 to index
    %swap3A_3126 = arith.constant 496 : index
    %swap3A_3127 = tpu.vector_load %arg5[%swap3A_3125, %swap3A_3126] {strides = array<i32>} : memref<32x512xf32, #tpu.memory_space<vmem>>, vector<1x16xf32>,
    %swap3A_3128 = vector.shape_cast %swap3A_3127 : vector<1x16xf32> to vector<16xf32>
    %swap3A_3129 = vector.shape_cast %get3A_2937 : vector<16xf32> to vector<1x16xf32>
    tpu.vector_store %arg5[%swap3A_3125, %swap3A_3126], %swap3A_3129 {strides = array<i32>} : memref<32x512xf32, #tpu.memory_space<vmem>>, vector<1x16xf32>,
    %dma_wait3A = arith.constant 0 : i32
    %dma_wait3A_3130 = arith.constant 0 : i32
    %dma_wait3A_3131 = tpu.memref_slice %arg5[%dma_wait3A, %dma_wait3A_3130] : memref<32x512xf32, #tpu.memory_space<vmem>> -> memref<32x256xf32, #tpu.memory_space<vmem>>
    %dma_wait3A_3132 = arith.constant 0 : i32
    %dma_wait3A_3133 = arith.constant 0 : i32
    %dma_wait3A_3134 = tpu.memref_slice %arg2[%dma_wait3A_3132, %dma_wait3A_3133] : memref<50x256xf32, #tpu.memory_space<hbm>> -> memref<32x256xf32, #tpu.memory_space<hbm>>
    %dma_wait3A_3135 = arith.constant 0 : i32
    %dma_wait3A_3136 = arith.constant 0 : i32
    %dma_wait3A_3137 = tpu.memref_slice %arg5[%dma_wait3A_3135, %dma_wait3A_3136] : memref<32x512xf32, #tpu.memory_space<vmem>> -> memref<32x256xf32, #tpu.memory_space<vmem>>
    %dma_wait3A_3138 = arith.constant 0 : i32
    %dma_wait3A_3139 = arith.constant 0 : i32
    %dma_wait3A_3140 = tpu.memref_slice %arg2[%dma_wait3A_3138, %dma_wait3A_3139] : memref<50x256xf32, #tpu.memory_space<hbm>> -> memref<32x256xf32, #tpu.memory_space<hbm>>
    tpu.wait_dma2 semaphore(%arg8 : memref<!tpu.dma_semaphore, #tpu.memory_space<semaphore_mem>>) src(%dma_wait3A_3140 : memref<32x256xf32, #tpu.memory_space<hbm>>) dst(%dma_wait3A_3137 : memref<32x256xf32, #tpu.memory_space<vmem>>)
    %dma_start3A_3141 = arith.constant 0 : i32
    %dma_start3A_3142 = arith.constant 0 : i32
    %dma_start3A_3143 = arith.constant 0 : i32
    %dma_start3A_3144 = tpu.memref_slice %arg4[%dma_start3A_3141, %add3A, %dma_start3A_3142, %dma_start3A_3143] : memref<16x32x32x512xf32, #tpu.memory_space<hbm>> -> memref<1x1x32x512xf32, #tpu.memory_space<hbm>>
    %dma_start3A_3145 = tpu.memref_squeeze %dma_start3A_3144 : memref<1x1x32x512xf32, #tpu.memory_space<hbm>> -> memref<32x512xf32, #tpu.memory_space<hbm>>
    %dma_start3A_3146 = arith.constant 0 : i32
    %dma_start3A_3147 = arith.constant 0 : i32
    %dma_start3A_3148 = tpu.memref_slice %arg4[%dma_start3A_3141, %add3A, %dma_start3A_3146, %dma_start3A_3147] : memref<16x32x32x512xf32, #tpu.memory_space<hbm>> -> memref<1x1x32x512xf32, #tpu.memory_space<hbm>>
    %dma_start3A_3149 = tpu.memref_squeeze %dma_start3A_3148 : memref<1x1x32x512xf32, #tpu.memory_space<hbm>> -> memref<32x512xf32, #tpu.memory_space<hbm>>
    tpu.enqueue_dma source(%arg5 : memref<32x512xf32, #tpu.memory_space<vmem>>) target(%dma_start3A_3149 : memref<32x512xf32, #tpu.memory_space<hbm>>) target_semaphore(%arg7 : memref<!tpu.dma_semaphore, #tpu.memory_space<semaphore_mem>>)
    %dma_start3A_3150 = arith.constant 1 : i32
    %dma_start3A_3151 = arith.constant 0 : i32
    %dma_start3A_3152 = arith.constant 0 : i32
    %dma_start3A_3153 = tpu.memref_slice %arg4[%dma_start3A_3150, %add3A, %dma_start3A_3151, %dma_start3A_3152] : memref<16x32x32x512xf32, #tpu.memory_space<hbm>> -> memref<1x1x32x512xf32, #tpu.memory_space<hbm>>
    %dma_start3A_3154 = tpu.memref_squeeze %dma_start3A_3153 : memref<1x1x32x512xf32, #tpu.memory_space<hbm>> -> memref<32x512xf32, #tpu.memory_space<hbm>>
    %dma_start3A_3155 = arith.constant 0 : i32
    %dma_start3A_3156 = arith.constant 0 : i32
    %dma_start3A_3157 = tpu.memref_slice %arg4[%dma_start3A_3150, %add3A, %dma_start3A_3155, %dma_start3A_3156] : memref<16x32x32x512xf32, #tpu.memory_space<hbm>> -> memref<1x1x32x512xf32, #tpu.memory_space<hbm>>
    %dma_start3A_3158 = tpu.memref_squeeze %dma_start3A_3157 : memref<1x1x32x512xf32, #tpu.memory_space<hbm>> -> memref<32x512xf32, #tpu.memory_space<hbm>>
    tpu.enqueue_dma source(%arg5 : memref<32x512xf32, #tpu.memory_space<vmem>>) target(%dma_start3A_3158 : memref<32x512xf32, #tpu.memory_space<hbm>>) target_semaphore(%arg7 : memref<!tpu.dma_semaphore, #tpu.memory_space<semaphore_mem>>)
    %dma_start3A_3159 = arith.constant 2 : i32
    %dma_start3A_3160 = arith.constant 0 : i32
    %dma_start3A_3161 = arith.constant 0 : i32
    %dma_start3A_3162 = tpu.memref_slice %arg4[%dma_start3A_3159, %add3A, %dma_start3A_3160, %dma_start3A_3161] : memref<16x32x32x512xf32, #tpu.memory_space<hbm>> -> memref<1x1x32x512xf32, #tpu.memory_space<hbm>>
    %dma_start3A_3163 = tpu.memref_squeeze %dma_start3A_3162 : memref<1x1x32x512xf32, #tpu.memory_space<hbm>> -> memref<32x512xf32, #tpu.memory_space<hbm>>
    %dma_start3A_3164 = arith.constant 0 : i32
    %dma_start3A_3165 = arith.constant 0 : i32
    %dma_start3A_3166 = tpu.memref_slice %arg4[%dma_start3A_3159, %add3A, %dma_start3A_3164, %dma_start3A_3165] : memref<16x32x32x512xf32, #tpu.memory_space<hbm>> -> memref<1x1x32x512xf32, #tpu.memory_space<hbm>>
    %dma_start3A_3167 = tpu.memref_squeeze %dma_start3A_3166 : memref<1x1x32x512xf32, #tpu.memory_space<hbm>> -> memref<32x512xf32, #tpu.memory_space<hbm>>
    tpu.enqueue_dma source(%arg5 : memref<32x512xf32, #tpu.memory_space<vmem>>) target(%dma_start3A_3167 : memref<32x512xf32, #tpu.memory_space<hbm>>) target_semaphore(%arg7 : memref<!tpu.dma_semaphore, #tpu.memory_space<semaphore_mem>>)
    %dma_start3A_3168 = arith.constant 3 : i32
    %dma_start3A_3169 = arith.constant 0 : i32
    %dma_start3A_3170 = arith.constant 0 : i32
    %dma_start3A_3171 = tpu.memref_slice %arg4[%dma_start3A_3168, %add3A, %dma_start3A_3169, %dma_start3A_3170] : memref<16x32x32x512xf32, #tpu.memory_space<hbm>> -> memref<1x1x32x512xf32, #tpu.memory_space<hbm>>
    %dma_start3A_3172 = tpu.memref_squeeze %dma_start3A_3171 : memref<1x1x32x512xf32, #tpu.memory_space<hbm>> -> memref<32x512xf32, #tpu.memory_space<hbm>>
    %dma_start3A_3173 = arith.constant 0 : i32
    %dma_start3A_3174 = arith.constant 0 : i32
    %dma_start3A_3175 = tpu.memref_slice %arg4[%dma_start3A_3168, %add3A, %dma_start3A_3173, %dma_start3A_3174] : memref<16x32x32x512xf32, #tpu.memory_space<hbm>> -> memref<1x1x32x512xf32, #tpu.memory_space<hbm>>
    %dma_start3A_3176 = tpu.memref_squeeze %dma_start3A_3175 : memref<1x1x32x512xf32, #tpu.memory_space<hbm>> -> memref<32x512xf32, #tpu.memory_space<hbm>>
    tpu.enqueue_dma source(%arg5 : memref<32x512xf32, #tpu.memory_space<vmem>>) target(%dma_start3A_3176 : memref<32x512xf32, #tpu.memory_space<hbm>>) target_semaphore(%arg7 : memref<!tpu.dma_semaphore, #tpu.memory_space<semaphore_mem>>)
    %dma_start3A_3177 = arith.constant 4 : i32
    %dma_start3A_3178 = arith.constant 0 : i32
    %dma_start3A_3179 = arith.constant 0 : i32
    %dma_start3A_3180 = tpu.memref_slice %arg4[%dma_start3A_3177, %add3A, %dma_start3A_3178, %dma_start3A_3179] : memref<16x32x32x512xf32, #tpu.memory_space<hbm>> -> memref<1x1x32x512xf32, #tpu.memory_space<hbm>>
    %dma_start3A_3181 = tpu.memref_squeeze %dma_start3A_3180 : memref<1x1x32x512xf32, #tpu.memory_space<hbm>> -> memref<32x512xf32, #tpu.memory_space<hbm>>
    %dma_start3A_3182 = arith.constant 0 : i32
    %dma_start3A_3183 = arith.constant 0 : i32
    %dma_start3A_3184 = tpu.memref_slice %arg4[%dma_start3A_3177, %add3A, %dma_start3A_3182, %dma_start3A_3183] : memref<16x32x32x512xf32, #tpu.memory_space<hbm>> -> memref<1x1x32x512xf32, #tpu.memory_space<hbm>>
    %dma_start3A_3185 = tpu.memref_squeeze %dma_start3A_3184 : memref<1x1x32x512xf32, #tpu.memory_space<hbm>> -> memref<32x512xf32, #tpu.memory_space<hbm>>
    tpu.enqueue_dma source(%arg5 : memref<32x512xf32, #tpu.memory_space<vmem>>) target(%dma_start3A_3185 : memref<32x512xf32, #tpu.memory_space<hbm>>) target_semaphore(%arg7 : memref<!tpu.dma_semaphore, #tpu.memory_space<semaphore_mem>>)
    %dma_start3A_3186 = arith.constant 5 : i32
    %dma_start3A_3187 = arith.constant 0 : i32
    %dma_start3A_3188 = arith.constant 0 : i32
    %dma_start3A_3189 = tpu.memref_slice %arg4[%dma_start3A_3186, %add3A, %dma_start3A_3187, %dma_start3A_3188] : memref<16x32x32x512xf32, #tpu.memory_space<hbm>> -> memref<1x1x32x512xf32, #tpu.memory_space<hbm>>
    %dma_start3A_3190 = tpu.memref_squeeze %dma_start3A_3189 : memref<1x1x32x512xf32, #tpu.memory_space<hbm>> -> memref<32x512xf32, #tpu.memory_space<hbm>>
    %dma_start3A_3191 = arith.constant 0 : i32
    %dma_start3A_3192 = arith.constant 0 : i32
    %dma_start3A_3193 = tpu.memref_slice %arg4[%dma_start3A_3186, %add3A, %dma_start3A_3191, %dma_start3A_3192] : memref<16x32x32x512xf32, #tpu.memory_space<hbm>> -> memref<1x1x32x512xf32, #tpu.memory_space<hbm>>
    %dma_start3A_3194 = tpu.memref_squeeze %dma_start3A_3193 : memref<1x1x32x512xf32, #tpu.memory_space<hbm>> -> memref<32x512xf32, #tpu.memory_space<hbm>>
    tpu.enqueue_dma source(%arg5 : memref<32x512xf32, #tpu.memory_space<vmem>>) target(%dma_start3A_3194 : memref<32x512xf32, #tpu.memory_space<hbm>>) target_semaphore(%arg7 : memref<!tpu.dma_semaphore, #tpu.memory_space<semaphore_mem>>)
    %dma_start3A_3195 = arith.constant 6 : i32
    %dma_start3A_3196 = arith.constant 0 : i32
    %dma_start3A_3197 = arith.constant 0 : i32
    %dma_start3A_3198 = tpu.memref_slice %arg4[%dma_start3A_3195, %add3A, %dma_start3A_3196, %dma_start3A_3197] : memref<16x32x32x512xf32, #tpu.memory_space<hbm>> -> memref<1x1x32x512xf32, #tpu.memory_space<hbm>>
    %dma_start3A_3199 = tpu.memref_squeeze %dma_start3A_3198 : memref<1x1x32x512xf32, #tpu.memory_space<hbm>> -> memref<32x512xf32, #tpu.memory_space<hbm>>
    %dma_start3A_3200 = arith.constant 0 : i32
    %dma_start3A_3201 = arith.constant 0 : i32
    %dma_start3A_3202 = tpu.memref_slice %arg4[%dma_start3A_3195, %add3A, %dma_start3A_3200, %dma_start3A_3201] : memref<16x32x32x512xf32, #tpu.memory_space<hbm>> -> memref<1x1x32x512xf32, #tpu.memory_space<hbm>>
    %dma_start3A_3203 = tpu.memref_squeeze %dma_start3A_3202 : memref<1x1x32x512xf32, #tpu.memory_space<hbm>> -> memref<32x512xf32, #tpu.memory_space<hbm>>
    tpu.enqueue_dma source(%arg5 : memref<32x512xf32, #tpu.memory_space<vmem>>) target(%dma_start3A_3203 : memref<32x512xf32, #tpu.memory_space<hbm>>) target_semaphore(%arg7 : memref<!tpu.dma_semaphore, #tpu.memory_space<semaphore_mem>>)
    %dma_start3A_3204 = arith.constant 7 : i32
    %dma_start3A_3205 = arith.constant 0 : i32
    %dma_start3A_3206 = arith.constant 0 : i32
    %dma_start3A_3207 = tpu.memref_slice %arg4[%dma_start3A_3204, %add3A, %dma_start3A_3205, %dma_start3A_3206] : memref<16x32x32x512xf32, #tpu.memory_space<hbm>> -> memref<1x1x32x512xf32, #tpu.memory_space<hbm>>
    %dma_start3A_3208 = tpu.memref_squeeze %dma_start3A_3207 : memref<1x1x32x512xf32, #tpu.memory_space<hbm>> -> memref<32x512xf32, #tpu.memory_space<hbm>>
    %dma_start3A_3209 = arith.constant 0 : i32
    %dma_start3A_3210 = arith.constant 0 : i32
    %dma_start3A_3211 = tpu.memref_slice %arg4[%dma_start3A_3204, %add3A, %dma_start3A_3209, %dma_start3A_3210] : memref<16x32x32x512xf32, #tpu.memory_space<hbm>> -> memref<1x1x32x512xf32, #tpu.memory_space<hbm>>
    %dma_start3A_3212 = tpu.memref_squeeze %dma_start3A_3211 : memref<1x1x32x512xf32, #tpu.memory_space<hbm>> -> memref<32x512xf32, #tpu.memory_space<hbm>>
    tpu.enqueue_dma source(%arg5 : memref<32x512xf32, #tpu.memory_space<vmem>>) target(%dma_start3A_3212 : memref<32x512xf32, #tpu.memory_space<hbm>>) target_semaphore(%arg7 : memref<!tpu.dma_semaphore, #tpu.memory_space<semaphore_mem>>)
    %dma_start3A_3213 = arith.constant 8 : i32
    %dma_start3A_3214 = arith.constant 0 : i32
    %dma_start3A_3215 = arith.constant 0 : i32
    %dma_start3A_3216 = tpu.memref_slice %arg4[%dma_start3A_3213, %add3A, %dma_start3A_3214, %dma_start3A_3215] : memref<16x32x32x512xf32, #tpu.memory_space<hbm>> -> memref<1x1x32x512xf32, #tpu.memory_space<hbm>>
    %dma_start3A_3217 = tpu.memref_squeeze %dma_start3A_3216 : memref<1x1x32x512xf32, #tpu.memory_space<hbm>> -> memref<32x512xf32, #tpu.memory_space<hbm>>
    %dma_start3A_3218 = arith.constant 0 : i32
    %dma_start3A_3219 = arith.constant 0 : i32
    %dma_start3A_3220 = tpu.memref_slice %arg4[%dma_start3A_3213, %add3A, %dma_start3A_3218, %dma_start3A_3219] : memref<16x32x32x512xf32, #tpu.memory_space<hbm>> -> memref<1x1x32x512xf32, #tpu.memory_space<hbm>>
    %dma_start3A_3221 = tpu.memref_squeeze %dma_start3A_3220 : memref<1x1x32x512xf32, #tpu.memory_space<hbm>> -> memref<32x512xf32, #tpu.memory_space<hbm>>
    tpu.enqueue_dma source(%arg5 : memref<32x512xf32, #tpu.memory_space<vmem>>) target(%dma_start3A_3221 : memref<32x512xf32, #tpu.memory_space<hbm>>) target_semaphore(%arg7 : memref<!tpu.dma_semaphore, #tpu.memory_space<semaphore_mem>>)
    %dma_start3A_3222 = arith.constant 9 : i32
    %dma_start3A_3223 = arith.constant 0 : i32
    %dma_start3A_3224 = arith.constant 0 : i32
    %dma_start3A_3225 = tpu.memref_slice %arg4[%dma_start3A_3222, %add3A, %dma_start3A_3223, %dma_start3A_3224] : memref<16x32x32x512xf32, #tpu.memory_space<hbm>> -> memref<1x1x32x512xf32, #tpu.memory_space<hbm>>
    %dma_start3A_3226 = tpu.memref_squeeze %dma_start3A_3225 : memref<1x1x32x512xf32, #tpu.memory_space<hbm>> -> memref<32x512xf32, #tpu.memory_space<hbm>>
    %dma_start3A_3227 = arith.constant 0 : i32
    %dma_start3A_3228 = arith.constant 0 : i32
    %dma_start3A_3229 = tpu.memref_slice %arg4[%dma_start3A_3222, %add3A, %dma_start3A_3227, %dma_start3A_3228] : memref<16x32x32x512xf32, #tpu.memory_space<hbm>> -> memref<1x1x32x512xf32, #tpu.memory_space<hbm>>
    %dma_start3A_3230 = tpu.memref_squeeze %dma_start3A_3229 : memref<1x1x32x512xf32, #tpu.memory_space<hbm>> -> memref<32x512xf32, #tpu.memory_space<hbm>>
    tpu.enqueue_dma source(%arg5 : memref<32x512xf32, #tpu.memory_space<vmem>>) target(%dma_start3A_3230 : memref<32x512xf32, #tpu.memory_space<hbm>>) target_semaphore(%arg7 : memref<!tpu.dma_semaphore, #tpu.memory_space<semaphore_mem>>)
    %dma_start3A_3231 = arith.constant 10 : i32
    %dma_start3A_3232 = arith.constant 0 : i32
    %dma_start3A_3233 = arith.constant 0 : i32
    %dma_start3A_3234 = tpu.memref_slice %arg4[%dma_start3A_3231, %add3A, %dma_start3A_3232, %dma_start3A_3233] : memref<16x32x32x512xf32, #tpu.memory_space<hbm>> -> memref<1x1x32x512xf32, #tpu.memory_space<hbm>>
    %dma_start3A_3235 = tpu.memref_squeeze %dma_start3A_3234 : memref<1x1x32x512xf32, #tpu.memory_space<hbm>> -> memref<32x512xf32, #tpu.memory_space<hbm>>
    %dma_start3A_3236 = arith.constant 0 : i32
    %dma_start3A_3237 = arith.constant 0 : i32
    %dma_start3A_3238 = tpu.memref_slice %arg4[%dma_start3A_3231, %add3A, %dma_start3A_3236, %dma_start3A_3237] : memref<16x32x32x512xf32, #tpu.memory_space<hbm>> -> memref<1x1x32x512xf32, #tpu.memory_space<hbm>>
    %dma_start3A_3239 = tpu.memref_squeeze %dma_start3A_3238 : memref<1x1x32x512xf32, #tpu.memory_space<hbm>> -> memref<32x512xf32, #tpu.memory_space<hbm>>
    tpu.enqueue_dma source(%arg5 : memref<32x512xf32, #tpu.memory_space<vmem>>) target(%dma_start3A_3239 : memref<32x512xf32, #tpu.memory_space<hbm>>) target_semaphore(%arg7 : memref<!tpu.dma_semaphore, #tpu.memory_space<semaphore_mem>>)
    %dma_start3A_3240 = arith.constant 11 : i32
    %dma_start3A_3241 = arith.constant 0 : i32
    %dma_start3A_3242 = arith.constant 0 : i32
    %dma_start3A_3243 = tpu.memref_slice %arg4[%dma_start3A_3240, %add3A, %dma_start3A_3241, %dma_start3A_3242] : memref<16x32x32x512xf32, #tpu.memory_space<hbm>> -> memref<1x1x32x512xf32, #tpu.memory_space<hbm>>
    %dma_start3A_3244 = tpu.memref_squeeze %dma_start3A_3243 : memref<1x1x32x512xf32, #tpu.memory_space<hbm>> -> memref<32x512xf32, #tpu.memory_space<hbm>>
    %dma_start3A_3245 = arith.constant 0 : i32
    %dma_start3A_3246 = arith.constant 0 : i32
    %dma_start3A_3247 = tpu.memref_slice %arg4[%dma_start3A_3240, %add3A, %dma_start3A_3245, %dma_start3A_3246] : memref<16x32x32x512xf32, #tpu.memory_space<hbm>> -> memref<1x1x32x512xf32, #tpu.memory_space<hbm>>
    %dma_start3A_3248 = tpu.memref_squeeze %dma_start3A_3247 : memref<1x1x32x512xf32, #tpu.memory_space<hbm>> -> memref<32x512xf32, #tpu.memory_space<hbm>>
    tpu.enqueue_dma source(%arg5 : memref<32x512xf32, #tpu.memory_space<vmem>>) target(%dma_start3A_3248 : memref<32x512xf32, #tpu.memory_space<hbm>>) target_semaphore(%arg7 : memref<!tpu.dma_semaphore, #tpu.memory_space<semaphore_mem>>)
    %dma_start3A_3249 = arith.constant 12 : i32
    %dma_start3A_3250 = arith.constant 0 : i32
    %dma_start3A_3251 = arith.constant 0 : i32
    %dma_start3A_3252 = tpu.memref_slice %arg4[%dma_start3A_3249, %add3A, %dma_start3A_3250, %dma_start3A_3251] : memref<16x32x32x512xf32, #tpu.memory_space<hbm>> -> memref<1x1x32x512xf32, #tpu.memory_space<hbm>>
    %dma_start3A_3253 = tpu.memref_squeeze %dma_start3A_3252 : memref<1x1x32x512xf32, #tpu.memory_space<hbm>> -> memref<32x512xf32, #tpu.memory_space<hbm>>
    %dma_start3A_3254 = arith.constant 0 : i32
    %dma_start3A_3255 = arith.constant 0 : i32
    %dma_start3A_3256 = tpu.memref_slice %arg4[%dma_start3A_3249, %add3A, %dma_start3A_3254, %dma_start3A_3255] : memref<16x32x32x512xf32, #tpu.memory_space<hbm>> -> memref<1x1x32x512xf32, #tpu.memory_space<hbm>>
    %dma_start3A_3257 = tpu.memref_squeeze %dma_start3A_3256 : memref<1x1x32x512xf32, #tpu.memory_space<hbm>> -> memref<32x512xf32, #tpu.memory_space<hbm>>
    tpu.enqueue_dma source(%arg5 : memref<32x512xf32, #tpu.memory_space<vmem>>) target(%dma_start3A_3257 : memref<32x512xf32, #tpu.memory_space<hbm>>) target_semaphore(%arg7 : memref<!tpu.dma_semaphore, #tpu.memory_space<semaphore_mem>>)
    %dma_start3A_3258 = arith.constant 13 : i32
    %dma_start3A_3259 = arith.constant 0 : i32
    %dma_start3A_3260 = arith.constant 0 : i32
    %dma_start3A_3261 = tpu.memref_slice %arg4[%dma_start3A_3258, %add3A, %dma_start3A_3259, %dma_start3A_3260] : memref<16x32x32x512xf32, #tpu.memory_space<hbm>> -> memref<1x1x32x512xf32, #tpu.memory_space<hbm>>
    %dma_start3A_3262 = tpu.memref_squeeze %dma_start3A_3261 : memref<1x1x32x512xf32, #tpu.memory_space<hbm>> -> memref<32x512xf32, #tpu.memory_space<hbm>>
    %dma_start3A_3263 = arith.constant 0 : i32
    %dma_start3A_3264 = arith.constant 0 : i32
    %dma_start3A_3265 = tpu.memref_slice %arg4[%dma_start3A_3258, %add3A, %dma_start3A_3263, %dma_start3A_3264] : memref<16x32x32x512xf32, #tpu.memory_space<hbm>> -> memref<1x1x32x512xf32, #tpu.memory_space<hbm>>
    %dma_start3A_3266 = tpu.memref_squeeze %dma_start3A_3265 : memref<1x1x32x512xf32, #tpu.memory_space<hbm>> -> memref<32x512xf32, #tpu.memory_space<hbm>>
    tpu.enqueue_dma source(%arg5 : memref<32x512xf32, #tpu.memory_space<vmem>>) target(%dma_start3A_3266 : memref<32x512xf32, #tpu.memory_space<hbm>>) target_semaphore(%arg7 : memref<!tpu.dma_semaphore, #tpu.memory_space<semaphore_mem>>)
    %dma_start3A_3267 = arith.constant 14 : i32
    %dma_start3A_3268 = arith.constant 0 : i32
    %dma_start3A_3269 = arith.constant 0 : i32
    %dma_start3A_3270 = tpu.memref_slice %arg4[%dma_start3A_3267, %add3A, %dma_start3A_3268, %dma_start3A_3269] : memref<16x32x32x512xf32, #tpu.memory_space<hbm>> -> memref<1x1x32x512xf32, #tpu.memory_space<hbm>>
    %dma_start3A_3271 = tpu.memref_squeeze %dma_start3A_3270 : memref<1x1x32x512xf32, #tpu.memory_space<hbm>> -> memref<32x512xf32, #tpu.memory_space<hbm>>
    %dma_start3A_3272 = arith.constant 0 : i32
    %dma_start3A_3273 = arith.constant 0 : i32
    %dma_start3A_3274 = tpu.memref_slice %arg4[%dma_start3A_3267, %add3A, %dma_start3A_3272, %dma_start3A_3273] : memref<16x32x32x512xf32, #tpu.memory_space<hbm>> -> memref<1x1x32x512xf32, #tpu.memory_space<hbm>>
    %dma_start3A_3275 = tpu.memref_squeeze %dma_start3A_3274 : memref<1x1x32x512xf32, #tpu.memory_space<hbm>> -> memref<32x512xf32, #tpu.memory_space<hbm>>
    tpu.enqueue_dma source(%arg5 : memref<32x512xf32, #tpu.memory_space<vmem>>) target(%dma_start3A_3275 : memref<32x512xf32, #tpu.memory_space<hbm>>) target_semaphore(%arg7 : memref<!tpu.dma_semaphore, #tpu.memory_space<semaphore_mem>>)
    %dma_start3A_3276 = arith.constant 15 : i32
    %dma_start3A_3277 = arith.constant 0 : i32
    %dma_start3A_3278 = arith.constant 0 : i32
    %dma_start3A_3279 = tpu.memref_slice %arg4[%dma_start3A_3276, %add3A, %dma_start3A_3277, %dma_start3A_3278] : memref<16x32x32x512xf32, #tpu.memory_space<hbm>> -> memref<1x1x32x512xf32, #tpu.memory_space<hbm>>
    %dma_start3A_3280 = tpu.memref_squeeze %dma_start3A_3279 : memref<1x1x32x512xf32, #tpu.memory_space<hbm>> -> memref<32x512xf32, #tpu.memory_space<hbm>>
    %dma_start3A_3281 = arith.constant 0 : i32
    %dma_start3A_3282 = arith.constant 0 : i32
    %dma_start3A_3283 = tpu.memref_slice %arg4[%dma_start3A_3276, %add3A, %dma_start3A_3281, %dma_start3A_3282] : memref<16x32x32x512xf32, #tpu.memory_space<hbm>> -> memref<1x1x32x512xf32, #tpu.memory_space<hbm>>
    %dma_start3A_3284 = tpu.memref_squeeze %dma_start3A_3283 : memref<1x1x32x512xf32, #tpu.memory_space<hbm>> -> memref<32x512xf32, #tpu.memory_space<hbm>>
    tpu.enqueue_dma source(%arg5 : memref<32x512xf32, #tpu.memory_space<vmem>>) target(%dma_start3A_3284 : memref<32x512xf32, #tpu.memory_space<hbm>>) target_semaphore(%arg7 : memref<!tpu.dma_semaphore, #tpu.memory_space<semaphore_mem>>)
    %dma_wait3A_3285 = arith.constant 0 : i32
    %dma_wait3A_3286 = arith.constant 0 : i32
    %dma_wait3A_3287 = arith.constant 0 : i32
    %dma_wait3A_3288 = tpu.memref_slice %arg4[%dma_wait3A_3285, %add3A, %dma_wait3A_3286, %dma_wait3A_3287] : memref<16x32x32x512xf32, #tpu.memory_space<hbm>> -> memref<1x1x32x512xf32, #tpu.memory_space<hbm>>
    %dma_wait3A_3289 = tpu.memref_squeeze %dma_wait3A_3288 : memref<1x1x32x512xf32, #tpu.memory_space<hbm>> -> memref<32x512xf32, #tpu.memory_space<hbm>>
    %dma_wait3A_3290 = arith.constant 0 : i32
    %dma_wait3A_3291 = arith.constant 0 : i32
    %dma_wait3A_3292 = tpu.memref_slice %arg4[%dma_wait3A_3285, %add3A, %dma_wait3A_3290, %dma_wait3A_3291] : memref<16x32x32x512xf32, #tpu.memory_space<hbm>> -> memref<1x1x32x512xf32, #tpu.memory_space<hbm>>
    %dma_wait3A_3293 = tpu.memref_squeeze %dma_wait3A_3292 : memref<1x1x32x512xf32, #tpu.memory_space<hbm>> -> memref<32x512xf32, #tpu.memory_space<hbm>>
    tpu.wait_dma2 semaphore(%arg7 : memref<!tpu.dma_semaphore, #tpu.memory_space<semaphore_mem>>) src(%arg5 : memref<32x512xf32, #tpu.memory_space<vmem>>) dst(%dma_wait3A_3293 : memref<32x512xf32, #tpu.memory_space<hbm>>)
    %dma_wait3A_3294 = arith.constant 1 : i32
    %dma_wait3A_3295 = arith.constant 0 : i32
    %dma_wait3A_3296 = arith.constant 0 : i32
    %dma_wait3A_3297 = tpu.memref_slice %arg4[%dma_wait3A_3294, %add3A, %dma_wait3A_3295, %dma_wait3A_3296] : memref<16x32x32x512xf32, #tpu.memory_space<hbm>> -> memref<1x1x32x512xf32, #tpu.memory_space<hbm>>
    %dma_wait3A_3298 = tpu.memref_squeeze %dma_wait3A_3297 : memref<1x1x32x512xf32, #tpu.memory_space<hbm>> -> memref<32x512xf32, #tpu.memory_space<hbm>>
    %dma_wait3A_3299 = arith.constant 0 : i32
    %dma_wait3A_3300 = arith.constant 0 : i32
    %dma_wait3A_3301 = tpu.memref_slice %arg4[%dma_wait3A_3294, %add3A, %dma_wait3A_3299, %dma_wait3A_3300] : memref<16x32x32x512xf32, #tpu.memory_space<hbm>> -> memref<1x1x32x512xf32, #tpu.memory_space<hbm>>
    %dma_wait3A_3302 = tpu.memref_squeeze %dma_wait3A_3301 : memref<1x1x32x512xf32, #tpu.memory_space<hbm>> -> memref<32x512xf32, #tpu.memory_space<hbm>>
    tpu.wait_dma2 semaphore(%arg7 : memref<!tpu.dma_semaphore, #tpu.memory_space<semaphore_mem>>) src(%arg5 : memref<32x512xf32, #tpu.memory_space<vmem>>) dst(%dma_wait3A_3302 : memref<32x512xf32, #tpu.memory_space<hbm>>)
    %dma_wait3A_3303 = arith.constant 2 : i32
    %dma_wait3A_3304 = arith.constant 0 : i32
    %dma_wait3A_3305 = arith.constant 0 : i32
    %dma_wait3A_3306 = tpu.memref_slice %arg4[%dma_wait3A_3303, %add3A, %dma_wait3A_3304, %dma_wait3A_3305] : memref<16x32x32x512xf32, #tpu.memory_space<hbm>> -> memref<1x1x32x512xf32, #tpu.memory_space<hbm>>
    %dma_wait3A_3307 = tpu.memref_squeeze %dma_wait3A_3306 : memref<1x1x32x512xf32, #tpu.memory_space<hbm>> -> memref<32x512xf32, #tpu.memory_space<hbm>>
    %dma_wait3A_3308 = arith.constant 0 : i32
    %dma_wait3A_3309 = arith.constant 0 : i32
    %dma_wait3A_3310 = tpu.memref_slice %arg4[%dma_wait3A_3303, %add3A, %dma_wait3A_3308, %dma_wait3A_3309] : memref<16x32x32x512xf32, #tpu.memory_space<hbm>> -> memref<1x1x32x512xf32, #tpu.memory_space<hbm>>
    %dma_wait3A_3311 = tpu.memref_squeeze %dma_wait3A_3310 : memref<1x1x32x512xf32, #tpu.memory_space<hbm>> -> memref<32x512xf32, #tpu.memory_space<hbm>>
    tpu.wait_dma2 semaphore(%arg7 : memref<!tpu.dma_semaphore, #tpu.memory_space<semaphore_mem>>) src(%arg5 : memref<32x512xf32, #tpu.memory_space<vmem>>) dst(%dma_wait3A_3311 : memref<32x512xf32, #tpu.memory_space<hbm>>)
    %dma_wait3A_3312 = arith.constant 3 : i32
    %dma_wait3A_3313 = arith.constant 0 : i32
    %dma_wait3A_3314 = arith.constant 0 : i32
    %dma_wait3A_3315 = tpu.memref_slice %arg4[%dma_wait3A_3312, %add3A, %dma_wait3A_3313, %dma_wait3A_3314] : memref<16x32x32x512xf32, #tpu.memory_space<hbm>> -> memref<1x1x32x512xf32, #tpu.memory_space<hbm>>
    %dma_wait3A_3316 = tpu.memref_squeeze %dma_wait3A_3315 : memref<1x1x32x512xf32, #tpu.memory_space<hbm>> -> memref<32x512xf32, #tpu.memory_space<hbm>>
    %dma_wait3A_3317 = arith.constant 0 : i32
    %dma_wait3A_3318 = arith.constant 0 : i32
    %dma_wait3A_3319 = tpu.memref_slice %arg4[%dma_wait3A_3312, %add3A, %dma_wait3A_3317, %dma_wait3A_3318] : memref<16x32x32x512xf32, #tpu.memory_space<hbm>> -> memref<1x1x32x512xf32, #tpu.memory_space<hbm>>
    %dma_wait3A_3320 = tpu.memref_squeeze %dma_wait3A_3319 : memref<1x1x32x512xf32, #tpu.memory_space<hbm>> -> memref<32x512xf32, #tpu.memory_space<hbm>>
    tpu.wait_dma2 semaphore(%arg7 : memref<!tpu.dma_semaphore, #tpu.memory_space<semaphore_mem>>) src(%arg5 : memref<32x512xf32, #tpu.memory_space<vmem>>) dst(%dma_wait3A_3320 : memref<32x512xf32, #tpu.memory_space<hbm>>)
    %dma_wait3A_3321 = arith.constant 4 : i32
    %dma_wait3A_3322 = arith.constant 0 : i32
    %dma_wait3A_3323 = arith.constant 0 : i32
    %dma_wait3A_3324 = tpu.memref_slice %arg4[%dma_wait3A_3321, %add3A, %dma_wait3A_3322, %dma_wait3A_3323] : memref<16x32x32x512xf32, #tpu.memory_space<hbm>> -> memref<1x1x32x512xf32, #tpu.memory_space<hbm>>
    %dma_wait3A_3325 = tpu.memref_squeeze %dma_wait3A_3324 : memref<1x1x32x512xf32, #tpu.memory_space<hbm>> -> memref<32x512xf32, #tpu.memory_space<hbm>>
    %dma_wait3A_3326 = arith.constant 0 : i32
    %dma_wait3A_3327 = arith.constant 0 : i32
    %dma_wait3A_3328 = tpu.memref_slice %arg4[%dma_wait3A_3321, %add3A, %dma_wait3A_3326, %dma_wait3A_3327] : memref<16x32x32x512xf32, #tpu.memory_space<hbm>> -> memref<1x1x32x512xf32, #tpu.memory_space<hbm>>
    %dma_wait3A_3329 = tpu.memref_squeeze %dma_wait3A_3328 : memref<1x1x32x512xf32, #tpu.memory_space<hbm>> -> memref<32x512xf32, #tpu.memory_space<hbm>>
    tpu.wait_dma2 semaphore(%arg7 : memref<!tpu.dma_semaphore, #tpu.memory_space<semaphore_mem>>) src(%arg5 : memref<32x512xf32, #tpu.memory_space<vmem>>) dst(%dma_wait3A_3329 : memref<32x512xf32, #tpu.memory_space<hbm>>)
    %dma_wait3A_3330 = arith.constant 5 : i32
    %dma_wait3A_3331 = arith.constant 0 : i32
    %dma_wait3A_3332 = arith.constant 0 : i32
    %dma_wait3A_3333 = tpu.memref_slice %arg4[%dma_wait3A_3330, %add3A, %dma_wait3A_3331, %dma_wait3A_3332] : memref<16x32x32x512xf32, #tpu.memory_space<hbm>> -> memref<1x1x32x512xf32, #tpu.memory_space<hbm>>
    %dma_wait3A_3334 = tpu.memref_squeeze %dma_wait3A_3333 : memref<1x1x32x512xf32, #tpu.memory_space<hbm>> -> memref<32x512xf32, #tpu.memory_space<hbm>>
    %dma_wait3A_3335 = arith.constant 0 : i32
    %dma_wait3A_3336 = arith.constant 0 : i32
    %dma_wait3A_3337 = tpu.memref_slice %arg4[%dma_wait3A_3330, %add3A, %dma_wait3A_3335, %dma_wait3A_3336] : memref<16x32x32x512xf32, #tpu.memory_space<hbm>> -> memref<1x1x32x512xf32, #tpu.memory_space<hbm>>
    %dma_wait3A_3338 = tpu.memref_squeeze %dma_wait3A_3337 : memref<1x1x32x512xf32, #tpu.memory_space<hbm>> -> memref<32x512xf32, #tpu.memory_space<hbm>>
    tpu.wait_dma2 semaphore(%arg7 : memref<!tpu.dma_semaphore, #tpu.memory_space<semaphore_mem>>) src(%arg5 : memref<32x512xf32, #tpu.memory_space<vmem>>) dst(%dma_wait3A_3338 : memref<32x512xf32, #tpu.memory_space<hbm>>)
    %dma_wait3A_3339 = arith.constant 6 : i32
    %dma_wait3A_3340 = arith.constant 0 : i32
    %dma_wait3A_3341 = arith.constant 0 : i32
    %dma_wait3A_3342 = tpu.memref_slice %arg4[%dma_wait3A_3339, %add3A, %dma_wait3A_3340, %dma_wait3A_3341] : memref<16x32x32x512xf32, #tpu.memory_space<hbm>> -> memref<1x1x32x512xf32, #tpu.memory_space<hbm>>
    %dma_wait3A_3343 = tpu.memref_squeeze %dma_wait3A_3342 : memref<1x1x32x512xf32, #tpu.memory_space<hbm>> -> memref<32x512xf32, #tpu.memory_space<hbm>>
    %dma_wait3A_3344 = arith.constant 0 : i32
    %dma_wait3A_3345 = arith.constant 0 : i32
    %dma_wait3A_3346 = tpu.memref_slice %arg4[%dma_wait3A_3339, %add3A, %dma_wait3A_3344, %dma_wait3A_3345] : memref<16x32x32x512xf32, #tpu.memory_space<hbm>> -> memref<1x1x32x512xf32, #tpu.memory_space<hbm>>
    %dma_wait3A_3347 = tpu.memref_squeeze %dma_wait3A_3346 : memref<1x1x32x512xf32, #tpu.memory_space<hbm>> -> memref<32x512xf32, #tpu.memory_space<hbm>>
    tpu.wait_dma2 semaphore(%arg7 : memref<!tpu.dma_semaphore, #tpu.memory_space<semaphore_mem>>) src(%arg5 : memref<32x512xf32, #tpu.memory_space<vmem>>) dst(%dma_wait3A_3347 : memref<32x512xf32, #tpu.memory_space<hbm>>)
    %dma_wait3A_3348 = arith.constant 7 : i32
    %dma_wait3A_3349 = arith.constant 0 : i32
    %dma_wait3A_3350 = arith.constant 0 : i32
    %dma_wait3A_3351 = tpu.memref_slice %arg4[%dma_wait3A_3348, %add3A, %dma_wait3A_3349, %dma_wait3A_3350] : memref<16x32x32x512xf32, #tpu.memory_space<hbm>> -> memref<1x1x32x512xf32, #tpu.memory_space<hbm>>
    %dma_wait3A_3352 = tpu.memref_squeeze %dma_wait3A_3351 : memref<1x1x32x512xf32, #tpu.memory_space<hbm>> -> memref<32x512xf32, #tpu.memory_space<hbm>>
    %dma_wait3A_3353 = arith.constant 0 : i32
    %dma_wait3A_3354 = arith.constant 0 : i32
    %dma_wait3A_3355 = tpu.memref_slice %arg4[%dma_wait3A_3348, %add3A, %dma_wait3A_3353, %dma_wait3A_3354] : memref<16x32x32x512xf32, #tpu.memory_space<hbm>> -> memref<1x1x32x512xf32, #tpu.memory_space<hbm>>
    %dma_wait3A_3356 = tpu.memref_squeeze %dma_wait3A_3355 : memref<1x1x32x512xf32, #tpu.memory_space<hbm>> -> memref<32x512xf32, #tpu.memory_space<hbm>>
    tpu.wait_dma2 semaphore(%arg7 : memref<!tpu.dma_semaphore, #tpu.memory_space<semaphore_mem>>) src(%arg5 : memref<32x512xf32, #tpu.memory_space<vmem>>) dst(%dma_wait3A_3356 : memref<32x512xf32, #tpu.memory_space<hbm>>)
    %dma_wait3A_3357 = arith.constant 8 : i32
    %dma_wait3A_3358 = arith.constant 0 : i32
    %dma_wait3A_3359 = arith.constant 0 : i32
    %dma_wait3A_3360 = tpu.memref_slice %arg4[%dma_wait3A_3357, %add3A, %dma_wait3A_3358, %dma_wait3A_3359] : memref<16x32x32x512xf32, #tpu.memory_space<hbm>> -> memref<1x1x32x512xf32, #tpu.memory_space<hbm>>
    %dma_wait3A_3361 = tpu.memref_squeeze %dma_wait3A_3360 : memref<1x1x32x512xf32, #tpu.memory_space<hbm>> -> memref<32x512xf32, #tpu.memory_space<hbm>>
    %dma_wait3A_3362 = arith.constant 0 : i32
    %dma_wait3A_3363 = arith.constant 0 : i32
    %dma_wait3A_3364 = tpu.memref_slice %arg4[%dma_wait3A_3357, %add3A, %dma_wait3A_3362, %dma_wait3A_3363] : memref<16x32x32x512xf32, #tpu.memory_space<hbm>> -> memref<1x1x32x512xf32, #tpu.memory_space<hbm>>
    %dma_wait3A_3365 = tpu.memref_squeeze %dma_wait3A_3364 : memref<1x1x32x512xf32, #tpu.memory_space<hbm>> -> memref<32x512xf32, #tpu.memory_space<hbm>>
    tpu.wait_dma2 semaphore(%arg7 : memref<!tpu.dma_semaphore, #tpu.memory_space<semaphore_mem>>) src(%arg5 : memref<32x512xf32, #tpu.memory_space<vmem>>) dst(%dma_wait3A_3365 : memref<32x512xf32, #tpu.memory_space<hbm>>)
    %dma_wait3A_3366 = arith.constant 9 : i32
    %dma_wait3A_3367 = arith.constant 0 : i32
    %dma_wait3A_3368 = arith.constant 0 : i32
    %dma_wait3A_3369 = tpu.memref_slice %arg4[%dma_wait3A_3366, %add3A, %dma_wait3A_3367, %dma_wait3A_3368] : memref<16x32x32x512xf32, #tpu.memory_space<hbm>> -> memref<1x1x32x512xf32, #tpu.memory_space<hbm>>
    %dma_wait3A_3370 = tpu.memref_squeeze %dma_wait3A_3369 : memref<1x1x32x512xf32, #tpu.memory_space<hbm>> -> memref<32x512xf32, #tpu.memory_space<hbm>>
    %dma_wait3A_3371 = arith.constant 0 : i32
    %dma_wait3A_3372 = arith.constant 0 : i32
    %dma_wait3A_3373 = tpu.memref_slice %arg4[%dma_wait3A_3366, %add3A, %dma_wait3A_3371, %dma_wait3A_3372] : memref<16x32x32x512xf32, #tpu.memory_space<hbm>> -> memref<1x1x32x512xf32, #tpu.memory_space<hbm>>
    %dma_wait3A_3374 = tpu.memref_squeeze %dma_wait3A_3373 : memref<1x1x32x512xf32, #tpu.memory_space<hbm>> -> memref<32x512xf32, #tpu.memory_space<hbm>>
    tpu.wait_dma2 semaphore(%arg7 : memref<!tpu.dma_semaphore, #tpu.memory_space<semaphore_mem>>) src(%arg5 : memref<32x512xf32, #tpu.memory_space<vmem>>) dst(%dma_wait3A_3374 : memref<32x512xf32, #tpu.memory_space<hbm>>)
    %dma_wait3A_3375 = arith.constant 10 : i32
    %dma_wait3A_3376 = arith.constant 0 : i32
    %dma_wait3A_3377 = arith.constant 0 : i32
    %dma_wait3A_3378 = tpu.memref_slice %arg4[%dma_wait3A_3375, %add3A, %dma_wait3A_3376, %dma_wait3A_3377] : memref<16x32x32x512xf32, #tpu.memory_space<hbm>> -> memref<1x1x32x512xf32, #tpu.memory_space<hbm>>
    %dma_wait3A_3379 = tpu.memref_squeeze %dma_wait3A_3378 : memref<1x1x32x512xf32, #tpu.memory_space<hbm>> -> memref<32x512xf32, #tpu.memory_space<hbm>>
    %dma_wait3A_3380 = arith.constant 0 : i32
    %dma_wait3A_3381 = arith.constant 0 : i32
    %dma_wait3A_3382 = tpu.memref_slice %arg4[%dma_wait3A_3375, %add3A, %dma_wait3A_3380, %dma_wait3A_3381] : memref<16x32x32x512xf32, #tpu.memory_space<hbm>> -> memref<1x1x32x512xf32, #tpu.memory_space<hbm>>
    %dma_wait3A_3383 = tpu.memref_squeeze %dma_wait3A_3382 : memref<1x1x32x512xf32, #tpu.memory_space<hbm>> -> memref<32x512xf32, #tpu.memory_space<hbm>>
    tpu.wait_dma2 semaphore(%arg7 : memref<!tpu.dma_semaphore, #tpu.memory_space<semaphore_mem>>) src(%arg5 : memref<32x512xf32, #tpu.memory_space<vmem>>) dst(%dma_wait3A_3383 : memref<32x512xf32, #tpu.memory_space<hbm>>)
    %dma_wait3A_3384 = arith.constant 11 : i32
    %dma_wait3A_3385 = arith.constant 0 : i32
    %dma_wait3A_3386 = arith.constant 0 : i32
    %dma_wait3A_3387 = tpu.memref_slice %arg4[%dma_wait3A_3384, %add3A, %dma_wait3A_3385, %dma_wait3A_3386] : memref<16x32x32x512xf32, #tpu.memory_space<hbm>> -> memref<1x1x32x512xf32, #tpu.memory_space<hbm>>
    %dma_wait3A_3388 = tpu.memref_squeeze %dma_wait3A_3387 : memref<1x1x32x512xf32, #tpu.memory_space<hbm>> -> memref<32x512xf32, #tpu.memory_space<hbm>>
    %dma_wait3A_3389 = arith.constant 0 : i32
    %dma_wait3A_3390 = arith.constant 0 : i32
    %dma_wait3A_3391 = tpu.memref_slice %arg4[%dma_wait3A_3384, %add3A, %dma_wait3A_3389, %dma_wait3A_3390] : memref<16x32x32x512xf32, #tpu.memory_space<hbm>> -> memref<1x1x32x512xf32, #tpu.memory_space<hbm>>
    %dma_wait3A_3392 = tpu.memref_squeeze %dma_wait3A_3391 : memref<1x1x32x512xf32, #tpu.memory_space<hbm>> -> memref<32x512xf32, #tpu.memory_space<hbm>>
    tpu.wait_dma2 semaphore(%arg7 : memref<!tpu.dma_semaphore, #tpu.memory_space<semaphore_mem>>) src(%arg5 : memref<32x512xf32, #tpu.memory_space<vmem>>) dst(%dma_wait3A_3392 : memref<32x512xf32, #tpu.memory_space<hbm>>)
    %dma_wait3A_3393 = arith.constant 12 : i32
    %dma_wait3A_3394 = arith.constant 0 : i32
    %dma_wait3A_3395 = arith.constant 0 : i32
    %dma_wait3A_3396 = tpu.memref_slice %arg4[%dma_wait3A_3393, %add3A, %dma_wait3A_3394, %dma_wait3A_3395] : memref<16x32x32x512xf32, #tpu.memory_space<hbm>> -> memref<1x1x32x512xf32, #tpu.memory_space<hbm>>
    %dma_wait3A_3397 = tpu.memref_squeeze %dma_wait3A_3396 : memref<1x1x32x512xf32, #tpu.memory_space<hbm>> -> memref<32x512xf32, #tpu.memory_space<hbm>>
    %dma_wait3A_3398 = arith.constant 0 : i32
    %dma_wait3A_3399 = arith.constant 0 : i32
    %dma_wait3A_3400 = tpu.memref_slice %arg4[%dma_wait3A_3393, %add3A, %dma_wait3A_3398, %dma_wait3A_3399] : memref<16x32x32x512xf32, #tpu.memory_space<hbm>> -> memref<1x1x32x512xf32, #tpu.memory_space<hbm>>
    %dma_wait3A_3401 = tpu.memref_squeeze %dma_wait3A_3400 : memref<1x1x32x512xf32, #tpu.memory_space<hbm>> -> memref<32x512xf32, #tpu.memory_space<hbm>>
    tpu.wait_dma2 semaphore(%arg7 : memref<!tpu.dma_semaphore, #tpu.memory_space<semaphore_mem>>) src(%arg5 : memref<32x512xf32, #tpu.memory_space<vmem>>) dst(%dma_wait3A_3401 : memref<32x512xf32, #tpu.memory_space<hbm>>)
    %dma_wait3A_3402 = arith.constant 13 : i32
    %dma_wait3A_3403 = arith.constant 0 : i32
    %dma_wait3A_3404 = arith.constant 0 : i32
    %dma_wait3A_3405 = tpu.memref_slice %arg4[%dma_wait3A_3402, %add3A, %dma_wait3A_3403, %dma_wait3A_3404] : memref<16x32x32x512xf32, #tpu.memory_space<hbm>> -> memref<1x1x32x512xf32, #tpu.memory_space<hbm>>
    %dma_wait3A_3406 = tpu.memref_squeeze %dma_wait3A_3405 : memref<1x1x32x512xf32, #tpu.memory_space<hbm>> -> memref<32x512xf32, #tpu.memory_space<hbm>>
    %dma_wait3A_3407 = arith.constant 0 : i32
    %dma_wait3A_3408 = arith.constant 0 : i32
    %dma_wait3A_3409 = tpu.memref_slice %arg4[%dma_wait3A_3402, %add3A, %dma_wait3A_3407, %dma_wait3A_3408] : memref<16x32x32x512xf32, #tpu.memory_space<hbm>> -> memref<1x1x32x512xf32, #tpu.memory_space<hbm>>
    %dma_wait3A_3410 = tpu.memref_squeeze %dma_wait3A_3409 : memref<1x1x32x512xf32, #tpu.memory_space<hbm>> -> memref<32x512xf32, #tpu.memory_space<hbm>>
    tpu.wait_dma2 semaphore(%arg7 : memref<!tpu.dma_semaphore, #tpu.memory_space<semaphore_mem>>) src(%arg5 : memref<32x512xf32, #tpu.memory_space<vmem>>) dst(%dma_wait3A_3410 : memref<32x512xf32, #tpu.memory_space<hbm>>)
    %dma_wait3A_3411 = arith.constant 14 : i32
    %dma_wait3A_3412 = arith.constant 0 : i32
    %dma_wait3A_3413 = arith.constant 0 : i32
    %dma_wait3A_3414 = tpu.memref_slice %arg4[%dma_wait3A_3411, %add3A, %dma_wait3A_3412, %dma_wait3A_3413] : memref<16x32x32x512xf32, #tpu.memory_space<hbm>> -> memref<1x1x32x512xf32, #tpu.memory_space<hbm>>
    %dma_wait3A_3415 = tpu.memref_squeeze %dma_wait3A_3414 : memref<1x1x32x512xf32, #tpu.memory_space<hbm>> -> memref<32x512xf32, #tpu.memory_space<hbm>>
    %dma_wait3A_3416 = arith.constant 0 : i32
    %dma_wait3A_3417 = arith.constant 0 : i32
    %dma_wait3A_3418 = tpu.memref_slice %arg4[%dma_wait3A_3411, %add3A, %dma_wait3A_3416, %dma_wait3A_3417] : memref<16x32x32x512xf32, #tpu.memory_space<hbm>> -> memref<1x1x32x512xf32, #tpu.memory_space<hbm>>
    %dma_wait3A_3419 = tpu.memref_squeeze %dma_wait3A_3418 : memref<1x1x32x512xf32, #tpu.memory_space<hbm>> -> memref<32x512xf32, #tpu.memory_space<hbm>>
    tpu.wait_dma2 semaphore(%arg7 : memref<!tpu.dma_semaphore, #tpu.memory_space<semaphore_mem>>) src(%arg5 : memref<32x512xf32, #tpu.memory_space<vmem>>) dst(%dma_wait3A_3419 : memref<32x512xf32, #tpu.memory_space<hbm>>)
    %dma_wait3A_3420 = arith.constant 15 : i32
    %dma_wait3A_3421 = arith.constant 0 : i32
    %dma_wait3A_3422 = arith.constant 0 : i32
    %dma_wait3A_3423 = tpu.memref_slice %arg4[%dma_wait3A_3420, %add3A, %dma_wait3A_3421, %dma_wait3A_3422] : memref<16x32x32x512xf32, #tpu.memory_space<hbm>> -> memref<1x1x32x512xf32, #tpu.memory_space<hbm>>
    %dma_wait3A_3424 = tpu.memref_squeeze %dma_wait3A_3423 : memref<1x1x32x512xf32, #tpu.memory_space<hbm>> -> memref<32x512xf32, #tpu.memory_space<hbm>>
    %dma_wait3A_3425 = arith.constant 0 : i32
    %dma_wait3A_3426 = arith.constant 0 : i32
    %dma_wait3A_3427 = tpu.memref_slice %arg4[%dma_wait3A_3420, %add3A, %dma_wait3A_3425, %dma_wait3A_3426] : memref<16x32x32x512xf32, #tpu.memory_space<hbm>> -> memref<1x1x32x512xf32, #tpu.memory_space<hbm>>
    %dma_wait3A_3428 = tpu.memref_squeeze %dma_wait3A_3427 : memref<1x1x32x512xf32, #tpu.memory_space<hbm>> -> memref<32x512xf32, #tpu.memory_space<hbm>>
    tpu.wait_dma2 semaphore(%arg7 : memref<!tpu.dma_semaphore, #tpu.memory_space<semaphore_mem>>) src(%arg5 : memref<32x512xf32, #tpu.memory_space<vmem>>) dst(%dma_wait3A_3428 : memref<32x512xf32, #tpu.memory_space<hbm>>)
    return
  }
}

</mosaic_0001>

<sc_bundles>
// kernel: kernel.3.cloned.1.call-start
scs
__scs_entry_jumppad:
0x0: {  	(pc) =	sbr.rel $0x88, $3  }
0x1: {  	(tag) =	ssettag $0x0;
	lr =	simm.s32 $0x1  }
0x2: {  	[smem:$0x3F9F] =	sst lr;
	_ =	strace $0xD0000000  }
0x3: {  	_ = 	snop  }
0x4: {  	_ = 	snop  }
0x5: {  	_ = 	snop  }
0x6: {  	_ = 	snop  }
0x7: {  	_ = 	snop  }
__scs_overlays_trampoline_lowered:
0x8: {  	[smem:$0x3FAE] =	sst s0  }
0x9: {  	[smem:$0x3FAF] =	sst s1  }
0xa: {  	[smem:$0x3FB0] =	sst s2  }
0xb: {  	[smem:$0x3FB1] =	sst s3  }
0xc: {  	[smem:$0x3FB2] =	sst s4  }
0xd: {  	[smem:$0x3FB3] =	sst s5  }
0xe: {  	[smem:$0x3FB4] =	sst s6  }
0xf: {  	[smem:$0x3FB5] =	sst s7  }
0x10: {  	[smem:$0x3FB6] =	sst s8  }
0x11: {  	[smem:$0x3FB7] =	sst s9;
	s0 =	simm.s32 @!p0 $0x0  }
0x12: {  	s1 =	sld [smem:$0x3F9D];
	s0 =	simm.s32 @p0 $0x1  }
0x13: {  	[smem:$0x3FB8] =	sst s0;
	s0 =	simm.s32 @!p1 $0x0  }
0x14: {  	s2 =	sld [smem:$0x3F9C];
	s0 =	simm.s32 @p1 $0x1  }
0x15: {  	[smem:$0x3FB9] =	sst s0;
	s0 =	simm.s32 @!p2 $0x0  }
0x16: {  	s3 =	sld [smem:$0x3FDB];
	s0 =	simm.s32 @p2 $0x1  }
0x17: {  	s4 =	simm.s32 $0x1BF5;
	[smem:$0x3FBB] =	sst s0  }
0x18: {  	s0 =	sld [smem:$0x3F9E];
	_ =	swait.ge [sflag:s4], $0x0  }
0x19: {  	s7 =	sld [smem:$0x3F9F]  }
0x1a: {  	s8 =	sadd.s32 $0xFFFFE003, lr  }
0x1b: {  	s9 =	sadd.s32 $0xFFFFFEF7, lr;
	s5 =	simm.s32 $0xFFFFFFFF;
	p2 =	slt.u32 s8, $0xFFFFF086  }
0x1c: {  	p1 =	slt.u32 s9, $0xF7A;
	s5 =	simm.s32 @!p2 $0x0  }
0x1d: {  	s5 =	simm.s32 @p1 $0x1;
	p0 =	seq.s32 s7, s2  }
0x1e: {  	s7 =	smul.u32 @!p0 $0xF7A, s2;
	p2 =	seq.s32 @!p0 s5, $0x0  }
0x1f: {  	s9 =	smul.u32 $0xF7A, s1;
	s8 =	simm.s32 @!p0 $0x1BF5;
	p2 =	por !p2, p0  }
0x20: {  	[sflag:s8] =	ssyncset.s32 @!p0 $0xFFFFF086;
	s6 =	sadd.s32 @!p0 s3, s7;
	s7 =	simm.s32 @!p0 $0x108  }
0x21: {  	s3 =	sadd.s32 s3, s9;
	s6 =	sadd.s32 @!p0 $0x88, s6;
	s7 =	simm.s32 @p2 $0x1082  }
0x22: {  	[simem:s7], [sflag:s8] =	dma.local @!p0 [hbm:s6], $0xF7A  }
0x23: {  	s9 =	sor.u32 $0xD0000000, s2;
	s6 =	simm.s32 $0x108;
	_ =	swait.ge @!p0 [sflag:s8], $0x0  }
0x24: {  	s3 =	sadd.s32 $0x88, s3;
	s6 =	simm.s32 @!p1 $0x1082;
	[sflag:s4] =	ssyncset.s32 $0xFFFFF086  }
0x25: {  	[simem:s6], [sflag:s4] =	dma.local [hbm:s3], $0xF7A  }
0x26: {  	[smem:$0x3F9F] =	sst s1;
	(tag) =	ssettag s2;
	_ =	strace s9  }
0x27: {  	s1 =	sld [smem:$0x3FAF]  }
0x28: {  	s2 =	sld [smem:$0x3FB0]  }
0x29: {  	s4 =	sld [smem:$0x3FB2]  }
0x2a: {  	p0 =	seq.s32 s5, $0x0;
	s5 =	sld [smem:$0x3FB3]  }
0x2b: {  	s6 =	sld [smem:$0x3FB4]  }
0x2c: {  	s7 =	sld [smem:$0x3FB5]  }
0x2d: {  	s3 =	simm.s32 $0x108;
	s8 =	sld [smem:$0x3FB6]  }
0x2e: {  	s3 =	simm.s32 @!p0 $0x1082;
	s9 =	sld [smem:$0x3FB7]  }
0x2f: {  	lr =	sadd.s32 s0, s3;
	s0 =	sld [smem:$0x3FAE]  }
0x30: {  	s3 =	sld [smem:$0x3FB1]  }
0x31: {  	[smem:$0x3FBA] =	sst s10  }
0x32: {  	s10 =	sld [smem:$0x3FB8];
	_ =	sdelay $0x3  }
0x33: {  	p0 =	seq.s32 s10, $0x1;
	s10 =	sld [smem:$0x3FBA];
	_ =	sdelay $0x3  }
0x34: {  	[smem:$0x3FBA] =	sst s10  }
0x35: {  	s10 =	sld [smem:$0x3FB9];
	_ =	sdelay $0x3  }
0x36: {  	p1 =	seq.s32 s10, $0x1;
	s10 =	sld [smem:$0x3FBA];
	_ =	sdelay $0x3  }
0x37: {  	[smem:$0x3FBA] =	sst s10  }
0x38: {  	s10 =	sld [smem:$0x3FBB]  }
0x39: {  	_ = 	snop;
	(pc) =	sbr.ind lr, $3  }
0x3a: {  	_ = 	snop  }
0x3b: {  	_ = 	snop  }
0x3c: {  	p2 =	seq.s32 s10, $0x1;
	s10 =	sld [smem:$0x3FBA]  }
0x3d: {  	_ =	shalt  }
0x3e: {  	_ =	shalt  }
0x3f: {  	_ =	shalt  }
0x40: {  	_ =	shalt  }
0x41: {  	_ =	shalt  }
0x42: {  	_ =	shalt  }
0x43: {  	_ =	shalt  }
0x44: {  	_ =	shalt  }
0x45: {  	_ =	shalt  }
0x46: {  	_ =	shalt  }
0x47: {  	_ =	shalt  }
0x48: {  	_ =	shalt  }
0x49: {  	_ =	shalt  }
0x4a: {  	_ =	shalt  }
0x4b: {  	_ =	shalt  }
0x4c: {  	_ =	shalt  }
0x4d: {  	_ =	shalt  }
0x4e: {  	_ =	shalt  }
0x4f: {  	_ =	shalt  }
0x50: {  	_ =	shalt  }
0x51: {  	_ =	shalt  }
0x52: {  	_ =	shalt  }
0x53: {  	_ =	shalt  }
0x54: {  	_ =	shalt  }
0x55: {  	_ =	shalt  }
0x56: {  	_ =	shalt  }
0x57: {  	_ =	shalt  }
0x58: {  	_ =	shalt  }
0x59: {  	_ =	shalt  }
0x5a: {  	_ =	shalt  }
0x5b: {  	_ =	shalt  }
0x5c: {  	_ =	shalt  }
0x5d: {  	_ =	shalt  }
0x5e: {  	_ =	shalt  }
0x5f: {  	_ =	shalt  }
0x60: {  	_ =	shalt  }
0x61: {  	_ =	shalt  }
0x62: {  	_ =	shalt  }
0x63: {  	_ =	shalt  }
0x64: {  	_ =	shalt  }
0x65: {  	_ =	shalt  }
0x66: {  	_ =	shalt  }
0x67: {  	_ =	shalt  }
0x68: {  	_ =	shalt  }
0x69: {  	_ =	shalt  }
0x6a: {  	_ =	shalt  }
0x6b: {  	_ =	shalt  }
0x6c: {  	_ =	shalt  }
0x6d: {  	_ =	shalt  }
0x6e: {  	_ =	shalt  }
0x6f: {  	_ =	shalt  }
0x70: {  	_ =	shalt  }
0x71: {  	_ =	shalt  }
0x72: {  	_ =	shalt  }
0x73: {  	_ =	shalt  }
0x74: {  	_ =	shalt  }
0x75: {  	_ =	shalt  }
0x76: {  	_ =	shalt  }
0x77: {  	_ =	shalt  }
0x78: {  	_ =	shalt  }
0x79: {  	_ =	shalt  }
0x7a: {  	_ =	shalt  }
0x7b: {  	_ =	shalt  }
0x7c: {  	_ =	shalt  }
0x7d: {  	_ =	shalt  }
0x7e: {  	_ =	shalt  }
0x7f: {  	_ =	shalt  }
0x80: {  	_ =	shalt  }
0x81: {  	_ =	shalt  }
0x82: {  	_ =	shalt  }
0x83: {  	_ =	shalt  }
0x84: {  	_ =	shalt  }
0x85: {  	_ =	shalt  }
0x86: {  	_ =	shalt  }
0x87: {  	_ =	shalt  }
.Lfunc_end0:
.L_simem_size_0:
called_computation_lowered:
.L_overlay_start_0:
0x88: {  	s2 =	sld [smem:$0x3FD9]  }
0x89: {  	s3 =	sld [smem:$0x3FFE];
	_ =	sdelay $0x1  }
0x8a: {  	s1 =	srdreg.scid  }
0x8b: {  	s0 =	sand.u32 $0x1, s1  }
0x8c: {  	s18 =	sshll.u32 s0, $0xA;
	s2 =	sadd.s32 s3, s2  }
0x8d: {  	s2 =	sadd.s32 s2, s18  }
0x8e: {  	[smem:$0x3FC6] =	sst s2  }
0x8f: {  	_ = 	snop  }
0x90: {  	s2 =	sld [smem:$0x3FC9]  }
0x91: {  	s19 =	sld [smem:$0x3FC8]  }
0x92: {  	s4 =	sld [smem:$0x3FD0];
	(tm) =	ssettm $0x1  }
0x93: {  	s5 =	sld [smem:$0x3FFB];
	_ =	sdelay $0x3  }
0x94: {  	_ =	strace s5  }
0x95: {  	s5 =	sld [smem:$0x3FFC];
	_ =	sdelay $0x3  }
0x96: {  	_ =	strace s5  }
0x97: {  	s5 =	sld [smem:$0x3FFD];
	_ =	sdelay $0x3  }
0x98: {  	_ =	strace s5  }
0x99: {  	_ =	strace $0x8FFFFFFF  }
0x9a: {  	s20 =	sld [smem:$0x3FDB];
	_ =	sdelay $0x1  }
0x9b: {  	s6 =	simm.s32 $_scs_section_size  }
0x9c: {  	s7 =	simm.s32 $_size__tile_overlayer_lowered;
	s8 =	simm.s32 $_tile_overlayer_lowered  }
0x9d: {  	s23 =	simm.s32 $0x1BFF;
	s22 =	sshll.u32 s8, $0x1;
	s5 =	sadd.s32 s6, s20  }
0x9e: {  	s9 =	simm.s32 $0x0;
	s21 =	sshll.u32 s7, $0x1;
	s7 =	sadd.s32 s22, s5  }
0x9f: {  	[timem:s9], [sflag:s23] =	dma.local [hbm:s7], s21  }
0xa0: {  	_ =	swait.ge [sflag:s23], s21  }
0xa1: {  	s6 =	ssub.s32 $0x0, s21;
	[sflag:s23] =	ssyncset.done $0x0  }
0xa2: {  	[sflag:s23] =	ssyncadd.s32 s6;
	_ =	sdelay $0x1  }
0xa3: {  	s24 =	simm.s32 $0x1B8B  }
0xa4: {  	_ =	swait.ge [sflag:s24], $0x1  }
0xa5: {  	[sflag:s24] =	ssyncset.done $0x0  }
0xa6: {  	s25 =	simm.s32 $0x1B8E;
	[sflag:s24] =	ssyncadd.s32 $0xFFFFFFFF  }
0xa7: {  	s26 =	simm.s32 $execute0_lowered;
	[smem:$0x3FD2] =	sst s25  }
0xa8: {  	s6 =	sshll.u32 s26, $0x1;
	_ =	strace $0x80000046;
	[dreg:$0x1] =	wrdreg $0xFFFFFFFF  }
0xa9: {  	s28 =	simm.s32 $_size_execute0_lowered;
	s5 =	sadd.s32 s5, s6;
	[dreg:$0x0] =	wrdreg $0x0  }
0xaa: {  	s6 =	sshll.u32 s28, $0x1;
	[dreg:$0x2] =	wrdreg s5  }
0xab: {  	[dreg:$0x3] =	wrdreg s6  }
0xac: {  	[dreg:$0x4] =	wrdreg $0xC0  }
0xad: {  	_ =	task [dreg:s9], $0x5FFFF  }
0xae: {  	[dreg:$0x1] =	wrdreg $0xFFFFFFFF  }
0xaf: {  	[dreg:$0x0] =	wrdreg $0x60  }
0xb0: {  	[dreg:$0x2] =	wrdreg s19  }
0xb1: {  	[dreg:$0x3] =	wrdreg s2  }
0xb2: {  	[dreg:$0x4] =	wrdreg s4  }
0xb3: {  	[dreg:$0x5] =	wrdreg $0x9  }
0xb4: {  	_ =	task.clear_ibuf [dreg:s9], $0x6FFFF;
	_ =	strace $0x90000046  }
0xb5: {  	s29 =	simm.s32 $0x9;
	_ =	strace $0x80000048  }
0xb6: {  	_ =	swait.ge [sflag:s29], $0x1  }
0xb7: {  	[sflag:s29] =	ssyncadd.s32 $0xFFFFFFFF  }
0xb8: {  	_ =	strace $0x90000048  }
0xb9: {  	_ =	sfence  }
0xba: {  	s30 =	sld [smem:$0x0];
	_ =	sdelay $0x2  }
0xbb: {  	s31 =	sshll.u32 s1, $0xD;
	s1 =	sshrl.u32 s1, $0x2  }
0xbc: {  	s3 =	sand.u32 $0x4000, s31;
	s1 =	sadd.s32 s1, s30  }
0xbd: {  	s0 =	sor.u32 s3, s0;
	s1 =	sshll.u32 s1, $0x11  }
0xbe: {  	s0 =	sor.u32 s1, s0  }
0xbf: {  	s0 =	sadd.s32 $0x8F2B, s0  }
0xc0: {  	[sflag:s0] =	ssyncadd.remote.s32 $0x1  }
0xc1: {  	_ =	sfence.sel $0xFFFF  }
0xc2: {  	[dreg:$0x0] =	wrdreg $0xFFFFFFFF;
	(pc) =	sbr.abs _section_cstart, $3  }
0xc3: {  	[dreg:$0x1] =	wrdreg $0xFFFFFFFF  }
0xc4: {  	_ =	task.clear_ibuf [dreg:s9], $0x2FFFF;
	_ =	strace $0x9FFFFFFF  }
0xc5: {  	(tm) =	ssettm $0x7FFFFFFF  }
tec
execute0_lowered:
.L_overlay_start_1:
0x0: {  	(tag) =	ssettag $0x1  }
0x1: {  	s1 =	rddreg [dreg:$0x0]  }
0x2: {  	s0 =	rddreg [dreg:$0x1]  }
0x3: {  	s4 =	rddreg [dreg:$0x2]  }
0x4: {  	s5 =	srdreg.scid;
	s3 =	simm.s32 $0x0;
	s2 =	stileid.u32  }
0x5: {  	s28 =	simm.s32 $0x400;
	s29 =	simm.s32 $0x4000;
	s30 =	simm.s32 $0x3  }
0x6: {  	s31 =	simm.s32 $0x2;
	s5 =	sand.u32 $0x1, s5;
	[smem:$0x7FF] =	sst s3  }
0x7: {  	s7 =	sshll.u32 s2, $0x1;
	s24 =	sshll.u32 s2, $0x6;
	s20 =	sadd.s32 $0x100, s1  }
0x8: {  	s21 =	sadd.s32 $0x200, s1;
	s22 =	sadd.s32 $0x300, s1;
	s6 =	ssub.s32 $0x2, s5  }
0x9: {  	_ =	strace $0x80000047;
	s5 =	sor.u32 s5, s7;
	s8 =	sshrl.u32 s6, $0x1  }
0xa: {  	s7 =	sshll.u32 s5, $0xB;
	s5 =	sshll.u32 s5, $0x4;
	s19 =	ssub.s32 s6, s8  }
0xb: {  	s6 =	sand.u32 $0x300, s24;
	s4 =	sadd.s32 s4, s7;
	s5 =	sand.u32 $0x70, s5  }
0xc: {  	s24 =	simm.s32 $0x2000;
	s0 =	sadd.s32 s0, s6;
	s25 =	sadd.s32 $0x10000, s4  }
0xd: {  	s26 =	sadd.s32 $0x20000, s4;
	s6 =	sadd.s32 $0x30000, s4;
	s7 =	sadd.s32 $0x40000, s4  }
0xe: {  	s8 =	sadd.s32 $0x50000, s4;
	s9 =	sadd.s32 $0x60000, s4;
	s10 =	sadd.s32 $0x70000, s4  }
0xf: {  	s11 =	sadd.s32 $0x80000, s4;
	s12 =	sadd.s32 $0x90000, s4;
	s13 =	sadd.s32 $0xA0000, s4  }
0x10: {  	s14 =	sadd.s32 $0xB0000, s4;
	s15 =	sadd.s32 $0xC0000, s4;
	s16 =	sadd.s32 $0xD0000, s4  }
0x11: {  	s17 =	sadd.s32 $0xE0000, s4;
	s18 =	sadd.s32 $0xF0000, s4;
	[dreg:$0x4] =	wrdreg s25  }
0x12: {  	s19 =	smax.u32 s19, $0x1;
	s5 =	sadd.s32 s5, s0;
	[dreg:$0x5] =	wrdreg s26  }
0x13: {  	s25 =	simm.s32 $0x3000;
	s26 =	simm.s32 $0x80;
	s0 =	simm.s32 $0x1  }
.LBB2_1:
0x14: {  	[tilespmem:s3], [sflag:$0x2] =	stream.linear.gather [hbm4b:s1+s3], $0x800, $0x38;
	[tilespmem:$0x4100] =	vst v63  }
0x15: {  	s2 =	simm.s32 $0x1000  }
0x16: {  	[tilespmem:s2], [sflag:$0x2] =	stream.linear.gather [hbm4b:s20+s3], $0x800, $0x38;
	[tilespmem:$0x4100] =	vst v63  }
0x17: {  	_ = 	snop  }
0x18: {  	[tilespmem:s24], [sflag:$0x2] =	stream.linear.gather [hbm4b:s21+s3], $0x800, $0x38;
	[tilespmem:$0x4100] =	vst v63  }
0x19: {  	_ = 	snop  }
0x1a: {  	[tilespmem:s25], [sflag:$0x2] =	stream.linear.gather [hbm4b:s22+s3], $0x800, $0x38;
	[tilespmem:$0x4100] =	vst v63  }
0x1b: {  	_ = 	snop  }
0x1c: {  	[tilespmem:s29], [sflag:$0x3] =	stream.strided.gather [hbm4b:s5+s26], $0x100, s28, s26, $0x38;
	[tilespmem:$0x4100] =	vst v63  }
0x1d: {  	_ =	swait.ge [sflag:s30], $0x100  }
0x1e: {  	[sflag:s30] =	ssyncset.done $0x0  }
0x1f: {  	[sflag:s30] =	ssyncadd.s32 $0xFFFFFF00  }
0x20: {  	v0 =	vld [tilespmem:$0x4000];
	_ =	sdelay $0x4  }
0x21: {  	[tilespmem:$0x800] =	vst v0  }
0x22: {  	[tilespmem:$0x880] =	vst v0  }
0x23: {  	[tilespmem:$0x900] =	vst v0  }
0x24: {  	[tilespmem:$0x980] =	vst v0  }
0x25: {  	[tilespmem:$0xA00] =	vst v0  }
0x26: {  	[tilespmem:$0xA80] =	vst v0  }
0x27: {  	[tilespmem:$0xB00] =	vst v0  }
0x28: {  	[tilespmem:$0xB80] =	vst v0  }
0x29: {  	[tilespmem:$0x1800] =	vst v0  }
0x2a: {  	[tilespmem:$0x1880] =	vst v0  }
0x2b: {  	[tilespmem:$0x1900] =	vst v0  }
0x2c: {  	[tilespmem:$0x1980] =	vst v0  }
0x2d: {  	[tilespmem:$0x1A00] =	vst v0  }
0x2e: {  	[tilespmem:$0x1A80] =	vst v0  }
0x2f: {  	[tilespmem:$0x1B00] =	vst v0  }
0x30: {  	[tilespmem:$0x1B80] =	vst v0  }
0x31: {  	[tilespmem:$0x2800] =	vst v0  }
0x32: {  	[tilespmem:$0x2880] =	vst v0  }
0x33: {  	[tilespmem:$0x2900] =	vst v0  }
0x34: {  	[tilespmem:$0x2980] =	vst v0  }
0x35: {  	[tilespmem:$0x2A00] =	vst v0  }
0x36: {  	[tilespmem:$0x2A80] =	vst v0  }
0x37: {  	[tilespmem:$0x2B00] =	vst v0  }
0x38: {  	[tilespmem:$0x2B80] =	vst v0  }
0x39: {  	[tilespmem:$0x3800] =	vst v0  }
0x3a: {  	[tilespmem:$0x3880] =	vst v0  }
0x3b: {  	[tilespmem:$0x3900] =	vst v0  }
0x3c: {  	v1 =	vld [tilespmem:$0x4010];
	[tilespmem:$0x3980] =	vst v0  }
0x3d: {  	[tilespmem:$0x3A00] =	vst v0  }
0x3e: {  	[tilespmem:$0x3A80] =	vst v0  }
0x3f: {  	[tilespmem:$0x3B00] =	vst v0  }
0x40: {  	[tilespmem:$0x3B80] =	vst v0  }
0x41: {  	[tilespmem:$0x810] =	vst v1  }
0x42: {  	[tilespmem:$0x890] =	vst v1  }
0x43: {  	[tilespmem:$0x910] =	vst v1  }
0x44: {  	[tilespmem:$0x990] =	vst v1  }
0x45: {  	[tilespmem:$0xA10] =	vst v1  }
0x46: {  	[tilespmem:$0xA90] =	vst v1  }
0x47: {  	[tilespmem:$0xB10] =	vst v1  }
0x48: {  	[tilespmem:$0xB90] =	vst v1  }
0x49: {  	[tilespmem:$0x1810] =	vst v1  }
0x4a: {  	[tilespmem:$0x1890] =	vst v1  }
0x4b: {  	[tilespmem:$0x1910] =	vst v1  }
0x4c: {  	[tilespmem:$0x1990] =	vst v1  }
0x4d: {  	[tilespmem:$0x1A10] =	vst v1  }
0x4e: {  	[tilespmem:$0x1A90] =	vst v1  }
0x4f: {  	[tilespmem:$0x1B10] =	vst v1  }
0x50: {  	[tilespmem:$0x1B90] =	vst v1  }
0x51: {  	[tilespmem:$0x2810] =	vst v1  }
0x52: {  	[tilespmem:$0x2890] =	vst v1  }
0x53: {  	[tilespmem:$0x2910] =	vst v1  }
0x54: {  	[tilespmem:$0x2990] =	vst v1  }
0x55: {  	[tilespmem:$0x2A10] =	vst v1  }
0x56: {  	[tilespmem:$0x2A90] =	vst v1  }
0x57: {  	[tilespmem:$0x2B10] =	vst v1  }
0x58: {  	[tilespmem:$0x2B90] =	vst v1  }
0x59: {  	[tilespmem:$0x3810] =	vst v1  }
0x5a: {  	[tilespmem:$0x3890] =	vst v1  }
0x5b: {  	[tilespmem:$0x3910] =	vst v1  }
0x5c: {  	v52 =	vld [tilespmem:$0x4020];
	[tilespmem:$0x3990] =	vst v1  }
0x5d: {  	[tilespmem:$0x3A10] =	vst v1  }
0x5e: {  	[tilespmem:$0x3A90] =	vst v1  }
0x5f: {  	[tilespmem:$0x3B10] =	vst v1  }
0x60: {  	[tilespmem:$0x3B90] =	vst v1  }
0x61: {  	[tilespmem:$0x820] =	vst v52  }
0x62: {  	[tilespmem:$0x8A0] =	vst v52  }
0x63: {  	[tilespmem:$0x920] =	vst v52  }
0x64: {  	[tilespmem:$0x9A0] =	vst v52  }
0x65: {  	[tilespmem:$0xA20] =	vst v52  }
0x66: {  	[tilespmem:$0xAA0] =	vst v52  }
0x67: {  	[tilespmem:$0xB20] =	vst v52  }
0x68: {  	[tilespmem:$0xBA0] =	vst v52  }
0x69: {  	[tilespmem:$0x1820] =	vst v52  }
0x6a: {  	[tilespmem:$0x18A0] =	vst v52  }
0x6b: {  	[tilespmem:$0x1920] =	vst v52  }
0x6c: {  	[tilespmem:$0x19A0] =	vst v52  }
0x6d: {  	[tilespmem:$0x1A20] =	vst v52  }
0x6e: {  	[tilespmem:$0x1AA0] =	vst v52  }
0x6f: {  	[tilespmem:$0x1B20] =	vst v52  }
0x70: {  	[tilespmem:$0x1BA0] =	vst v52  }
0x71: {  	[tilespmem:$0x2820] =	vst v52  }
0x72: {  	[tilespmem:$0x28A0] =	vst v52  }
0x73: {  	[tilespmem:$0x2920] =	vst v52  }
0x74: {  	[tilespmem:$0x29A0] =	vst v52  }
0x75: {  	[tilespmem:$0x2A20] =	vst v52  }
0x76: {  	[tilespmem:$0x2AA0] =	vst v52  }
0x77: {  	[tilespmem:$0x2B20] =	vst v52  }
0x78: {  	[tilespmem:$0x2BA0] =	vst v52  }
0x79: {  	[tilespmem:$0x3820] =	vst v52  }
0x7a: {  	[tilespmem:$0x38A0] =	vst v52  }
0x7b: {  	[tilespmem:$0x3920] =	vst v52  }
0x7c: {  	[tilespmem:$0x39A0] =	vst v52;
	v53 =	vld [tilespmem:$0x4030]  }
0x7d: {  	[tilespmem:$0x3A20] =	vst v52  }
0x7e: {  	[tilespmem:$0x3AA0] =	vst v52  }
0x7f: {  	[tilespmem:$0x3B20] =	vst v52  }
0x80: {  	[tilespmem:$0x3BA0] =	vst v52  }
0x81: {  	[tilespmem:$0x830] =	vst v53  }
0x82: {  	[tilespmem:$0x8B0] =	vst v53  }
0x83: {  	[tilespmem:$0x930] =	vst v53  }
0x84: {  	[tilespmem:$0x9B0] =	vst v53  }
0x85: {  	[tilespmem:$0xA30] =	vst v53  }
0x86: {  	[tilespmem:$0xAB0] =	vst v53  }
0x87: {  	[tilespmem:$0xB30] =	vst v53  }
0x88: {  	[tilespmem:$0xBB0] =	vst v53  }
0x89: {  	[tilespmem:$0x1830] =	vst v53  }
0x8a: {  	[tilespmem:$0x18B0] =	vst v53  }
0x8b: {  	[tilespmem:$0x1930] =	vst v53  }
0x8c: {  	[tilespmem:$0x19B0] =	vst v53  }
0x8d: {  	[tilespmem:$0x1A30] =	vst v53  }
0x8e: {  	[tilespmem:$0x1AB0] =	vst v53  }
0x8f: {  	[tilespmem:$0x1B30] =	vst v53  }
0x90: {  	[tilespmem:$0x1BB0] =	vst v53  }
0x91: {  	[tilespmem:$0x2830] =	vst v53  }
0x92: {  	[tilespmem:$0x28B0] =	vst v53  }
0x93: {  	[tilespmem:$0x2930] =	vst v53  }
0x94: {  	[tilespmem:$0x29B0] =	vst v53  }
0x95: {  	[tilespmem:$0x2A30] =	vst v53  }
0x96: {  	[tilespmem:$0x2AB0] =	vst v53  }
0x97: {  	[tilespmem:$0x2B30] =	vst v53  }
0x98: {  	[tilespmem:$0x2BB0] =	vst v53  }
0x99: {  	[tilespmem:$0x3830] =	vst v53  }
0x9a: {  	[tilespmem:$0x38B0] =	vst v53  }
0x9b: {  	[tilespmem:$0x3930] =	vst v53  }
0x9c: {  	v54 =	vld [tilespmem:$0x4040];
	[tilespmem:$0x39B0] =	vst v53  }
0x9d: {  	[tilespmem:$0x3A30] =	vst v53  }
0x9e: {  	[tilespmem:$0x3AB0] =	vst v53  }
0x9f: {  	[tilespmem:$0x3B30] =	vst v53  }
0xa0: {  	[tilespmem:$0x3BB0] =	vst v53  }
0xa1: {  	[tilespmem:$0x840] =	vst v54  }
0xa2: {  	[tilespmem:$0x8C0] =	vst v54  }
0xa3: {  	[tilespmem:$0x940] =	vst v54  }
0xa4: {  	[tilespmem:$0x9C0] =	vst v54  }
0xa5: {  	[tilespmem:$0xA40] =	vst v54  }
0xa6: {  	[tilespmem:$0xAC0] =	vst v54  }
0xa7: {  	[tilespmem:$0xB40] =	vst v54  }
0xa8: {  	[tilespmem:$0xBC0] =	vst v54  }
0xa9: {  	[tilespmem:$0x1840] =	vst v54  }
0xaa: {  	[tilespmem:$0x18C0] =	vst v54  }
0xab: {  	[tilespmem:$0x1940] =	vst v54  }
0xac: {  	[tilespmem:$0x19C0] =	vst v54  }
0xad: {  	[tilespmem:$0x1A40] =	vst v54  }
0xae: {  	[tilespmem:$0x1AC0] =	vst v54  }
0xaf: {  	[tilespmem:$0x1B40] =	vst v54  }
0xb0: {  	[tilespmem:$0x1BC0] =	vst v54  }
0xb1: {  	[tilespmem:$0x2840] =	vst v54  }
0xb2: {  	[tilespmem:$0x28C0] =	vst v54  }
0xb3: {  	[tilespmem:$0x2940] =	vst v54  }
0xb4: {  	[tilespmem:$0x29C0] =	vst v54  }
0xb5: {  	[tilespmem:$0x2A40] =	vst v54  }
0xb6: {  	[tilespmem:$0x2AC0] =	vst v54  }
0xb7: {  	[tilespmem:$0x2B40] =	vst v54  }
0xb8: {  	[tilespmem:$0x2BC0] =	vst v54  }
0xb9: {  	[tilespmem:$0x3840] =	vst v54  }
0xba: {  	[tilespmem:$0x38C0] =	vst v54  }
0xbb: {  	[tilespmem:$0x3940] =	vst v54  }
0xbc: {  	v55 =	vld [tilespmem:$0x4050];
	[tilespmem:$0x39C0] =	vst v54  }
0xbd: {  	[tilespmem:$0x3A40] =	vst v54  }
0xbe: {  	[tilespmem:$0x3AC0] =	vst v54  }
0xbf: {  	[tilespmem:$0x3B40] =	vst v54  }
0xc0: {  	[tilespmem:$0x3BC0] =	vst v54  }
0xc1: {  	[tilespmem:$0x850] =	vst v55  }
0xc2: {  	[tilespmem:$0x8D0] =	vst v55  }
0xc3: {  	[tilespmem:$0x950] =	vst v55  }
0xc4: {  	[tilespmem:$0x9D0] =	vst v55  }
0xc5: {  	[tilespmem:$0xA50] =	vst v55  }
0xc6: {  	[tilespmem:$0xAD0] =	vst v55  }
0xc7: {  	[tilespmem:$0xB50] =	vst v55  }
0xc8: {  	[tilespmem:$0xBD0] =	vst v55  }
0xc9: {  	[tilespmem:$0x1850] =	vst v55  }
0xca: {  	[tilespmem:$0x18D0] =	vst v55  }
0xcb: {  	[tilespmem:$0x1950] =	vst v55  }
0xcc: {  	[tilespmem:$0x19D0] =	vst v55  }
0xcd: {  	[tilespmem:$0x1A50] =	vst v55  }
0xce: {  	[tilespmem:$0x1AD0] =	vst v55  }
0xcf: {  	[tilespmem:$0x1B50] =	vst v55  }
0xd0: {  	[tilespmem:$0x1BD0] =	vst v55  }
0xd1: {  	[tilespmem:$0x2850] =	vst v55  }
0xd2: {  	[tilespmem:$0x28D0] =	vst v55  }
0xd3: {  	[tilespmem:$0x2950] =	vst v55  }
0xd4: {  	[tilespmem:$0x29D0] =	vst v55  }
0xd5: {  	[tilespmem:$0x2A50] =	vst v55  }
0xd6: {  	[tilespmem:$0x2AD0] =	vst v55  }
0xd7: {  	[tilespmem:$0x2B50] =	vst v55  }
0xd8: {  	[tilespmem:$0x2BD0] =	vst v55  }
0xd9: {  	[tilespmem:$0x3850] =	vst v55  }
0xda: {  	[tilespmem:$0x38D0] =	vst v55  }
0xdb: {  	[tilespmem:$0x3950] =	vst v55  }
0xdc: {  	v56 =	vld [tilespmem:$0x4060];
	[tilespmem:$0x39D0] =	vst v55  }
0xdd: {  	[tilespmem:$0x3A50] =	vst v55  }
0xde: {  	[tilespmem:$0x3AD0] =	vst v55  }
0xdf: {  	[tilespmem:$0x3B50] =	vst v55  }
0xe0: {  	[tilespmem:$0x3BD0] =	vst v55  }
0xe1: {  	[tilespmem:$0x860] =	vst v56  }
0xe2: {  	[tilespmem:$0x8E0] =	vst v56  }
0xe3: {  	[tilespmem:$0x960] =	vst v56  }
0xe4: {  	[tilespmem:$0x9E0] =	vst v56  }
0xe5: {  	[tilespmem:$0xA60] =	vst v56  }
0xe6: {  	[tilespmem:$0xAE0] =	vst v56  }
0xe7: {  	[tilespmem:$0xB60] =	vst v56  }
0xe8: {  	[tilespmem:$0xBE0] =	vst v56  }
0xe9: {  	[tilespmem:$0x1860] =	vst v56  }
0xea: {  	[tilespmem:$0x18E0] =	vst v56  }
0xeb: {  	[tilespmem:$0x1960] =	vst v56  }
0xec: {  	[tilespmem:$0x19E0] =	vst v56  }
0xed: {  	[tilespmem:$0x1A60] =	vst v56  }
0xee: {  	[tilespmem:$0x1AE0] =	vst v56  }
0xef: {  	[tilespmem:$0x1B60] =	vst v56  }
0xf0: {  	[tilespmem:$0x1BE0] =	vst v56  }
0xf1: {  	[tilespmem:$0x2860] =	vst v56  }
0xf2: {  	[tilespmem:$0x28E0] =	vst v56  }
0xf3: {  	[tilespmem:$0x2960] =	vst v56  }
0xf4: {  	[tilespmem:$0x29E0] =	vst v56  }
0xf5: {  	[tilespmem:$0x2A60] =	vst v56  }
0xf6: {  	[tilespmem:$0x2AE0] =	vst v56  }
0xf7: {  	[tilespmem:$0x2B60] =	vst v56  }
0xf8: {  	[tilespmem:$0x2BE0] =	vst v56  }
0xf9: {  	[tilespmem:$0x3860] =	vst v56  }
0xfa: {  	[tilespmem:$0x38E0] =	vst v56  }
0xfb: {  	[tilespmem:$0x3960] =	vst v56  }
0xfc: {  	v57 =	vld [tilespmem:$0x4070];
	[tilespmem:$0x39E0] =	vst v56  }
0xfd: {  	[tilespmem:$0x3A60] =	vst v56  }
0xfe: {  	[tilespmem:$0x3AE0] =	vst v56  }
0xff: {  	[tilespmem:$0x3B60] =	vst v56  }
0x100: {  	[tilespmem:$0x3BE0] =	vst v56  }
0x101: {  	[tilespmem:$0x870] =	vst v57  }
0x102: {  	[tilespmem:$0x8F0] =	vst v57  }
0x103: {  	[tilespmem:$0x970] =	vst v57  }
0x104: {  	[tilespmem:$0x9F0] =	vst v57  }
0x105: {  	[tilespmem:$0xA70] =	vst v57  }
0x106: {  	[tilespmem:$0xAF0] =	vst v57  }
0x107: {  	[tilespmem:$0xB70] =	vst v57  }
0x108: {  	[tilespmem:$0xBF0] =	vst v57  }
0x109: {  	[tilespmem:$0x1870] =	vst v57  }
0x10a: {  	[tilespmem:$0x18F0] =	vst v57  }
0x10b: {  	[tilespmem:$0x1970] =	vst v57  }
0x10c: {  	[tilespmem:$0x19F0] =	vst v57  }
0x10d: {  	[tilespmem:$0x1A70] =	vst v57  }
0x10e: {  	[tilespmem:$0x1AF0] =	vst v57  }
0x10f: {  	[tilespmem:$0x1B70] =	vst v57  }
0x110: {  	[tilespmem:$0x1BF0] =	vst v57  }
0x111: {  	[tilespmem:$0x2870] =	vst v57  }
0x112: {  	[tilespmem:$0x28F0] =	vst v57  }
0x113: {  	[tilespmem:$0x2970] =	vst v57  }
0x114: {  	[tilespmem:$0x29F0] =	vst v57  }
0x115: {  	[tilespmem:$0x2A70] =	vst v57  }
0x116: {  	[tilespmem:$0x2AF0] =	vst v57  }
0x117: {  	[tilespmem:$0x2B70] =	vst v57  }
0x118: {  	[tilespmem:$0x2BF0] =	vst v57  }
0x119: {  	[tilespmem:$0x3870] =	vst v57  }
0x11a: {  	[tilespmem:$0x38F0] =	vst v57  }
0x11b: {  	[tilespmem:$0x3970] =	vst v57  }
0x11c: {  	v58 =	vld [tilespmem:$0x4080];
	[tilespmem:$0x39F0] =	vst v57  }
0x11d: {  	[tilespmem:$0x3A70] =	vst v57  }
0x11e: {  	[tilespmem:$0x3AF0] =	vst v57  }
0x11f: {  	[tilespmem:$0x3B70] =	vst v57  }
0x120: {  	[tilespmem:$0x3BF0] =	vst v57  }
0x121: {  	[tilespmem:$0xC00] =	vst v58  }
0x122: {  	[tilespmem:$0xC80] =	vst v58  }
0x123: {  	[tilespmem:$0xD00] =	vst v58  }
0x124: {  	[tilespmem:$0xD80] =	vst v58  }
0x125: {  	[tilespmem:$0xE00] =	vst v58  }
0x126: {  	[tilespmem:$0xE80] =	vst v58  }
0x127: {  	[tilespmem:$0xF00] =	vst v58  }
0x128: {  	[tilespmem:$0xF80] =	vst v58  }
0x129: {  	[tilespmem:$0x1C00] =	vst v58  }
0x12a: {  	[tilespmem:$0x1C80] =	vst v58  }
0x12b: {  	[tilespmem:$0x1D00] =	vst v58  }
0x12c: {  	[tilespmem:$0x1D80] =	vst v58  }
0x12d: {  	[tilespmem:$0x1E00] =	vst v58  }
0x12e: {  	[tilespmem:$0x1E80] =	vst v58  }
0x12f: {  	[tilespmem:$0x1F00] =	vst v58  }
0x130: {  	[tilespmem:$0x1F80] =	vst v58  }
0x131: {  	[tilespmem:$0x2C00] =	vst v58  }
0x132: {  	[tilespmem:$0x2C80] =	vst v58  }
0x133: {  	[tilespmem:$0x2D00] =	vst v58  }
0x134: {  	[tilespmem:$0x2D80] =	vst v58  }
0x135: {  	[tilespmem:$0x2E00] =	vst v58  }
0x136: {  	[tilespmem:$0x2E80] =	vst v58  }
0x137: {  	[tilespmem:$0x2F00] =	vst v58  }
0x138: {  	[tilespmem:$0x2F80] =	vst v58  }
0x139: {  	[tilespmem:$0x3C00] =	vst v58  }
0x13a: {  	[tilespmem:$0x3C80] =	vst v58  }
0x13b: {  	[tilespmem:$0x3D00] =	vst v58  }
0x13c: {  	v59 =	vld [tilespmem:$0x4090];
	[tilespmem:$0x3D80] =	vst v58  }
0x13d: {  	[tilespmem:$0x3E00] =	vst v58  }
0x13e: {  	[tilespmem:$0x3E80] =	vst v58  }
0x13f: {  	[tilespmem:$0x3F00] =	vst v58  }
0x140: {  	[tilespmem:$0x3F80] =	vst v58  }
0x141: {  	[tilespmem:$0xC10] =	vst v59  }
0x142: {  	[tilespmem:$0xC90] =	vst v59  }
0x143: {  	[tilespmem:$0xD10] =	vst v59  }
0x144: {  	[tilespmem:$0xD90] =	vst v59  }
0x145: {  	[tilespmem:$0xE10] =	vst v59  }
0x146: {  	[tilespmem:$0xE90] =	vst v59  }
0x147: {  	[tilespmem:$0xF10] =	vst v59  }
0x148: {  	[tilespmem:$0xF90] =	vst v59  }
0x149: {  	[tilespmem:$0x1C10] =	vst v59  }
0x14a: {  	[tilespmem:$0x1C90] =	vst v59  }
0x14b: {  	[tilespmem:$0x1D10] =	vst v59  }
0x14c: {  	[tilespmem:$0x1D90] =	vst v59  }
0x14d: {  	[tilespmem:$0x1E10] =	vst v59  }
0x14e: {  	[tilespmem:$0x1E90] =	vst v59  }
0x14f: {  	[tilespmem:$0x1F10] =	vst v59  }
0x150: {  	[tilespmem:$0x1F90] =	vst v59  }
0x151: {  	[tilespmem:$0x2C10] =	vst v59  }
0x152: {  	[tilespmem:$0x2C90] =	vst v59  }
0x153: {  	[tilespmem:$0x2D10] =	vst v59  }
0x154: {  	[tilespmem:$0x2D90] =	vst v59  }
0x155: {  	[tilespmem:$0x2E10] =	vst v59  }
0x156: {  	[tilespmem:$0x2E90] =	vst v59  }
0x157: {  	[tilespmem:$0x2F10] =	vst v59  }
0x158: {  	[tilespmem:$0x2F90] =	vst v59  }
0x159: {  	[tilespmem:$0x3C10] =	vst v59  }
0x15a: {  	[tilespmem:$0x3C90] =	vst v59  }
0x15b: {  	[tilespmem:$0x3D10] =	vst v59  }
0x15c: {  	v2 =	vld [tilespmem:$0x40D0];
	[tilespmem:$0x3D90] =	vst v59  }
0x15d: {  	v3 =	vld [tilespmem:$0x40E0];
	[tilespmem:$0x3E10] =	vst v59  }
0x15e: {  	[tilespmem:$0x3E90] =	vst v59  }
0x15f: {  	[tilespmem:$0x3F10] =	vst v59  }
0x160: {  	[tilespmem:$0x3F90] =	vst v59  }
0x161: {  	[tilespmem:$0xDD0] =	vst v2  }
0x162: {  	[tilespmem:$0xC60] =	vst v3  }
0x163: {  	[tilespmem:$0xCE0] =	vst v3  }
0x164: {  	[tilespmem:$0xD60] =	vst v3  }
0x165: {  	[tilespmem:$0xDE0] =	vst v3  }
0x166: {  	[tilespmem:$0xE60] =	vst v3  }
0x167: {  	[tilespmem:$0xEE0] =	vst v3  }
0x168: {  	v63 =	vld [tilespmem:$0x40A0];
	[tilespmem:$0xF60] =	vst v3  }
0x169: {  	[tilespmem:$0xFE0] =	vst v3  }
0x16a: {  	[tilespmem:$0x1C60] =	vst v3  }
0x16b: {  	[tilespmem:$0x1CE0] =	vst v3  }
0x16c: {  	[tilespmem:$0x1D60] =	vst v3  }
0x16d: {  	[tilespmem:$0xFA0] =	vst v63  }
0x16e: {  	[tilespmem:$0x1C20] =	vst v63  }
0x16f: {  	[tilespmem:$0x1F20] =	vst v63  }
0x170: {  	[tilespmem:$0x1FA0] =	vst v63  }
0x171: {  	[tilespmem:$0x2C20] =	vst v63  }
0x172: {  	[tilespmem:$0x2CA0] =	vst v63  }
0x173: {  	[tilespmem:$0x2D20] =	vst v63  }
0x174: {  	[tilespmem:$0x2DA0] =	vst v63  }
0x175: {  	[tilespmem:$0x2E20] =	vst v63  }
0x176: {  	[tilespmem:$0x2EA0] =	vst v63  }
0x177: {  	[tilespmem:$0x2F20] =	vst v63  }
0x178: {  	[tilespmem:$0x2FA0] =	vst v63  }
0x179: {  	[tilespmem:$0x3C20] =	vst v63  }
0x17a: {  	[tilespmem:$0x3CA0] =	vst v63  }
0x17b: {  	[tilespmem:$0x3D20] =	vst v63  }
0x17c: {  	[tilespmem:$0x3DA0] =	vst v63  }
0x17d: {  	[tilespmem:$0x3E20] =	vst v63  }
0x17e: {  	[tilespmem:$0x3EA0] =	vst v63  }
0x17f: {  	[tilespmem:$0x3F20] =	vst v63  }
0x180: {  	[tilespmem:$0x3FA0] =	vst v63  }
0x181: {  	[tilespmem:$0x1E20] =	vst v63  }
0x182: {  	[tilespmem:$0x1DA0] =	vst v63  }
0x183: {  	[tilespmem:$0x1D20] =	vst v63  }
0x184: {  	[tilespmem:$0x1CA0] =	vst v63  }
0x185: {  	v61 =	vld [tilespmem:$0x40B0];
	[tilespmem:$0xD20] =	vst v63  }
0x186: {  	[tilespmem:$0xF20] =	vst v63  }
0x187: {  	[tilespmem:$0xEA0] =	vst v63  }
0x188: {  	[tilespmem:$0xE20] =	vst v63  }
0x189: {  	[tilespmem:$0xDA0] =	vst v63  }
0x18a: {  	v60 =	vld [tilespmem:$0x40F0];
	[tilespmem:$0x3E30] =	vst v61  }
0x18b: {  	[tilespmem:$0xCA0] =	vst v63  }
0x18c: {  	[tilespmem:$0xC20] =	vst v63  }
0x18d: {  	[tilespmem:$0x3DB0] =	vst v61  }
0x18e: {  	[tilespmem:$0x1EB0] =	vst v61  }
0x18f: {  	[tilespmem:$0x3F70] =	vst v60  }
0x190: {  	[tilespmem:$0x1F30] =	vst v61  }
0x191: {  	[tilespmem:$0x1FB0] =	vst v61  }
0x192: {  	[tilespmem:$0x1E30] =	vst v61  }
0x193: {  	[tilespmem:$0x2D30] =	vst v61  }
0x194: {  	[tilespmem:$0x2DB0] =	vst v61  }
0x195: {  	[tilespmem:$0x2E30] =	vst v61  }
0x196: {  	[tilespmem:$0x2EB0] =	vst v61  }
0x197: {  	[tilespmem:$0x2F30] =	vst v61  }
0x198: {  	[tilespmem:$0x2FB0] =	vst v61  }
0x199: {  	[tilespmem:$0x3C30] =	vst v61  }
0x19a: {  	[tilespmem:$0x3CB0] =	vst v61  }
0x19b: {  	[tilespmem:$0x3D30] =	vst v61  }
0x19c: {  	v62 =	vld [tilespmem:$0x40C0];
	[tilespmem:$0x2C60] =	vst v3  }
0x19d: {  	[tilespmem:$0x3EB0] =	vst v61  }
0x19e: {  	[tilespmem:$0x3F30] =	vst v61  }
0x19f: {  	[tilespmem:$0x1EA0] =	vst v63  }
0x1a0: {  	[tilespmem:$0x3FB0] =	vst v61  }
0x1a1: {  	[tilespmem:$0xC40] =	vst v62  }
0x1a2: {  	[tilespmem:$0xCC0] =	vst v62  }
0x1a3: {  	[tilespmem:$0xD40] =	vst v62  }
0x1a4: {  	[tilespmem:$0xDC0] =	vst v62  }
0x1a5: {  	[tilespmem:$0xE40] =	vst v62  }
0x1a6: {  	[tilespmem:$0xEC0] =	vst v62  }
0x1a7: {  	[tilespmem:$0xF40] =	vst v62  }
0x1a8: {  	[tilespmem:$0xFC0] =	vst v62  }
0x1a9: {  	[tilespmem:$0x1C40] =	vst v62  }
0x1aa: {  	[tilespmem:$0x1CC0] =	vst v62  }
0x1ab: {  	[tilespmem:$0x1D40] =	vst v62  }
0x1ac: {  	[tilespmem:$0x1DC0] =	vst v62  }
0x1ad: {  	[tilespmem:$0x1E40] =	vst v62  }
0x1ae: {  	[tilespmem:$0x1EC0] =	vst v62  }
0x1af: {  	[tilespmem:$0x1F40] =	vst v62  }
0x1b0: {  	[tilespmem:$0x1FC0] =	vst v62  }
0x1b1: {  	[tilespmem:$0x2C40] =	vst v62  }
0x1b2: {  	[tilespmem:$0x2CC0] =	vst v62  }
0x1b3: {  	[tilespmem:$0x2D40] =	vst v62  }
0x1b4: {  	[tilespmem:$0x2DC0] =	vst v62  }
0x1b5: {  	[tilespmem:$0x2E40] =	vst v62  }
0x1b6: {  	[tilespmem:$0x2EC0] =	vst v62  }
0x1b7: {  	[tilespmem:$0x2F40] =	vst v62  }
0x1b8: {  	[tilespmem:$0x2FC0] =	vst v62  }
0x1b9: {  	[tilespmem:$0x3C40] =	vst v62  }
0x1ba: {  	[tilespmem:$0x3CC0] =	vst v62  }
0x1bb: {  	[tilespmem:$0x3D40] =	vst v62  }
0x1bc: {  	[tilespmem:$0x3DC0] =	vst v62  }
0x1bd: {  	[tilespmem:$0x3E40] =	vst v62  }
0x1be: {  	[tilespmem:$0x3EC0] =	vst v62  }
0x1bf: {  	[tilespmem:$0x3F40] =	vst v62  }
0x1c0: {  	[tilespmem:$0x3FC0] =	vst v62  }
0x1c1: {  	[tilespmem:$0x2CB0] =	vst v61  }
0x1c2: {  	[tilespmem:$0x2C30] =	vst v61  }
0x1c3: {  	[tilespmem:$0x1DB0] =	vst v61  }
0x1c4: {  	[tilespmem:$0x1D30] =	vst v61  }
0x1c5: {  	[tilespmem:$0xE50] =	vst v2  }
0x1c6: {  	[tilespmem:$0xED0] =	vst v2  }
0x1c7: {  	[tilespmem:$0xF50] =	vst v2  }
0x1c8: {  	[tilespmem:$0xFD0] =	vst v2  }
0x1c9: {  	[tilespmem:$0x1C50] =	vst v2  }
0x1ca: {  	[tilespmem:$0x1CD0] =	vst v2  }
0x1cb: {  	[tilespmem:$0x1D50] =	vst v2  }
0x1cc: {  	[tilespmem:$0x1DD0] =	vst v2  }
0x1cd: {  	[tilespmem:$0x1E50] =	vst v2  }
0x1ce: {  	[tilespmem:$0x1ED0] =	vst v2  }
0x1cf: {  	[tilespmem:$0x1F50] =	vst v2  }
0x1d0: {  	[tilespmem:$0x1FD0] =	vst v2  }
0x1d1: {  	[tilespmem:$0x2C50] =	vst v2  }
0x1d2: {  	[tilespmem:$0x2CD0] =	vst v2  }
0x1d3: {  	[tilespmem:$0x2D50] =	vst v2  }
0x1d4: {  	[tilespmem:$0x2DD0] =	vst v2  }
0x1d5: {  	[tilespmem:$0x2E50] =	vst v2  }
0x1d6: {  	[tilespmem:$0x2ED0] =	vst v2  }
0x1d7: {  	[tilespmem:$0x2F50] =	vst v2  }
0x1d8: {  	[tilespmem:$0x2FD0] =	vst v2  }
0x1d9: {  	[tilespmem:$0x3C50] =	vst v2  }
0x1da: {  	[tilespmem:$0x3CD0] =	vst v2  }
0x1db: {  	[tilespmem:$0x3D50] =	vst v2  }
0x1dc: {  	[tilespmem:$0x3DD0] =	vst v2  }
0x1dd: {  	[tilespmem:$0x3E50] =	vst v2  }
0x1de: {  	[tilespmem:$0x3ED0] =	vst v2  }
0x1df: {  	[tilespmem:$0x3F50] =	vst v2  }
0x1e0: {  	[tilespmem:$0x3FD0] =	vst v2  }
0x1e1: {  	[tilespmem:$0xD50] =	vst v2  }
0x1e2: {  	[tilespmem:$0xCD0] =	vst v2  }
0x1e3: {  	[tilespmem:$0xC50] =	vst v2  }
0x1e4: {  	[tilespmem:$0x1CB0] =	vst v61  }
0x1e5: {  	[tilespmem:$0x1C30] =	vst v61  }
0x1e6: {  	[tilespmem:$0xFB0] =	vst v61  }
0x1e7: {  	[tilespmem:$0xF30] =	vst v61  }
0x1e8: {  	[tilespmem:$0xEB0] =	vst v61  }
0x1e9: {  	[tilespmem:$0xE30] =	vst v61  }
0x1ea: {  	[tilespmem:$0xDB0] =	vst v61  }
0x1eb: {  	[tilespmem:$0xD30] =	vst v61  }
0x1ec: {  	[tilespmem:$0xCB0] =	vst v61  }
0x1ed: {  	[tilespmem:$0xC30] =	vst v61  }
0x1ee: {  	[tilespmem:$0x1EE0] =	vst v3  }
0x1ef: {  	[tilespmem:$0x1E60] =	vst v3  }
0x1f0: {  	[tilespmem:$0x1F60] =	vst v3  }
0x1f1: {  	[tilespmem:$0x1FE0] =	vst v3  }
0x1f2: {  	[tilespmem:$0x1DE0] =	vst v3  }
0x1f3: {  	[tilespmem:$0x2D60] =	vst v3  }
0x1f4: {  	[tilespmem:$0x2DE0] =	vst v3  }
0x1f5: {  	[tilespmem:$0x2E60] =	vst v3  }
0x1f6: {  	[tilespmem:$0x2EE0] =	vst v3  }
0x1f7: {  	[tilespmem:$0x2F60] =	vst v3  }
0x1f8: {  	[tilespmem:$0x2FE0] =	vst v3  }
0x1f9: {  	[tilespmem:$0x3C60] =	vst v3  }
0x1fa: {  	[tilespmem:$0x3CE0] =	vst v3  }
0x1fb: {  	[tilespmem:$0x3D60] =	vst v3  }
0x1fc: {  	[tilespmem:$0x3DE0] =	vst v3  }
0x1fd: {  	[tilespmem:$0x3E60] =	vst v3  }
0x1fe: {  	[tilespmem:$0x3EE0] =	vst v3  }
0x1ff: {  	[tilespmem:$0x3F60] =	vst v3  }
0x200: {  	[tilespmem:$0x3FE0] =	vst v3  }
0x201: {  	[tilespmem:$0xC70] =	vst v60  }
0x202: {  	[tilespmem:$0xCF0] =	vst v60  }
0x203: {  	[tilespmem:$0xD70] =	vst v60  }
0x204: {  	[tilespmem:$0xDF0] =	vst v60  }
0x205: {  	[tilespmem:$0xE70] =	vst v60  }
0x206: {  	[tilespmem:$0xEF0] =	vst v60  }
0x207: {  	[tilespmem:$0xF70] =	vst v60  }
0x208: {  	[tilespmem:$0xFF0] =	vst v60  }
0x209: {  	[tilespmem:$0x1C70] =	vst v60  }
0x20a: {  	[tilespmem:$0x1CF0] =	vst v60  }
0x20b: {  	[tilespmem:$0x1D70] =	vst v60  }
0x20c: {  	[tilespmem:$0x1DF0] =	vst v60  }
0x20d: {  	[tilespmem:$0x1E70] =	vst v60  }
0x20e: {  	[tilespmem:$0x1EF0] =	vst v60  }
0x20f: {  	[tilespmem:$0x1F70] =	vst v60  }
0x210: {  	[tilespmem:$0x1FF0] =	vst v60  }
0x211: {  	[tilespmem:$0x2C70] =	vst v60  }
0x212: {  	[tilespmem:$0x2CF0] =	vst v60  }
0x213: {  	[tilespmem:$0x2D70] =	vst v60  }
0x214: {  	[tilespmem:$0x2DF0] =	vst v60  }
0x215: {  	[tilespmem:$0x2E70] =	vst v60  }
0x216: {  	[tilespmem:$0x2EF0] =	vst v60  }
0x217: {  	[tilespmem:$0x2F70] =	vst v60  }
0x218: {  	[tilespmem:$0x2FF0] =	vst v60  }
0x219: {  	[tilespmem:$0x3C70] =	vst v60  }
0x21a: {  	[tilespmem:$0x3CF0] =	vst v60  }
0x21b: {  	[tilespmem:$0x3D70] =	vst v60  }
0x21c: {  	[tilespmem:$0x3DF0] =	vst v60  }
0x21d: {  	[tilespmem:$0x3E70] =	vst v60  }
0x21e: {  	[tilespmem:$0x3EF0] =	vst v60  }
0x21f: {  	[tilespmem:$0x2CE0] =	vst v3  }
0x220: {  	[tilespmem:$0x3FF0] =	vst v60  }
0x221: {  	_ =	swait.ge [sflag:s31], $0x2000  }
0x222: {  	[sflag:s31] =	ssyncset.done $0x0  }
0x223: {  	[sflag:s31] =	ssyncadd.s32 $0xFFFFE000  }
0x224: {  	[hbm4b:s4+s3] =	stream.linear.scatter [tilespmem:s3], [sflag:$0x1], $0x4000, $0x38;
	[tilespmem:$0x4100] =	vst v63  }
0x225: {  	s2 =	rddreg [dreg:$0x4]  }
0x226: {  	[hbm4b:s2+s3] =	stream.linear.scatter [tilespmem:s3], [sflag:$0x1], $0x4000, $0x38;
	[tilespmem:$0x4100] =	vst v63  }
0x227: {  	s23 =	rddreg [dreg:$0x5]  }
0x228: {  	[hbm4b:s23+s3] =	stream.linear.scatter [tilespmem:s3], [sflag:$0x1], $0x4000, $0x38;
	[tilespmem:$0x4100] =	vst v63  }
0x229: {  	_ = 	snop  }
0x22a: {  	[hbm4b:s6+s3] =	stream.linear.scatter [tilespmem:s3], [sflag:$0x1], $0x4000, $0x38;
	[tilespmem:$0x4100] =	vst v63  }
0x22b: {  	_ = 	snop  }
0x22c: {  	[hbm4b:s7+s3] =	stream.linear.scatter [tilespmem:s3], [sflag:$0x1], $0x4000, $0x38;
	[tilespmem:$0x4100] =	vst v63  }
0x22d: {  	_ = 	snop  }
0x22e: {  	[hbm4b:s8+s3] =	stream.linear.scatter [tilespmem:s3], [sflag:$0x1], $0x4000, $0x38;
	[tilespmem:$0x4100] =	vst v63  }
0x22f: {  	_ = 	snop  }
0x230: {  	[hbm4b:s9+s3] =	stream.linear.scatter [tilespmem:s3], [sflag:$0x1], $0x4000, $0x38;
	[tilespmem:$0x4100] =	vst v63  }
0x231: {  	_ = 	snop  }
0x232: {  	[hbm4b:s10+s3] =	stream.linear.scatter [tilespmem:s3], [sflag:$0x1], $0x4000, $0x38;
	[tilespmem:$0x4100] =	vst v63  }
0x233: {  	_ = 	snop  }
0x234: {  	[hbm4b:s11+s3] =	stream.linear.scatter [tilespmem:s3], [sflag:$0x1], $0x4000, $0x38;
	[tilespmem:$0x4100] =	vst v63  }
0x235: {  	_ = 	snop  }
0x236: {  	[hbm4b:s12+s3] =	stream.linear.scatter [tilespmem:s3], [sflag:$0x1], $0x4000, $0x38;
	[tilespmem:$0x4100] =	vst v63  }
0x237: {  	_ = 	snop  }
0x238: {  	[hbm4b:s13+s3] =	stream.linear.scatter [tilespmem:s3], [sflag:$0x1], $0x4000, $0x38;
	[tilespmem:$0x4100] =	vst v63  }
0x239: {  	_ = 	snop  }
0x23a: {  	[hbm4b:s14+s3] =	stream.linear.scatter [tilespmem:s3], [sflag:$0x1], $0x4000, $0x38;
	[tilespmem:$0x4100] =	vst v63  }
0x23b: {  	_ = 	snop  }
0x23c: {  	[hbm4b:s15+s3] =	stream.linear.scatter [tilespmem:s3], [sflag:$0x1], $0x4000, $0x38;
	[tilespmem:$0x4100] =	vst v63  }
0x23d: {  	_ = 	snop  }
0x23e: {  	[hbm4b:s16+s3] =	stream.linear.scatter [tilespmem:s3], [sflag:$0x1], $0x4000, $0x38;
	[tilespmem:$0x4100] =	vst v63  }
0x23f: {  	_ = 	snop  }
0x240: {  	[hbm4b:s17+s3] =	stream.linear.scatter [tilespmem:s3], [sflag:$0x1], $0x4000, $0x38;
	[tilespmem:$0x4100] =	vst v63  }
0x241: {  	_ = 	snop  }
0x242: {  	[hbm4b:s18+s3] =	stream.linear.scatter [tilespmem:s3], [sflag:$0x1], $0x4000, $0x38;
	[tilespmem:$0x4100] =	vst v63  }
0x243: {  	_ =	swait.ge [sflag:s0], $0x4000  }
0x244: {  	[sflag:s0] =	ssyncset.done $0x0  }
0x245: {  	[sflag:s0] =	ssyncadd.s32 $0xFFFFC000  }
0x246: {  	_ =	swait.ge [sflag:s0], $0x4000  }
0x247: {  	[sflag:s0] =	ssyncset.done $0x0  }
0x248: {  	[sflag:s0] =	ssyncadd.s32 $0xFFFFC000  }
0x249: {  	_ =	swait.ge [sflag:s0], $0x4000  }
0x24a: {  	[sflag:s0] =	ssyncset.done $0x0  }
0x24b: {  	[sflag:s0] =	ssyncadd.s32 $0xFFFFC000  }
0x24c: {  	_ =	swait.ge [sflag:s0], $0x4000  }
0x24d: {  	[sflag:s0] =	ssyncset.done $0x0  }
0x24e: {  	[sflag:s0] =	ssyncadd.s32 $0xFFFFC000  }
0x24f: {  	_ =	swait.ge [sflag:s0], $0x4000  }
0x250: {  	[sflag:s0] =	ssyncset.done $0x0  }
0x251: {  	[sflag:s0] =	ssyncadd.s32 $0xFFFFC000  }
0x252: {  	_ =	swait.ge [sflag:s0], $0x4000  }
0x253: {  	[sflag:s0] =	ssyncset.done $0x0  }
0x254: {  	[sflag:s0] =	ssyncadd.s32 $0xFFFFC000  }
0x255: {  	_ =	swait.ge [sflag:s0], $0x4000  }
0x256: {  	[sflag:s0] =	ssyncset.done $0x0  }
0x257: {  	[sflag:s0] =	ssyncadd.s32 $0xFFFFC000  }
0x258: {  	_ =	swait.ge [sflag:s0], $0x4000  }
0x259: {  	[sflag:s0] =	ssyncset.done $0x0  }
0x25a: {  	[sflag:s0] =	ssyncadd.s32 $0xFFFFC000  }
0x25b: {  	_ =	swait.ge [sflag:s0], $0x4000  }
0x25c: {  	[sflag:s0] =	ssyncset.done $0x0  }
0x25d: {  	[sflag:s0] =	ssyncadd.s32 $0xFFFFC000  }
0x25e: {  	_ =	swait.ge [sflag:s0], $0x4000  }
0x25f: {  	[sflag:s0] =	ssyncset.done $0x0  }
0x260: {  	[sflag:s0] =	ssyncadd.s32 $0xFFFFC000  }
0x261: {  	_ =	swait.ge [sflag:s0], $0x4000  }
0x262: {  	[sflag:s0] =	ssyncset.done $0x0  }
0x263: {  	[sflag:s0] =	ssyncadd.s32 $0xFFFFC000  }
0x264: {  	_ =	swait.ge [sflag:s0], $0x4000  }
0x265: {  	[sflag:s0] =	ssyncset.done $0x0  }
0x266: {  	[sflag:s0] =	ssyncadd.s32 $0xFFFFC000  }
0x267: {  	_ =	swait.ge [sflag:s0], $0x4000  }
0x268: {  	[sflag:s0] =	ssyncset.done $0x0  }
0x269: {  	[sflag:s0] =	ssyncadd.s32 $0xFFFFC000  }
0x26a: {  	_ =	swait.ge [sflag:s0], $0x4000  }
0x26b: {  	[sflag:s0] =	ssyncset.done $0x0  }
0x26c: {  	[sflag:s0] =	ssyncadd.s32 $0xFFFFC000  }
0x26d: {  	p0 =	sne.s32 s19, $0x1;
	_ =	swait.ge [sflag:s0], $0x4000  }
.Ltmp0:
0x26e: {  	[sflag:s0] =	ssyncset.done $0x0;
	(pc) =	sbr.rel @p0 .LBB2_1-.Ltmp0, $4  }
0x26f: {  	[sflag:s0] =	ssyncadd.s32 $0xFFFFC000  }
0x270: {  	_ =	swait.ge [sflag:s0], $0x4000  }
0x271: {  	[sflag:s0] =	ssyncset.done $0x0  }
0x272: {  	s19 =	sadd.s32 $0xFFFFFFFF, s19;
	[sflag:s0] =	ssyncadd.s32 $0xFFFFC000  }
0x273: {  	_ =	sfence.sel $0x180000  }
0x274: {  	[bflag:$0x0] =	sbarrier.arrive $0xFFFF  }
0x275: {  	_ =	strace $0x90000047  }
0x276: {  	s0 =	stileid.u32;
	[bflag:$0x2] =	sbarrier.arrive $0xFFFF  }
0x277: {  	p0 =	sne.s32 s0, $0x0;
	s0 =	rddreg [dreg:$0x3]  }
0x278: {  	s0 =	sadd.s32 @!p0 $0x100000, s0  }
0x279: {  	[sflag:s0] =	ssyncadd.tile.s32 @!p0 $0x1;
	_ =	shalt  }
.Lfunc_end2:
_tile_overlayer_lowered:
.L_overlay_start_2:
0x27a: {  	(tag) =	ssettag $0x2  }
0x27b: {  	s0 =	rddreg [dreg:$0x0];
	s2 =	stileid.u32  }
0x27c: {  	s1 =	rddreg [dreg:$0x1];
	p0 =	sne.s32 s2, $0x0  }
0x27d: {  	s3 =	rddreg [dreg:$0x2];
	[bflag:$0x3] =	sbarrier.arrive $0xFFFF;
	s2 =	simm.s32 @!p0 $0x1C03  }
0x27e: {  	[timem:s3], [sflag:s2] =	dma.local @!p0 [hbm:s0], s1  }
0x27f: {  	s0 =	simm.s32 @!p0 $0x3  }
0x280: {  	_ =	swait.ge @!p0 [sflag:s0], s1  }
0x281: {  	s1 =	ssub.s32 @!p0 $0x0, s1;
	[sflag:s0] =	ssyncset.done @!p0 $0x0  }
0x282: {  	[sflag:s0] =	ssyncadd.s32 @!p0 s1  }
0x283: {  	[bflag:$0x3] =	sbarrier.arrive $0xFFFF  }
0x284: {  	_ =	shalt  }

</sc_bundles>
